<compile_context>
chip_gen: v7x
topology: tpu7x:2x2x1
jax: 0.10.2.dev20260603
libtpu: 0.0.44.dev20260713+nightly
codegen_flags: <defaults>
</compile_context>

<pallas_src>
import functools

import jax
import jax.numpy as jnp
from jax import lax
from jax.experimental import pallas as pl
from jax.experimental.pallas import tpu as pltpu
from jax.experimental.pallas import tpu_sc as plsc

DIM = 128
N = 10000
N_VAR = 6000
N_CON = 4000
E = 320000

NP_ = 10240
ZROW = N
EPT = NP_
NCHUNK = 128
GW = 80
NW = 32
STRIPE = NP_ // 16

AVP = 6144


def _mesh():
    return plsc.VectorSubcoreMesh(core_axis_name="c", subcore_axis_name="s")


def _spmm(h, src_p, dst_p):

    @functools.partial(
        pl.kernel,
        out_type=jax.ShapeDtypeStruct((2, NP_, DIM), jnp.float32),
        mesh=_mesh(),
        scratch_types=[
            pltpu.VMEM((NCHUNK // 2, GW), jnp.int32),
            pltpu.VMEM((NCHUNK // 2, GW), jnp.int32),
            pltpu.VMEM((GW, DIM), jnp.float32),
            pltpu.VMEM((GW, DIM), jnp.float32),
            pltpu.VMEM_SHARED((NP_, DIM), jnp.float32),
            pltpu.SemaphoreType.DMA,
            pltpu.SemaphoreType.DMA,
        ],
    )
    def k(h_hbm, src_hbm, dst_hbm, out_hbm, src_v, dst_v, bufa, bufb, acc,
          sema, semb):
        cid = lax.axis_index("c")
        sid = lax.axis_index("s")
        wid = cid * 16 + sid
        HC = NCHUNK // 2

        zv = jnp.zeros((16,), jnp.float32)

        def zrow(r, _):
            for j in range(DIM // 16):
                bufa[r, pl.ds(j * 16, 16)] = zv
            return 0

        lax.fori_loop(0, GW, zrow, 0)
        row0 = sid * STRIPE
        for j in range(STRIPE // GW):
            pltpu.sync_copy(bufa, acc.at[pl.ds(row0 + j * GW, GW)])
        plsc.subcore_barrier()

        for half in range(2):
            pltpu.sync_copy(src_hbm.at[wid, pl.ds(half * HC, HC)], src_v)
            pltpu.sync_copy(dst_hbm.at[wid, pl.ds(half * HC, HC)], dst_v)
            pltpu.make_async_copy(h_hbm.at[src_v.at[0]], bufa, sema).start()

            def pair(i, _):
                c = 2 * i
                pltpu.make_async_copy(h_hbm.at[src_v.at[c]], bufa, sema).wait()
                pltpu.make_async_copy(h_hbm.at[src_v.at[c + 1]], bufb,
                                      semb).start()
                pltpu.sync_copy(bufa, acc.at[dst_v.at[c]], add=True)
                pltpu.make_async_copy(h_hbm.at[src_v.at[c + 1]], bufb,
                                      semb).wait()

                @pl.when(c + 2 < HC)
                def _nx():
                    pltpu.make_async_copy(h_hbm.at[src_v.at[c + 2]], bufa,
                                          sema).start()

                pltpu.sync_copy(bufb, acc.at[dst_v.at[c + 1]], add=True)
                return 0

            lax.fori_loop(0, HC // 2, pair, 0)
        plsc.subcore_barrier()
        pltpu.sync_copy(acc.at[pl.ds(row0, STRIPE)],
                        out_hbm.at[cid, pl.ds(row0, STRIPE)])

    return k(h, src_p, dst_p)


def _gather_rows(table, sel_p, rows_per_chunk, chunks):
    rpt = rows_per_chunk * chunks

    @functools.partial(
        pl.kernel,
        out_type=jax.ShapeDtypeStruct((NW * rpt, DIM), jnp.float32),
        mesh=_mesh(),
        scratch_types=[
            pltpu.VMEM((chunks, rows_per_chunk), jnp.int32),
            pltpu.VMEM((chunks * rows_per_chunk, DIM), jnp.float32),
            pltpu.SemaphoreType.DMA,
        ],
    )
    def k(tbl_hbm, sel_hbm, out_hbm, idx_v, buf, sem):
        cid = lax.axis_index("c")
        sid = lax.axis_index("s")
        wid = cid * 16 + sid
        pltpu.sync_copy(sel_hbm.at[wid], idx_v)
        for c in range(chunks):
            pltpu.make_async_copy(
                tbl_hbm.at[idx_v.at[c]],
                buf.at[pl.ds(c * rows_per_chunk, rows_per_chunk)], sem).start()
        for c in range(chunks):
            pltpu.make_async_copy(
                tbl_hbm.at[idx_v.at[c]],
                buf.at[pl.ds(c * rows_per_chunk, rows_per_chunk)], sem).wait()
        pltpu.sync_copy(buf, out_hbm.at[pl.ds(wid * rpt, rpt)])

    return k(table, sel_p)


def _gather5(hs, av_p):

    @functools.partial(
        pl.kernel,
        out_type=jax.ShapeDtypeStruct((5, AVP, DIM), jnp.float32),
        mesh=_mesh(),
        scratch_types=[
            pltpu.VMEM((2, 96), jnp.int32),
            pltpu.VMEM((10 * 96, DIM), jnp.float32),
            pltpu.SemaphoreType.DMA,
            pltpu.SemaphoreType.DMA,
        ],
    )
    def k(h0, h1, h2, h3, h4, av_hbm, out_hbm, idx_v, buf, sg, sw):
        cid = lax.axis_index("c")
        sid = lax.axis_index("s")
        wid = cid * 16 + sid
        pltpu.sync_copy(av_hbm.at[wid], idx_v)
        tables = (h0, h1, h2, h3, h4)
        for t, hh in enumerate(tables):
            for c in range(2):
                pltpu.make_async_copy(
                    hh.at[idx_v.at[c]],
                    buf.at[pl.ds((2 * t + c) * 96, 96)], sg).start()
        for t, hh in enumerate(tables):
            for c in range(2):
                pltpu.make_async_copy(
                    hh.at[idx_v.at[c]],
                    buf.at[pl.ds((2 * t + c) * 96, 96)], sg).wait()
                pltpu.make_async_copy(
                    buf.at[pl.ds((2 * t + c) * 96, 96)],
                    out_hbm.at[t, pl.ds(wid * 192 + c * 96, 96)], sw).start()
        for t in range(5):
            for c in range(2):
                pltpu.make_async_copy(
                    buf.at[pl.ds((2 * t + c) * 96, 96)],
                    out_hbm.at[t, pl.ds(wid * 192 + c * 96, 96)], sw).wait()

    return k(*hs, av_p)


def _embed(v2, w1row, b1, w2, b2):
    rows = v2.shape[0]
    blk = 1000

    def body(v_ref, w1_ref, b1_ref, w2_ref, b2_ref, o_ref):
        v = v_ref[...]
        h1 = jax.nn.relu(v[:, 0:1] * w1_ref[...] + b1_ref[...])
        h2 = jnp.dot(h1, w2_ref[...], preferred_element_type=jnp.float32) + b2_ref[...]
        mask = lax.broadcasted_iota(jnp.int32, (1, DIM), 1) == (DIM - 1)
        o_ref[...] = jnp.where(mask, v, h2)

    return pl.pallas_call(
        body,
        grid=(rows // blk,),
        in_specs=[
            pl.BlockSpec((blk, DIM), lambda i: (i, 0)),
            pl.BlockSpec((1, DIM), lambda i: (0, 0)),
            pl.BlockSpec((1, DIM), lambda i: (0, 0)),
            pl.BlockSpec((DIM, DIM), lambda i: (0, 0)),
            pl.BlockSpec((1, DIM), lambda i: (0, 0)),
        ],
        out_specs=pl.BlockSpec((blk, DIM), lambda i: (i, 0)),
        out_shape=jax.ShapeDtypeStruct((rows, DIM), jnp.float32),
    )(v2, w1row, b1, w2, b2)


def _msg_proj(h, wcons):
    blk = 1280

    def body(h_ref, w_ref, o_ref):
        o_ref[...] = jnp.dot(h_ref[...], w_ref[...],
                             preferred_element_type=jnp.float32)

    return pl.pallas_call(
        body,
        grid=(NP_ // blk,),
        in_specs=[
            pl.BlockSpec((blk, DIM), lambda i: (i, 0)),
            pl.BlockSpec((DIM, DIM), lambda i: (0, 0)),
        ],
        out_specs=pl.BlockSpec((blk, DIM), lambda i: (i, 0)),
        out_shape=jax.ShapeDtypeStruct((NP_, DIM), jnp.float32),
    )(h, wcons)


def _conv_update(part, h, root, bias2d):
    blk = 1280

    def body(p_ref, h_ref, r_ref, b_ref, o_ref):
        a = p_ref[0] + p_ref[1]
        o_ref[...] = jax.nn.relu(
            a
            + jnp.dot(h_ref[...], r_ref[...], preferred_element_type=jnp.float32)
            + b_ref[...])

    return pl.pallas_call(
        body,
        grid=(NP_ // blk,),
        in_specs=[
            pl.BlockSpec((2, blk, DIM), lambda i: (0, i, 0)),
            pl.BlockSpec((blk, DIM), lambda i: (i, 0)),
            pl.BlockSpec((DIM, DIM), lambda i: (0, 0)),
            pl.BlockSpec((1, DIM), lambda i: (0, 0)),
        ],
        out_specs=pl.BlockSpec((blk, DIM), lambda i: (i, 0)),
        out_shape=jax.ShapeDtypeStruct((NP_, DIM), jnp.float32),
    )(part, h, root, bias2d)


def _fc_head(g, w1r, b1, w2, b2, w3, b3, w4p, b4p):
    blk = 768

    def body(g_ref, w1_ref, b1_ref, w2_ref, b2_ref, w3_ref, b3_ref,
             w4_ref, b4_ref, o_ref):
        acc = b1_ref[...] + jnp.zeros((blk, DIM), jnp.float32)
        for t in range(5):
            acc = acc + jnp.dot(g_ref[t], w1_ref[t],
                                preferred_element_type=jnp.float32)
        hh = jax.nn.relu(acc)
        hh = jax.nn.relu(jnp.dot(hh, w2_ref[...],
                                 preferred_element_type=jnp.float32) + b2_ref[...])
        hh = jax.nn.relu(jnp.dot(hh, w3_ref[...],
                                 preferred_element_type=jnp.float32) + b3_ref[...])
        o_ref[...] = jnp.dot(hh, w4_ref[...],
                             preferred_element_type=jnp.float32) + b4_ref[...]

    return pl.pallas_call(
        body,
        grid=(AVP // blk,),
        in_specs=[
            pl.BlockSpec((5, blk, DIM), lambda i: (0, i, 0)),
            pl.BlockSpec((5, DIM, DIM), lambda i: (0, 0, 0)),
            pl.BlockSpec((1, DIM), lambda i: (0, 0)),
            pl.BlockSpec((DIM, DIM), lambda i: (0, 0)),
            pl.BlockSpec((1, DIM), lambda i: (0, 0)),
            pl.BlockSpec((DIM, DIM), lambda i: (0, 0)),
            pl.BlockSpec((1, DIM), lambda i: (0, 0)),
            pl.BlockSpec((DIM, DIM), lambda i: (0, 0)),
            pl.BlockSpec((1, DIM), lambda i: (0, 0)),
        ],
        out_specs=pl.BlockSpec((blk, DIM), lambda i: (i, 0)),
        out_shape=jax.ShapeDtypeStruct((AVP, DIM), jnp.float32),
    )(g, w1r, b1, w2, b2, w3, b3, w4p, b4p)


@jax.jit
def kernel(var_node_features, con_node_features, node_types, assoc_var, assoc_con,
           edge_index, edge_types, edge_features,
           vm_w1, vm_b1, vm_w2, vm_b2, cm_w1, cm_b1, cm_w2, cm_b2,
           conv1_wcons, conv1_root, conv1_bias,
           conv2_wcons, conv2_root, conv2_bias,
           conv3_wcons, conv3_root, conv3_bias,
           conv4_wcons, conv4_root, conv4_bias,
           fc1_w, fc1_b, fc2_w, fc2_b, fc3_w, fc3_b, fc4_w, fc4_b):
    f32 = jnp.float32

    io_mask = ((lax.broadcasted_iota(jnp.int32, (1, DIM), 1) == 0) |
               (lax.broadcasted_iota(jnp.int32, (1, DIM), 1) == DIM - 1)
               ).astype(f32)
    v2 = var_node_features * io_mask
    c2 = con_node_features * io_mask

    def pad_mlp_weights(w1, b1, w2, b2):
        w1p = jnp.pad(w1, ((0, 0), (0, 1)))
        b1p = jnp.pad(b1, (0, 1)).reshape(1, DIM)
        w2p = jnp.zeros((DIM, DIM), f32).at[: DIM - 1, : DIM - 1].set(w2)
        b2p = jnp.pad(b2, (0, 1)).reshape(1, DIM)
        return w1p, b1p, w2p, b2p

    n_emb = _embed(v2, *pad_mlp_weights(vm_w1, vm_b1, vm_w2, vm_b2))
    e_emb = _embed(c2, *pad_mlp_weights(cm_w1, cm_b1, cm_w2, cm_b2))
    table = jnp.concatenate([n_emb, e_emb, jnp.zeros((NP_ - N, DIM), f32)], axis=0)

    sel = jnp.full((N,), ZROW, jnp.int32)
    sel = sel.at[assoc_var].set(jnp.arange(N_VAR, dtype=jnp.int32))
    sel = sel.at[assoc_con].set(N_VAR + jnp.arange(N_CON, dtype=jnp.int32))
    sel_p = jnp.pad(sel, (0, NP_ - N), constant_values=ZROW).reshape(NW, 4, 80)
    x = _gather_rows(table, sel_p, 80, 4)

    perm = jnp.argsort(edge_index[1])
    src_s = jnp.take(edge_index[0], perm)
    dst_s = jnp.take(edge_index[1], perm)
    npad = NW * EPT - E
    pad_src = jnp.arange(npad, dtype=jnp.int32) % N
    pad_dst = N + jnp.arange(npad, dtype=jnp.int32) % (NP_ - N)
    src_p = jnp.concatenate([src_s, pad_src]).reshape(NW, NCHUNK, GW)
    dst_p = jnp.concatenate([dst_s, pad_dst]).reshape(NW, NCHUNK, GW)

    convs = ((conv1_wcons, conv1_root, conv1_bias),
             (conv2_wcons, conv2_root, conv2_bias),
             (conv3_wcons, conv3_root, conv3_bias),
             (conv4_wcons, conv4_root, conv4_bias))
    hs = [x]
    h = x
    for li, (wcons, root, bias) in enumerate(convs):
        proj = _msg_proj(h, wcons)
        part = _spmm(proj, src_p, dst_p)
        agg = part[0] + part[1]
        h = jax.nn.relu(agg + h @ root + bias)
        hs.append(h)

    av_p = jnp.pad(assoc_var, (0, AVP - N_VAR),
                   constant_values=ZROW).reshape(NW, 2, 96)
    g = _gather5(hs, av_p)
    w4p = jnp.pad(fc4_w, ((0, 0), (0, DIM - 1)))
    b4p = jnp.pad(fc4_b, (0, DIM - 1)).reshape(1, DIM)
    out = _fc_head(g, fc1_w.reshape(5, DIM, DIM), fc1_b.reshape(1, DIM),
                   fc2_w, fc2_b.reshape(1, DIM), fc3_w, fc3_b.reshape(1, DIM),
                   w4p, b4p)
    return out[:N_VAR, 0]

# --- scband reference (transcript-rebuilt; emitter-appended) ---
"""Pipeline reference for scband-net-14534169330259 (READ-ONLY COPY).

The authoritative reference and input builder live on the scoring server;
editing this copy changes nothing except your own understanding.
"""

import jax, jax.numpy as jnp
import numpy as np

DIM = 128
N = 10000
N_VAR = 6000
N_CON = 4000
E = 320000


def _mlp2(x, w1, b1, w2, b2):
    return jax.nn.relu(x @ w1 + b1) @ w2 + b2


def setup_inputs(seed: int = 0):
    key = jax.random.key(seed)
    ks = jax.random.split(key, 48)
    s = 0.05
    inp = {}
    inp["var_node_features"] = jax.random.normal(ks[0], (N_VAR, 1), jnp.float32)
    inp["con_node_features"] = jax.random.normal(ks[1], (N_CON, 1), jnp.float32)
    inp["node_types"] = jax.random.randint(ks[2], (N,), 0, 2, jnp.int32)
    inp["assoc_var"] = jax.random.randint(ks[3], (N_VAR,), 0, N, jnp.int32)
    inp["assoc_con"] = jax.random.randint(ks[4], (N_CON,), 0, N, jnp.int32)
    inp["edge_index"] = jax.random.randint(ks[5], (2, E), 0, N, jnp.int32)
    inp["edge_types"] = jax.random.randint(ks[6], (E,), 0, 2, jnp.int32)
    inp["edge_features"] = jax.random.normal(ks[7], (E, 1), jnp.float32)
    inp["vm_w1"] = jax.random.normal(ks[8], (1, DIM - 1), jnp.float32) * s
    inp["vm_b1"] = jax.random.normal(ks[9], (DIM - 1,), jnp.float32) * s
    inp["vm_w2"] = jax.random.normal(ks[10], (DIM - 1, DIM - 1), jnp.float32) * s
    inp["vm_b2"] = jax.random.normal(ks[11], (DIM - 1,), jnp.float32) * s
    inp["cm_w1"] = jax.random.normal(ks[12], (1, DIM - 1), jnp.float32) * s
    inp["cm_b1"] = jax.random.normal(ks[13], (DIM - 1,), jnp.float32) * s
    inp["cm_w2"] = jax.random.normal(ks[14], (DIM - 1, DIM - 1), jnp.float32) * s
    inp["cm_b2"] = jax.random.normal(ks[15], (DIM - 1,), jnp.float32) * s
    k = 16
    for l in range(1, 5):
        inp["conv%d_wcons" % l] = jax.random.normal(ks[k], (DIM, DIM), jnp.float32) * s; k += 1
        inp["conv%d_root" % l] = jax.random.normal(ks[k], (DIM, DIM), jnp.float32) * s; k += 1
        inp["conv%d_bias" % l] = jax.random.normal(ks[k], (DIM,), jnp.float32) * s; k += 1
    inp["fc1_w"] = jax.random.normal(ks[k], (5 * DIM, DIM), jnp.float32) * s; k += 1
    inp["fc1_b"] = jax.random.normal(ks[k], (DIM,), jnp.float32) * s; k += 1
    inp["fc2_w"] = jax.random.normal(ks[k], (DIM, DIM), jnp.float32) * s; k += 1
    inp["fc2_b"] = jax.random.normal(ks[k], (DIM,), jnp.float32) * s; k += 1
    inp["fc3_w"] = jax.random.normal(ks[k], (DIM, DIM), jnp.float32) * s; k += 1
    inp["fc3_b"] = jax.random.normal(ks[k], (DIM,), jnp.float32) * s; k += 1
    inp["fc4_w"] = jax.random.normal(ks[k], (DIM, 1), jnp.float32) * s; k += 1
    inp["fc4_b"] = jax.random.normal(ks[k], (1,), jnp.float32) * s
    return inp


def reference(var_node_features, con_node_features, node_types, assoc_var, assoc_con,
              edge_index, edge_types, edge_features,
              vm_w1, vm_b1, vm_w2, vm_b2, cm_w1, cm_b1, cm_w2, cm_b2,
              conv1_wcons, conv1_root, conv1_bias,
              conv2_wcons, conv2_root, conv2_bias,
              conv3_wcons, conv3_root, conv3_bias,
              conv4_wcons, conv4_root, conv4_bias,
              fc1_w, fc1_b, fc2_w, fc2_b, fc3_w, fc3_b, fc4_w, fc4_b):
    n = jnp.concatenate([_mlp2(var_node_features, vm_w1, vm_b1, vm_w2, vm_b2), var_node_features], axis=-1)
    e = jnp.concatenate([_mlp2(con_node_features, cm_w1, cm_b1, cm_w2, cm_b2), con_node_features], axis=-1)
    num_nodes = node_types.shape[0]
    x = jnp.zeros((num_nodes, n.shape[-1]), dtype=n.dtype)
    x = x.at[assoc_var].set(n)
    x = x.at[assoc_con].set(e)
    src = edge_index[0]
    dst = edge_index[1]

    def conv(h, wcons, root, bias):
        # MIPGNN message: x_j @ w_cons, aggr='add' at dst; update: + x @ root + bias
        msg = jnp.take(h, src, axis=0) @ wcons
        agg = jax.ops.segment_sum(msg, dst, num_segments=num_nodes)
        return agg + h @ root + bias

    xs = [x]
    xs.append(jax.nn.relu(conv(xs[-1], conv1_wcons, conv1_root, conv1_bias)))
    xs.append(jax.nn.relu(conv(xs[-1], conv2_wcons, conv2_root, conv2_bias)))
    xs.append(jax.nn.relu(conv(xs[-1], conv3_wcons, conv3_root, conv3_bias)))
    xs.append(jax.nn.relu(conv(xs[-1], conv4_wcons, conv4_root, conv4_bias)))
    h = jnp.concatenate(xs, axis=-1)
    h = jnp.take(h, assoc_var, axis=0)
    h = jax.nn.relu(h @ fc1_w + fc1_b)
    h = jax.nn.relu(h @ fc2_w + fc2_b)
    h = jax.nn.relu(h @ fc3_w + fc3_b)
    out = h @ fc4_w + fc4_b
    return out.squeeze(-1)

if __name__ == "__main__":
    import jax
    _d = setup_inputs()
    print(jax.jit(kernel)(*tuple(_d.values())))

</pallas_src>

<mosaic_0001>
#map = affine_map<(d0, d1) -> (0, 0)>
#map1 = affine_map<(d0, d1) -> (0, 0, 0)>
module attributes {stable_mosaic.version = 14 : i64} {
  func.func @k(%arg0: i32, %arg1: i32, %arg2: memref<10240x128xf32, #tpu.memory_space<hbm>>, %arg3: memref<32x4x80xi32, #tpu.memory_space<hbm>>, %arg4: memref<10240x128xf32, #tpu.memory_space<hbm>>, %arg5: memref<4x80xi32, #tpu.memory_space<vmem>>, %arg6: memref<320x128xf32, #tpu.memory_space<vmem>>, %arg7: memref<!tpu.dma_semaphore, #tpu.memory_space<semaphore_mem>>) attributes {dimension_semantics = [#tpu.dimension_semantics<core_parallel>, #tpu.dimension_semantics<subcore_parallel>], iteration_bounds = array<i64: 2, 16>, scalar_prefetch = 0 : i64, scratch_operands = 3 : i64, tpu.core_type = #tpu.core_type<sc_vector_subcore>, window_params = [{transform_indices = #map}, {transform_indices = #map1}, {transform_indices = #map}]} {
    %mul3A = arith.constant 16 : i32
    %mul3A_0 = arith.muli %arg0, %mul3A : i32
    %add3A = arith.addi %mul3A_0, %arg1 : i32
    "tpu.region"() ({
      %run_scoped3A = tpu.sem_alloc : memref<!tpu.dma_semaphore, #tpu.memory_space<semaphore_mem>>
      %dma_start3A_81 = arith.constant 0 : i32
      %dma_start3A_82 = arith.constant 0 : i32
      %dma_start3A_83 = tpu.memref_slice %arg3[%add3A, %dma_start3A_81, %dma_start3A_82] : memref<32x4x80xi32, #tpu.memory_space<hbm>> -> memref<1x4x80xi32, #tpu.memory_space<hbm>>
      %dma_start3A_84 = tpu.memref_squeeze %dma_start3A_83 : memref<1x4x80xi32, #tpu.memory_space<hbm>> -> memref<4x80xi32, #tpu.memory_space<hbm>>
      %dma_start3A_85 = arith.constant 0 : i32
      %dma_start3A_86 = arith.constant 0 : i32
      %dma_start3A_87 = tpu.memref_slice %arg3[%add3A, %dma_start3A_85, %dma_start3A_86] : memref<32x4x80xi32, #tpu.memory_space<hbm>> -> memref<1x4x80xi32, #tpu.memory_space<hbm>>
      %dma_start3A_88 = tpu.memref_squeeze %dma_start3A_87 : memref<1x4x80xi32, #tpu.memory_space<hbm>> -> memref<4x80xi32, #tpu.memory_space<hbm>>
      tpu.enqueue_dma source(%dma_start3A_88 : memref<4x80xi32, #tpu.memory_space<hbm>>) target(%arg5 : memref<4x80xi32, #tpu.memory_space<vmem>>) target_semaphore(%run_scoped3A : memref<!tpu.dma_semaphore, #tpu.memory_space<semaphore_mem>>)
      %dma_wait3A_89 = arith.constant 0 : i32
      %dma_wait3A_90 = arith.constant 0 : i32
      %dma_wait3A_91 = tpu.memref_slice %arg3[%add3A, %dma_wait3A_89, %dma_wait3A_90] : memref<32x4x80xi32, #tpu.memory_space<hbm>> -> memref<1x4x80xi32, #tpu.memory_space<hbm>>
      %dma_wait3A_92 = tpu.memref_squeeze %dma_wait3A_91 : memref<1x4x80xi32, #tpu.memory_space<hbm>> -> memref<4x80xi32, #tpu.memory_space<hbm>>
      %dma_wait3A_93 = arith.constant 0 : i32
      %dma_wait3A_94 = arith.constant 0 : i32
      %dma_wait3A_95 = tpu.memref_slice %arg3[%add3A, %dma_wait3A_93, %dma_wait3A_94] : memref<32x4x80xi32, #tpu.memory_space<hbm>> -> memref<1x4x80xi32, #tpu.memory_space<hbm>>
      %dma_wait3A_96 = tpu.memref_squeeze %dma_wait3A_95 : memref<1x4x80xi32, #tpu.memory_space<hbm>> -> memref<4x80xi32, #tpu.memory_space<hbm>>
      tpu.wait_dma2 semaphore(%run_scoped3A : memref<!tpu.dma_semaphore, #tpu.memory_space<semaphore_mem>>) src(%dma_wait3A_96 : memref<4x80xi32, #tpu.memory_space<hbm>>) dst(%arg5 : memref<4x80xi32, #tpu.memory_space<vmem>>)
      tpu.yield
    }) : () -> ()
    %dma_start3A = arith.constant 0 : i32
    %dma_start3A_1 = arith.constant 0 : i32
    %dma_start3A_2 = arith.constant 0 : i32
    %dma_start3A_3 = tpu.memref_slice %arg6[%dma_start3A_1, %dma_start3A_2] : memref<320x128xf32, #tpu.memory_space<vmem>> -> memref<80x128xf32, #tpu.memory_space<vmem>>
    %dma_start3A_4 = arith.constant 0 : i32
    %dma_start3A_5 = tpu.memref_slice %arg5[%dma_start3A, %dma_start3A_4] : memref<4x80xi32, #tpu.memory_space<vmem>> -> memref<1x80xi32, #tpu.memory_space<vmem>>
    %dma_start3A_6 = tpu.memref_squeeze %dma_start3A_5 : memref<1x80xi32, #tpu.memory_space<vmem>> -> memref<80xi32, #tpu.memory_space<vmem>>
    %dma_start3A_7 = arith.constant 0 : i32
    %dma_start3A_8 = arith.constant 0 : i32
    %dma_start3A_9 = tpu.memref_slice %arg2[%dma_start3A_7, %dma_start3A_8] : memref<10240x128xf32, #tpu.memory_space<hbm>> -> memref<10240x128xf32, #tpu.memory_space<hbm>>
    tpu.enqueue_indirect_dma source(%dma_start3A_9 : memref<10240x128xf32, #tpu.memory_space<hbm>>) target(%dma_start3A_3 : memref<80x128xf32, #tpu.memory_space<vmem>>) offsets(%dma_start3A_6 : memref<80xi32, #tpu.memory_space<vmem>>) semaphore(%arg7 : memref<!tpu.dma_semaphore, #tpu.memory_space<semaphore_mem>>)
    %dma_start3A_10 = arith.constant 1 : i32
    %dma_start3A_11 = arith.constant 80 : i32
    %dma_start3A_12 = arith.constant 0 : i32
    %dma_start3A_13 = tpu.memref_slice %arg6[%dma_start3A_11, %dma_start3A_12] : memref<320x128xf32, #tpu.memory_space<vmem>> -> memref<80x128xf32, #tpu.memory_space<vmem>>
    %dma_start3A_14 = arith.constant 0 : i32
    %dma_start3A_15 = tpu.memref_slice %arg5[%dma_start3A_10, %dma_start3A_14] : memref<4x80xi32, #tpu.memory_space<vmem>> -> memref<1x80xi32, #tpu.memory_space<vmem>>
    %dma_start3A_16 = tpu.memref_squeeze %dma_start3A_15 : memref<1x80xi32, #tpu.memory_space<vmem>> -> memref<80xi32, #tpu.memory_space<vmem>>
    %dma_start3A_17 = arith.constant 0 : i32
    %dma_start3A_18 = arith.constant 0 : i32
    %dma_start3A_19 = tpu.memref_slice %arg2[%dma_start3A_17, %dma_start3A_18] : memref<10240x128xf32, #tpu.memory_space<hbm>> -> memref<10240x128xf32, #tpu.memory_space<hbm>>
    tpu.enqueue_indirect_dma source(%dma_start3A_19 : memref<10240x128xf32, #tpu.memory_space<hbm>>) target(%dma_start3A_13 : memref<80x128xf32, #tpu.memory_space<vmem>>) offsets(%dma_start3A_16 : memref<80xi32, #tpu.memory_space<vmem>>) semaphore(%arg7 : memref<!tpu.dma_semaphore, #tpu.memory_space<semaphore_mem>>)
    %dma_start3A_20 = arith.constant 2 : i32
    %dma_start3A_21 = arith.constant 160 : i32
    %dma_start3A_22 = arith.constant 0 : i32
    %dma_start3A_23 = tpu.memref_slice %arg6[%dma_start3A_21, %dma_start3A_22] : memref<320x128xf32, #tpu.memory_space<vmem>> -> memref<80x128xf32, #tpu.memory_space<vmem>>
    %dma_start3A_24 = arith.constant 0 : i32
    %dma_start3A_25 = tpu.memref_slice %arg5[%dma_start3A_20, %dma_start3A_24] : memref<4x80xi32, #tpu.memory_space<vmem>> -> memref<1x80xi32, #tpu.memory_space<vmem>>
    %dma_start3A_26 = tpu.memref_squeeze %dma_start3A_25 : memref<1x80xi32, #tpu.memory_space<vmem>> -> memref<80xi32, #tpu.memory_space<vmem>>
    %dma_start3A_27 = arith.constant 0 : i32
    %dma_start3A_28 = arith.constant 0 : i32
    %dma_start3A_29 = tpu.memref_slice %arg2[%dma_start3A_27, %dma_start3A_28] : memref<10240x128xf32, #tpu.memory_space<hbm>> -> memref<10240x128xf32, #tpu.memory_space<hbm>>
    tpu.enqueue_indirect_dma source(%dma_start3A_29 : memref<10240x128xf32, #tpu.memory_space<hbm>>) target(%dma_start3A_23 : memref<80x128xf32, #tpu.memory_space<vmem>>) offsets(%dma_start3A_26 : memref<80xi32, #tpu.memory_space<vmem>>) semaphore(%arg7 : memref<!tpu.dma_semaphore, #tpu.memory_space<semaphore_mem>>)
    %dma_start3A_30 = arith.constant 3 : i32
    %dma_start3A_31 = arith.constant 240 : i32
    %dma_start3A_32 = arith.constant 0 : i32
    %dma_start3A_33 = tpu.memref_slice %arg6[%dma_start3A_31, %dma_start3A_32] : memref<320x128xf32, #tpu.memory_space<vmem>> -> memref<80x128xf32, #tpu.memory_space<vmem>>
    %dma_start3A_34 = arith.constant 0 : i32
    %dma_start3A_35 = tpu.memref_slice %arg5[%dma_start3A_30, %dma_start3A_34] : memref<4x80xi32, #tpu.memory_space<vmem>> -> memref<1x80xi32, #tpu.memory_space<vmem>>
    %dma_start3A_36 = tpu.memref_squeeze %dma_start3A_35 : memref<1x80xi32, #tpu.memory_space<vmem>> -> memref<80xi32, #tpu.memory_space<vmem>>
    %dma_start3A_37 = arith.constant 0 : i32
    %dma_start3A_38 = arith.constant 0 : i32
    %dma_start3A_39 = tpu.memref_slice %arg2[%dma_start3A_37, %dma_start3A_38] : memref<10240x128xf32, #tpu.memory_space<hbm>> -> memref<10240x128xf32, #tpu.memory_space<hbm>>
    tpu.enqueue_indirect_dma source(%dma_start3A_39 : memref<10240x128xf32, #tpu.memory_space<hbm>>) target(%dma_start3A_33 : memref<80x128xf32, #tpu.memory_space<vmem>>) offsets(%dma_start3A_36 : memref<80xi32, #tpu.memory_space<vmem>>) semaphore(%arg7 : memref<!tpu.dma_semaphore, #tpu.memory_space<semaphore_mem>>)
    %dma_wait3A = arith.constant 0 : i32
    %dma_wait3A_40 = arith.constant 0 : i32
    %dma_wait3A_41 = arith.constant 0 : i32
    %dma_wait3A_42 = tpu.memref_slice %arg6[%dma_wait3A_40, %dma_wait3A_41] : memref<320x128xf32, #tpu.memory_space<vmem>> -> memref<80x128xf32, #tpu.memory_space<vmem>>
    %dma_wait3A_43 = arith.constant 0 : i32
    %dma_wait3A_44 = tpu.memref_slice %arg5[%dma_wait3A, %dma_wait3A_43] : memref<4x80xi32, #tpu.memory_space<vmem>> -> memref<1x80xi32, #tpu.memory_space<vmem>>
    %dma_wait3A_45 = tpu.memref_squeeze %dma_wait3A_44 : memref<1x80xi32, #tpu.memory_space<vmem>> -> memref<80xi32, #tpu.memory_space<vmem>>
    %dma_wait3A_46 = arith.constant 0 : i32
    %dma_wait3A_47 = arith.constant 0 : i32
    %dma_wait3A_48 = tpu.memref_slice %arg2[%dma_wait3A_46, %dma_wait3A_47] : memref<10240x128xf32, #tpu.memory_space<hbm>> -> memref<10240x128xf32, #tpu.memory_space<hbm>>
    tpu.wait_indirect_dma semaphore(%arg7 : memref<!tpu.dma_semaphore, #tpu.memory_space<semaphore_mem>>) src(%dma_wait3A_48 : memref<10240x128xf32, #tpu.memory_space<hbm>>) dst(%dma_wait3A_42 : memref<80x128xf32, #tpu.memory_space<vmem>>)
    %dma_wait3A_49 = arith.constant 1 : i32
    %dma_wait3A_50 = arith.constant 80 : i32
    %dma_wait3A_51 = arith.constant 0 : i32
    %dma_wait3A_52 = tpu.memref_slice %arg6[%dma_wait3A_50, %dma_wait3A_51] : memref<320x128xf32, #tpu.memory_space<vmem>> -> memref<80x128xf32, #tpu.memory_space<vmem>>
    %dma_wait3A_53 = arith.constant 0 : i32
    %dma_wait3A_54 = tpu.memref_slice %arg5[%dma_wait3A_49, %dma_wait3A_53] : memref<4x80xi32, #tpu.memory_space<vmem>> -> memref<1x80xi32, #tpu.memory_space<vmem>>
    %dma_wait3A_55 = tpu.memref_squeeze %dma_wait3A_54 : memref<1x80xi32, #tpu.memory_space<vmem>> -> memref<80xi32, #tpu.memory_space<vmem>>
    %dma_wait3A_56 = arith.constant 0 : i32
    %dma_wait3A_57 = arith.constant 0 : i32
    %dma_wait3A_58 = tpu.memref_slice %arg2[%dma_wait3A_56, %dma_wait3A_57] : memref<10240x128xf32, #tpu.memory_space<hbm>> -> memref<10240x128xf32, #tpu.memory_space<hbm>>
    tpu.wait_indirect_dma semaphore(%arg7 : memref<!tpu.dma_semaphore, #tpu.memory_space<semaphore_mem>>) src(%dma_wait3A_58 : memref<10240x128xf32, #tpu.memory_space<hbm>>) dst(%dma_wait3A_52 : memref<80x128xf32, #tpu.memory_space<vmem>>)
    %dma_wait3A_59 = arith.constant 2 : i32
    %dma_wait3A_60 = arith.constant 160 : i32
    %dma_wait3A_61 = arith.constant 0 : i32
    %dma_wait3A_62 = tpu.memref_slice %arg6[%dma_wait3A_60, %dma_wait3A_61] : memref<320x128xf32, #tpu.memory_space<vmem>> -> memref<80x128xf32, #tpu.memory_space<vmem>>
    %dma_wait3A_63 = arith.constant 0 : i32
    %dma_wait3A_64 = tpu.memref_slice %arg5[%dma_wait3A_59, %dma_wait3A_63] : memref<4x80xi32, #tpu.memory_space<vmem>> -> memref<1x80xi32, #tpu.memory_space<vmem>>
    %dma_wait3A_65 = tpu.memref_squeeze %dma_wait3A_64 : memref<1x80xi32, #tpu.memory_space<vmem>> -> memref<80xi32, #tpu.memory_space<vmem>>
    %dma_wait3A_66 = arith.constant 0 : i32
    %dma_wait3A_67 = arith.constant 0 : i32
    %dma_wait3A_68 = tpu.memref_slice %arg2[%dma_wait3A_66, %dma_wait3A_67] : memref<10240x128xf32, #tpu.memory_space<hbm>> -> memref<10240x128xf32, #tpu.memory_space<hbm>>
    tpu.wait_indirect_dma semaphore(%arg7 : memref<!tpu.dma_semaphore, #tpu.memory_space<semaphore_mem>>) src(%dma_wait3A_68 : memref<10240x128xf32, #tpu.memory_space<hbm>>) dst(%dma_wait3A_62 : memref<80x128xf32, #tpu.memory_space<vmem>>)
    %dma_wait3A_69 = arith.constant 3 : i32
    %dma_wait3A_70 = arith.constant 240 : i32
    %dma_wait3A_71 = arith.constant 0 : i32
    %dma_wait3A_72 = tpu.memref_slice %arg6[%dma_wait3A_70, %dma_wait3A_71] : memref<320x128xf32, #tpu.memory_space<vmem>> -> memref<80x128xf32, #tpu.memory_space<vmem>>
    %dma_wait3A_73 = arith.constant 0 : i32
    %dma_wait3A_74 = tpu.memref_slice %arg5[%dma_wait3A_69, %dma_wait3A_73] : memref<4x80xi32, #tpu.memory_space<vmem>> -> memref<1x80xi32, #tpu.memory_space<vmem>>
    %dma_wait3A_75 = tpu.memref_squeeze %dma_wait3A_74 : memref<1x80xi32, #tpu.memory_space<vmem>> -> memref<80xi32, #tpu.memory_space<vmem>>
    %dma_wait3A_76 = arith.constant 0 : i32
    %dma_wait3A_77 = arith.constant 0 : i32
    %dma_wait3A_78 = tpu.memref_slice %arg2[%dma_wait3A_76, %dma_wait3A_77] : memref<10240x128xf32, #tpu.memory_space<hbm>> -> memref<10240x128xf32, #tpu.memory_space<hbm>>
    tpu.wait_indirect_dma semaphore(%arg7 : memref<!tpu.dma_semaphore, #tpu.memory_space<semaphore_mem>>) src(%dma_wait3A_78 : memref<10240x128xf32, #tpu.memory_space<hbm>>) dst(%dma_wait3A_72 : memref<80x128xf32, #tpu.memory_space<vmem>>)
    %mul3A_79 = arith.constant 320 : i32
    %mul3A_80 = arith.muli %add3A, %mul3A_79 : i32
    "tpu.region"() ({
      %run_scoped3A = tpu.sem_alloc : memref<!tpu.dma_semaphore, #tpu.memory_space<semaphore_mem>>
      %dma_start3A_81 = arith.constant 0 : i32
      %dma_start3A_82 = tpu.memref_slice %arg4[%mul3A_80, %dma_start3A_81] : memref<10240x128xf32, #tpu.memory_space<hbm>> -> memref<320x128xf32, #tpu.memory_space<hbm>>
      %dma_start3A_83 = arith.constant 0 : i32
      %dma_start3A_84 = tpu.memref_slice %arg4[%mul3A_80, %dma_start3A_83] : memref<10240x128xf32, #tpu.memory_space<hbm>> -> memref<320x128xf32, #tpu.memory_space<hbm>>
      tpu.enqueue_dma source(%arg6 : memref<320x128xf32, #tpu.memory_space<vmem>>) target(%dma_start3A_84 : memref<320x128xf32, #tpu.memory_space<hbm>>) target_semaphore(%run_scoped3A : memref<!tpu.dma_semaphore, #tpu.memory_space<semaphore_mem>>)
      %dma_wait3A_85 = arith.constant 0 : i32
      %dma_wait3A_86 = tpu.memref_slice %arg4[%mul3A_80, %dma_wait3A_85] : memref<10240x128xf32, #tpu.memory_space<hbm>> -> memref<320x128xf32, #tpu.memory_space<hbm>>
      %dma_wait3A_87 = arith.constant 0 : i32
      %dma_wait3A_88 = tpu.memref_slice %arg4[%mul3A_80, %dma_wait3A_87] : memref<10240x128xf32, #tpu.memory_space<hbm>> -> memref<320x128xf32, #tpu.memory_space<hbm>>
      tpu.wait_dma2 semaphore(%run_scoped3A : memref<!tpu.dma_semaphore, #tpu.memory_space<semaphore_mem>>) src(%arg6 : memref<320x128xf32, #tpu.memory_space<vmem>>) dst(%dma_wait3A_88 : memref<320x128xf32, #tpu.memory_space<hbm>>)
      tpu.yield
    }) : () -> ()
    return
  }
}

#map = affine_map<(d0, d1) -> (0, 0)>
#map1 = affine_map<(d0, d1) -> (0, 0, 0)>
module attributes {stable_mosaic.version = 14 : i64} {
  func.func @k(%arg0: i32, %arg1: i32, %arg2: memref<10240x128xf32, #tpu.memory_space<hbm>>, %arg3: memref<32x128x80xi32, #tpu.memory_space<hbm>>, %arg4: memref<32x128x80xi32, #tpu.memory_space<hbm>>, %arg5: memref<2x10240x128xf32, #tpu.memory_space<hbm>>, %arg6: memref<64x80xi32, #tpu.memory_space<vmem>>, %arg7: memref<64x80xi32, #tpu.memory_space<vmem>>, %arg8: memref<80x128xf32, #tpu.memory_space<vmem>>, %arg9: memref<80x128xf32, #tpu.memory_space<vmem>>, %arg10: memref<10240x128xf32, #tpu.memory_space<vmem_shared>>, %arg11: memref<!tpu.dma_semaphore, #tpu.memory_space<semaphore_mem>>, %arg12: memref<!tpu.dma_semaphore, #tpu.memory_space<semaphore_mem>>) attributes {dimension_semantics = [#tpu.dimension_semantics<core_parallel>, #tpu.dimension_semantics<subcore_parallel>], iteration_bounds = array<i64: 2, 16>, scalar_prefetch = 0 : i64, scratch_operands = 7 : i64, tpu.core_type = #tpu.core_type<sc_vector_subcore>, window_params = [{transform_indices = #map}, {transform_indices = #map1}, {transform_indices = #map1}, {transform_indices = #map1}]} {
    %mul3A = arith.constant 16 : i32
    %mul3A_0 = arith.muli %arg0, %mul3A : i32
    %add3A = arith.addi %mul3A_0, %arg1 : i32
    %broadcast_in_dim3A = arith.constant 0.000000e+00 : f32
    %broadcast_in_dim3A_1 = vector.broadcast %broadcast_in_dim3A : f32 to vector<16xf32>
    %scan3A = arith.constant 0 : i32
    %scan3A_2 = arith.constant 0 : i32
    %scan3A_3 = arith.constant 80 : i32
    %scan3A_4 = arith.addi %scan3A_2, %scan3A_3 : i32
    %scan3A_5 = arith.constant 1 : i32
    %scan3A_6 = scf.for %scan3A_54 = %scan3A_2 to %scan3A_4 step %scan3A_5 iter_args(%scan3A_55 = %scan3A) -> (i32)  : i32 {
      %swap3A = arith.index_cast %scan3A_54 : i32 to index
      %swap3A_56 = arith.constant 0 : index
      %swap3A_57 = tpu.vector_load %arg8[%swap3A, %swap3A_56] {strides = array<i32>} : memref<80x128xf32, #tpu.memory_space<vmem>>, vector<1x16xf32>,
      %swap3A_58 = vector.shape_cast %swap3A_57 : vector<1x16xf32> to vector<16xf32>
      %swap3A_59 = vector.shape_cast %broadcast_in_dim3A_1 : vector<16xf32> to vector<1x16xf32>
      tpu.vector_store %arg8[%swap3A, %swap3A_56], %swap3A_59 {strides = array<i32>} : memref<80x128xf32, #tpu.memory_space<vmem>>, vector<1x16xf32>,
      %swap3A_60 = arith.index_cast %scan3A_54 : i32 to index
      %swap3A_61 = arith.constant 16 : index
      %swap3A_62 = tpu.vector_load %arg8[%swap3A_60, %swap3A_61] {strides = array<i32>} : memref<80x128xf32, #tpu.memory_space<vmem>>, vector<1x16xf32>,
      %swap3A_63 = vector.shape_cast %swap3A_62 : vector<1x16xf32> to vector<16xf32>
      %swap3A_64 = vector.shape_cast %broadcast_in_dim3A_1 : vector<16xf32> to vector<1x16xf32>
      tpu.vector_store %arg8[%swap3A_60, %swap3A_61], %swap3A_64 {strides = array<i32>} : memref<80x128xf32, #tpu.memory_space<vmem>>, vector<1x16xf32>,
      %swap3A_65 = arith.index_cast %scan3A_54 : i32 to index
      %swap3A_66 = arith.constant 32 : index
      %swap3A_67 = tpu.vector_load %arg8[%swap3A_65, %swap3A_66] {strides = array<i32>} : memref<80x128xf32, #tpu.memory_space<vmem>>, vector<1x16xf32>,
      %swap3A_68 = vector.shape_cast %swap3A_67 : vector<1x16xf32> to vector<16xf32>
      %swap3A_69 = vector.shape_cast %broadcast_in_dim3A_1 : vector<16xf32> to vector<1x16xf32>
      tpu.vector_store %arg8[%swap3A_65, %swap3A_66], %swap3A_69 {strides = array<i32>} : memref<80x128xf32, #tpu.memory_space<vmem>>, vector<1x16xf32>,
      %swap3A_70 = arith.index_cast %scan3A_54 : i32 to index
      %swap3A_71 = arith.constant 48 : index
      %swap3A_72 = tpu.vector_load %arg8[%swap3A_70, %swap3A_71] {strides = array<i32>} : memref<80x128xf32, #tpu.memory_space<vmem>>, vector<1x16xf32>,
      %swap3A_73 = vector.shape_cast %swap3A_72 : vector<1x16xf32> to vector<16xf32>
      %swap3A_74 = vector.shape_cast %broadcast_in_dim3A_1 : vector<16xf32> to vector<1x16xf32>
      tpu.vector_store %arg8[%swap3A_70, %swap3A_71], %swap3A_74 {strides = array<i32>} : memref<80x128xf32, #tpu.memory_space<vmem>>, vector<1x16xf32>,
      %swap3A_75 = arith.index_cast %scan3A_54 : i32 to index
      %swap3A_76 = arith.constant 64 : index
      %swap3A_77 = tpu.vector_load %arg8[%swap3A_75, %swap3A_76] {strides = array<i32>} : memref<80x128xf32, #tpu.memory_space<vmem>>, vector<1x16xf32>,
      %swap3A_78 = vector.shape_cast %swap3A_77 : vector<1x16xf32> to vector<16xf32>
      %swap3A_79 = vector.shape_cast %broadcast_in_dim3A_1 : vector<16xf32> to vector<1x16xf32>
      tpu.vector_store %arg8[%swap3A_75, %swap3A_76], %swap3A_79 {strides = array<i32>} : memref<80x128xf32, #tpu.memory_space<vmem>>, vector<1x16xf32>,
      %swap3A_80 = arith.index_cast %scan3A_54 : i32 to index
      %swap3A_81 = arith.constant 80 : index
      %swap3A_82 = tpu.vector_load %arg8[%swap3A_80, %swap3A_81] {strides = array<i32>} : memref<80x128xf32, #tpu.memory_space<vmem>>, vector<1x16xf32>,
      %swap3A_83 = vector.shape_cast %swap3A_82 : vector<1x16xf32> to vector<16xf32>
      %swap3A_84 = vector.shape_cast %broadcast_in_dim3A_1 : vector<16xf32> to vector<1x16xf32>
      tpu.vector_store %arg8[%swap3A_80, %swap3A_81], %swap3A_84 {strides = array<i32>} : memref<80x128xf32, #tpu.memory_space<vmem>>, vector<1x16xf32>,
      %swap3A_85 = arith.index_cast %scan3A_54 : i32 to index
      %swap3A_86 = arith.constant 96 : index
      %swap3A_87 = tpu.vector_load %arg8[%swap3A_85, %swap3A_86] {strides = array<i32>} : memref<80x128xf32, #tpu.memory_space<vmem>>, vector<1x16xf32>,
      %swap3A_88 = vector.shape_cast %swap3A_87 : vector<1x16xf32> to vector<16xf32>
      %swap3A_89 = vector.shape_cast %broadcast_in_dim3A_1 : vector<16xf32> to vector<1x16xf32>
      tpu.vector_store %arg8[%swap3A_85, %swap3A_86], %swap3A_89 {strides = array<i32>} : memref<80x128xf32, #tpu.memory_space<vmem>>, vector<1x16xf32>,
      %swap3A_90 = arith.index_cast %scan3A_54 : i32 to index
      %swap3A_91 = arith.constant 112 : index
      %swap3A_92 = tpu.vector_load %arg8[%swap3A_90, %swap3A_91] {strides = array<i32>} : memref<80x128xf32, #tpu.memory_space<vmem>>, vector<1x16xf32>,
      %swap3A_93 = vector.shape_cast %swap3A_92 : vector<1x16xf32> to vector<16xf32>
      %swap3A_94 = vector.shape_cast %broadcast_in_dim3A_1 : vector<16xf32> to vector<1x16xf32>
      tpu.vector_store %arg8[%swap3A_90, %swap3A_91], %swap3A_94 {strides = array<i32>} : memref<80x128xf32, #tpu.memory_space<vmem>>, vector<1x16xf32>,
      %scan3A_95 = arith.constant 0 : i32
      scf.yield %scan3A_95 : i32
    }
    %scan3A_7 = arith.constant 80 : i32
    %mul3A_8 = arith.constant 640 : i32
    %mul3A_9 = arith.muli %arg1, %mul3A_8 : i32
    %add3A_10 = arith.constant 0 : i32
    %add3A_11 = arith.addi %mul3A_9, %add3A_10 : i32
    "tpu.region"() ({
      %run_scoped3A = tpu.sem_alloc : memref<!tpu.dma_semaphore, #tpu.memory_space<semaphore_mem>>
      %dma_start3A_54 = arith.constant 0 : i32
      %dma_start3A_55 = tpu.memref_slice %arg10[%add3A_11, %dma_start3A_54] : memref<10240x128xf32, #tpu.memory_space<vmem_shared>> -> memref<80x128xf32, #tpu.memory_space<vmem_shared>>
      %dma_start3A_56 = arith.constant 0 : i32
      %dma_start3A_57 = tpu.memref_slice %arg10[%add3A_11, %dma_start3A_56] : memref<10240x128xf32, #tpu.memory_space<vmem_shared>> -> memref<80x128xf32, #tpu.memory_space<vmem_shared>>
      tpu.enqueue_dma source(%arg8 : memref<80x128xf32, #tpu.memory_space<vmem>>) target(%dma_start3A_57 : memref<80x128xf32, #tpu.memory_space<vmem_shared>>) target_semaphore(%run_scoped3A : memref<!tpu.dma_semaphore, #tpu.memory_space<semaphore_mem>>)
      %dma_wait3A = arith.constant 0 : i32
      %dma_wait3A_58 = tpu.memref_slice %arg10[%add3A_11, %dma_wait3A] : memref<10240x128xf32, #tpu.memory_space<vmem_shared>> -> memref<80x128xf32, #tpu.memory_space<vmem_shared>>
      %dma_wait3A_59 = arith.constant 0 : i32
      %dma_wait3A_60 = tpu.memref_slice %arg10[%add3A_11, %dma_wait3A_59] : memref<10240x128xf32, #tpu.memory_space<vmem_shared>> -> memref<80x128xf32, #tpu.memory_space<vmem_shared>>
      tpu.wait_dma2 semaphore(%run_scoped3A : memref<!tpu.dma_semaphore, #tpu.memory_space<semaphore_mem>>) src(%arg8 : memref<80x128xf32, #tpu.memory_space<vmem>>) dst(%dma_wait3A_60 : memref<80x128xf32, #tpu.memory_space<vmem_shared>>)
      tpu.yield
    }) : () -> ()
    %add3A_12 = arith.constant 80 : i32
    %add3A_13 = arith.addi %mul3A_9, %add3A_12 : i32
    "tpu.region"() ({
      %run_scoped3A = tpu.sem_alloc : memref<!tpu.dma_semaphore, #tpu.memory_space<semaphore_mem>>
      %dma_start3A_54 = arith.constant 0 : i32
      %dma_start3A_55 = tpu.memref_slice %arg10[%add3A_13, %dma_start3A_54] : memref<10240x128xf32, #tpu.memory_space<vmem_shared>> -> memref<80x128xf32, #tpu.memory_space<vmem_shared>>
      %dma_start3A_56 = arith.constant 0 : i32
      %dma_start3A_57 = tpu.memref_slice %arg10[%add3A_13, %dma_start3A_56] : memref<10240x128xf32, #tpu.memory_space<vmem_shared>> -> memref<80x128xf32, #tpu.memory_space<vmem_shared>>
      tpu.enqueue_dma source(%arg8 : memref<80x128xf32, #tpu.memory_space<vmem>>) target(%dma_start3A_57 : memref<80x128xf32, #tpu.memory_space<vmem_shared>>) target_semaphore(%run_scoped3A : memref<!tpu.dma_semaphore, #tpu.memory_space<semaphore_mem>>)
      %dma_wait3A = arith.constant 0 : i32
      %dma_wait3A_58 = tpu.memref_slice %arg10[%add3A_13, %dma_wait3A] : memref<10240x128xf32, #tpu.memory_space<vmem_shared>> -> memref<80x128xf32, #tpu.memory_space<vmem_shared>>
      %dma_wait3A_59 = arith.constant 0 : i32
      %dma_wait3A_60 = tpu.memref_slice %arg10[%add3A_13, %dma_wait3A_59] : memref<10240x128xf32, #tpu.memory_space<vmem_shared>> -> memref<80x128xf32, #tpu.memory_space<vmem_shared>>
      tpu.wait_dma2 semaphore(%run_scoped3A : memref<!tpu.dma_semaphore, #tpu.memory_space<semaphore_mem>>) src(%arg8 : memref<80x128xf32, #tpu.memory_space<vmem>>) dst(%dma_wait3A_60 : memref<80x128xf32, #tpu.memory_space<vmem_shared>>)
      tpu.yield
    }) : () -> ()
    %add3A_14 = arith.constant 160 : i32
    %add3A_15 = arith.addi %mul3A_9, %add3A_14 : i32
    "tpu.region"() ({
      %run_scoped3A = tpu.sem_alloc : memref<!tpu.dma_semaphore, #tpu.memory_space<semaphore_mem>>
      %dma_start3A_54 = arith.constant 0 : i32
      %dma_start3A_55 = tpu.memref_slice %arg10[%add3A_15, %dma_start3A_54] : memref<10240x128xf32, #tpu.memory_space<vmem_shared>> -> memref<80x128xf32, #tpu.memory_space<vmem_shared>>
      %dma_start3A_56 = arith.constant 0 : i32
      %dma_start3A_57 = tpu.memref_slice %arg10[%add3A_15, %dma_start3A_56] : memref<10240x128xf32, #tpu.memory_space<vmem_shared>> -> memref<80x128xf32, #tpu.memory_space<vmem_shared>>
      tpu.enqueue_dma source(%arg8 : memref<80x128xf32, #tpu.memory_space<vmem>>) target(%dma_start3A_57 : memref<80x128xf32, #tpu.memory_space<vmem_shared>>) target_semaphore(%run_scoped3A : memref<!tpu.dma_semaphore, #tpu.memory_space<semaphore_mem>>)
      %dma_wait3A = arith.constant 0 : i32
      %dma_wait3A_58 = tpu.memref_slice %arg10[%add3A_15, %dma_wait3A] : memref<10240x128xf32, #tpu.memory_space<vmem_shared>> -> memref<80x128xf32, #tpu.memory_space<vmem_shared>>
      %dma_wait3A_59 = arith.constant 0 : i32
      %dma_wait3A_60 = tpu.memref_slice %arg10[%add3A_15, %dma_wait3A_59] : memref<10240x128xf32, #tpu.memory_space<vmem_shared>> -> memref<80x128xf32, #tpu.memory_space<vmem_shared>>
      tpu.wait_dma2 semaphore(%run_scoped3A : memref<!tpu.dma_semaphore, #tpu.memory_space<semaphore_mem>>) src(%arg8 : memref<80x128xf32, #tpu.memory_space<vmem>>) dst(%dma_wait3A_60 : memref<80x128xf32, #tpu.memory_space<vmem_shared>>)
      tpu.yield
    }) : () -> ()
    %add3A_16 = arith.constant 240 : i32
    %add3A_17 = arith.addi %mul3A_9, %add3A_16 : i32
    "tpu.region"() ({
      %run_scoped3A = tpu.sem_alloc : memref<!tpu.dma_semaphore, #tpu.memory_space<semaphore_mem>>
      %dma_start3A_54 = arith.constant 0 : i32
      %dma_start3A_55 = tpu.memref_slice %arg10[%add3A_17, %dma_start3A_54] : memref<10240x128xf32, #tpu.memory_space<vmem_shared>> -> memref<80x128xf32, #tpu.memory_space<vmem_shared>>
      %dma_start3A_56 = arith.constant 0 : i32
      %dma_start3A_57 = tpu.memref_slice %arg10[%add3A_17, %dma_start3A_56] : memref<10240x128xf32, #tpu.memory_space<vmem_shared>> -> memref<80x128xf32, #tpu.memory_space<vmem_shared>>
      tpu.enqueue_dma source(%arg8 : memref<80x128xf32, #tpu.memory_space<vmem>>) target(%dma_start3A_57 : memref<80x128xf32, #tpu.memory_space<vmem_shared>>) target_semaphore(%run_scoped3A : memref<!tpu.dma_semaphore, #tpu.memory_space<semaphore_mem>>)
      %dma_wait3A = arith.constant 0 : i32
      %dma_wait3A_58 = tpu.memref_slice %arg10[%add3A_17, %dma_wait3A] : memref<10240x128xf32, #tpu.memory_space<vmem_shared>> -> memref<80x128xf32, #tpu.memory_space<vmem_shared>>
      %dma_wait3A_59 = arith.constant 0 : i32
      %dma_wait3A_60 = tpu.memref_slice %arg10[%add3A_17, %dma_wait3A_59] : memref<10240x128xf32, #tpu.memory_space<vmem_shared>> -> memref<80x128xf32, #tpu.memory_space<vmem_shared>>
      tpu.wait_dma2 semaphore(%run_scoped3A : memref<!tpu.dma_semaphore, #tpu.memory_space<semaphore_mem>>) src(%arg8 : memref<80x128xf32, #tpu.memory_space<vmem>>) dst(%dma_wait3A_60 : memref<80x128xf32, #tpu.memory_space<vmem_shared>>)
      tpu.yield
    }) : () -> ()
    %add3A_18 = arith.constant 320 : i32
    %add3A_19 = arith.addi %mul3A_9, %add3A_18 : i32
    "tpu.region"() ({
      %run_scoped3A = tpu.sem_alloc : memref<!tpu.dma_semaphore, #tpu.memory_space<semaphore_mem>>
      %dma_start3A_54 = arith.constant 0 : i32
      %dma_start3A_55 = tpu.memref_slice %arg10[%add3A_19, %dma_start3A_54] : memref<10240x128xf32, #tpu.memory_space<vmem_shared>> -> memref<80x128xf32, #tpu.memory_space<vmem_shared>>
      %dma_start3A_56 = arith.constant 0 : i32
      %dma_start3A_57 = tpu.memref_slice %arg10[%add3A_19, %dma_start3A_56] : memref<10240x128xf32, #tpu.memory_space<vmem_shared>> -> memref<80x128xf32, #tpu.memory_space<vmem_shared>>
      tpu.enqueue_dma source(%arg8 : memref<80x128xf32, #tpu.memory_space<vmem>>) target(%dma_start3A_57 : memref<80x128xf32, #tpu.memory_space<vmem_shared>>) target_semaphore(%run_scoped3A : memref<!tpu.dma_semaphore, #tpu.memory_space<semaphore_mem>>)
      %dma_wait3A = arith.constant 0 : i32
      %dma_wait3A_58 = tpu.memref_slice %arg10[%add3A_19, %dma_wait3A] : memref<10240x128xf32, #tpu.memory_space<vmem_shared>> -> memref<80x128xf32, #tpu.memory_space<vmem_shared>>
      %dma_wait3A_59 = arith.constant 0 : i32
      %dma_wait3A_60 = tpu.memref_slice %arg10[%add3A_19, %dma_wait3A_59] : memref<10240x128xf32, #tpu.memory_space<vmem_shared>> -> memref<80x128xf32, #tpu.memory_space<vmem_shared>>
      tpu.wait_dma2 semaphore(%run_scoped3A : memref<!tpu.dma_semaphore, #tpu.memory_space<semaphore_mem>>) src(%arg8 : memref<80x128xf32, #tpu.memory_space<vmem>>) dst(%dma_wait3A_60 : memref<80x128xf32, #tpu.memory_space<vmem_shared>>)
      tpu.yield
    }) : () -> ()
    %add3A_20 = arith.constant 400 : i32
    %add3A_21 = arith.addi %mul3A_9, %add3A_20 : i32
    "tpu.region"() ({
      %run_scoped3A = tpu.sem_alloc : memref<!tpu.dma_semaphore, #tpu.memory_space<semaphore_mem>>
      %dma_start3A_54 = arith.constant 0 : i32
      %dma_start3A_55 = tpu.memref_slice %arg10[%add3A_21, %dma_start3A_54] : memref<10240x128xf32, #tpu.memory_space<vmem_shared>> -> memref<80x128xf32, #tpu.memory_space<vmem_shared>>
      %dma_start3A_56 = arith.constant 0 : i32
      %dma_start3A_57 = tpu.memref_slice %arg10[%add3A_21, %dma_start3A_56] : memref<10240x128xf32, #tpu.memory_space<vmem_shared>> -> memref<80x128xf32, #tpu.memory_space<vmem_shared>>
      tpu.enqueue_dma source(%arg8 : memref<80x128xf32, #tpu.memory_space<vmem>>) target(%dma_start3A_57 : memref<80x128xf32, #tpu.memory_space<vmem_shared>>) target_semaphore(%run_scoped3A : memref<!tpu.dma_semaphore, #tpu.memory_space<semaphore_mem>>)
      %dma_wait3A = arith.constant 0 : i32
      %dma_wait3A_58 = tpu.memref_slice %arg10[%add3A_21, %dma_wait3A] : memref<10240x128xf32, #tpu.memory_space<vmem_shared>> -> memref<80x128xf32, #tpu.memory_space<vmem_shared>>
      %dma_wait3A_59 = arith.constant 0 : i32
      %dma_wait3A_60 = tpu.memref_slice %arg10[%add3A_21, %dma_wait3A_59] : memref<10240x128xf32, #tpu.memory_space<vmem_shared>> -> memref<80x128xf32, #tpu.memory_space<vmem_shared>>
      tpu.wait_dma2 semaphore(%run_scoped3A : memref<!tpu.dma_semaphore, #tpu.memory_space<semaphore_mem>>) src(%arg8 : memref<80x128xf32, #tpu.memory_space<vmem>>) dst(%dma_wait3A_60 : memref<80x128xf32, #tpu.memory_space<vmem_shared>>)
      tpu.yield
    }) : () -> ()
    %add3A_22 = arith.constant 480 : i32
    %add3A_23 = arith.addi %mul3A_9, %add3A_22 : i32
    "tpu.region"() ({
      %run_scoped3A = tpu.sem_alloc : memref<!tpu.dma_semaphore, #tpu.memory_space<semaphore_mem>>
      %dma_start3A_54 = arith.constant 0 : i32
      %dma_start3A_55 = tpu.memref_slice %arg10[%add3A_23, %dma_start3A_54] : memref<10240x128xf32, #tpu.memory_space<vmem_shared>> -> memref<80x128xf32, #tpu.memory_space<vmem_shared>>
      %dma_start3A_56 = arith.constant 0 : i32
      %dma_start3A_57 = tpu.memref_slice %arg10[%add3A_23, %dma_start3A_56] : memref<10240x128xf32, #tpu.memory_space<vmem_shared>> -> memref<80x128xf32, #tpu.memory_space<vmem_shared>>
      tpu.enqueue_dma source(%arg8 : memref<80x128xf32, #tpu.memory_space<vmem>>) target(%dma_start3A_57 : memref<80x128xf32, #tpu.memory_space<vmem_shared>>) target_semaphore(%run_scoped3A : memref<!tpu.dma_semaphore, #tpu.memory_space<semaphore_mem>>)
      %dma_wait3A = arith.constant 0 : i32
      %dma_wait3A_58 = tpu.memref_slice %arg10[%add3A_23, %dma_wait3A] : memref<10240x128xf32, #tpu.memory_space<vmem_shared>> -> memref<80x128xf32, #tpu.memory_space<vmem_shared>>
      %dma_wait3A_59 = arith.constant 0 : i32
      %dma_wait3A_60 = tpu.memref_slice %arg10[%add3A_23, %dma_wait3A_59] : memref<10240x128xf32, #tpu.memory_space<vmem_shared>> -> memref<80x128xf32, #tpu.memory_space<vmem_shared>>
      tpu.wait_dma2 semaphore(%run_scoped3A : memref<!tpu.dma_semaphore, #tpu.memory_space<semaphore_mem>>) src(%arg8 : memref<80x128xf32, #tpu.memory_space<vmem>>) dst(%dma_wait3A_60 : memref<80x128xf32, #tpu.memory_space<vmem_shared>>)
      tpu.yield
    }) : () -> ()
    %add3A_24 = arith.constant 560 : i32
    %add3A_25 = arith.addi %mul3A_9, %add3A_24 : i32
    "tpu.region"() ({
      %run_scoped3A = tpu.sem_alloc : memref<!tpu.dma_semaphore, #tpu.memory_space<semaphore_mem>>
      %dma_start3A_54 = arith.constant 0 : i32
      %dma_start3A_55 = tpu.memref_slice %arg10[%add3A_25, %dma_start3A_54] : memref<10240x128xf32, #tpu.memory_space<vmem_shared>> -> memref<80x128xf32, #tpu.memory_space<vmem_shared>>
      %dma_start3A_56 = arith.constant 0 : i32
      %dma_start3A_57 = tpu.memref_slice %arg10[%add3A_25, %dma_start3A_56] : memref<10240x128xf32, #tpu.memory_space<vmem_shared>> -> memref<80x128xf32, #tpu.memory_space<vmem_shared>>
      tpu.enqueue_dma source(%arg8 : memref<80x128xf32, #tpu.memory_space<vmem>>) target(%dma_start3A_57 : memref<80x128xf32, #tpu.memory_space<vmem_shared>>) target_semaphore(%run_scoped3A : memref<!tpu.dma_semaphore, #tpu.memory_space<semaphore_mem>>)
      %dma_wait3A = arith.constant 0 : i32
      %dma_wait3A_58 = tpu.memref_slice %arg10[%add3A_25, %dma_wait3A] : memref<10240x128xf32, #tpu.memory_space<vmem_shared>> -> memref<80x128xf32, #tpu.memory_space<vmem_shared>>
      %dma_wait3A_59 = arith.constant 0 : i32
      %dma_wait3A_60 = tpu.memref_slice %arg10[%add3A_25, %dma_wait3A_59] : memref<10240x128xf32, #tpu.memory_space<vmem_shared>> -> memref<80x128xf32, #tpu.memory_space<vmem_shared>>
      tpu.wait_dma2 semaphore(%run_scoped3A : memref<!tpu.dma_semaphore, #tpu.memory_space<semaphore_mem>>) src(%arg8 : memref<80x128xf32, #tpu.memory_space<vmem>>) dst(%dma_wait3A_60 : memref<80x128xf32, #tpu.memory_space<vmem_shared>>)
      tpu.yield
    }) : () -> ()
    %barrier3A = arith.constant 0 : index
    tpu.barrier barrier_id(%barrier3A)
    "tpu.region"() ({
      %run_scoped3A = tpu.sem_alloc : memref<!tpu.dma_semaphore, #tpu.memory_space<semaphore_mem>>
      %dma_start3A_54 = arith.constant 0 : i32
      %dma_start3A_55 = arith.constant 0 : i32
      %dma_start3A_56 = tpu.memref_slice %arg3[%add3A, %dma_start3A_54, %dma_start3A_55] : memref<32x128x80xi32, #tpu.memory_space<hbm>> -> memref<1x64x80xi32, #tpu.memory_space<hbm>>
      %dma_start3A_57 = tpu.memref_squeeze %dma_start3A_56 : memref<1x64x80xi32, #tpu.memory_space<hbm>> -> memref<64x80xi32, #tpu.memory_space<hbm>>
      %dma_start3A_58 = arith.constant 0 : i32
      %dma_start3A_59 = arith.constant 0 : i32
      %dma_start3A_60 = tpu.memref_slice %arg3[%add3A, %dma_start3A_58, %dma_start3A_59] : memref<32x128x80xi32, #tpu.memory_space<hbm>> -> memref<1x64x80xi32, #tpu.memory_space<hbm>>
      %dma_start3A_61 = tpu.memref_squeeze %dma_start3A_60 : memref<1x64x80xi32, #tpu.memory_space<hbm>> -> memref<64x80xi32, #tpu.memory_space<hbm>>
      tpu.enqueue_dma source(%dma_start3A_61 : memref<64x80xi32, #tpu.memory_space<hbm>>) target(%arg6 : memref<64x80xi32, #tpu.memory_space<vmem>>) target_semaphore(%run_scoped3A : memref<!tpu.dma_semaphore, #tpu.memory_space<semaphore_mem>>)
      %dma_wait3A = arith.constant 0 : i32
      %dma_wait3A_62 = arith.constant 0 : i32
      %dma_wait3A_63 = tpu.memref_slice %arg3[%add3A, %dma_wait3A, %dma_wait3A_62] : memref<32x128x80xi32, #tpu.memory_space<hbm>> -> memref<1x64x80xi32, #tpu.memory_space<hbm>>
      %dma_wait3A_64 = tpu.memref_squeeze %dma_wait3A_63 : memref<1x64x80xi32, #tpu.memory_space<hbm>> -> memref<64x80xi32, #tpu.memory_space<hbm>>
      %dma_wait3A_65 = arith.constant 0 : i32
      %dma_wait3A_66 = arith.constant 0 : i32
      %dma_wait3A_67 = tpu.memref_slice %arg3[%add3A, %dma_wait3A_65, %dma_wait3A_66] : memref<32x128x80xi32, #tpu.memory_space<hbm>> -> memref<1x64x80xi32, #tpu.memory_space<hbm>>
      %dma_wait3A_68 = tpu.memref_squeeze %dma_wait3A_67 : memref<1x64x80xi32, #tpu.memory_space<hbm>> -> memref<64x80xi32, #tpu.memory_space<hbm>>
      tpu.wait_dma2 semaphore(%run_scoped3A : memref<!tpu.dma_semaphore, #tpu.memory_space<semaphore_mem>>) src(%dma_wait3A_68 : memref<64x80xi32, #tpu.memory_space<hbm>>) dst(%arg6 : memref<64x80xi32, #tpu.memory_space<vmem>>)
      tpu.yield
    }) : () -> ()
    "tpu.region"() ({
      %run_scoped3A = tpu.sem_alloc : memref<!tpu.dma_semaphore, #tpu.memory_space<semaphore_mem>>
      %dma_start3A_54 = arith.constant 0 : i32
      %dma_start3A_55 = arith.constant 0 : i32
      %dma_start3A_56 = tpu.memref_slice %arg4[%add3A, %dma_start3A_54, %dma_start3A_55] : memref<32x128x80xi32, #tpu.memory_space<hbm>> -> memref<1x64x80xi32, #tpu.memory_space<hbm>>
      %dma_start3A_57 = tpu.memref_squeeze %dma_start3A_56 : memref<1x64x80xi32, #tpu.memory_space<hbm>> -> memref<64x80xi32, #tpu.memory_space<hbm>>
      %dma_start3A_58 = arith.constant 0 : i32
      %dma_start3A_59 = arith.constant 0 : i32
      %dma_start3A_60 = tpu.memref_slice %arg4[%add3A, %dma_start3A_58, %dma_start3A_59] : memref<32x128x80xi32, #tpu.memory_space<hbm>> -> memref<1x64x80xi32, #tpu.memory_space<hbm>>
      %dma_start3A_61 = tpu.memref_squeeze %dma_start3A_60 : memref<1x64x80xi32, #tpu.memory_space<hbm>> -> memref<64x80xi32, #tpu.memory_space<hbm>>
      tpu.enqueue_dma source(%dma_start3A_61 : memref<64x80xi32, #tpu.memory_space<hbm>>) target(%arg7 : memref<64x80xi32, #tpu.memory_space<vmem>>) target_semaphore(%run_scoped3A : memref<!tpu.dma_semaphore, #tpu.memory_space<semaphore_mem>>)
      %dma_wait3A = arith.constant 0 : i32
      %dma_wait3A_62 = arith.constant 0 : i32
      %dma_wait3A_63 = tpu.memref_slice %arg4[%add3A, %dma_wait3A, %dma_wait3A_62] : memref<32x128x80xi32, #tpu.memory_space<hbm>> -> memref<1x64x80xi32, #tpu.memory_space<hbm>>
      %dma_wait3A_64 = tpu.memref_squeeze %dma_wait3A_63 : memref<1x64x80xi32, #tpu.memory_space<hbm>> -> memref<64x80xi32, #tpu.memory_space<hbm>>
      %dma_wait3A_65 = arith.constant 0 : i32
      %dma_wait3A_66 = arith.constant 0 : i32
      %dma_wait3A_67 = tpu.memref_slice %arg4[%add3A, %dma_wait3A_65, %dma_wait3A_66] : memref<32x128x80xi32, #tpu.memory_space<hbm>> -> memref<1x64x80xi32, #tpu.memory_space<hbm>>
      %dma_wait3A_68 = tpu.memref_squeeze %dma_wait3A_67 : memref<1x64x80xi32, #tpu.memory_space<hbm>> -> memref<64x80xi32, #tpu.memory_space<hbm>>
      tpu.wait_dma2 semaphore(%run_scoped3A : memref<!tpu.dma_semaphore, #tpu.memory_space<semaphore_mem>>) src(%dma_wait3A_68 : memref<64x80xi32, #tpu.memory_space<hbm>>) dst(%arg7 : memref<64x80xi32, #tpu.memory_space<vmem>>)
      tpu.yield
    }) : () -> ()
    %dma_start3A = arith.constant 0 : i32
    %dma_start3A_26 = arith.constant 0 : i32
    %dma_start3A_27 = tpu.memref_slice %arg6[%dma_start3A, %dma_start3A_26] : memref<64x80xi32, #tpu.memory_space<vmem>> -> memref<1x80xi32, #tpu.memory_space<vmem>>
    %dma_start3A_28 = tpu.memref_squeeze %dma_start3A_27 : memref<1x80xi32, #tpu.memory_space<vmem>> -> memref<80xi32, #tpu.memory_space<vmem>>
    %dma_start3A_29 = arith.constant 0 : i32
    %dma_start3A_30 = arith.constant 0 : i32
    %dma_start3A_31 = tpu.memref_slice %arg2[%dma_start3A_29, %dma_start3A_30] : memref<10240x128xf32, #tpu.memory_space<hbm>> -> memref<10240x128xf32, #tpu.memory_space<hbm>>
    tpu.enqueue_indirect_dma source(%dma_start3A_31 : memref<10240x128xf32, #tpu.memory_space<hbm>>) target(%arg8 : memref<80x128xf32, #tpu.memory_space<vmem>>) offsets(%dma_start3A_28 : memref<80xi32, #tpu.memory_space<vmem>>) semaphore(%arg11 : memref<!tpu.dma_semaphore, #tpu.memory_space<semaphore_mem>>)
    %scan3A_32 = arith.constant 0 : i32
    %scan3A_33 = arith.constant 0 : i32
    %scan3A_34 = arith.constant 32 : i32
    %scan3A_35 = arith.addi %scan3A_33, %scan3A_34 : i32
    %scan3A_36 = arith.constant 1 : i32
    %scan3A_37 = scf.for %scan3A_54 = %scan3A_33 to %scan3A_35 step %scan3A_36 iter_args(%scan3A_55 = %scan3A_32) -> (i32)  : i32 {
      %mul3A_56 = arith.constant 2 : i32
      %mul3A_57 = arith.muli %mul3A_56, %scan3A_54 : i32
      %dma_wait3A = arith.constant 0 : i32
      %dma_wait3A_58 = tpu.memref_slice %arg6[%mul3A_57, %dma_wait3A] : memref<64x80xi32, #tpu.memory_space<vmem>> -> memref<1x80xi32, #tpu.memory_space<vmem>>
      %dma_wait3A_59 = tpu.memref_squeeze %dma_wait3A_58 : memref<1x80xi32, #tpu.memory_space<vmem>> -> memref<80xi32, #tpu.memory_space<vmem>>
      %dma_wait3A_60 = arith.constant 0 : i32
      %dma_wait3A_61 = arith.constant 0 : i32
      %dma_wait3A_62 = tpu.memref_slice %arg2[%dma_wait3A_60, %dma_wait3A_61] : memref<10240x128xf32, #tpu.memory_space<hbm>> -> memref<10240x128xf32, #tpu.memory_space<hbm>>
      tpu.wait_indirect_dma semaphore(%arg11 : memref<!tpu.dma_semaphore, #tpu.memory_space<semaphore_mem>>) src(%dma_wait3A_62 : memref<10240x128xf32, #tpu.memory_space<hbm>>) dst(%arg8 : memref<80x128xf32, #tpu.memory_space<vmem>>)
      %add3A_63 = arith.constant 1 : i32
      %add3A_64 = arith.addi %mul3A_57, %add3A_63 : i32
      %dma_start3A_65 = arith.constant 0 : i32
      %dma_start3A_66 = tpu.memref_slice %arg6[%add3A_64, %dma_start3A_65] : memref<64x80xi32, #tpu.memory_space<vmem>> -> memref<1x80xi32, #tpu.memory_space<vmem>>
      %dma_start3A_67 = tpu.memref_squeeze %dma_start3A_66 : memref<1x80xi32, #tpu.memory_space<vmem>> -> memref<80xi32, #tpu.memory_space<vmem>>
      %dma_start3A_68 = arith.constant 0 : i32
      %dma_start3A_69 = arith.constant 0 : i32
      %dma_start3A_70 = tpu.memref_slice %arg2[%dma_start3A_68, %dma_start3A_69] : memref<10240x128xf32, #tpu.memory_space<hbm>> -> memref<10240x128xf32, #tpu.memory_space<hbm>>
      tpu.enqueue_indirect_dma source(%dma_start3A_70 : memref<10240x128xf32, #tpu.memory_space<hbm>>) target(%arg9 : memref<80x128xf32, #tpu.memory_space<vmem>>) offsets(%dma_start3A_67 : memref<80xi32, #tpu.memory_space<vmem>>) semaphore(%arg12 : memref<!tpu.dma_semaphore, #tpu.memory_space<semaphore_mem>>)
      "tpu.region"() ({
        %run_scoped3A = tpu.sem_alloc : memref<!tpu.dma_semaphore, #tpu.memory_space<semaphore_mem>>
        %dma_start3A_86 = arith.constant 0 : i32
        %dma_start3A_87 = tpu.memref_slice %arg7[%mul3A_57, %dma_start3A_86] : memref<64x80xi32, #tpu.memory_space<vmem>> -> memref<1x80xi32, #tpu.memory_space<vmem>>
        %dma_start3A_88 = tpu.memref_squeeze %dma_start3A_87 : memref<1x80xi32, #tpu.memory_space<vmem>> -> memref<80xi32, #tpu.memory_space<vmem>>
        %dma_start3A_89 = arith.constant 0 : i32
        %dma_start3A_90 = arith.constant 0 : i32
        %dma_start3A_91 = tpu.memref_slice %arg10[%dma_start3A_89, %dma_start3A_90] : memref<10240x128xf32, #tpu.memory_space<vmem_shared>> -> memref<10240x128xf32, #tpu.memory_space<vmem_shared>>
        tpu.enqueue_indirect_dma source(%arg8 : memref<80x128xf32, #tpu.memory_space<vmem>>) target(%dma_start3A_91 : memref<10240x128xf32, #tpu.memory_space<vmem_shared>>) offsets(%dma_start3A_88 : memref<80xi32, #tpu.memory_space<vmem>>) semaphore(%run_scoped3A : memref<!tpu.dma_semaphore, #tpu.memory_space<semaphore_mem>>) {add = true}
        %dma_wait3A_92 = arith.constant 0 : i32
        %dma_wait3A_93 = tpu.memref_slice %arg7[%mul3A_57, %dma_wait3A_92] : memref<64x80xi32, #tpu.memory_space<vmem>> -> memref<1x80xi32, #tpu.memory_space<vmem>>
        %dma_wait3A_94 = tpu.memref_squeeze %dma_wait3A_93 : memref<1x80xi32, #tpu.memory_space<vmem>> -> memref<80xi32, #tpu.memory_space<vmem>>
        %dma_wait3A_95 = arith.constant 0 : i32
        %dma_wait3A_96 = arith.constant 0 : i32
        %dma_wait3A_97 = tpu.memref_slice %arg10[%dma_wait3A_95, %dma_wait3A_96] : memref<10240x128xf32, #tpu.memory_space<vmem_shared>> -> memref<10240x128xf32, #tpu.memory_space<vmem_shared>>
        tpu.wait_indirect_dma semaphore(%run_scoped3A : memref<!tpu.dma_semaphore, #tpu.memory_space<semaphore_mem>>) src(%arg8 : memref<80x128xf32, #tpu.memory_space<vmem>>) dst(%dma_wait3A_97 : memref<10240x128xf32, #tpu.memory_space<vmem_shared>>)
        tpu.yield
      }) : () -> ()
      %add3A_71 = arith.constant 1 : i32
      %add3A_72 = arith.addi %mul3A_57, %add3A_71 : i32
      %dma_wait3A_73 = arith.constant 0 : i32
      %dma_wait3A_74 = tpu.memref_slice %arg6[%add3A_72, %dma_wait3A_73] : memref<64x80xi32, #tpu.memory_space<vmem>> -> memref<1x80xi32, #tpu.memory_space<vmem>>
      %dma_wait3A_75 = tpu.memref_squeeze %dma_wait3A_74 : memref<1x80xi32, #tpu.memory_space<vmem>> -> memref<80xi32, #tpu.memory_space<vmem>>
      %dma_wait3A_76 = arith.constant 0 : i32
      %dma_wait3A_77 = arith.constant 0 : i32
      %dma_wait3A_78 = tpu.memref_slice %arg2[%dma_wait3A_76, %dma_wait3A_77] : memref<10240x128xf32, #tpu.memory_space<hbm>> -> memref<10240x128xf32, #tpu.memory_space<hbm>>
      tpu.wait_indirect_dma semaphore(%arg12 : memref<!tpu.dma_semaphore, #tpu.memory_space<semaphore_mem>>) src(%dma_wait3A_78 : memref<10240x128xf32, #tpu.memory_space<hbm>>) dst(%arg9 : memref<80x128xf32, #tpu.memory_space<vmem>>)
      %add3A_79 = arith.constant 2 : i32
      %add3A_80 = arith.addi %mul3A_57, %add3A_79 : i32
      %lt3A = arith.constant 64 : i32
      %lt3A_81 = arith.cmpi slt, %add3A_80, %lt3A : i32
      %convert_element_type3A = arith.extui %lt3A_81 : i1 to i32
      %cond3A = arith.constant 0 : i32
      %cond3A_82 = arith.cmpi ne, %convert_element_type3A, %cond3A : i32
      scf.if %cond3A_82 {
        %add3A_86 = arith.constant 2 : i32
        %add3A_87 = arith.addi %mul3A_57, %add3A_86 : i32
        %dma_start3A_88 = arith.constant 0 : i32
        %dma_start3A_89 = tpu.memref_slice %arg6[%add3A_87, %dma_start3A_88] : memref<64x80xi32, #tpu.memory_space<vmem>> -> memref<1x80xi32, #tpu.memory_space<vmem>>
        %dma_start3A_90 = tpu.memref_squeeze %dma_start3A_89 : memref<1x80xi32, #tpu.memory_space<vmem>> -> memref<80xi32, #tpu.memory_space<vmem>>
        %dma_start3A_91 = arith.constant 0 : i32
        %dma_start3A_92 = arith.constant 0 : i32
        %dma_start3A_93 = tpu.memref_slice %arg2[%dma_start3A_91, %dma_start3A_92] : memref<10240x128xf32, #tpu.memory_space<hbm>> -> memref<10240x128xf32, #tpu.memory_space<hbm>>
        tpu.enqueue_indirect_dma source(%dma_start3A_93 : memref<10240x128xf32, #tpu.memory_space<hbm>>) target(%arg8 : memref<80x128xf32, #tpu.memory_space<vmem>>) offsets(%dma_start3A_90 : memref<80xi32, #tpu.memory_space<vmem>>) semaphore(%arg11 : memref<!tpu.dma_semaphore, #tpu.memory_space<semaphore_mem>>)
      } else {
      }
      %add3A_83 = arith.constant 1 : i32
      %add3A_84 = arith.addi %mul3A_57, %add3A_83 : i32
      "tpu.region"() ({
        %run_scoped3A = tpu.sem_alloc : memref<!tpu.dma_semaphore, #tpu.memory_space<semaphore_mem>>
        %dma_start3A_86 = arith.constant 0 : i32
        %dma_start3A_87 = tpu.memref_slice %arg7[%add3A_84, %dma_start3A_86] : memref<64x80xi32, #tpu.memory_space<vmem>> -> memref<1x80xi32, #tpu.memory_space<vmem>>
        %dma_start3A_88 = tpu.memref_squeeze %dma_start3A_87 : memref<1x80xi32, #tpu.memory_space<vmem>> -> memref<80xi32, #tpu.memory_space<vmem>>
        %dma_start3A_89 = arith.constant 0 : i32
        %dma_start3A_90 = arith.constant 0 : i32
        %dma_start3A_91 = tpu.memref_slice %arg10[%dma_start3A_89, %dma_start3A_90] : memref<10240x128xf32, #tpu.memory_space<vmem_shared>> -> memref<10240x128xf32, #tpu.memory_space<vmem_shared>>
        tpu.enqueue_indirect_dma source(%arg9 : memref<80x128xf32, #tpu.memory_space<vmem>>) target(%dma_start3A_91 : memref<10240x128xf32, #tpu.memory_space<vmem_shared>>) offsets(%dma_start3A_88 : memref<80xi32, #tpu.memory_space<vmem>>) semaphore(%run_scoped3A : memref<!tpu.dma_semaphore, #tpu.memory_space<semaphore_mem>>) {add = true}
        %dma_wait3A_92 = arith.constant 0 : i32
        %dma_wait3A_93 = tpu.memref_slice %arg7[%add3A_84, %dma_wait3A_92] : memref<64x80xi32, #tpu.memory_space<vmem>> -> memref<1x80xi32, #tpu.memory_space<vmem>>
        %dma_wait3A_94 = tpu.memref_squeeze %dma_wait3A_93 : memref<1x80xi32, #tpu.memory_space<vmem>> -> memref<80xi32, #tpu.memory_space<vmem>>
        %dma_wait3A_95 = arith.constant 0 : i32
        %dma_wait3A_96 = arith.constant 0 : i32
        %dma_wait3A_97 = tpu.memref_slice %arg10[%dma_wait3A_95, %dma_wait3A_96] : memref<10240x128xf32, #tpu.memory_space<vmem_shared>> -> memref<10240x128xf32, #tpu.memory_space<vmem_shared>>
        tpu.wait_indirect_dma semaphore(%run_scoped3A : memref<!tpu.dma_semaphore, #tpu.memory_space<semaphore_mem>>) src(%arg9 : memref<80x128xf32, #tpu.memory_space<vmem>>) dst(%dma_wait3A_97 : memref<10240x128xf32, #tpu.memory_space<vmem_shared>>)
        tpu.yield
      }) : () -> ()
      %scan3A_85 = arith.constant 0 : i32
      scf.yield %scan3A_85 : i32
    }
    %scan3A_38 = arith.constant 32 : i32
    "tpu.region"() ({
      %run_scoped3A = tpu.sem_alloc : memref<!tpu.dma_semaphore, #tpu.memory_space<semaphore_mem>>
      %dma_start3A_54 = arith.constant 64 : i32
      %dma_start3A_55 = arith.constant 0 : i32
      %dma_start3A_56 = tpu.memref_slice %arg3[%add3A, %dma_start3A_54, %dma_start3A_55] : memref<32x128x80xi32, #tpu.memory_space<hbm>> -> memref<1x64x80xi32, #tpu.memory_space<hbm>>
      %dma_start3A_57 = tpu.memref_squeeze %dma_start3A_56 : memref<1x64x80xi32, #tpu.memory_space<hbm>> -> memref<64x80xi32, #tpu.memory_space<hbm>>
      %dma_start3A_58 = arith.constant 64 : i32
      %dma_start3A_59 = arith.constant 0 : i32
      %dma_start3A_60 = tpu.memref_slice %arg3[%add3A, %dma_start3A_58, %dma_start3A_59] : memref<32x128x80xi32, #tpu.memory_space<hbm>> -> memref<1x64x80xi32, #tpu.memory_space<hbm>>
      %dma_start3A_61 = tpu.memref_squeeze %dma_start3A_60 : memref<1x64x80xi32, #tpu.memory_space<hbm>> -> memref<64x80xi32, #tpu.memory_space<hbm>>
      tpu.enqueue_dma source(%dma_start3A_61 : memref<64x80xi32, #tpu.memory_space<hbm>>) target(%arg6 : memref<64x80xi32, #tpu.memory_space<vmem>>) target_semaphore(%run_scoped3A : memref<!tpu.dma_semaphore, #tpu.memory_space<semaphore_mem>>)
      %dma_wait3A = arith.constant 64 : i32
      %dma_wait3A_62 = arith.constant 0 : i32
      %dma_wait3A_63 = tpu.memref_slice %arg3[%add3A, %dma_wait3A, %dma_wait3A_62] : memref<32x128x80xi32, #tpu.memory_space<hbm>> -> memref<1x64x80xi32, #tpu.memory_space<hbm>>
      %dma_wait3A_64 = tpu.memref_squeeze %dma_wait3A_63 : memref<1x64x80xi32, #tpu.memory_space<hbm>> -> memref<64x80xi32, #tpu.memory_space<hbm>>
      %dma_wait3A_65 = arith.constant 64 : i32
      %dma_wait3A_66 = arith.constant 0 : i32
      %dma_wait3A_67 = tpu.memref_slice %arg3[%add3A, %dma_wait3A_65, %dma_wait3A_66] : memref<32x128x80xi32, #tpu.memory_space<hbm>> -> memref<1x64x80xi32, #tpu.memory_space<hbm>>
      %dma_wait3A_68 = tpu.memref_squeeze %dma_wait3A_67 : memref<1x64x80xi32, #tpu.memory_space<hbm>> -> memref<64x80xi32, #tpu.memory_space<hbm>>
      tpu.wait_dma2 semaphore(%run_scoped3A : memref<!tpu.dma_semaphore, #tpu.memory_space<semaphore_mem>>) src(%dma_wait3A_68 : memref<64x80xi32, #tpu.memory_space<hbm>>) dst(%arg6 : memref<64x80xi32, #tpu.memory_space<vmem>>)
      tpu.yield
    }) : () -> ()
    "tpu.region"() ({
      %run_scoped3A = tpu.sem_alloc : memref<!tpu.dma_semaphore, #tpu.memory_space<semaphore_mem>>
      %dma_start3A_54 = arith.constant 64 : i32
      %dma_start3A_55 = arith.constant 0 : i32
      %dma_start3A_56 = tpu.memref_slice %arg4[%add3A, %dma_start3A_54, %dma_start3A_55] : memref<32x128x80xi32, #tpu.memory_space<hbm>> -> memref<1x64x80xi32, #tpu.memory_space<hbm>>
      %dma_start3A_57 = tpu.memref_squeeze %dma_start3A_56 : memref<1x64x80xi32, #tpu.memory_space<hbm>> -> memref<64x80xi32, #tpu.memory_space<hbm>>
      %dma_start3A_58 = arith.constant 64 : i32
      %dma_start3A_59 = arith.constant 0 : i32
      %dma_start3A_60 = tpu.memref_slice %arg4[%add3A, %dma_start3A_58, %dma_start3A_59] : memref<32x128x80xi32, #tpu.memory_space<hbm>> -> memref<1x64x80xi32, #tpu.memory_space<hbm>>
      %dma_start3A_61 = tpu.memref_squeeze %dma_start3A_60 : memref<1x64x80xi32, #tpu.memory_space<hbm>> -> memref<64x80xi32, #tpu.memory_space<hbm>>
      tpu.enqueue_dma source(%dma_start3A_61 : memref<64x80xi32, #tpu.memory_space<hbm>>) target(%arg7 : memref<64x80xi32, #tpu.memory_space<vmem>>) target_semaphore(%run_scoped3A : memref<!tpu.dma_semaphore, #tpu.memory_space<semaphore_mem>>)
      %dma_wait3A = arith.constant 64 : i32
      %dma_wait3A_62 = arith.constant 0 : i32
      %dma_wait3A_63 = tpu.memref_slice %arg4[%add3A, %dma_wait3A, %dma_wait3A_62] : memref<32x128x80xi32, #tpu.memory_space<hbm>> -> memref<1x64x80xi32, #tpu.memory_space<hbm>>
      %dma_wait3A_64 = tpu.memref_squeeze %dma_wait3A_63 : memref<1x64x80xi32, #tpu.memory_space<hbm>> -> memref<64x80xi32, #tpu.memory_space<hbm>>
      %dma_wait3A_65 = arith.constant 64 : i32
      %dma_wait3A_66 = arith.constant 0 : i32
      %dma_wait3A_67 = tpu.memref_slice %arg4[%add3A, %dma_wait3A_65, %dma_wait3A_66] : memref<32x128x80xi32, #tpu.memory_space<hbm>> -> memref<1x64x80xi32, #tpu.memory_space<hbm>>
      %dma_wait3A_68 = tpu.memref_squeeze %dma_wait3A_67 : memref<1x64x80xi32, #tpu.memory_space<hbm>> -> memref<64x80xi32, #tpu.memory_space<hbm>>
      tpu.wait_dma2 semaphore(%run_scoped3A : memref<!tpu.dma_semaphore, #tpu.memory_space<semaphore_mem>>) src(%dma_wait3A_68 : memref<64x80xi32, #tpu.memory_space<hbm>>) dst(%arg7 : memref<64x80xi32, #tpu.memory_space<vmem>>)
      tpu.yield
    }) : () -> ()
    %dma_start3A_39 = arith.constant 0 : i32
    %dma_start3A_40 = arith.constant 0 : i32
    %dma_start3A_41 = tpu.memref_slice %arg6[%dma_start3A_39, %dma_start3A_40] : memref<64x80xi32, #tpu.memory_space<vmem>> -> memref<1x80xi32, #tpu.memory_space<vmem>>
    %dma_start3A_42 = tpu.memref_squeeze %dma_start3A_41 : memref<1x80xi32, #tpu.memory_space<vmem>> -> memref<80xi32, #tpu.memory_space<vmem>>
    %dma_start3A_43 = arith.constant 0 : i32
    %dma_start3A_44 = arith.constant 0 : i32
    %dma_start3A_45 = tpu.memref_slice %arg2[%dma_start3A_43, %dma_start3A_44] : memref<10240x128xf32, #tpu.memory_space<hbm>> -> memref<10240x128xf32, #tpu.memory_space<hbm>>
    tpu.enqueue_indirect_dma source(%dma_start3A_45 : memref<10240x128xf32, #tpu.memory_space<hbm>>) target(%arg8 : memref<80x128xf32, #tpu.memory_space<vmem>>) offsets(%dma_start3A_42 : memref<80xi32, #tpu.memory_space<vmem>>) semaphore(%arg11 : memref<!tpu.dma_semaphore, #tpu.memory_space<semaphore_mem>>)
    %scan3A_46 = arith.constant 0 : i32
    %scan3A_47 = arith.constant 0 : i32
    %scan3A_48 = arith.constant 32 : i32
    %scan3A_49 = arith.addi %scan3A_47, %scan3A_48 : i32
    %scan3A_50 = arith.constant 1 : i32
    %scan3A_51 = scf.for %scan3A_54 = %scan3A_47 to %scan3A_49 step %scan3A_50 iter_args(%scan3A_55 = %scan3A_46) -> (i32)  : i32 {
      %mul3A_56 = arith.constant 2 : i32
      %mul3A_57 = arith.muli %mul3A_56, %scan3A_54 : i32
      %dma_wait3A = arith.constant 0 : i32
      %dma_wait3A_58 = tpu.memref_slice %arg6[%mul3A_57, %dma_wait3A] : memref<64x80xi32, #tpu.memory_space<vmem>> -> memref<1x80xi32, #tpu.memory_space<vmem>>
      %dma_wait3A_59 = tpu.memref_squeeze %dma_wait3A_58 : memref<1x80xi32, #tpu.memory_space<vmem>> -> memref<80xi32, #tpu.memory_space<vmem>>
      %dma_wait3A_60 = arith.constant 0 : i32
      %dma_wait3A_61 = arith.constant 0 : i32
      %dma_wait3A_62 = tpu.memref_slice %arg2[%dma_wait3A_60, %dma_wait3A_61] : memref<10240x128xf32, #tpu.memory_space<hbm>> -> memref<10240x128xf32, #tpu.memory_space<hbm>>
      tpu.wait_indirect_dma semaphore(%arg11 : memref<!tpu.dma_semaphore, #tpu.memory_space<semaphore_mem>>) src(%dma_wait3A_62 : memref<10240x128xf32, #tpu.memory_space<hbm>>) dst(%arg8 : memref<80x128xf32, #tpu.memory_space<vmem>>)
      %add3A_63 = arith.constant 1 : i32
      %add3A_64 = arith.addi %mul3A_57, %add3A_63 : i32
      %dma_start3A_65 = arith.constant 0 : i32
      %dma_start3A_66 = tpu.memref_slice %arg6[%add3A_64, %dma_start3A_65] : memref<64x80xi32, #tpu.memory_space<vmem>> -> memref<1x80xi32, #tpu.memory_space<vmem>>
      %dma_start3A_67 = tpu.memref_squeeze %dma_start3A_66 : memref<1x80xi32, #tpu.memory_space<vmem>> -> memref<80xi32, #tpu.memory_space<vmem>>
      %dma_start3A_68 = arith.constant 0 : i32
      %dma_start3A_69 = arith.constant 0 : i32
      %dma_start3A_70 = tpu.memref_slice %arg2[%dma_start3A_68, %dma_start3A_69] : memref<10240x128xf32, #tpu.memory_space<hbm>> -> memref<10240x128xf32, #tpu.memory_space<hbm>>
      tpu.enqueue_indirect_dma source(%dma_start3A_70 : memref<10240x128xf32, #tpu.memory_space<hbm>>) target(%arg9 : memref<80x128xf32, #tpu.memory_space<vmem>>) offsets(%dma_start3A_67 : memref<80xi32, #tpu.memory_space<vmem>>) semaphore(%arg12 : memref<!tpu.dma_semaphore, #tpu.memory_space<semaphore_mem>>)
      "tpu.region"() ({
        %run_scoped3A = tpu.sem_alloc : memref<!tpu.dma_semaphore, #tpu.memory_space<semaphore_mem>>
        %dma_start3A_86 = arith.constant 0 : i32
        %dma_start3A_87 = tpu.memref_slice %arg7[%mul3A_57, %dma_start3A_86] : memref<64x80xi32, #tpu.memory_space<vmem>> -> memref<1x80xi32, #tpu.memory_space<vmem>>
        %dma_start3A_88 = tpu.memref_squeeze %dma_start3A_87 : memref<1x80xi32, #tpu.memory_space<vmem>> -> memref<80xi32, #tpu.memory_space<vmem>>
        %dma_start3A_89 = arith.constant 0 : i32
        %dma_start3A_90 = arith.constant 0 : i32
        %dma_start3A_91 = tpu.memref_slice %arg10[%dma_start3A_89, %dma_start3A_90] : memref<10240x128xf32, #tpu.memory_space<vmem_shared>> -> memref<10240x128xf32, #tpu.memory_space<vmem_shared>>
        tpu.enqueue_indirect_dma source(%arg8 : memref<80x128xf32, #tpu.memory_space<vmem>>) target(%dma_start3A_91 : memref<10240x128xf32, #tpu.memory_space<vmem_shared>>) offsets(%dma_start3A_88 : memref<80xi32, #tpu.memory_space<vmem>>) semaphore(%run_scoped3A : memref<!tpu.dma_semaphore, #tpu.memory_space<semaphore_mem>>) {add = true}
        %dma_wait3A_92 = arith.constant 0 : i32
        %dma_wait3A_93 = tpu.memref_slice %arg7[%mul3A_57, %dma_wait3A_92] : memref<64x80xi32, #tpu.memory_space<vmem>> -> memref<1x80xi32, #tpu.memory_space<vmem>>
        %dma_wait3A_94 = tpu.memref_squeeze %dma_wait3A_93 : memref<1x80xi32, #tpu.memory_space<vmem>> -> memref<80xi32, #tpu.memory_space<vmem>>
        %dma_wait3A_95 = arith.constant 0 : i32
        %dma_wait3A_96 = arith.constant 0 : i32
        %dma_wait3A_97 = tpu.memref_slice %arg10[%dma_wait3A_95, %dma_wait3A_96] : memref<10240x128xf32, #tpu.memory_space<vmem_shared>> -> memref<10240x128xf32, #tpu.memory_space<vmem_shared>>
        tpu.wait_indirect_dma semaphore(%run_scoped3A : memref<!tpu.dma_semaphore, #tpu.memory_space<semaphore_mem>>) src(%arg8 : memref<80x128xf32, #tpu.memory_space<vmem>>) dst(%dma_wait3A_97 : memref<10240x128xf32, #tpu.memory_space<vmem_shared>>)
        tpu.yield
      }) : () -> ()
      %add3A_71 = arith.constant 1 : i32
      %add3A_72 = arith.addi %mul3A_57, %add3A_71 : i32
      %dma_wait3A_73 = arith.constant 0 : i32
      %dma_wait3A_74 = tpu.memref_slice %arg6[%add3A_72, %dma_wait3A_73] : memref<64x80xi32, #tpu.memory_space<vmem>> -> memref<1x80xi32, #tpu.memory_space<vmem>>
      %dma_wait3A_75 = tpu.memref_squeeze %dma_wait3A_74 : memref<1x80xi32, #tpu.memory_space<vmem>> -> memref<80xi32, #tpu.memory_space<vmem>>
      %dma_wait3A_76 = arith.constant 0 : i32
      %dma_wait3A_77 = arith.constant 0 : i32
      %dma_wait3A_78 = tpu.memref_slice %arg2[%dma_wait3A_76, %dma_wait3A_77] : memref<10240x128xf32, #tpu.memory_space<hbm>> -> memref<10240x128xf32, #tpu.memory_space<hbm>>
      tpu.wait_indirect_dma semaphore(%arg12 : memref<!tpu.dma_semaphore, #tpu.memory_space<semaphore_mem>>) src(%dma_wait3A_78 : memref<10240x128xf32, #tpu.memory_space<hbm>>) dst(%arg9 : memref<80x128xf32, #tpu.memory_space<vmem>>)
      %add3A_79 = arith.constant 2 : i32
      %add3A_80 = arith.addi %mul3A_57, %add3A_79 : i32
      %lt3A = arith.constant 64 : i32
      %lt3A_81 = arith.cmpi slt, %add3A_80, %lt3A : i32
      %convert_element_type3A = arith.extui %lt3A_81 : i1 to i32
      %cond3A = arith.constant 0 : i32
      %cond3A_82 = arith.cmpi ne, %convert_element_type3A, %cond3A : i32
      scf.if %cond3A_82 {
        %add3A_86 = arith.constant 2 : i32
        %add3A_87 = arith.addi %mul3A_57, %add3A_86 : i32
        %dma_start3A_88 = arith.constant 0 : i32
        %dma_start3A_89 = tpu.memref_slice %arg6[%add3A_87, %dma_start3A_88] : memref<64x80xi32, #tpu.memory_space<vmem>> -> memref<1x80xi32, #tpu.memory_space<vmem>>
        %dma_start3A_90 = tpu.memref_squeeze %dma_start3A_89 : memref<1x80xi32, #tpu.memory_space<vmem>> -> memref<80xi32, #tpu.memory_space<vmem>>
        %dma_start3A_91 = arith.constant 0 : i32
        %dma_start3A_92 = arith.constant 0 : i32
        %dma_start3A_93 = tpu.memref_slice %arg2[%dma_start3A_91, %dma_start3A_92] : memref<10240x128xf32, #tpu.memory_space<hbm>> -> memref<10240x128xf32, #tpu.memory_space<hbm>>
        tpu.enqueue_indirect_dma source(%dma_start3A_93 : memref<10240x128xf32, #tpu.memory_space<hbm>>) target(%arg8 : memref<80x128xf32, #tpu.memory_space<vmem>>) offsets(%dma_start3A_90 : memref<80xi32, #tpu.memory_space<vmem>>) semaphore(%arg11 : memref<!tpu.dma_semaphore, #tpu.memory_space<semaphore_mem>>)
      } else {
      }
      %add3A_83 = arith.constant 1 : i32
      %add3A_84 = arith.addi %mul3A_57, %add3A_83 : i32
      "tpu.region"() ({
        %run_scoped3A = tpu.sem_alloc : memref<!tpu.dma_semaphore, #tpu.memory_space<semaphore_mem>>
        %dma_start3A_86 = arith.constant 0 : i32
        %dma_start3A_87 = tpu.memref_slice %arg7[%add3A_84, %dma_start3A_86] : memref<64x80xi32, #tpu.memory_space<vmem>> -> memref<1x80xi32, #tpu.memory_space<vmem>>
        %dma_start3A_88 = tpu.memref_squeeze %dma_start3A_87 : memref<1x80xi32, #tpu.memory_space<vmem>> -> memref<80xi32, #tpu.memory_space<vmem>>
        %dma_start3A_89 = arith.constant 0 : i32
        %dma_start3A_90 = arith.constant 0 : i32
        %dma_start3A_91 = tpu.memref_slice %arg10[%dma_start3A_89, %dma_start3A_90] : memref<10240x128xf32, #tpu.memory_space<vmem_shared>> -> memref<10240x128xf32, #tpu.memory_space<vmem_shared>>
        tpu.enqueue_indirect_dma source(%arg9 : memref<80x128xf32, #tpu.memory_space<vmem>>) target(%dma_start3A_91 : memref<10240x128xf32, #tpu.memory_space<vmem_shared>>) offsets(%dma_start3A_88 : memref<80xi32, #tpu.memory_space<vmem>>) semaphore(%run_scoped3A : memref<!tpu.dma_semaphore, #tpu.memory_space<semaphore_mem>>) {add = true}
        %dma_wait3A_92 = arith.constant 0 : i32
        %dma_wait3A_93 = tpu.memref_slice %arg7[%add3A_84, %dma_wait3A_92] : memref<64x80xi32, #tpu.memory_space<vmem>> -> memref<1x80xi32, #tpu.memory_space<vmem>>
        %dma_wait3A_94 = tpu.memref_squeeze %dma_wait3A_93 : memref<1x80xi32, #tpu.memory_space<vmem>> -> memref<80xi32, #tpu.memory_space<vmem>>
        %dma_wait3A_95 = arith.constant 0 : i32
        %dma_wait3A_96 = arith.constant 0 : i32
        %dma_wait3A_97 = tpu.memref_slice %arg10[%dma_wait3A_95, %dma_wait3A_96] : memref<10240x128xf32, #tpu.memory_space<vmem_shared>> -> memref<10240x128xf32, #tpu.memory_space<vmem_shared>>
        tpu.wait_indirect_dma semaphore(%run_scoped3A : memref<!tpu.dma_semaphore, #tpu.memory_space<semaphore_mem>>) src(%arg9 : memref<80x128xf32, #tpu.memory_space<vmem>>) dst(%dma_wait3A_97 : memref<10240x128xf32, #tpu.memory_space<vmem_shared>>)
        tpu.yield
      }) : () -> ()
      %scan3A_85 = arith.constant 0 : i32
      scf.yield %scan3A_85 : i32
    }
    %scan3A_52 = arith.constant 32 : i32
    %barrier3A_53 = arith.constant 0 : index
    tpu.barrier barrier_id(%barrier3A_53)
    "tpu.region"() ({
      %run_scoped3A = tpu.sem_alloc : memref<!tpu.dma_semaphore, #tpu.memory_space<semaphore_mem>>
      %dma_start3A_54 = arith.constant 0 : i32
      %dma_start3A_55 = tpu.memref_slice %arg5[%arg0, %mul3A_9, %dma_start3A_54] : memref<2x10240x128xf32, #tpu.memory_space<hbm>> -> memref<1x640x128xf32, #tpu.memory_space<hbm>>
      %dma_start3A_56 = tpu.memref_squeeze %dma_start3A_55 : memref<1x640x128xf32, #tpu.memory_space<hbm>> -> memref<640x128xf32, #tpu.memory_space<hbm>>
      %dma_start3A_57 = arith.constant 0 : i32
      %dma_start3A_58 = tpu.memref_slice %arg10[%mul3A_9, %dma_start3A_57] : memref<10240x128xf32, #tpu.memory_space<vmem_shared>> -> memref<640x128xf32, #tpu.memory_space<vmem_shared>>
      tpu.enqueue_dma source(%dma_start3A_58 : memref<640x128xf32, #tpu.memory_space<vmem_shared>>) target(%dma_start3A_56 : memref<640x128xf32, #tpu.memory_space<hbm>>) target_semaphore(%run_scoped3A : memref<!tpu.dma_semaphore, #tpu.memory_space<semaphore_mem>>)
      %dma_wait3A = arith.constant 0 : i32
      %dma_wait3A_59 = tpu.memref_slice %arg5[%arg0, %mul3A_9, %dma_wait3A] : memref<2x10240x128xf32, #tpu.memory_space<hbm>> -> memref<1x640x128xf32, #tpu.memory_space<hbm>>
      %dma_wait3A_60 = tpu.memref_squeeze %dma_wait3A_59 : memref<1x640x128xf32, #tpu.memory_space<hbm>> -> memref<640x128xf32, #tpu.memory_space<hbm>>
      %dma_wait3A_61 = arith.constant 0 : i32
      %dma_wait3A_62 = tpu.memref_slice %arg10[%mul3A_9, %dma_wait3A_61] : memref<10240x128xf32, #tpu.memory_space<vmem_shared>> -> memref<640x128xf32, #tpu.memory_space<vmem_shared>>
      tpu.wait_dma2 semaphore(%run_scoped3A : memref<!tpu.dma_semaphore, #tpu.memory_space<semaphore_mem>>) src(%dma_wait3A_62 : memref<640x128xf32, #tpu.memory_space<vmem_shared>>) dst(%dma_wait3A_60 : memref<640x128xf32, #tpu.memory_space<hbm>>)
      tpu.yield
    }) : () -> ()
    return
  }
}

#map = affine_map<(d0, d1) -> (0, 0)>
#map1 = affine_map<(d0, d1) -> (0, 0, 0)>
module attributes {stable_mosaic.version = 14 : i64} {
  func.func @k(%arg0: i32, %arg1: i32, %arg2: memref<10240x128xf32, #tpu.memory_space<hbm>>, %arg3: memref<32x128x80xi32, #tpu.memory_space<hbm>>, %arg4: memref<32x128x80xi32, #tpu.memory_space<hbm>>, %arg5: memref<2x10240x128xf32, #tpu.memory_space<hbm>>, %arg6: memref<64x80xi32, #tpu.memory_space<vmem>>, %arg7: memref<64x80xi32, #tpu.memory_space<vmem>>, %arg8: memref<80x128xf32, #tpu.memory_space<vmem>>, %arg9: memref<80x128xf32, #tpu.memory_space<vmem>>, %arg10: memref<10240x128xf32, #tpu.memory_space<vmem_shared>>, %arg11: memref<!tpu.dma_semaphore, #tpu.memory_space<semaphore_mem>>, %arg12: memref<!tpu.dma_semaphore, #tpu.memory_space<semaphore_mem>>) attributes {dimension_semantics = [#tpu.dimension_semantics<core_parallel>, #tpu.dimension_semantics<subcore_parallel>], iteration_bounds = array<i64: 2, 16>, scalar_prefetch = 0 : i64, scratch_operands = 7 : i64, tpu.core_type = #tpu.core_type<sc_vector_subcore>, window_params = [{transform_indices = #map}, {transform_indices = #map1}, {transform_indices = #map1}, {transform_indices = #map1}]} {
    %mul3A = arith.constant 16 : i32
    %mul3A_0 = arith.muli %arg0, %mul3A : i32
    %add3A = arith.addi %mul3A_0, %arg1 : i32
    %broadcast_in_dim3A = arith.constant 0.000000e+00 : f32
    %broadcast_in_dim3A_1 = vector.broadcast %broadcast_in_dim3A : f32 to vector<16xf32>
    %scan3A = arith.constant 0 : i32
    %scan3A_2 = arith.constant 0 : i32
    %scan3A_3 = arith.constant 80 : i32
    %scan3A_4 = arith.addi %scan3A_2, %scan3A_3 : i32
    %scan3A_5 = arith.constant 1 : i32
    %scan3A_6 = scf.for %scan3A_54 = %scan3A_2 to %scan3A_4 step %scan3A_5 iter_args(%scan3A_55 = %scan3A) -> (i32)  : i32 {
      %swap3A = arith.index_cast %scan3A_54 : i32 to index
      %swap3A_56 = arith.constant 0 : index
      %swap3A_57 = tpu.vector_load %arg8[%swap3A, %swap3A_56] {strides = array<i32>} : memref<80x128xf32, #tpu.memory_space<vmem>>, vector<1x16xf32>,
      %swap3A_58 = vector.shape_cast %swap3A_57 : vector<1x16xf32> to vector<16xf32>
      %swap3A_59 = vector.shape_cast %broadcast_in_dim3A_1 : vector<16xf32> to vector<1x16xf32>
      tpu.vector_store %arg8[%swap3A, %swap3A_56], %swap3A_59 {strides = array<i32>} : memref<80x128xf32, #tpu.memory_space<vmem>>, vector<1x16xf32>,
      %swap3A_60 = arith.index_cast %scan3A_54 : i32 to index
      %swap3A_61 = arith.constant 16 : index
      %swap3A_62 = tpu.vector_load %arg8[%swap3A_60, %swap3A_61] {strides = array<i32>} : memref<80x128xf32, #tpu.memory_space<vmem>>, vector<1x16xf32>,
      %swap3A_63 = vector.shape_cast %swap3A_62 : vector<1x16xf32> to vector<16xf32>
      %swap3A_64 = vector.shape_cast %broadcast_in_dim3A_1 : vector<16xf32> to vector<1x16xf32>
      tpu.vector_store %arg8[%swap3A_60, %swap3A_61], %swap3A_64 {strides = array<i32>} : memref<80x128xf32, #tpu.memory_space<vmem>>, vector<1x16xf32>,
      %swap3A_65 = arith.index_cast %scan3A_54 : i32 to index
      %swap3A_66 = arith.constant 32 : index
      %swap3A_67 = tpu.vector_load %arg8[%swap3A_65, %swap3A_66] {strides = array<i32>} : memref<80x128xf32, #tpu.memory_space<vmem>>, vector<1x16xf32>,
      %swap3A_68 = vector.shape_cast %swap3A_67 : vector<1x16xf32> to vector<16xf32>
      %swap3A_69 = vector.shape_cast %broadcast_in_dim3A_1 : vector<16xf32> to vector<1x16xf32>
      tpu.vector_store %arg8[%swap3A_65, %swap3A_66], %swap3A_69 {strides = array<i32>} : memref<80x128xf32, #tpu.memory_space<vmem>>, vector<1x16xf32>,
      %swap3A_70 = arith.index_cast %scan3A_54 : i32 to index
      %swap3A_71 = arith.constant 48 : index
      %swap3A_72 = tpu.vector_load %arg8[%swap3A_70, %swap3A_71] {strides = array<i32>} : memref<80x128xf32, #tpu.memory_space<vmem>>, vector<1x16xf32>,
      %swap3A_73 = vector.shape_cast %swap3A_72 : vector<1x16xf32> to vector<16xf32>
      %swap3A_74 = vector.shape_cast %broadcast_in_dim3A_1 : vector<16xf32> to vector<1x16xf32>
      tpu.vector_store %arg8[%swap3A_70, %swap3A_71], %swap3A_74 {strides = array<i32>} : memref<80x128xf32, #tpu.memory_space<vmem>>, vector<1x16xf32>,
      %swap3A_75 = arith.index_cast %scan3A_54 : i32 to index
      %swap3A_76 = arith.constant 64 : index
      %swap3A_77 = tpu.vector_load %arg8[%swap3A_75, %swap3A_76] {strides = array<i32>} : memref<80x128xf32, #tpu.memory_space<vmem>>, vector<1x16xf32>,
      %swap3A_78 = vector.shape_cast %swap3A_77 : vector<1x16xf32> to vector<16xf32>
      %swap3A_79 = vector.shape_cast %broadcast_in_dim3A_1 : vector<16xf32> to vector<1x16xf32>
      tpu.vector_store %arg8[%swap3A_75, %swap3A_76], %swap3A_79 {strides = array<i32>} : memref<80x128xf32, #tpu.memory_space<vmem>>, vector<1x16xf32>,
      %swap3A_80 = arith.index_cast %scan3A_54 : i32 to index
      %swap3A_81 = arith.constant 80 : index
      %swap3A_82 = tpu.vector_load %arg8[%swap3A_80, %swap3A_81] {strides = array<i32>} : memref<80x128xf32, #tpu.memory_space<vmem>>, vector<1x16xf32>,
      %swap3A_83 = vector.shape_cast %swap3A_82 : vector<1x16xf32> to vector<16xf32>
      %swap3A_84 = vector.shape_cast %broadcast_in_dim3A_1 : vector<16xf32> to vector<1x16xf32>
      tpu.vector_store %arg8[%swap3A_80, %swap3A_81], %swap3A_84 {strides = array<i32>} : memref<80x128xf32, #tpu.memory_space<vmem>>, vector<1x16xf32>,
      %swap3A_85 = arith.index_cast %scan3A_54 : i32 to index
      %swap3A_86 = arith.constant 96 : index
      %swap3A_87 = tpu.vector_load %arg8[%swap3A_85, %swap3A_86] {strides = array<i32>} : memref<80x128xf32, #tpu.memory_space<vmem>>, vector<1x16xf32>,
      %swap3A_88 = vector.shape_cast %swap3A_87 : vector<1x16xf32> to vector<16xf32>
      %swap3A_89 = vector.shape_cast %broadcast_in_dim3A_1 : vector<16xf32> to vector<1x16xf32>
      tpu.vector_store %arg8[%swap3A_85, %swap3A_86], %swap3A_89 {strides = array<i32>} : memref<80x128xf32, #tpu.memory_space<vmem>>, vector<1x16xf32>,
      %swap3A_90 = arith.index_cast %scan3A_54 : i32 to index
      %swap3A_91 = arith.constant 112 : index
      %swap3A_92 = tpu.vector_load %arg8[%swap3A_90, %swap3A_91] {strides = array<i32>} : memref<80x128xf32, #tpu.memory_space<vmem>>, vector<1x16xf32>,
      %swap3A_93 = vector.shape_cast %swap3A_92 : vector<1x16xf32> to vector<16xf32>
      %swap3A_94 = vector.shape_cast %broadcast_in_dim3A_1 : vector<16xf32> to vector<1x16xf32>
      tpu.vector_store %arg8[%swap3A_90, %swap3A_91], %swap3A_94 {strides = array<i32>} : memref<80x128xf32, #tpu.memory_space<vmem>>, vector<1x16xf32>,
      %scan3A_95 = arith.constant 0 : i32
      scf.yield %scan3A_95 : i32
    }
    %scan3A_7 = arith.constant 80 : i32
    %mul3A_8 = arith.constant 640 : i32
    %mul3A_9 = arith.muli %arg1, %mul3A_8 : i32
    %add3A_10 = arith.constant 0 : i32
    %add3A_11 = arith.addi %mul3A_9, %add3A_10 : i32
    "tpu.region"() ({
      %run_scoped3A = tpu.sem_alloc : memref<!tpu.dma_semaphore, #tpu.memory_space<semaphore_mem>>
      %dma_start3A_54 = arith.constant 0 : i32
      %dma_start3A_55 = tpu.memref_slice %arg10[%add3A_11, %dma_start3A_54] : memref<10240x128xf32, #tpu.memory_space<vmem_shared>> -> memref<80x128xf32, #tpu.memory_space<vmem_shared>>
      %dma_start3A_56 = arith.constant 0 : i32
      %dma_start3A_57 = tpu.memref_slice %arg10[%add3A_11, %dma_start3A_56] : memref<10240x128xf32, #tpu.memory_space<vmem_shared>> -> memref<80x128xf32, #tpu.memory_space<vmem_shared>>
      tpu.enqueue_dma source(%arg8 : memref<80x128xf32, #tpu.memory_space<vmem>>) target(%dma_start3A_57 : memref<80x128xf32, #tpu.memory_space<vmem_shared>>) target_semaphore(%run_scoped3A : memref<!tpu.dma_semaphore, #tpu.memory_space<semaphore_mem>>)
      %dma_wait3A = arith.constant 0 : i32
      %dma_wait3A_58 = tpu.memref_slice %arg10[%add3A_11, %dma_wait3A] : memref<10240x128xf32, #tpu.memory_space<vmem_shared>> -> memref<80x128xf32, #tpu.memory_space<vmem_shared>>
      %dma_wait3A_59 = arith.constant 0 : i32
      %dma_wait3A_60 = tpu.memref_slice %arg10[%add3A_11, %dma_wait3A_59] : memref<10240x128xf32, #tpu.memory_space<vmem_shared>> -> memref<80x128xf32, #tpu.memory_space<vmem_shared>>
      tpu.wait_dma2 semaphore(%run_scoped3A : memref<!tpu.dma_semaphore, #tpu.memory_space<semaphore_mem>>) src(%arg8 : memref<80x128xf32, #tpu.memory_space<vmem>>) dst(%dma_wait3A_60 : memref<80x128xf32, #tpu.memory_space<vmem_shared>>)
      tpu.yield
    }) : () -> ()
    %add3A_12 = arith.constant 80 : i32
    %add3A_13 = arith.addi %mul3A_9, %add3A_12 : i32
    "tpu.region"() ({
      %run_scoped3A = tpu.sem_alloc : memref<!tpu.dma_semaphore, #tpu.memory_space<semaphore_mem>>
      %dma_start3A_54 = arith.constant 0 : i32
      %dma_start3A_55 = tpu.memref_slice %arg10[%add3A_13, %dma_start3A_54] : memref<10240x128xf32, #tpu.memory_space<vmem_shared>> -> memref<80x128xf32, #tpu.memory_space<vmem_shared>>
      %dma_start3A_56 = arith.constant 0 : i32
      %dma_start3A_57 = tpu.memref_slice %arg10[%add3A_13, %dma_start3A_56] : memref<10240x128xf32, #tpu.memory_space<vmem_shared>> -> memref<80x128xf32, #tpu.memory_space<vmem_shared>>
      tpu.enqueue_dma source(%arg8 : memref<80x128xf32, #tpu.memory_space<vmem>>) target(%dma_start3A_57 : memref<80x128xf32, #tpu.memory_space<vmem_shared>>) target_semaphore(%run_scoped3A : memref<!tpu.dma_semaphore, #tpu.memory_space<semaphore_mem>>)
      %dma_wait3A = arith.constant 0 : i32
      %dma_wait3A_58 = tpu.memref_slice %arg10[%add3A_13, %dma_wait3A] : memref<10240x128xf32, #tpu.memory_space<vmem_shared>> -> memref<80x128xf32, #tpu.memory_space<vmem_shared>>
      %dma_wait3A_59 = arith.constant 0 : i32
      %dma_wait3A_60 = tpu.memref_slice %arg10[%add3A_13, %dma_wait3A_59] : memref<10240x128xf32, #tpu.memory_space<vmem_shared>> -> memref<80x128xf32, #tpu.memory_space<vmem_shared>>
      tpu.wait_dma2 semaphore(%run_scoped3A : memref<!tpu.dma_semaphore, #tpu.memory_space<semaphore_mem>>) src(%arg8 : memref<80x128xf32, #tpu.memory_space<vmem>>) dst(%dma_wait3A_60 : memref<80x128xf32, #tpu.memory_space<vmem_shared>>)
      tpu.yield
    }) : () -> ()
    %add3A_14 = arith.constant 160 : i32
    %add3A_15 = arith.addi %mul3A_9, %add3A_14 : i32
    "tpu.region"() ({
      %run_scoped3A = tpu.sem_alloc : memref<!tpu.dma_semaphore, #tpu.memory_space<semaphore_mem>>
      %dma_start3A_54 = arith.constant 0 : i32
      %dma_start3A_55 = tpu.memref_slice %arg10[%add3A_15, %dma_start3A_54] : memref<10240x128xf32, #tpu.memory_space<vmem_shared>> -> memref<80x128xf32, #tpu.memory_space<vmem_shared>>
      %dma_start3A_56 = arith.constant 0 : i32
      %dma_start3A_57 = tpu.memref_slice %arg10[%add3A_15, %dma_start3A_56] : memref<10240x128xf32, #tpu.memory_space<vmem_shared>> -> memref<80x128xf32, #tpu.memory_space<vmem_shared>>
      tpu.enqueue_dma source(%arg8 : memref<80x128xf32, #tpu.memory_space<vmem>>) target(%dma_start3A_57 : memref<80x128xf32, #tpu.memory_space<vmem_shared>>) target_semaphore(%run_scoped3A : memref<!tpu.dma_semaphore, #tpu.memory_space<semaphore_mem>>)
      %dma_wait3A = arith.constant 0 : i32
      %dma_wait3A_58 = tpu.memref_slice %arg10[%add3A_15, %dma_wait3A] : memref<10240x128xf32, #tpu.memory_space<vmem_shared>> -> memref<80x128xf32, #tpu.memory_space<vmem_shared>>
      %dma_wait3A_59 = arith.constant 0 : i32
      %dma_wait3A_60 = tpu.memref_slice %arg10[%add3A_15, %dma_wait3A_59] : memref<10240x128xf32, #tpu.memory_space<vmem_shared>> -> memref<80x128xf32, #tpu.memory_space<vmem_shared>>
      tpu.wait_dma2 semaphore(%run_scoped3A : memref<!tpu.dma_semaphore, #tpu.memory_space<semaphore_mem>>) src(%arg8 : memref<80x128xf32, #tpu.memory_space<vmem>>) dst(%dma_wait3A_60 : memref<80x128xf32, #tpu.memory_space<vmem_shared>>)
      tpu.yield
    }) : () -> ()
    %add3A_16 = arith.constant 240 : i32
    %add3A_17 = arith.addi %mul3A_9, %add3A_16 : i32
    "tpu.region"() ({
      %run_scoped3A = tpu.sem_alloc : memref<!tpu.dma_semaphore, #tpu.memory_space<semaphore_mem>>
      %dma_start3A_54 = arith.constant 0 : i32
      %dma_start3A_55 = tpu.memref_slice %arg10[%add3A_17, %dma_start3A_54] : memref<10240x128xf32, #tpu.memory_space<vmem_shared>> -> memref<80x128xf32, #tpu.memory_space<vmem_shared>>
      %dma_start3A_56 = arith.constant 0 : i32
      %dma_start3A_57 = tpu.memref_slice %arg10[%add3A_17, %dma_start3A_56] : memref<10240x128xf32, #tpu.memory_space<vmem_shared>> -> memref<80x128xf32, #tpu.memory_space<vmem_shared>>
      tpu.enqueue_dma source(%arg8 : memref<80x128xf32, #tpu.memory_space<vmem>>) target(%dma_start3A_57 : memref<80x128xf32, #tpu.memory_space<vmem_shared>>) target_semaphore(%run_scoped3A : memref<!tpu.dma_semaphore, #tpu.memory_space<semaphore_mem>>)
      %dma_wait3A = arith.constant 0 : i32
      %dma_wait3A_58 = tpu.memref_slice %arg10[%add3A_17, %dma_wait3A] : memref<10240x128xf32, #tpu.memory_space<vmem_shared>> -> memref<80x128xf32, #tpu.memory_space<vmem_shared>>
      %dma_wait3A_59 = arith.constant 0 : i32
      %dma_wait3A_60 = tpu.memref_slice %arg10[%add3A_17, %dma_wait3A_59] : memref<10240x128xf32, #tpu.memory_space<vmem_shared>> -> memref<80x128xf32, #tpu.memory_space<vmem_shared>>
      tpu.wait_dma2 semaphore(%run_scoped3A : memref<!tpu.dma_semaphore, #tpu.memory_space<semaphore_mem>>) src(%arg8 : memref<80x128xf32, #tpu.memory_space<vmem>>) dst(%dma_wait3A_60 : memref<80x128xf32, #tpu.memory_space<vmem_shared>>)
      tpu.yield
    }) : () -> ()
    %add3A_18 = arith.constant 320 : i32
    %add3A_19 = arith.addi %mul3A_9, %add3A_18 : i32
    "tpu.region"() ({
      %run_scoped3A = tpu.sem_alloc : memref<!tpu.dma_semaphore, #tpu.memory_space<semaphore_mem>>
      %dma_start3A_54 = arith.constant 0 : i32
      %dma_start3A_55 = tpu.memref_slice %arg10[%add3A_19, %dma_start3A_54] : memref<10240x128xf32, #tpu.memory_space<vmem_shared>> -> memref<80x128xf32, #tpu.memory_space<vmem_shared>>
      %dma_start3A_56 = arith.constant 0 : i32
      %dma_start3A_57 = tpu.memref_slice %arg10[%add3A_19, %dma_start3A_56] : memref<10240x128xf32, #tpu.memory_space<vmem_shared>> -> memref<80x128xf32, #tpu.memory_space<vmem_shared>>
      tpu.enqueue_dma source(%arg8 : memref<80x128xf32, #tpu.memory_space<vmem>>) target(%dma_start3A_57 : memref<80x128xf32, #tpu.memory_space<vmem_shared>>) target_semaphore(%run_scoped3A : memref<!tpu.dma_semaphore, #tpu.memory_space<semaphore_mem>>)
      %dma_wait3A = arith.constant 0 : i32
      %dma_wait3A_58 = tpu.memref_slice %arg10[%add3A_19, %dma_wait3A] : memref<10240x128xf32, #tpu.memory_space<vmem_shared>> -> memref<80x128xf32, #tpu.memory_space<vmem_shared>>
      %dma_wait3A_59 = arith.constant 0 : i32
      %dma_wait3A_60 = tpu.memref_slice %arg10[%add3A_19, %dma_wait3A_59] : memref<10240x128xf32, #tpu.memory_space<vmem_shared>> -> memref<80x128xf32, #tpu.memory_space<vmem_shared>>
      tpu.wait_dma2 semaphore(%run_scoped3A : memref<!tpu.dma_semaphore, #tpu.memory_space<semaphore_mem>>) src(%arg8 : memref<80x128xf32, #tpu.memory_space<vmem>>) dst(%dma_wait3A_60 : memref<80x128xf32, #tpu.memory_space<vmem_shared>>)
      tpu.yield
    }) : () -> ()
    %add3A_20 = arith.constant 400 : i32
    %add3A_21 = arith.addi %mul3A_9, %add3A_20 : i32
    "tpu.region"() ({
      %run_scoped3A = tpu.sem_alloc : memref<!tpu.dma_semaphore, #tpu.memory_space<semaphore_mem>>
      %dma_start3A_54 = arith.constant 0 : i32
      %dma_start3A_55 = tpu.memref_slice %arg10[%add3A_21, %dma_start3A_54] : memref<10240x128xf32, #tpu.memory_space<vmem_shared>> -> memref<80x128xf32, #tpu.memory_space<vmem_shared>>
      %dma_start3A_56 = arith.constant 0 : i32
      %dma_start3A_57 = tpu.memref_slice %arg10[%add3A_21, %dma_start3A_56] : memref<10240x128xf32, #tpu.memory_space<vmem_shared>> -> memref<80x128xf32, #tpu.memory_space<vmem_shared>>
      tpu.enqueue_dma source(%arg8 : memref<80x128xf32, #tpu.memory_space<vmem>>) target(%dma_start3A_57 : memref<80x128xf32, #tpu.memory_space<vmem_shared>>) target_semaphore(%run_scoped3A : memref<!tpu.dma_semaphore, #tpu.memory_space<semaphore_mem>>)
      %dma_wait3A = arith.constant 0 : i32
      %dma_wait3A_58 = tpu.memref_slice %arg10[%add3A_21, %dma_wait3A] : memref<10240x128xf32, #tpu.memory_space<vmem_shared>> -> memref<80x128xf32, #tpu.memory_space<vmem_shared>>
      %dma_wait3A_59 = arith.constant 0 : i32
      %dma_wait3A_60 = tpu.memref_slice %arg10[%add3A_21, %dma_wait3A_59] : memref<10240x128xf32, #tpu.memory_space<vmem_shared>> -> memref<80x128xf32, #tpu.memory_space<vmem_shared>>
      tpu.wait_dma2 semaphore(%run_scoped3A : memref<!tpu.dma_semaphore, #tpu.memory_space<semaphore_mem>>) src(%arg8 : memref<80x128xf32, #tpu.memory_space<vmem>>) dst(%dma_wait3A_60 : memref<80x128xf32, #tpu.memory_space<vmem_shared>>)
      tpu.yield
    }) : () -> ()
    %add3A_22 = arith.constant 480 : i32
    %add3A_23 = arith.addi %mul3A_9, %add3A_22 : i32
    "tpu.region"() ({
      %run_scoped3A = tpu.sem_alloc : memref<!tpu.dma_semaphore, #tpu.memory_space<semaphore_mem>>
      %dma_start3A_54 = arith.constant 0 : i32
      %dma_start3A_55 = tpu.memref_slice %arg10[%add3A_23, %dma_start3A_54] : memref<10240x128xf32, #tpu.memory_space<vmem_shared>> -> memref<80x128xf32, #tpu.memory_space<vmem_shared>>
      %dma_start3A_56 = arith.constant 0 : i32
      %dma_start3A_57 = tpu.memref_slice %arg10[%add3A_23, %dma_start3A_56] : memref<10240x128xf32, #tpu.memory_space<vmem_shared>> -> memref<80x128xf32, #tpu.memory_space<vmem_shared>>
      tpu.enqueue_dma source(%arg8 : memref<80x128xf32, #tpu.memory_space<vmem>>) target(%dma_start3A_57 : memref<80x128xf32, #tpu.memory_space<vmem_shared>>) target_semaphore(%run_scoped3A : memref<!tpu.dma_semaphore, #tpu.memory_space<semaphore_mem>>)
      %dma_wait3A = arith.constant 0 : i32
      %dma_wait3A_58 = tpu.memref_slice %arg10[%add3A_23, %dma_wait3A] : memref<10240x128xf32, #tpu.memory_space<vmem_shared>> -> memref<80x128xf32, #tpu.memory_space<vmem_shared>>
      %dma_wait3A_59 = arith.constant 0 : i32
      %dma_wait3A_60 = tpu.memref_slice %arg10[%add3A_23, %dma_wait3A_59] : memref<10240x128xf32, #tpu.memory_space<vmem_shared>> -> memref<80x128xf32, #tpu.memory_space<vmem_shared>>
      tpu.wait_dma2 semaphore(%run_scoped3A : memref<!tpu.dma_semaphore, #tpu.memory_space<semaphore_mem>>) src(%arg8 : memref<80x128xf32, #tpu.memory_space<vmem>>) dst(%dma_wait3A_60 : memref<80x128xf32, #tpu.memory_space<vmem_shared>>)
      tpu.yield
    }) : () -> ()
    %add3A_24 = arith.constant 560 : i32
    %add3A_25 = arith.addi %mul3A_9, %add3A_24 : i32
    "tpu.region"() ({
      %run_scoped3A = tpu.sem_alloc : memref<!tpu.dma_semaphore, #tpu.memory_space<semaphore_mem>>
      %dma_start3A_54 = arith.constant 0 : i32
      %dma_start3A_55 = tpu.memref_slice %arg10[%add3A_25, %dma_start3A_54] : memref<10240x128xf32, #tpu.memory_space<vmem_shared>> -> memref<80x128xf32, #tpu.memory_space<vmem_shared>>
      %dma_start3A_56 = arith.constant 0 : i32
      %dma_start3A_57 = tpu.memref_slice %arg10[%add3A_25, %dma_start3A_56] : memref<10240x128xf32, #tpu.memory_space<vmem_shared>> -> memref<80x128xf32, #tpu.memory_space<vmem_shared>>
      tpu.enqueue_dma source(%arg8 : memref<80x128xf32, #tpu.memory_space<vmem>>) target(%dma_start3A_57 : memref<80x128xf32, #tpu.memory_space<vmem_shared>>) target_semaphore(%run_scoped3A : memref<!tpu.dma_semaphore, #tpu.memory_space<semaphore_mem>>)
      %dma_wait3A = arith.constant 0 : i32
      %dma_wait3A_58 = tpu.memref_slice %arg10[%add3A_25, %dma_wait3A] : memref<10240x128xf32, #tpu.memory_space<vmem_shared>> -> memref<80x128xf32, #tpu.memory_space<vmem_shared>>
      %dma_wait3A_59 = arith.constant 0 : i32
      %dma_wait3A_60 = tpu.memref_slice %arg10[%add3A_25, %dma_wait3A_59] : memref<10240x128xf32, #tpu.memory_space<vmem_shared>> -> memref<80x128xf32, #tpu.memory_space<vmem_shared>>
      tpu.wait_dma2 semaphore(%run_scoped3A : memref<!tpu.dma_semaphore, #tpu.memory_space<semaphore_mem>>) src(%arg8 : memref<80x128xf32, #tpu.memory_space<vmem>>) dst(%dma_wait3A_60 : memref<80x128xf32, #tpu.memory_space<vmem_shared>>)
      tpu.yield
    }) : () -> ()
    %barrier3A = arith.constant 0 : index
    tpu.barrier barrier_id(%barrier3A)
    "tpu.region"() ({
      %run_scoped3A = tpu.sem_alloc : memref<!tpu.dma_semaphore, #tpu.memory_space<semaphore_mem>>
      %dma_start3A_54 = arith.constant 0 : i32
      %dma_start3A_55 = arith.constant 0 : i32
      %dma_start3A_56 = tpu.memref_slice %arg3[%add3A, %dma_start3A_54, %dma_start3A_55] : memref<32x128x80xi32, #tpu.memory_space<hbm>> -> memref<1x64x80xi32, #tpu.memory_space<hbm>>
      %dma_start3A_57 = tpu.memref_squeeze %dma_start3A_56 : memref<1x64x80xi32, #tpu.memory_space<hbm>> -> memref<64x80xi32, #tpu.memory_space<hbm>>
      %dma_start3A_58 = arith.constant 0 : i32
      %dma_start3A_59 = arith.constant 0 : i32
      %dma_start3A_60 = tpu.memref_slice %arg3[%add3A, %dma_start3A_58, %dma_start3A_59] : memref<32x128x80xi32, #tpu.memory_space<hbm>> -> memref<1x64x80xi32, #tpu.memory_space<hbm>>
      %dma_start3A_61 = tpu.memref_squeeze %dma_start3A_60 : memref<1x64x80xi32, #tpu.memory_space<hbm>> -> memref<64x80xi32, #tpu.memory_space<hbm>>
      tpu.enqueue_dma source(%dma_start3A_61 : memref<64x80xi32, #tpu.memory_space<hbm>>) target(%arg6 : memref<64x80xi32, #tpu.memory_space<vmem>>) target_semaphore(%run_scoped3A : memref<!tpu.dma_semaphore, #tpu.memory_space<semaphore_mem>>)
      %dma_wait3A = arith.constant 0 : i32
      %dma_wait3A_62 = arith.constant 0 : i32
      %dma_wait3A_63 = tpu.memref_slice %arg3[%add3A, %dma_wait3A, %dma_wait3A_62] : memref<32x128x80xi32, #tpu.memory_space<hbm>> -> memref<1x64x80xi32, #tpu.memory_space<hbm>>
      %dma_wait3A_64 = tpu.memref_squeeze %dma_wait3A_63 : memref<1x64x80xi32, #tpu.memory_space<hbm>> -> memref<64x80xi32, #tpu.memory_space<hbm>>
      %dma_wait3A_65 = arith.constant 0 : i32
      %dma_wait3A_66 = arith.constant 0 : i32
      %dma_wait3A_67 = tpu.memref_slice %arg3[%add3A, %dma_wait3A_65, %dma_wait3A_66] : memref<32x128x80xi32, #tpu.memory_space<hbm>> -> memref<1x64x80xi32, #tpu.memory_space<hbm>>
      %dma_wait3A_68 = tpu.memref_squeeze %dma_wait3A_67 : memref<1x64x80xi32, #tpu.memory_space<hbm>> -> memref<64x80xi32, #tpu.memory_space<hbm>>
      tpu.wait_dma2 semaphore(%run_scoped3A : memref<!tpu.dma_semaphore, #tpu.memory_space<semaphore_mem>>) src(%dma_wait3A_68 : memref<64x80xi32, #tpu.memory_space<hbm>>) dst(%arg6 : memref<64x80xi32, #tpu.memory_space<vmem>>)
      tpu.yield
    }) : () -> ()
    "tpu.region"() ({
      %run_scoped3A = tpu.sem_alloc : memref<!tpu.dma_semaphore, #tpu.memory_space<semaphore_mem>>
      %dma_start3A_54 = arith.constant 0 : i32
      %dma_start3A_55 = arith.constant 0 : i32
      %dma_start3A_56 = tpu.memref_slice %arg4[%add3A, %dma_start3A_54, %dma_start3A_55] : memref<32x128x80xi32, #tpu.memory_space<hbm>> -> memref<1x64x80xi32, #tpu.memory_space<hbm>>
      %dma_start3A_57 = tpu.memref_squeeze %dma_start3A_56 : memref<1x64x80xi32, #tpu.memory_space<hbm>> -> memref<64x80xi32, #tpu.memory_space<hbm>>
      %dma_start3A_58 = arith.constant 0 : i32
      %dma_start3A_59 = arith.constant 0 : i32
      %dma_start3A_60 = tpu.memref_slice %arg4[%add3A, %dma_start3A_58, %dma_start3A_59] : memref<32x128x80xi32, #tpu.memory_space<hbm>> -> memref<1x64x80xi32, #tpu.memory_space<hbm>>
      %dma_start3A_61 = tpu.memref_squeeze %dma_start3A_60 : memref<1x64x80xi32, #tpu.memory_space<hbm>> -> memref<64x80xi32, #tpu.memory_space<hbm>>
      tpu.enqueue_dma source(%dma_start3A_61 : memref<64x80xi32, #tpu.memory_space<hbm>>) target(%arg7 : memref<64x80xi32, #tpu.memory_space<vmem>>) target_semaphore(%run_scoped3A : memref<!tpu.dma_semaphore, #tpu.memory_space<semaphore_mem>>)
      %dma_wait3A = arith.constant 0 : i32
      %dma_wait3A_62 = arith.constant 0 : i32
      %dma_wait3A_63 = tpu.memref_slice %arg4[%add3A, %dma_wait3A, %dma_wait3A_62] : memref<32x128x80xi32, #tpu.memory_space<hbm>> -> memref<1x64x80xi32, #tpu.memory_space<hbm>>
      %dma_wait3A_64 = tpu.memref_squeeze %dma_wait3A_63 : memref<1x64x80xi32, #tpu.memory_space<hbm>> -> memref<64x80xi32, #tpu.memory_space<hbm>>
      %dma_wait3A_65 = arith.constant 0 : i32
      %dma_wait3A_66 = arith.constant 0 : i32
      %dma_wait3A_67 = tpu.memref_slice %arg4[%add3A, %dma_wait3A_65, %dma_wait3A_66] : memref<32x128x80xi32, #tpu.memory_space<hbm>> -> memref<1x64x80xi32, #tpu.memory_space<hbm>>
      %dma_wait3A_68 = tpu.memref_squeeze %dma_wait3A_67 : memref<1x64x80xi32, #tpu.memory_space<hbm>> -> memref<64x80xi32, #tpu.memory_space<hbm>>
      tpu.wait_dma2 semaphore(%run_scoped3A : memref<!tpu.dma_semaphore, #tpu.memory_space<semaphore_mem>>) src(%dma_wait3A_68 : memref<64x80xi32, #tpu.memory_space<hbm>>) dst(%arg7 : memref<64x80xi32, #tpu.memory_space<vmem>>)
      tpu.yield
    }) : () -> ()
    %dma_start3A = arith.constant 0 : i32
    %dma_start3A_26 = arith.constant 0 : i32
    %dma_start3A_27 = tpu.memref_slice %arg6[%dma_start3A, %dma_start3A_26] : memref<64x80xi32, #tpu.memory_space<vmem>> -> memref<1x80xi32, #tpu.memory_space<vmem>>
    %dma_start3A_28 = tpu.memref_squeeze %dma_start3A_27 : memref<1x80xi32, #tpu.memory_space<vmem>> -> memref<80xi32, #tpu.memory_space<vmem>>
    %dma_start3A_29 = arith.constant 0 : i32
    %dma_start3A_30 = arith.constant 0 : i32
    %dma_start3A_31 = tpu.memref_slice %arg2[%dma_start3A_29, %dma_start3A_30] : memref<10240x128xf32, #tpu.memory_space<hbm>> -> memref<10240x128xf32, #tpu.memory_space<hbm>>
    tpu.enqueue_indirect_dma source(%dma_start3A_31 : memref<10240x128xf32, #tpu.memory_space<hbm>>) target(%arg8 : memref<80x128xf32, #tpu.memory_space<vmem>>) offsets(%dma_start3A_28 : memref<80xi32, #tpu.memory_space<vmem>>) semaphore(%arg11 : memref<!tpu.dma_semaphore, #tpu.memory_space<semaphore_mem>>)
    %scan3A_32 = arith.constant 0 : i32
    %scan3A_33 = arith.constant 0 : i32
    %scan3A_34 = arith.constant 32 : i32
    %scan3A_35 = arith.addi %scan3A_33, %scan3A_34 : i32
    %scan3A_36 = arith.constant 1 : i32
    %scan3A_37 = scf.for %scan3A_54 = %scan3A_33 to %scan3A_35 step %scan3A_36 iter_args(%scan3A_55 = %scan3A_32) -> (i32)  : i32 {
      %mul3A_56 = arith.constant 2 : i32
      %mul3A_57 = arith.muli %mul3A_56, %scan3A_54 : i32
      %dma_wait3A = arith.constant 0 : i32
      %dma_wait3A_58 = tpu.memref_slice %arg6[%mul3A_57, %dma_wait3A] : memref<64x80xi32, #tpu.memory_space<vmem>> -> memref<1x80xi32, #tpu.memory_space<vmem>>
      %dma_wait3A_59 = tpu.memref_squeeze %dma_wait3A_58 : memref<1x80xi32, #tpu.memory_space<vmem>> -> memref<80xi32, #tpu.memory_space<vmem>>
      %dma_wait3A_60 = arith.constant 0 : i32
      %dma_wait3A_61 = arith.constant 0 : i32
      %dma_wait3A_62 = tpu.memref_slice %arg2[%dma_wait3A_60, %dma_wait3A_61] : memref<10240x128xf32, #tpu.memory_space<hbm>> -> memref<10240x128xf32, #tpu.memory_space<hbm>>
      tpu.wait_indirect_dma semaphore(%arg11 : memref<!tpu.dma_semaphore, #tpu.memory_space<semaphore_mem>>) src(%dma_wait3A_62 : memref<10240x128xf32, #tpu.memory_space<hbm>>) dst(%arg8 : memref<80x128xf32, #tpu.memory_space<vmem>>)
      %add3A_63 = arith.constant 1 : i32
      %add3A_64 = arith.addi %mul3A_57, %add3A_63 : i32
      %dma_start3A_65 = arith.constant 0 : i32
      %dma_start3A_66 = tpu.memref_slice %arg6[%add3A_64, %dma_start3A_65] : memref<64x80xi32, #tpu.memory_space<vmem>> -> memref<1x80xi32, #tpu.memory_space<vmem>>
      %dma_start3A_67 = tpu.memref_squeeze %dma_start3A_66 : memref<1x80xi32, #tpu.memory_space<vmem>> -> memref<80xi32, #tpu.memory_space<vmem>>
      %dma_start3A_68 = arith.constant 0 : i32
      %dma_start3A_69 = arith.constant 0 : i32
      %dma_start3A_70 = tpu.memref_slice %arg2[%dma_start3A_68, %dma_start3A_69] : memref<10240x128xf32, #tpu.memory_space<hbm>> -> memref<10240x128xf32, #tpu.memory_space<hbm>>
      tpu.enqueue_indirect_dma source(%dma_start3A_70 : memref<10240x128xf32, #tpu.memory_space<hbm>>) target(%arg9 : memref<80x128xf32, #tpu.memory_space<vmem>>) offsets(%dma_start3A_67 : memref<80xi32, #tpu.memory_space<vmem>>) semaphore(%arg12 : memref<!tpu.dma_semaphore, #tpu.memory_space<semaphore_mem>>)
      "tpu.region"() ({
        %run_scoped3A = tpu.sem_alloc : memref<!tpu.dma_semaphore, #tpu.memory_space<semaphore_mem>>
        %dma_start3A_86 = arith.constant 0 : i32
        %dma_start3A_87 = tpu.memref_slice %arg7[%mul3A_57, %dma_start3A_86] : memref<64x80xi32, #tpu.memory_space<vmem>> -> memref<1x80xi32, #tpu.memory_space<vmem>>
        %dma_start3A_88 = tpu.memref_squeeze %dma_start3A_87 : memref<1x80xi32, #tpu.memory_space<vmem>> -> memref<80xi32, #tpu.memory_space<vmem>>
        %dma_start3A_89 = arith.constant 0 : i32
        %dma_start3A_90 = arith.constant 0 : i32
        %dma_start3A_91 = tpu.memref_slice %arg10[%dma_start3A_89, %dma_start3A_90] : memref<10240x128xf32, #tpu.memory_space<vmem_shared>> -> memref<10240x128xf32, #tpu.memory_space<vmem_shared>>
        tpu.enqueue_indirect_dma source(%arg8 : memref<80x128xf32, #tpu.memory_space<vmem>>) target(%dma_start3A_91 : memref<10240x128xf32, #tpu.memory_space<vmem_shared>>) offsets(%dma_start3A_88 : memref<80xi32, #tpu.memory_space<vmem>>) semaphore(%run_scoped3A : memref<!tpu.dma_semaphore, #tpu.memory_space<semaphore_mem>>) {add = true}
        %dma_wait3A_92 = arith.constant 0 : i32
        %dma_wait3A_93 = tpu.memref_slice %arg7[%mul3A_57, %dma_wait3A_92] : memref<64x80xi32, #tpu.memory_space<vmem>> -> memref<1x80xi32, #tpu.memory_space<vmem>>
        %dma_wait3A_94 = tpu.memref_squeeze %dma_wait3A_93 : memref<1x80xi32, #tpu.memory_space<vmem>> -> memref<80xi32, #tpu.memory_space<vmem>>
        %dma_wait3A_95 = arith.constant 0 : i32
        %dma_wait3A_96 = arith.constant 0 : i32
        %dma_wait3A_97 = tpu.memref_slice %arg10[%dma_wait3A_95, %dma_wait3A_96] : memref<10240x128xf32, #tpu.memory_space<vmem_shared>> -> memref<10240x128xf32, #tpu.memory_space<vmem_shared>>
        tpu.wait_indirect_dma semaphore(%run_scoped3A : memref<!tpu.dma_semaphore, #tpu.memory_space<semaphore_mem>>) src(%arg8 : memref<80x128xf32, #tpu.memory_space<vmem>>) dst(%dma_wait3A_97 : memref<10240x128xf32, #tpu.memory_space<vmem_shared>>)
        tpu.yield
      }) : () -> ()
      %add3A_71 = arith.constant 1 : i32
      %add3A_72 = arith.addi %mul3A_57, %add3A_71 : i32
      %dma_wait3A_73 = arith.constant 0 : i32
      %dma_wait3A_74 = tpu.memref_slice %arg6[%add3A_72, %dma_wait3A_73] : memref<64x80xi32, #tpu.memory_space<vmem>> -> memref<1x80xi32, #tpu.memory_space<vmem>>
      %dma_wait3A_75 = tpu.memref_squeeze %dma_wait3A_74 : memref<1x80xi32, #tpu.memory_space<vmem>> -> memref<80xi32, #tpu.memory_space<vmem>>
      %dma_wait3A_76 = arith.constant 0 : i32
      %dma_wait3A_77 = arith.constant 0 : i32
      %dma_wait3A_78 = tpu.memref_slice %arg2[%dma_wait3A_76, %dma_wait3A_77] : memref<10240x128xf32, #tpu.memory_space<hbm>> -> memref<10240x128xf32, #tpu.memory_space<hbm>>
      tpu.wait_indirect_dma semaphore(%arg12 : memref<!tpu.dma_semaphore, #tpu.memory_space<semaphore_mem>>) src(%dma_wait3A_78 : memref<10240x128xf32, #tpu.memory_space<hbm>>) dst(%arg9 : memref<80x128xf32, #tpu.memory_space<vmem>>)
      %add3A_79 = arith.constant 2 : i32
      %add3A_80 = arith.addi %mul3A_57, %add3A_79 : i32
      %lt3A = arith.constant 64 : i32
      %lt3A_81 = arith.cmpi slt, %add3A_80, %lt3A : i32
      %convert_element_type3A = arith.extui %lt3A_81 : i1 to i32
      %cond3A = arith.constant 0 : i32
      %cond3A_82 = arith.cmpi ne, %convert_element_type3A, %cond3A : i32
      scf.if %cond3A_82 {
        %add3A_86 = arith.constant 2 : i32
        %add3A_87 = arith.addi %mul3A_57, %add3A_86 : i32
        %dma_start3A_88 = arith.constant 0 : i32
        %dma_start3A_89 = tpu.memref_slice %arg6[%add3A_87, %dma_start3A_88] : memref<64x80xi32, #tpu.memory_space<vmem>> -> memref<1x80xi32, #tpu.memory_space<vmem>>
        %dma_start3A_90 = tpu.memref_squeeze %dma_start3A_89 : memref<1x80xi32, #tpu.memory_space<vmem>> -> memref<80xi32, #tpu.memory_space<vmem>>
        %dma_start3A_91 = arith.constant 0 : i32
        %dma_start3A_92 = arith.constant 0 : i32
        %dma_start3A_93 = tpu.memref_slice %arg2[%dma_start3A_91, %dma_start3A_92] : memref<10240x128xf32, #tpu.memory_space<hbm>> -> memref<10240x128xf32, #tpu.memory_space<hbm>>
        tpu.enqueue_indirect_dma source(%dma_start3A_93 : memref<10240x128xf32, #tpu.memory_space<hbm>>) target(%arg8 : memref<80x128xf32, #tpu.memory_space<vmem>>) offsets(%dma_start3A_90 : memref<80xi32, #tpu.memory_space<vmem>>) semaphore(%arg11 : memref<!tpu.dma_semaphore, #tpu.memory_space<semaphore_mem>>)
      } else {
      }
      %add3A_83 = arith.constant 1 : i32
      %add3A_84 = arith.addi %mul3A_57, %add3A_83 : i32
      "tpu.region"() ({
        %run_scoped3A = tpu.sem_alloc : memref<!tpu.dma_semaphore, #tpu.memory_space<semaphore_mem>>
        %dma_start3A_86 = arith.constant 0 : i32
        %dma_start3A_87 = tpu.memref_slice %arg7[%add3A_84, %dma_start3A_86] : memref<64x80xi32, #tpu.memory_space<vmem>> -> memref<1x80xi32, #tpu.memory_space<vmem>>
        %dma_start3A_88 = tpu.memref_squeeze %dma_start3A_87 : memref<1x80xi32, #tpu.memory_space<vmem>> -> memref<80xi32, #tpu.memory_space<vmem>>
        %dma_start3A_89 = arith.constant 0 : i32
        %dma_start3A_90 = arith.constant 0 : i32
        %dma_start3A_91 = tpu.memref_slice %arg10[%dma_start3A_89, %dma_start3A_90] : memref<10240x128xf32, #tpu.memory_space<vmem_shared>> -> memref<10240x128xf32, #tpu.memory_space<vmem_shared>>
        tpu.enqueue_indirect_dma source(%arg9 : memref<80x128xf32, #tpu.memory_space<vmem>>) target(%dma_start3A_91 : memref<10240x128xf32, #tpu.memory_space<vmem_shared>>) offsets(%dma_start3A_88 : memref<80xi32, #tpu.memory_space<vmem>>) semaphore(%run_scoped3A : memref<!tpu.dma_semaphore, #tpu.memory_space<semaphore_mem>>) {add = true}
        %dma_wait3A_92 = arith.constant 0 : i32
        %dma_wait3A_93 = tpu.memref_slice %arg7[%add3A_84, %dma_wait3A_92] : memref<64x80xi32, #tpu.memory_space<vmem>> -> memref<1x80xi32, #tpu.memory_space<vmem>>
        %dma_wait3A_94 = tpu.memref_squeeze %dma_wait3A_93 : memref<1x80xi32, #tpu.memory_space<vmem>> -> memref<80xi32, #tpu.memory_space<vmem>>
        %dma_wait3A_95 = arith.constant 0 : i32
        %dma_wait3A_96 = arith.constant 0 : i32
        %dma_wait3A_97 = tpu.memref_slice %arg10[%dma_wait3A_95, %dma_wait3A_96] : memref<10240x128xf32, #tpu.memory_space<vmem_shared>> -> memref<10240x128xf32, #tpu.memory_space<vmem_shared>>
        tpu.wait_indirect_dma semaphore(%run_scoped3A : memref<!tpu.dma_semaphore, #tpu.memory_space<semaphore_mem>>) src(%arg9 : memref<80x128xf32, #tpu.memory_space<vmem>>) dst(%dma_wait3A_97 : memref<10240x128xf32, #tpu.memory_space<vmem_shared>>)
        tpu.yield
      }) : () -> ()
      %scan3A_85 = arith.constant 0 : i32
      scf.yield %scan3A_85 : i32
    }
    %scan3A_38 = arith.constant 32 : i32
    "tpu.region"() ({
      %run_scoped3A = tpu.sem_alloc : memref<!tpu.dma_semaphore, #tpu.memory_space<semaphore_mem>>
      %dma_start3A_54 = arith.constant 64 : i32
      %dma_start3A_55 = arith.constant 0 : i32
      %dma_start3A_56 = tpu.memref_slice %arg3[%add3A, %dma_start3A_54, %dma_start3A_55] : memref<32x128x80xi32, #tpu.memory_space<hbm>> -> memref<1x64x80xi32, #tpu.memory_space<hbm>>
      %dma_start3A_57 = tpu.memref_squeeze %dma_start3A_56 : memref<1x64x80xi32, #tpu.memory_space<hbm>> -> memref<64x80xi32, #tpu.memory_space<hbm>>
      %dma_start3A_58 = arith.constant 64 : i32
      %dma_start3A_59 = arith.constant 0 : i32
      %dma_start3A_60 = tpu.memref_slice %arg3[%add3A, %dma_start3A_58, %dma_start3A_59] : memref<32x128x80xi32, #tpu.memory_space<hbm>> -> memref<1x64x80xi32, #tpu.memory_space<hbm>>
      %dma_start3A_61 = tpu.memref_squeeze %dma_start3A_60 : memref<1x64x80xi32, #tpu.memory_space<hbm>> -> memref<64x80xi32, #tpu.memory_space<hbm>>
      tpu.enqueue_dma source(%dma_start3A_61 : memref<64x80xi32, #tpu.memory_space<hbm>>) target(%arg6 : memref<64x80xi32, #tpu.memory_space<vmem>>) target_semaphore(%run_scoped3A : memref<!tpu.dma_semaphore, #tpu.memory_space<semaphore_mem>>)
      %dma_wait3A = arith.constant 64 : i32
      %dma_wait3A_62 = arith.constant 0 : i32
      %dma_wait3A_63 = tpu.memref_slice %arg3[%add3A, %dma_wait3A, %dma_wait3A_62] : memref<32x128x80xi32, #tpu.memory_space<hbm>> -> memref<1x64x80xi32, #tpu.memory_space<hbm>>
      %dma_wait3A_64 = tpu.memref_squeeze %dma_wait3A_63 : memref<1x64x80xi32, #tpu.memory_space<hbm>> -> memref<64x80xi32, #tpu.memory_space<hbm>>
      %dma_wait3A_65 = arith.constant 64 : i32
      %dma_wait3A_66 = arith.constant 0 : i32
      %dma_wait3A_67 = tpu.memref_slice %arg3[%add3A, %dma_wait3A_65, %dma_wait3A_66] : memref<32x128x80xi32, #tpu.memory_space<hbm>> -> memref<1x64x80xi32, #tpu.memory_space<hbm>>
      %dma_wait3A_68 = tpu.memref_squeeze %dma_wait3A_67 : memref<1x64x80xi32, #tpu.memory_space<hbm>> -> memref<64x80xi32, #tpu.memory_space<hbm>>
      tpu.wait_dma2 semaphore(%run_scoped3A : memref<!tpu.dma_semaphore, #tpu.memory_space<semaphore_mem>>) src(%dma_wait3A_68 : memref<64x80xi32, #tpu.memory_space<hbm>>) dst(%arg6 : memref<64x80xi32, #tpu.memory_space<vmem>>)
      tpu.yield
    }) : () -> ()
    "tpu.region"() ({
      %run_scoped3A = tpu.sem_alloc : memref<!tpu.dma_semaphore, #tpu.memory_space<semaphore_mem>>
      %dma_start3A_54 = arith.constant 64 : i32
      %dma_start3A_55 = arith.constant 0 : i32
      %dma_start3A_56 = tpu.memref_slice %arg4[%add3A, %dma_start3A_54, %dma_start3A_55] : memref<32x128x80xi32, #tpu.memory_space<hbm>> -> memref<1x64x80xi32, #tpu.memory_space<hbm>>
      %dma_start3A_57 = tpu.memref_squeeze %dma_start3A_56 : memref<1x64x80xi32, #tpu.memory_space<hbm>> -> memref<64x80xi32, #tpu.memory_space<hbm>>
      %dma_start3A_58 = arith.constant 64 : i32
      %dma_start3A_59 = arith.constant 0 : i32
      %dma_start3A_60 = tpu.memref_slice %arg4[%add3A, %dma_start3A_58, %dma_start3A_59] : memref<32x128x80xi32, #tpu.memory_space<hbm>> -> memref<1x64x80xi32, #tpu.memory_space<hbm>>
      %dma_start3A_61 = tpu.memref_squeeze %dma_start3A_60 : memref<1x64x80xi32, #tpu.memory_space<hbm>> -> memref<64x80xi32, #tpu.memory_space<hbm>>
      tpu.enqueue_dma source(%dma_start3A_61 : memref<64x80xi32, #tpu.memory_space<hbm>>) target(%arg7 : memref<64x80xi32, #tpu.memory_space<vmem>>) target_semaphore(%run_scoped3A : memref<!tpu.dma_semaphore, #tpu.memory_space<semaphore_mem>>)
      %dma_wait3A = arith.constant 64 : i32
      %dma_wait3A_62 = arith.constant 0 : i32
      %dma_wait3A_63 = tpu.memref_slice %arg4[%add3A, %dma_wait3A, %dma_wait3A_62] : memref<32x128x80xi32, #tpu.memory_space<hbm>> -> memref<1x64x80xi32, #tpu.memory_space<hbm>>
      %dma_wait3A_64 = tpu.memref_squeeze %dma_wait3A_63 : memref<1x64x80xi32, #tpu.memory_space<hbm>> -> memref<64x80xi32, #tpu.memory_space<hbm>>
      %dma_wait3A_65 = arith.constant 64 : i32
      %dma_wait3A_66 = arith.constant 0 : i32
      %dma_wait3A_67 = tpu.memref_slice %arg4[%add3A, %dma_wait3A_65, %dma_wait3A_66] : memref<32x128x80xi32, #tpu.memory_space<hbm>> -> memref<1x64x80xi32, #tpu.memory_space<hbm>>
      %dma_wait3A_68 = tpu.memref_squeeze %dma_wait3A_67 : memref<1x64x80xi32, #tpu.memory_space<hbm>> -> memref<64x80xi32, #tpu.memory_space<hbm>>
      tpu.wait_dma2 semaphore(%run_scoped3A : memref<!tpu.dma_semaphore, #tpu.memory_space<semaphore_mem>>) src(%dma_wait3A_68 : memref<64x80xi32, #tpu.memory_space<hbm>>) dst(%arg7 : memref<64x80xi32, #tpu.memory_space<vmem>>)
      tpu.yield
    }) : () -> ()
    %dma_start3A_39 = arith.constant 0 : i32
    %dma_start3A_40 = arith.constant 0 : i32
    %dma_start3A_41 = tpu.memref_slice %arg6[%dma_start3A_39, %dma_start3A_40] : memref<64x80xi32, #tpu.memory_space<vmem>> -> memref<1x80xi32, #tpu.memory_space<vmem>>
    %dma_start3A_42 = tpu.memref_squeeze %dma_start3A_41 : memref<1x80xi32, #tpu.memory_space<vmem>> -> memref<80xi32, #tpu.memory_space<vmem>>
    %dma_start3A_43 = arith.constant 0 : i32
    %dma_start3A_44 = arith.constant 0 : i32
    %dma_start3A_45 = tpu.memref_slice %arg2[%dma_start3A_43, %dma_start3A_44] : memref<10240x128xf32, #tpu.memory_space<hbm>> -> memref<10240x128xf32, #tpu.memory_space<hbm>>
    tpu.enqueue_indirect_dma source(%dma_start3A_45 : memref<10240x128xf32, #tpu.memory_space<hbm>>) target(%arg8 : memref<80x128xf32, #tpu.memory_space<vmem>>) offsets(%dma_start3A_42 : memref<80xi32, #tpu.memory_space<vmem>>) semaphore(%arg11 : memref<!tpu.dma_semaphore, #tpu.memory_space<semaphore_mem>>)
    %scan3A_46 = arith.constant 0 : i32
    %scan3A_47 = arith.constant 0 : i32
    %scan3A_48 = arith.constant 32 : i32
    %scan3A_49 = arith.addi %scan3A_47, %scan3A_48 : i32
    %scan3A_50 = arith.constant 1 : i32
    %scan3A_51 = scf.for %scan3A_54 = %scan3A_47 to %scan3A_49 step %scan3A_50 iter_args(%scan3A_55 = %scan3A_46) -> (i32)  : i32 {
      %mul3A_56 = arith.constant 2 : i32
      %mul3A_57 = arith.muli %mul3A_56, %scan3A_54 : i32
      %dma_wait3A = arith.constant 0 : i32
      %dma_wait3A_58 = tpu.memref_slice %arg6[%mul3A_57, %dma_wait3A] : memref<64x80xi32, #tpu.memory_space<vmem>> -> memref<1x80xi32, #tpu.memory_space<vmem>>
      %dma_wait3A_59 = tpu.memref_squeeze %dma_wait3A_58 : memref<1x80xi32, #tpu.memory_space<vmem>> -> memref<80xi32, #tpu.memory_space<vmem>>
      %dma_wait3A_60 = arith.constant 0 : i32
      %dma_wait3A_61 = arith.constant 0 : i32
      %dma_wait3A_62 = tpu.memref_slice %arg2[%dma_wait3A_60, %dma_wait3A_61] : memref<10240x128xf32, #tpu.memory_space<hbm>> -> memref<10240x128xf32, #tpu.memory_space<hbm>>
      tpu.wait_indirect_dma semaphore(%arg11 : memref<!tpu.dma_semaphore, #tpu.memory_space<semaphore_mem>>) src(%dma_wait3A_62 : memref<10240x128xf32, #tpu.memory_space<hbm>>) dst(%arg8 : memref<80x128xf32, #tpu.memory_space<vmem>>)
      %add3A_63 = arith.constant 1 : i32
      %add3A_64 = arith.addi %mul3A_57, %add3A_63 : i32
      %dma_start3A_65 = arith.constant 0 : i32
      %dma_start3A_66 = tpu.memref_slice %arg6[%add3A_64, %dma_start3A_65] : memref<64x80xi32, #tpu.memory_space<vmem>> -> memref<1x80xi32, #tpu.memory_space<vmem>>
      %dma_start3A_67 = tpu.memref_squeeze %dma_start3A_66 : memref<1x80xi32, #tpu.memory_space<vmem>> -> memref<80xi32, #tpu.memory_space<vmem>>
      %dma_start3A_68 = arith.constant 0 : i32
      %dma_start3A_69 = arith.constant 0 : i32
      %dma_start3A_70 = tpu.memref_slice %arg2[%dma_start3A_68, %dma_start3A_69] : memref<10240x128xf32, #tpu.memory_space<hbm>> -> memref<10240x128xf32, #tpu.memory_space<hbm>>
      tpu.enqueue_indirect_dma source(%dma_start3A_70 : memref<10240x128xf32, #tpu.memory_space<hbm>>) target(%arg9 : memref<80x128xf32, #tpu.memory_space<vmem>>) offsets(%dma_start3A_67 : memref<80xi32, #tpu.memory_space<vmem>>) semaphore(%arg12 : memref<!tpu.dma_semaphore, #tpu.memory_space<semaphore_mem>>)
      "tpu.region"() ({
        %run_scoped3A = tpu.sem_alloc : memref<!tpu.dma_semaphore, #tpu.memory_space<semaphore_mem>>
        %dma_start3A_86 = arith.constant 0 : i32
        %dma_start3A_87 = tpu.memref_slice %arg7[%mul3A_57, %dma_start3A_86] : memref<64x80xi32, #tpu.memory_space<vmem>> -> memref<1x80xi32, #tpu.memory_space<vmem>>
        %dma_start3A_88 = tpu.memref_squeeze %dma_start3A_87 : memref<1x80xi32, #tpu.memory_space<vmem>> -> memref<80xi32, #tpu.memory_space<vmem>>
        %dma_start3A_89 = arith.constant 0 : i32
        %dma_start3A_90 = arith.constant 0 : i32
        %dma_start3A_91 = tpu.memref_slice %arg10[%dma_start3A_89, %dma_start3A_90] : memref<10240x128xf32, #tpu.memory_space<vmem_shared>> -> memref<10240x128xf32, #tpu.memory_space<vmem_shared>>
        tpu.enqueue_indirect_dma source(%arg8 : memref<80x128xf32, #tpu.memory_space<vmem>>) target(%dma_start3A_91 : memref<10240x128xf32, #tpu.memory_space<vmem_shared>>) offsets(%dma_start3A_88 : memref<80xi32, #tpu.memory_space<vmem>>) semaphore(%run_scoped3A : memref<!tpu.dma_semaphore, #tpu.memory_space<semaphore_mem>>) {add = true}
        %dma_wait3A_92 = arith.constant 0 : i32
        %dma_wait3A_93 = tpu.memref_slice %arg7[%mul3A_57, %dma_wait3A_92] : memref<64x80xi32, #tpu.memory_space<vmem>> -> memref<1x80xi32, #tpu.memory_space<vmem>>
        %dma_wait3A_94 = tpu.memref_squeeze %dma_wait3A_93 : memref<1x80xi32, #tpu.memory_space<vmem>> -> memref<80xi32, #tpu.memory_space<vmem>>
        %dma_wait3A_95 = arith.constant 0 : i32
        %dma_wait3A_96 = arith.constant 0 : i32
        %dma_wait3A_97 = tpu.memref_slice %arg10[%dma_wait3A_95, %dma_wait3A_96] : memref<10240x128xf32, #tpu.memory_space<vmem_shared>> -> memref<10240x128xf32, #tpu.memory_space<vmem_shared>>
        tpu.wait_indirect_dma semaphore(%run_scoped3A : memref<!tpu.dma_semaphore, #tpu.memory_space<semaphore_mem>>) src(%arg8 : memref<80x128xf32, #tpu.memory_space<vmem>>) dst(%dma_wait3A_97 : memref<10240x128xf32, #tpu.memory_space<vmem_shared>>)
        tpu.yield
      }) : () -> ()
      %add3A_71 = arith.constant 1 : i32
      %add3A_72 = arith.addi %mul3A_57, %add3A_71 : i32
      %dma_wait3A_73 = arith.constant 0 : i32
      %dma_wait3A_74 = tpu.memref_slice %arg6[%add3A_72, %dma_wait3A_73] : memref<64x80xi32, #tpu.memory_space<vmem>> -> memref<1x80xi32, #tpu.memory_space<vmem>>
      %dma_wait3A_75 = tpu.memref_squeeze %dma_wait3A_74 : memref<1x80xi32, #tpu.memory_space<vmem>> -> memref<80xi32, #tpu.memory_space<vmem>>
      %dma_wait3A_76 = arith.constant 0 : i32
      %dma_wait3A_77 = arith.constant 0 : i32
      %dma_wait3A_78 = tpu.memref_slice %arg2[%dma_wait3A_76, %dma_wait3A_77] : memref<10240x128xf32, #tpu.memory_space<hbm>> -> memref<10240x128xf32, #tpu.memory_space<hbm>>
      tpu.wait_indirect_dma semaphore(%arg12 : memref<!tpu.dma_semaphore, #tpu.memory_space<semaphore_mem>>) src(%dma_wait3A_78 : memref<10240x128xf32, #tpu.memory_space<hbm>>) dst(%arg9 : memref<80x128xf32, #tpu.memory_space<vmem>>)
      %add3A_79 = arith.constant 2 : i32
      %add3A_80 = arith.addi %mul3A_57, %add3A_79 : i32
      %lt3A = arith.constant 64 : i32
      %lt3A_81 = arith.cmpi slt, %add3A_80, %lt3A : i32
      %convert_element_type3A = arith.extui %lt3A_81 : i1 to i32
      %cond3A = arith.constant 0 : i32
      %cond3A_82 = arith.cmpi ne, %convert_element_type3A, %cond3A : i32
      scf.if %cond3A_82 {
        %add3A_86 = arith.constant 2 : i32
        %add3A_87 = arith.addi %mul3A_57, %add3A_86 : i32
        %dma_start3A_88 = arith.constant 0 : i32
        %dma_start3A_89 = tpu.memref_slice %arg6[%add3A_87, %dma_start3A_88] : memref<64x80xi32, #tpu.memory_space<vmem>> -> memref<1x80xi32, #tpu.memory_space<vmem>>
        %dma_start3A_90 = tpu.memref_squeeze %dma_start3A_89 : memref<1x80xi32, #tpu.memory_space<vmem>> -> memref<80xi32, #tpu.memory_space<vmem>>
        %dma_start3A_91 = arith.constant 0 : i32
        %dma_start3A_92 = arith.constant 0 : i32
        %dma_start3A_93 = tpu.memref_slice %arg2[%dma_start3A_91, %dma_start3A_92] : memref<10240x128xf32, #tpu.memory_space<hbm>> -> memref<10240x128xf32, #tpu.memory_space<hbm>>
        tpu.enqueue_indirect_dma source(%dma_start3A_93 : memref<10240x128xf32, #tpu.memory_space<hbm>>) target(%arg8 : memref<80x128xf32, #tpu.memory_space<vmem>>) offsets(%dma_start3A_90 : memref<80xi32, #tpu.memory_space<vmem>>) semaphore(%arg11 : memref<!tpu.dma_semaphore, #tpu.memory_space<semaphore_mem>>)
      } else {
      }
      %add3A_83 = arith.constant 1 : i32
      %add3A_84 = arith.addi %mul3A_57, %add3A_83 : i32
      "tpu.region"() ({
        %run_scoped3A = tpu.sem_alloc : memref<!tpu.dma_semaphore, #tpu.memory_space<semaphore_mem>>
        %dma_start3A_86 = arith.constant 0 : i32
        %dma_start3A_87 = tpu.memref_slice %arg7[%add3A_84, %dma_start3A_86] : memref<64x80xi32, #tpu.memory_space<vmem>> -> memref<1x80xi32, #tpu.memory_space<vmem>>
        %dma_start3A_88 = tpu.memref_squeeze %dma_start3A_87 : memref<1x80xi32, #tpu.memory_space<vmem>> -> memref<80xi32, #tpu.memory_space<vmem>>
        %dma_start3A_89 = arith.constant 0 : i32
        %dma_start3A_90 = arith.constant 0 : i32
        %dma_start3A_91 = tpu.memref_slice %arg10[%dma_start3A_89, %dma_start3A_90] : memref<10240x128xf32, #tpu.memory_space<vmem_shared>> -> memref<10240x128xf32, #tpu.memory_space<vmem_shared>>
        tpu.enqueue_indirect_dma source(%arg9 : memref<80x128xf32, #tpu.memory_space<vmem>>) target(%dma_start3A_91 : memref<10240x128xf32, #tpu.memory_space<vmem_shared>>) offsets(%dma_start3A_88 : memref<80xi32, #tpu.memory_space<vmem>>) semaphore(%run_scoped3A : memref<!tpu.dma_semaphore, #tpu.memory_space<semaphore_mem>>) {add = true}
        %dma_wait3A_92 = arith.constant 0 : i32
        %dma_wait3A_93 = tpu.memref_slice %arg7[%add3A_84, %dma_wait3A_92] : memref<64x80xi32, #tpu.memory_space<vmem>> -> memref<1x80xi32, #tpu.memory_space<vmem>>
        %dma_wait3A_94 = tpu.memref_squeeze %dma_wait3A_93 : memref<1x80xi32, #tpu.memory_space<vmem>> -> memref<80xi32, #tpu.memory_space<vmem>>
        %dma_wait3A_95 = arith.constant 0 : i32
        %dma_wait3A_96 = arith.constant 0 : i32
        %dma_wait3A_97 = tpu.memref_slice %arg10[%dma_wait3A_95, %dma_wait3A_96] : memref<10240x128xf32, #tpu.memory_space<vmem_shared>> -> memref<10240x128xf32, #tpu.memory_space<vmem_shared>>
        tpu.wait_indirect_dma semaphore(%run_scoped3A : memref<!tpu.dma_semaphore, #tpu.memory_space<semaphore_mem>>) src(%arg9 : memref<80x128xf32, #tpu.memory_space<vmem>>) dst(%dma_wait3A_97 : memref<10240x128xf32, #tpu.memory_space<vmem_shared>>)
        tpu.yield
      }) : () -> ()
      %scan3A_85 = arith.constant 0 : i32
      scf.yield %scan3A_85 : i32
    }
    %scan3A_52 = arith.constant 32 : i32
    %barrier3A_53 = arith.constant 0 : index
    tpu.barrier barrier_id(%barrier3A_53)
    "tpu.region"() ({
      %run_scoped3A = tpu.sem_alloc : memref<!tpu.dma_semaphore, #tpu.memory_space<semaphore_mem>>
      %dma_start3A_54 = arith.constant 0 : i32
      %dma_start3A_55 = tpu.memref_slice %arg5[%arg0, %mul3A_9, %dma_start3A_54] : memref<2x10240x128xf32, #tpu.memory_space<hbm>> -> memref<1x640x128xf32, #tpu.memory_space<hbm>>
      %dma_start3A_56 = tpu.memref_squeeze %dma_start3A_55 : memref<1x640x128xf32, #tpu.memory_space<hbm>> -> memref<640x128xf32, #tpu.memory_space<hbm>>
      %dma_start3A_57 = arith.constant 0 : i32
      %dma_start3A_58 = tpu.memref_slice %arg10[%mul3A_9, %dma_start3A_57] : memref<10240x128xf32, #tpu.memory_space<vmem_shared>> -> memref<640x128xf32, #tpu.memory_space<vmem_shared>>
      tpu.enqueue_dma source(%dma_start3A_58 : memref<640x128xf32, #tpu.memory_space<vmem_shared>>) target(%dma_start3A_56 : memref<640x128xf32, #tpu.memory_space<hbm>>) target_semaphore(%run_scoped3A : memref<!tpu.dma_semaphore, #tpu.memory_space<semaphore_mem>>)
      %dma_wait3A = arith.constant 0 : i32
      %dma_wait3A_59 = tpu.memref_slice %arg5[%arg0, %mul3A_9, %dma_wait3A] : memref<2x10240x128xf32, #tpu.memory_space<hbm>> -> memref<1x640x128xf32, #tpu.memory_space<hbm>>
      %dma_wait3A_60 = tpu.memref_squeeze %dma_wait3A_59 : memref<1x640x128xf32, #tpu.memory_space<hbm>> -> memref<640x128xf32, #tpu.memory_space<hbm>>
      %dma_wait3A_61 = arith.constant 0 : i32
      %dma_wait3A_62 = tpu.memref_slice %arg10[%mul3A_9, %dma_wait3A_61] : memref<10240x128xf32, #tpu.memory_space<vmem_shared>> -> memref<640x128xf32, #tpu.memory_space<vmem_shared>>
      tpu.wait_dma2 semaphore(%run_scoped3A : memref<!tpu.dma_semaphore, #tpu.memory_space<semaphore_mem>>) src(%dma_wait3A_62 : memref<640x128xf32, #tpu.memory_space<vmem_shared>>) dst(%dma_wait3A_60 : memref<640x128xf32, #tpu.memory_space<hbm>>)
      tpu.yield
    }) : () -> ()
    return
  }
}

#map = affine_map<(d0, d1) -> (0, 0)>
#map1 = affine_map<(d0, d1) -> (0, 0, 0)>
module attributes {stable_mosaic.version = 14 : i64} {
  func.func @k(%arg0: i32, %arg1: i32, %arg2: memref<10240x128xf32, #tpu.memory_space<hbm>>, %arg3: memref<32x128x80xi32, #tpu.memory_space<hbm>>, %arg4: memref<32x128x80xi32, #tpu.memory_space<hbm>>, %arg5: memref<2x10240x128xf32, #tpu.memory_space<hbm>>, %arg6: memref<64x80xi32, #tpu.memory_space<vmem>>, %arg7: memref<64x80xi32, #tpu.memory_space<vmem>>, %arg8: memref<80x128xf32, #tpu.memory_space<vmem>>, %arg9: memref<80x128xf32, #tpu.memory_space<vmem>>, %arg10: memref<10240x128xf32, #tpu.memory_space<vmem_shared>>, %arg11: memref<!tpu.dma_semaphore, #tpu.memory_space<semaphore_mem>>, %arg12: memref<!tpu.dma_semaphore, #tpu.memory_space<semaphore_mem>>) attributes {dimension_semantics = [#tpu.dimension_semantics<core_parallel>, #tpu.dimension_semantics<subcore_parallel>], iteration_bounds = array<i64: 2, 16>, scalar_prefetch = 0 : i64, scratch_operands = 7 : i64, tpu.core_type = #tpu.core_type<sc_vector_subcore>, window_params = [{transform_indices = #map}, {transform_indices = #map1}, {transform_indices = #map1}, {transform_indices = #map1}]} {
    %mul3A = arith.constant 16 : i32
    %mul3A_0 = arith.muli %arg0, %mul3A : i32
    %add3A = arith.addi %mul3A_0, %arg1 : i32
    %broadcast_in_dim3A = arith.constant 0.000000e+00 : f32
    %broadcast_in_dim3A_1 = vector.broadcast %broadcast_in_dim3A : f32 to vector<16xf32>
    %scan3A = arith.constant 0 : i32
    %scan3A_2 = arith.constant 0 : i32
    %scan3A_3 = arith.constant 80 : i32
    %scan3A_4 = arith.addi %scan3A_2, %scan3A_3 : i32
    %scan3A_5 = arith.constant 1 : i32
    %scan3A_6 = scf.for %scan3A_54 = %scan3A_2 to %scan3A_4 step %scan3A_5 iter_args(%scan3A_55 = %scan3A) -> (i32)  : i32 {
      %swap3A = arith.index_cast %scan3A_54 : i32 to index
      %swap3A_56 = arith.constant 0 : index
      %swap3A_57 = tpu.vector_load %arg8[%swap3A, %swap3A_56] {strides = array<i32>} : memref<80x128xf32, #tpu.memory_space<vmem>>, vector<1x16xf32>,
      %swap3A_58 = vector.shape_cast %swap3A_57 : vector<1x16xf32> to vector<16xf32>
      %swap3A_59 = vector.shape_cast %broadcast_in_dim3A_1 : vector<16xf32> to vector<1x16xf32>
      tpu.vector_store %arg8[%swap3A, %swap3A_56], %swap3A_59 {strides = array<i32>} : memref<80x128xf32, #tpu.memory_space<vmem>>, vector<1x16xf32>,
      %swap3A_60 = arith.index_cast %scan3A_54 : i32 to index
      %swap3A_61 = arith.constant 16 : index
      %swap3A_62 = tpu.vector_load %arg8[%swap3A_60, %swap3A_61] {strides = array<i32>} : memref<80x128xf32, #tpu.memory_space<vmem>>, vector<1x16xf32>,
      %swap3A_63 = vector.shape_cast %swap3A_62 : vector<1x16xf32> to vector<16xf32>
      %swap3A_64 = vector.shape_cast %broadcast_in_dim3A_1 : vector<16xf32> to vector<1x16xf32>
      tpu.vector_store %arg8[%swap3A_60, %swap3A_61], %swap3A_64 {strides = array<i32>} : memref<80x128xf32, #tpu.memory_space<vmem>>, vector<1x16xf32>,
      %swap3A_65 = arith.index_cast %scan3A_54 : i32 to index
      %swap3A_66 = arith.constant 32 : index
      %swap3A_67 = tpu.vector_load %arg8[%swap3A_65, %swap3A_66] {strides = array<i32>} : memref<80x128xf32, #tpu.memory_space<vmem>>, vector<1x16xf32>,
      %swap3A_68 = vector.shape_cast %swap3A_67 : vector<1x16xf32> to vector<16xf32>
      %swap3A_69 = vector.shape_cast %broadcast_in_dim3A_1 : vector<16xf32> to vector<1x16xf32>
      tpu.vector_store %arg8[%swap3A_65, %swap3A_66], %swap3A_69 {strides = array<i32>} : memref<80x128xf32, #tpu.memory_space<vmem>>, vector<1x16xf32>,
      %swap3A_70 = arith.index_cast %scan3A_54 : i32 to index
      %swap3A_71 = arith.constant 48 : index
      %swap3A_72 = tpu.vector_load %arg8[%swap3A_70, %swap3A_71] {strides = array<i32>} : memref<80x128xf32, #tpu.memory_space<vmem>>, vector<1x16xf32>,
      %swap3A_73 = vector.shape_cast %swap3A_72 : vector<1x16xf32> to vector<16xf32>
      %swap3A_74 = vector.shape_cast %broadcast_in_dim3A_1 : vector<16xf32> to vector<1x16xf32>
      tpu.vector_store %arg8[%swap3A_70, %swap3A_71], %swap3A_74 {strides = array<i32>} : memref<80x128xf32, #tpu.memory_space<vmem>>, vector<1x16xf32>,
      %swap3A_75 = arith.index_cast %scan3A_54 : i32 to index
      %swap3A_76 = arith.constant 64 : index
      %swap3A_77 = tpu.vector_load %arg8[%swap3A_75, %swap3A_76] {strides = array<i32>} : memref<80x128xf32, #tpu.memory_space<vmem>>, vector<1x16xf32>,
      %swap3A_78 = vector.shape_cast %swap3A_77 : vector<1x16xf32> to vector<16xf32>
      %swap3A_79 = vector.shape_cast %broadcast_in_dim3A_1 : vector<16xf32> to vector<1x16xf32>
      tpu.vector_store %arg8[%swap3A_75, %swap3A_76], %swap3A_79 {strides = array<i32>} : memref<80x128xf32, #tpu.memory_space<vmem>>, vector<1x16xf32>,
      %swap3A_80 = arith.index_cast %scan3A_54 : i32 to index
      %swap3A_81 = arith.constant 80 : index
      %swap3A_82 = tpu.vector_load %arg8[%swap3A_80, %swap3A_81] {strides = array<i32>} : memref<80x128xf32, #tpu.memory_space<vmem>>, vector<1x16xf32>,
      %swap3A_83 = vector.shape_cast %swap3A_82 : vector<1x16xf32> to vector<16xf32>
      %swap3A_84 = vector.shape_cast %broadcast_in_dim3A_1 : vector<16xf32> to vector<1x16xf32>
      tpu.vector_store %arg8[%swap3A_80, %swap3A_81], %swap3A_84 {strides = array<i32>} : memref<80x128xf32, #tpu.memory_space<vmem>>, vector<1x16xf32>,
      %swap3A_85 = arith.index_cast %scan3A_54 : i32 to index
      %swap3A_86 = arith.constant 96 : index
      %swap3A_87 = tpu.vector_load %arg8[%swap3A_85, %swap3A_86] {strides = array<i32>} : memref<80x128xf32, #tpu.memory_space<vmem>>, vector<1x16xf32>,
      %swap3A_88 = vector.shape_cast %swap3A_87 : vector<1x16xf32> to vector<16xf32>
      %swap3A_89 = vector.shape_cast %broadcast_in_dim3A_1 : vector<16xf32> to vector<1x16xf32>
      tpu.vector_store %arg8[%swap3A_85, %swap3A_86], %swap3A_89 {strides = array<i32>} : memref<80x128xf32, #tpu.memory_space<vmem>>, vector<1x16xf32>,
      %swap3A_90 = arith.index_cast %scan3A_54 : i32 to index
      %swap3A_91 = arith.constant 112 : index
      %swap3A_92 = tpu.vector_load %arg8[%swap3A_90, %swap3A_91] {strides = array<i32>} : memref<80x128xf32, #tpu.memory_space<vmem>>, vector<1x16xf32>,
      %swap3A_93 = vector.shape_cast %swap3A_92 : vector<1x16xf32> to vector<16xf32>
      %swap3A_94 = vector.shape_cast %broadcast_in_dim3A_1 : vector<16xf32> to vector<1x16xf32>
      tpu.vector_store %arg8[%swap3A_90, %swap3A_91], %swap3A_94 {strides = array<i32>} : memref<80x128xf32, #tpu.memory_space<vmem>>, vector<1x16xf32>,
      %scan3A_95 = arith.constant 0 : i32
      scf.yield %scan3A_95 : i32
    }
    %scan3A_7 = arith.constant 80 : i32
    %mul3A_8 = arith.constant 640 : i32
    %mul3A_9 = arith.muli %arg1, %mul3A_8 : i32
    %add3A_10 = arith.constant 0 : i32
    %add3A_11 = arith.addi %mul3A_9, %add3A_10 : i32
    "tpu.region"() ({
      %run_scoped3A = tpu.sem_alloc : memref<!tpu.dma_semaphore, #tpu.memory_space<semaphore_mem>>
      %dma_start3A_54 = arith.constant 0 : i32
      %dma_start3A_55 = tpu.memref_slice %arg10[%add3A_11, %dma_start3A_54] : memref<10240x128xf32, #tpu.memory_space<vmem_shared>> -> memref<80x128xf32, #tpu.memory_space<vmem_shared>>
      %dma_start3A_56 = arith.constant 0 : i32
      %dma_start3A_57 = tpu.memref_slice %arg10[%add3A_11, %dma_start3A_56] : memref<10240x128xf32, #tpu.memory_space<vmem_shared>> -> memref<80x128xf32, #tpu.memory_space<vmem_shared>>
      tpu.enqueue_dma source(%arg8 : memref<80x128xf32, #tpu.memory_space<vmem>>) target(%dma_start3A_57 : memref<80x128xf32, #tpu.memory_space<vmem_shared>>) target_semaphore(%run_scoped3A : memref<!tpu.dma_semaphore, #tpu.memory_space<semaphore_mem>>)
      %dma_wait3A = arith.constant 0 : i32
      %dma_wait3A_58 = tpu.memref_slice %arg10[%add3A_11, %dma_wait3A] : memref<10240x128xf32, #tpu.memory_space<vmem_shared>> -> memref<80x128xf32, #tpu.memory_space<vmem_shared>>
      %dma_wait3A_59 = arith.constant 0 : i32
      %dma_wait3A_60 = tpu.memref_slice %arg10[%add3A_11, %dma_wait3A_59] : memref<10240x128xf32, #tpu.memory_space<vmem_shared>> -> memref<80x128xf32, #tpu.memory_space<vmem_shared>>
      tpu.wait_dma2 semaphore(%run_scoped3A : memref<!tpu.dma_semaphore, #tpu.memory_space<semaphore_mem>>) src(%arg8 : memref<80x128xf32, #tpu.memory_space<vmem>>) dst(%dma_wait3A_60 : memref<80x128xf32, #tpu.memory_space<vmem_shared>>)
      tpu.yield
    }) : () -> ()
    %add3A_12 = arith.constant 80 : i32
    %add3A_13 = arith.addi %mul3A_9, %add3A_12 : i32
    "tpu.region"() ({
      %run_scoped3A = tpu.sem_alloc : memref<!tpu.dma_semaphore, #tpu.memory_space<semaphore_mem>>
      %dma_start3A_54 = arith.constant 0 : i32
      %dma_start3A_55 = tpu.memref_slice %arg10[%add3A_13, %dma_start3A_54] : memref<10240x128xf32, #tpu.memory_space<vmem_shared>> -> memref<80x128xf32, #tpu.memory_space<vmem_shared>>
      %dma_start3A_56 = arith.constant 0 : i32
      %dma_start3A_57 = tpu.memref_slice %arg10[%add3A_13, %dma_start3A_56] : memref<10240x128xf32, #tpu.memory_space<vmem_shared>> -> memref<80x128xf32, #tpu.memory_space<vmem_shared>>
      tpu.enqueue_dma source(%arg8 : memref<80x128xf32, #tpu.memory_space<vmem>>) target(%dma_start3A_57 : memref<80x128xf32, #tpu.memory_space<vmem_shared>>) target_semaphore(%run_scoped3A : memref<!tpu.dma_semaphore, #tpu.memory_space<semaphore_mem>>)
      %dma_wait3A = arith.constant 0 : i32
      %dma_wait3A_58 = tpu.memref_slice %arg10[%add3A_13, %dma_wait3A] : memref<10240x128xf32, #tpu.memory_space<vmem_shared>> -> memref<80x128xf32, #tpu.memory_space<vmem_shared>>
      %dma_wait3A_59 = arith.constant 0 : i32
      %dma_wait3A_60 = tpu.memref_slice %arg10[%add3A_13, %dma_wait3A_59] : memref<10240x128xf32, #tpu.memory_space<vmem_shared>> -> memref<80x128xf32, #tpu.memory_space<vmem_shared>>
      tpu.wait_dma2 semaphore(%run_scoped3A : memref<!tpu.dma_semaphore, #tpu.memory_space<semaphore_mem>>) src(%arg8 : memref<80x128xf32, #tpu.memory_space<vmem>>) dst(%dma_wait3A_60 : memref<80x128xf32, #tpu.memory_space<vmem_shared>>)
      tpu.yield
    }) : () -> ()
    %add3A_14 = arith.constant 160 : i32
    %add3A_15 = arith.addi %mul3A_9, %add3A_14 : i32
    "tpu.region"() ({
      %run_scoped3A = tpu.sem_alloc : memref<!tpu.dma_semaphore, #tpu.memory_space<semaphore_mem>>
      %dma_start3A_54 = arith.constant 0 : i32
      %dma_start3A_55 = tpu.memref_slice %arg10[%add3A_15, %dma_start3A_54] : memref<10240x128xf32, #tpu.memory_space<vmem_shared>> -> memref<80x128xf32, #tpu.memory_space<vmem_shared>>
      %dma_start3A_56 = arith.constant 0 : i32
      %dma_start3A_57 = tpu.memref_slice %arg10[%add3A_15, %dma_start3A_56] : memref<10240x128xf32, #tpu.memory_space<vmem_shared>> -> memref<80x128xf32, #tpu.memory_space<vmem_shared>>
      tpu.enqueue_dma source(%arg8 : memref<80x128xf32, #tpu.memory_space<vmem>>) target(%dma_start3A_57 : memref<80x128xf32, #tpu.memory_space<vmem_shared>>) target_semaphore(%run_scoped3A : memref<!tpu.dma_semaphore, #tpu.memory_space<semaphore_mem>>)
      %dma_wait3A = arith.constant 0 : i32
      %dma_wait3A_58 = tpu.memref_slice %arg10[%add3A_15, %dma_wait3A] : memref<10240x128xf32, #tpu.memory_space<vmem_shared>> -> memref<80x128xf32, #tpu.memory_space<vmem_shared>>
      %dma_wait3A_59 = arith.constant 0 : i32
      %dma_wait3A_60 = tpu.memref_slice %arg10[%add3A_15, %dma_wait3A_59] : memref<10240x128xf32, #tpu.memory_space<vmem_shared>> -> memref<80x128xf32, #tpu.memory_space<vmem_shared>>
      tpu.wait_dma2 semaphore(%run_scoped3A : memref<!tpu.dma_semaphore, #tpu.memory_space<semaphore_mem>>) src(%arg8 : memref<80x128xf32, #tpu.memory_space<vmem>>) dst(%dma_wait3A_60 : memref<80x128xf32, #tpu.memory_space<vmem_shared>>)
      tpu.yield
    }) : () -> ()
    %add3A_16 = arith.constant 240 : i32
    %add3A_17 = arith.addi %mul3A_9, %add3A_16 : i32
    "tpu.region"() ({
      %run_scoped3A = tpu.sem_alloc : memref<!tpu.dma_semaphore, #tpu.memory_space<semaphore_mem>>
      %dma_start3A_54 = arith.constant 0 : i32
      %dma_start3A_55 = tpu.memref_slice %arg10[%add3A_17, %dma_start3A_54] : memref<10240x128xf32, #tpu.memory_space<vmem_shared>> -> memref<80x128xf32, #tpu.memory_space<vmem_shared>>
      %dma_start3A_56 = arith.constant 0 : i32
      %dma_start3A_57 = tpu.memref_slice %arg10[%add3A_17, %dma_start3A_56] : memref<10240x128xf32, #tpu.memory_space<vmem_shared>> -> memref<80x128xf32, #tpu.memory_space<vmem_shared>>
      tpu.enqueue_dma source(%arg8 : memref<80x128xf32, #tpu.memory_space<vmem>>) target(%dma_start3A_57 : memref<80x128xf32, #tpu.memory_space<vmem_shared>>) target_semaphore(%run_scoped3A : memref<!tpu.dma_semaphore, #tpu.memory_space<semaphore_mem>>)
      %dma_wait3A = arith.constant 0 : i32
      %dma_wait3A_58 = tpu.memref_slice %arg10[%add3A_17, %dma_wait3A] : memref<10240x128xf32, #tpu.memory_space<vmem_shared>> -> memref<80x128xf32, #tpu.memory_space<vmem_shared>>
      %dma_wait3A_59 = arith.constant 0 : i32
      %dma_wait3A_60 = tpu.memref_slice %arg10[%add3A_17, %dma_wait3A_59] : memref<10240x128xf32, #tpu.memory_space<vmem_shared>> -> memref<80x128xf32, #tpu.memory_space<vmem_shared>>
      tpu.wait_dma2 semaphore(%run_scoped3A : memref<!tpu.dma_semaphore, #tpu.memory_space<semaphore_mem>>) src(%arg8 : memref<80x128xf32, #tpu.memory_space<vmem>>) dst(%dma_wait3A_60 : memref<80x128xf32, #tpu.memory_space<vmem_shared>>)
      tpu.yield
    }) : () -> ()
    %add3A_18 = arith.constant 320 : i32
    %add3A_19 = arith.addi %mul3A_9, %add3A_18 : i32
    "tpu.region"() ({
      %run_scoped3A = tpu.sem_alloc : memref<!tpu.dma_semaphore, #tpu.memory_space<semaphore_mem>>
      %dma_start3A_54 = arith.constant 0 : i32
      %dma_start3A_55 = tpu.memref_slice %arg10[%add3A_19, %dma_start3A_54] : memref<10240x128xf32, #tpu.memory_space<vmem_shared>> -> memref<80x128xf32, #tpu.memory_space<vmem_shared>>
      %dma_start3A_56 = arith.constant 0 : i32
      %dma_start3A_57 = tpu.memref_slice %arg10[%add3A_19, %dma_start3A_56] : memref<10240x128xf32, #tpu.memory_space<vmem_shared>> -> memref<80x128xf32, #tpu.memory_space<vmem_shared>>
      tpu.enqueue_dma source(%arg8 : memref<80x128xf32, #tpu.memory_space<vmem>>) target(%dma_start3A_57 : memref<80x128xf32, #tpu.memory_space<vmem_shared>>) target_semaphore(%run_scoped3A : memref<!tpu.dma_semaphore, #tpu.memory_space<semaphore_mem>>)
      %dma_wait3A = arith.constant 0 : i32
      %dma_wait3A_58 = tpu.memref_slice %arg10[%add3A_19, %dma_wait3A] : memref<10240x128xf32, #tpu.memory_space<vmem_shared>> -> memref<80x128xf32, #tpu.memory_space<vmem_shared>>
      %dma_wait3A_59 = arith.constant 0 : i32
      %dma_wait3A_60 = tpu.memref_slice %arg10[%add3A_19, %dma_wait3A_59] : memref<10240x128xf32, #tpu.memory_space<vmem_shared>> -> memref<80x128xf32, #tpu.memory_space<vmem_shared>>
      tpu.wait_dma2 semaphore(%run_scoped3A : memref<!tpu.dma_semaphore, #tpu.memory_space<semaphore_mem>>) src(%arg8 : memref<80x128xf32, #tpu.memory_space<vmem>>) dst(%dma_wait3A_60 : memref<80x128xf32, #tpu.memory_space<vmem_shared>>)
      tpu.yield
    }) : () -> ()
    %add3A_20 = arith.constant 400 : i32
    %add3A_21 = arith.addi %mul3A_9, %add3A_20 : i32
    "tpu.region"() ({
      %run_scoped3A = tpu.sem_alloc : memref<!tpu.dma_semaphore, #tpu.memory_space<semaphore_mem>>
      %dma_start3A_54 = arith.constant 0 : i32
      %dma_start3A_55 = tpu.memref_slice %arg10[%add3A_21, %dma_start3A_54] : memref<10240x128xf32, #tpu.memory_space<vmem_shared>> -> memref<80x128xf32, #tpu.memory_space<vmem_shared>>
      %dma_start3A_56 = arith.constant 0 : i32
      %dma_start3A_57 = tpu.memref_slice %arg10[%add3A_21, %dma_start3A_56] : memref<10240x128xf32, #tpu.memory_space<vmem_shared>> -> memref<80x128xf32, #tpu.memory_space<vmem_shared>>
      tpu.enqueue_dma source(%arg8 : memref<80x128xf32, #tpu.memory_space<vmem>>) target(%dma_start3A_57 : memref<80x128xf32, #tpu.memory_space<vmem_shared>>) target_semaphore(%run_scoped3A : memref<!tpu.dma_semaphore, #tpu.memory_space<semaphore_mem>>)
      %dma_wait3A = arith.constant 0 : i32
      %dma_wait3A_58 = tpu.memref_slice %arg10[%add3A_21, %dma_wait3A] : memref<10240x128xf32, #tpu.memory_space<vmem_shared>> -> memref<80x128xf32, #tpu.memory_space<vmem_shared>>
      %dma_wait3A_59 = arith.constant 0 : i32
      %dma_wait3A_60 = tpu.memref_slice %arg10[%add3A_21, %dma_wait3A_59] : memref<10240x128xf32, #tpu.memory_space<vmem_shared>> -> memref<80x128xf32, #tpu.memory_space<vmem_shared>>
      tpu.wait_dma2 semaphore(%run_scoped3A : memref<!tpu.dma_semaphore, #tpu.memory_space<semaphore_mem>>) src(%arg8 : memref<80x128xf32, #tpu.memory_space<vmem>>) dst(%dma_wait3A_60 : memref<80x128xf32, #tpu.memory_space<vmem_shared>>)
      tpu.yield
    }) : () -> ()
    %add3A_22 = arith.constant 480 : i32
    %add3A_23 = arith.addi %mul3A_9, %add3A_22 : i32
    "tpu.region"() ({
      %run_scoped3A = tpu.sem_alloc : memref<!tpu.dma_semaphore, #tpu.memory_space<semaphore_mem>>
      %dma_start3A_54 = arith.constant 0 : i32
      %dma_start3A_55 = tpu.memref_slice %arg10[%add3A_23, %dma_start3A_54] : memref<10240x128xf32, #tpu.memory_space<vmem_shared>> -> memref<80x128xf32, #tpu.memory_space<vmem_shared>>
      %dma_start3A_56 = arith.constant 0 : i32
      %dma_start3A_57 = tpu.memref_slice %arg10[%add3A_23, %dma_start3A_56] : memref<10240x128xf32, #tpu.memory_space<vmem_shared>> -> memref<80x128xf32, #tpu.memory_space<vmem_shared>>
      tpu.enqueue_dma source(%arg8 : memref<80x128xf32, #tpu.memory_space<vmem>>) target(%dma_start3A_57 : memref<80x128xf32, #tpu.memory_space<vmem_shared>>) target_semaphore(%run_scoped3A : memref<!tpu.dma_semaphore, #tpu.memory_space<semaphore_mem>>)
      %dma_wait3A = arith.constant 0 : i32
      %dma_wait3A_58 = tpu.memref_slice %arg10[%add3A_23, %dma_wait3A] : memref<10240x128xf32, #tpu.memory_space<vmem_shared>> -> memref<80x128xf32, #tpu.memory_space<vmem_shared>>
      %dma_wait3A_59 = arith.constant 0 : i32
      %dma_wait3A_60 = tpu.memref_slice %arg10[%add3A_23, %dma_wait3A_59] : memref<10240x128xf32, #tpu.memory_space<vmem_shared>> -> memref<80x128xf32, #tpu.memory_space<vmem_shared>>
      tpu.wait_dma2 semaphore(%run_scoped3A : memref<!tpu.dma_semaphore, #tpu.memory_space<semaphore_mem>>) src(%arg8 : memref<80x128xf32, #tpu.memory_space<vmem>>) dst(%dma_wait3A_60 : memref<80x128xf32, #tpu.memory_space<vmem_shared>>)
      tpu.yield
    }) : () -> ()
    %add3A_24 = arith.constant 560 : i32
    %add3A_25 = arith.addi %mul3A_9, %add3A_24 : i32
    "tpu.region"() ({
      %run_scoped3A = tpu.sem_alloc : memref<!tpu.dma_semaphore, #tpu.memory_space<semaphore_mem>>
      %dma_start3A_54 = arith.constant 0 : i32
      %dma_start3A_55 = tpu.memref_slice %arg10[%add3A_25, %dma_start3A_54] : memref<10240x128xf32, #tpu.memory_space<vmem_shared>> -> memref<80x128xf32, #tpu.memory_space<vmem_shared>>
      %dma_start3A_56 = arith.constant 0 : i32
      %dma_start3A_57 = tpu.memref_slice %arg10[%add3A_25, %dma_start3A_56] : memref<10240x128xf32, #tpu.memory_space<vmem_shared>> -> memref<80x128xf32, #tpu.memory_space<vmem_shared>>
      tpu.enqueue_dma source(%arg8 : memref<80x128xf32, #tpu.memory_space<vmem>>) target(%dma_start3A_57 : memref<80x128xf32, #tpu.memory_space<vmem_shared>>) target_semaphore(%run_scoped3A : memref<!tpu.dma_semaphore, #tpu.memory_space<semaphore_mem>>)
      %dma_wait3A = arith.constant 0 : i32
      %dma_wait3A_58 = tpu.memref_slice %arg10[%add3A_25, %dma_wait3A] : memref<10240x128xf32, #tpu.memory_space<vmem_shared>> -> memref<80x128xf32, #tpu.memory_space<vmem_shared>>
      %dma_wait3A_59 = arith.constant 0 : i32
      %dma_wait3A_60 = tpu.memref_slice %arg10[%add3A_25, %dma_wait3A_59] : memref<10240x128xf32, #tpu.memory_space<vmem_shared>> -> memref<80x128xf32, #tpu.memory_space<vmem_shared>>
      tpu.wait_dma2 semaphore(%run_scoped3A : memref<!tpu.dma_semaphore, #tpu.memory_space<semaphore_mem>>) src(%arg8 : memref<80x128xf32, #tpu.memory_space<vmem>>) dst(%dma_wait3A_60 : memref<80x128xf32, #tpu.memory_space<vmem_shared>>)
      tpu.yield
    }) : () -> ()
    %barrier3A = arith.constant 0 : index
    tpu.barrier barrier_id(%barrier3A)
    "tpu.region"() ({
      %run_scoped3A = tpu.sem_alloc : memref<!tpu.dma_semaphore, #tpu.memory_space<semaphore_mem>>
      %dma_start3A_54 = arith.constant 0 : i32
      %dma_start3A_55 = arith.constant 0 : i32
      %dma_start3A_56 = tpu.memref_slice %arg3[%add3A, %dma_start3A_54, %dma_start3A_55] : memref<32x128x80xi32, #tpu.memory_space<hbm>> -> memref<1x64x80xi32, #tpu.memory_space<hbm>>
      %dma_start3A_57 = tpu.memref_squeeze %dma_start3A_56 : memref<1x64x80xi32, #tpu.memory_space<hbm>> -> memref<64x80xi32, #tpu.memory_space<hbm>>
      %dma_start3A_58 = arith.constant 0 : i32
      %dma_start3A_59 = arith.constant 0 : i32
      %dma_start3A_60 = tpu.memref_slice %arg3[%add3A, %dma_start3A_58, %dma_start3A_59] : memref<32x128x80xi32, #tpu.memory_space<hbm>> -> memref<1x64x80xi32, #tpu.memory_space<hbm>>
      %dma_start3A_61 = tpu.memref_squeeze %dma_start3A_60 : memref<1x64x80xi32, #tpu.memory_space<hbm>> -> memref<64x80xi32, #tpu.memory_space<hbm>>
      tpu.enqueue_dma source(%dma_start3A_61 : memref<64x80xi32, #tpu.memory_space<hbm>>) target(%arg6 : memref<64x80xi32, #tpu.memory_space<vmem>>) target_semaphore(%run_scoped3A : memref<!tpu.dma_semaphore, #tpu.memory_space<semaphore_mem>>)
      %dma_wait3A = arith.constant 0 : i32
      %dma_wait3A_62 = arith.constant 0 : i32
      %dma_wait3A_63 = tpu.memref_slice %arg3[%add3A, %dma_wait3A, %dma_wait3A_62] : memref<32x128x80xi32, #tpu.memory_space<hbm>> -> memref<1x64x80xi32, #tpu.memory_space<hbm>>
      %dma_wait3A_64 = tpu.memref_squeeze %dma_wait3A_63 : memref<1x64x80xi32, #tpu.memory_space<hbm>> -> memref<64x80xi32, #tpu.memory_space<hbm>>
      %dma_wait3A_65 = arith.constant 0 : i32
      %dma_wait3A_66 = arith.constant 0 : i32
      %dma_wait3A_67 = tpu.memref_slice %arg3[%add3A, %dma_wait3A_65, %dma_wait3A_66] : memref<32x128x80xi32, #tpu.memory_space<hbm>> -> memref<1x64x80xi32, #tpu.memory_space<hbm>>
      %dma_wait3A_68 = tpu.memref_squeeze %dma_wait3A_67 : memref<1x64x80xi32, #tpu.memory_space<hbm>> -> memref<64x80xi32, #tpu.memory_space<hbm>>
      tpu.wait_dma2 semaphore(%run_scoped3A : memref<!tpu.dma_semaphore, #tpu.memory_space<semaphore_mem>>) src(%dma_wait3A_68 : memref<64x80xi32, #tpu.memory_space<hbm>>) dst(%arg6 : memref<64x80xi32, #tpu.memory_space<vmem>>)
      tpu.yield
    }) : () -> ()
    "tpu.region"() ({
      %run_scoped3A = tpu.sem_alloc : memref<!tpu.dma_semaphore, #tpu.memory_space<semaphore_mem>>
      %dma_start3A_54 = arith.constant 0 : i32
      %dma_start3A_55 = arith.constant 0 : i32
      %dma_start3A_56 = tpu.memref_slice %arg4[%add3A, %dma_start3A_54, %dma_start3A_55] : memref<32x128x80xi32, #tpu.memory_space<hbm>> -> memref<1x64x80xi32, #tpu.memory_space<hbm>>
      %dma_start3A_57 = tpu.memref_squeeze %dma_start3A_56 : memref<1x64x80xi32, #tpu.memory_space<hbm>> -> memref<64x80xi32, #tpu.memory_space<hbm>>
      %dma_start3A_58 = arith.constant 0 : i32
      %dma_start3A_59 = arith.constant 0 : i32
      %dma_start3A_60 = tpu.memref_slice %arg4[%add3A, %dma_start3A_58, %dma_start3A_59] : memref<32x128x80xi32, #tpu.memory_space<hbm>> -> memref<1x64x80xi32, #tpu.memory_space<hbm>>
      %dma_start3A_61 = tpu.memref_squeeze %dma_start3A_60 : memref<1x64x80xi32, #tpu.memory_space<hbm>> -> memref<64x80xi32, #tpu.memory_space<hbm>>
      tpu.enqueue_dma source(%dma_start3A_61 : memref<64x80xi32, #tpu.memory_space<hbm>>) target(%arg7 : memref<64x80xi32, #tpu.memory_space<vmem>>) target_semaphore(%run_scoped3A : memref<!tpu.dma_semaphore, #tpu.memory_space<semaphore_mem>>)
      %dma_wait3A = arith.constant 0 : i32
      %dma_wait3A_62 = arith.constant 0 : i32
      %dma_wait3A_63 = tpu.memref_slice %arg4[%add3A, %dma_wait3A, %dma_wait3A_62] : memref<32x128x80xi32, #tpu.memory_space<hbm>> -> memref<1x64x80xi32, #tpu.memory_space<hbm>>
      %dma_wait3A_64 = tpu.memref_squeeze %dma_wait3A_63 : memref<1x64x80xi32, #tpu.memory_space<hbm>> -> memref<64x80xi32, #tpu.memory_space<hbm>>
      %dma_wait3A_65 = arith.constant 0 : i32
      %dma_wait3A_66 = arith.constant 0 : i32
      %dma_wait3A_67 = tpu.memref_slice %arg4[%add3A, %dma_wait3A_65, %dma_wait3A_66] : memref<32x128x80xi32, #tpu.memory_space<hbm>> -> memref<1x64x80xi32, #tpu.memory_space<hbm>>
      %dma_wait3A_68 = tpu.memref_squeeze %dma_wait3A_67 : memref<1x64x80xi32, #tpu.memory_space<hbm>> -> memref<64x80xi32, #tpu.memory_space<hbm>>
      tpu.wait_dma2 semaphore(%run_scoped3A : memref<!tpu.dma_semaphore, #tpu.memory_space<semaphore_mem>>) src(%dma_wait3A_68 : memref<64x80xi32, #tpu.memory_space<hbm>>) dst(%arg7 : memref<64x80xi32, #tpu.memory_space<vmem>>)
      tpu.yield
    }) : () -> ()
    %dma_start3A = arith.constant 0 : i32
    %dma_start3A_26 = arith.constant 0 : i32
    %dma_start3A_27 = tpu.memref_slice %arg6[%dma_start3A, %dma_start3A_26] : memref<64x80xi32, #tpu.memory_space<vmem>> -> memref<1x80xi32, #tpu.memory_space<vmem>>
    %dma_start3A_28 = tpu.memref_squeeze %dma_start3A_27 : memref<1x80xi32, #tpu.memory_space<vmem>> -> memref<80xi32, #tpu.memory_space<vmem>>
    %dma_start3A_29 = arith.constant 0 : i32
    %dma_start3A_30 = arith.constant 0 : i32
    %dma_start3A_31 = tpu.memref_slice %arg2[%dma_start3A_29, %dma_start3A_30] : memref<10240x128xf32, #tpu.memory_space<hbm>> -> memref<10240x128xf32, #tpu.memory_space<hbm>>
    tpu.enqueue_indirect_dma source(%dma_start3A_31 : memref<10240x128xf32, #tpu.memory_space<hbm>>) target(%arg8 : memref<80x128xf32, #tpu.memory_space<vmem>>) offsets(%dma_start3A_28 : memref<80xi32, #tpu.memory_space<vmem>>) semaphore(%arg11 : memref<!tpu.dma_semaphore, #tpu.memory_space<semaphore_mem>>)
    %scan3A_32 = arith.constant 0 : i32
    %scan3A_33 = arith.constant 0 : i32
    %scan3A_34 = arith.constant 32 : i32
    %scan3A_35 = arith.addi %scan3A_33, %scan3A_34 : i32
    %scan3A_36 = arith.constant 1 : i32
    %scan3A_37 = scf.for %scan3A_54 = %scan3A_33 to %scan3A_35 step %scan3A_36 iter_args(%scan3A_55 = %scan3A_32) -> (i32)  : i32 {
      %mul3A_56 = arith.constant 2 : i32
      %mul3A_57 = arith.muli %mul3A_56, %scan3A_54 : i32
      %dma_wait3A = arith.constant 0 : i32
      %dma_wait3A_58 = tpu.memref_slice %arg6[%mul3A_57, %dma_wait3A] : memref<64x80xi32, #tpu.memory_space<vmem>> -> memref<1x80xi32, #tpu.memory_space<vmem>>
      %dma_wait3A_59 = tpu.memref_squeeze %dma_wait3A_58 : memref<1x80xi32, #tpu.memory_space<vmem>> -> memref<80xi32, #tpu.memory_space<vmem>>
      %dma_wait3A_60 = arith.constant 0 : i32
      %dma_wait3A_61 = arith.constant 0 : i32
      %dma_wait3A_62 = tpu.memref_slice %arg2[%dma_wait3A_60, %dma_wait3A_61] : memref<10240x128xf32, #tpu.memory_space<hbm>> -> memref<10240x128xf32, #tpu.memory_space<hbm>>
      tpu.wait_indirect_dma semaphore(%arg11 : memref<!tpu.dma_semaphore, #tpu.memory_space<semaphore_mem>>) src(%dma_wait3A_62 : memref<10240x128xf32, #tpu.memory_space<hbm>>) dst(%arg8 : memref<80x128xf32, #tpu.memory_space<vmem>>)
      %add3A_63 = arith.constant 1 : i32
      %add3A_64 = arith.addi %mul3A_57, %add3A_63 : i32
      %dma_start3A_65 = arith.constant 0 : i32
      %dma_start3A_66 = tpu.memref_slice %arg6[%add3A_64, %dma_start3A_65] : memref<64x80xi32, #tpu.memory_space<vmem>> -> memref<1x80xi32, #tpu.memory_space<vmem>>
      %dma_start3A_67 = tpu.memref_squeeze %dma_start3A_66 : memref<1x80xi32, #tpu.memory_space<vmem>> -> memref<80xi32, #tpu.memory_space<vmem>>
      %dma_start3A_68 = arith.constant 0 : i32
      %dma_start3A_69 = arith.constant 0 : i32
      %dma_start3A_70 = tpu.memref_slice %arg2[%dma_start3A_68, %dma_start3A_69] : memref<10240x128xf32, #tpu.memory_space<hbm>> -> memref<10240x128xf32, #tpu.memory_space<hbm>>
      tpu.enqueue_indirect_dma source(%dma_start3A_70 : memref<10240x128xf32, #tpu.memory_space<hbm>>) target(%arg9 : memref<80x128xf32, #tpu.memory_space<vmem>>) offsets(%dma_start3A_67 : memref<80xi32, #tpu.memory_space<vmem>>) semaphore(%arg12 : memref<!tpu.dma_semaphore, #tpu.memory_space<semaphore_mem>>)
      "tpu.region"() ({
        %run_scoped3A = tpu.sem_alloc : memref<!tpu.dma_semaphore, #tpu.memory_space<semaphore_mem>>
        %dma_start3A_86 = arith.constant 0 : i32
        %dma_start3A_87 = tpu.memref_slice %arg7[%mul3A_57, %dma_start3A_86] : memref<64x80xi32, #tpu.memory_space<vmem>> -> memref<1x80xi32, #tpu.memory_space<vmem>>
        %dma_start3A_88 = tpu.memref_squeeze %dma_start3A_87 : memref<1x80xi32, #tpu.memory_space<vmem>> -> memref<80xi32, #tpu.memory_space<vmem>>
        %dma_start3A_89 = arith.constant 0 : i32
        %dma_start3A_90 = arith.constant 0 : i32
        %dma_start3A_91 = tpu.memref_slice %arg10[%dma_start3A_89, %dma_start3A_90] : memref<10240x128xf32, #tpu.memory_space<vmem_shared>> -> memref<10240x128xf32, #tpu.memory_space<vmem_shared>>
        tpu.enqueue_indirect_dma source(%arg8 : memref<80x128xf32, #tpu.memory_space<vmem>>) target(%dma_start3A_91 : memref<10240x128xf32, #tpu.memory_space<vmem_shared>>) offsets(%dma_start3A_88 : memref<80xi32, #tpu.memory_space<vmem>>) semaphore(%run_scoped3A : memref<!tpu.dma_semaphore, #tpu.memory_space<semaphore_mem>>) {add = true}
        %dma_wait3A_92 = arith.constant 0 : i32
        %dma_wait3A_93 = tpu.memref_slice %arg7[%mul3A_57, %dma_wait3A_92] : memref<64x80xi32, #tpu.memory_space<vmem>> -> memref<1x80xi32, #tpu.memory_space<vmem>>
        %dma_wait3A_94 = tpu.memref_squeeze %dma_wait3A_93 : memref<1x80xi32, #tpu.memory_space<vmem>> -> memref<80xi32, #tpu.memory_space<vmem>>
        %dma_wait3A_95 = arith.constant 0 : i32
        %dma_wait3A_96 = arith.constant 0 : i32
        %dma_wait3A_97 = tpu.memref_slice %arg10[%dma_wait3A_95, %dma_wait3A_96] : memref<10240x128xf32, #tpu.memory_space<vmem_shared>> -> memref<10240x128xf32, #tpu.memory_space<vmem_shared>>
        tpu.wait_indirect_dma semaphore(%run_scoped3A : memref<!tpu.dma_semaphore, #tpu.memory_space<semaphore_mem>>) src(%arg8 : memref<80x128xf32, #tpu.memory_space<vmem>>) dst(%dma_wait3A_97 : memref<10240x128xf32, #tpu.memory_space<vmem_shared>>)
        tpu.yield
      }) : () -> ()
      %add3A_71 = arith.constant 1 : i32
      %add3A_72 = arith.addi %mul3A_57, %add3A_71 : i32
      %dma_wait3A_73 = arith.constant 0 : i32
      %dma_wait3A_74 = tpu.memref_slice %arg6[%add3A_72, %dma_wait3A_73] : memref<64x80xi32, #tpu.memory_space<vmem>> -> memref<1x80xi32, #tpu.memory_space<vmem>>
      %dma_wait3A_75 = tpu.memref_squeeze %dma_wait3A_74 : memref<1x80xi32, #tpu.memory_space<vmem>> -> memref<80xi32, #tpu.memory_space<vmem>>
      %dma_wait3A_76 = arith.constant 0 : i32
      %dma_wait3A_77 = arith.constant 0 : i32
      %dma_wait3A_78 = tpu.memref_slice %arg2[%dma_wait3A_76, %dma_wait3A_77] : memref<10240x128xf32, #tpu.memory_space<hbm>> -> memref<10240x128xf32, #tpu.memory_space<hbm>>
      tpu.wait_indirect_dma semaphore(%arg12 : memref<!tpu.dma_semaphore, #tpu.memory_space<semaphore_mem>>) src(%dma_wait3A_78 : memref<10240x128xf32, #tpu.memory_space<hbm>>) dst(%arg9 : memref<80x128xf32, #tpu.memory_space<vmem>>)
      %add3A_79 = arith.constant 2 : i32
      %add3A_80 = arith.addi %mul3A_57, %add3A_79 : i32
      %lt3A = arith.constant 64 : i32
      %lt3A_81 = arith.cmpi slt, %add3A_80, %lt3A : i32
      %convert_element_type3A = arith.extui %lt3A_81 : i1 to i32
      %cond3A = arith.constant 0 : i32
      %cond3A_82 = arith.cmpi ne, %convert_element_type3A, %cond3A : i32
      scf.if %cond3A_82 {
        %add3A_86 = arith.constant 2 : i32
        %add3A_87 = arith.addi %mul3A_57, %add3A_86 : i32
        %dma_start3A_88 = arith.constant 0 : i32
        %dma_start3A_89 = tpu.memref_slice %arg6[%add3A_87, %dma_start3A_88] : memref<64x80xi32, #tpu.memory_space<vmem>> -> memref<1x80xi32, #tpu.memory_space<vmem>>
        %dma_start3A_90 = tpu.memref_squeeze %dma_start3A_89 : memref<1x80xi32, #tpu.memory_space<vmem>> -> memref<80xi32, #tpu.memory_space<vmem>>
        %dma_start3A_91 = arith.constant 0 : i32
        %dma_start3A_92 = arith.constant 0 : i32
        %dma_start3A_93 = tpu.memref_slice %arg2[%dma_start3A_91, %dma_start3A_92] : memref<10240x128xf32, #tpu.memory_space<hbm>> -> memref<10240x128xf32, #tpu.memory_space<hbm>>
        tpu.enqueue_indirect_dma source(%dma_start3A_93 : memref<10240x128xf32, #tpu.memory_space<hbm>>) target(%arg8 : memref<80x128xf32, #tpu.memory_space<vmem>>) offsets(%dma_start3A_90 : memref<80xi32, #tpu.memory_space<vmem>>) semaphore(%arg11 : memref<!tpu.dma_semaphore, #tpu.memory_space<semaphore_mem>>)
      } else {
      }
      %add3A_83 = arith.constant 1 : i32
      %add3A_84 = arith.addi %mul3A_57, %add3A_83 : i32
      "tpu.region"() ({
        %run_scoped3A = tpu.sem_alloc : memref<!tpu.dma_semaphore, #tpu.memory_space<semaphore_mem>>
        %dma_start3A_86 = arith.constant 0 : i32
        %dma_start3A_87 = tpu.memref_slice %arg7[%add3A_84, %dma_start3A_86] : memref<64x80xi32, #tpu.memory_space<vmem>> -> memref<1x80xi32, #tpu.memory_space<vmem>>
        %dma_start3A_88 = tpu.memref_squeeze %dma_start3A_87 : memref<1x80xi32, #tpu.memory_space<vmem>> -> memref<80xi32, #tpu.memory_space<vmem>>
        %dma_start3A_89 = arith.constant 0 : i32
        %dma_start3A_90 = arith.constant 0 : i32
        %dma_start3A_91 = tpu.memref_slice %arg10[%dma_start3A_89, %dma_start3A_90] : memref<10240x128xf32, #tpu.memory_space<vmem_shared>> -> memref<10240x128xf32, #tpu.memory_space<vmem_shared>>
        tpu.enqueue_indirect_dma source(%arg9 : memref<80x128xf32, #tpu.memory_space<vmem>>) target(%dma_start3A_91 : memref<10240x128xf32, #tpu.memory_space<vmem_shared>>) offsets(%dma_start3A_88 : memref<80xi32, #tpu.memory_space<vmem>>) semaphore(%run_scoped3A : memref<!tpu.dma_semaphore, #tpu.memory_space<semaphore_mem>>) {add = true}
        %dma_wait3A_92 = arith.constant 0 : i32
        %dma_wait3A_93 = tpu.memref_slice %arg7[%add3A_84, %dma_wait3A_92] : memref<64x80xi32, #tpu.memory_space<vmem>> -> memref<1x80xi32, #tpu.memory_space<vmem>>
        %dma_wait3A_94 = tpu.memref_squeeze %dma_wait3A_93 : memref<1x80xi32, #tpu.memory_space<vmem>> -> memref<80xi32, #tpu.memory_space<vmem>>
        %dma_wait3A_95 = arith.constant 0 : i32
        %dma_wait3A_96 = arith.constant 0 : i32
        %dma_wait3A_97 = tpu.memref_slice %arg10[%dma_wait3A_95, %dma_wait3A_96] : memref<10240x128xf32, #tpu.memory_space<vmem_shared>> -> memref<10240x128xf32, #tpu.memory_space<vmem_shared>>
        tpu.wait_indirect_dma semaphore(%run_scoped3A : memref<!tpu.dma_semaphore, #tpu.memory_space<semaphore_mem>>) src(%arg9 : memref<80x128xf32, #tpu.memory_space<vmem>>) dst(%dma_wait3A_97 : memref<10240x128xf32, #tpu.memory_space<vmem_shared>>)
        tpu.yield
      }) : () -> ()
      %scan3A_85 = arith.constant 0 : i32
      scf.yield %scan3A_85 : i32
    }
    %scan3A_38 = arith.constant 32 : i32
    "tpu.region"() ({
      %run_scoped3A = tpu.sem_alloc : memref<!tpu.dma_semaphore, #tpu.memory_space<semaphore_mem>>
      %dma_start3A_54 = arith.constant 64 : i32
      %dma_start3A_55 = arith.constant 0 : i32
      %dma_start3A_56 = tpu.memref_slice %arg3[%add3A, %dma_start3A_54, %dma_start3A_55] : memref<32x128x80xi32, #tpu.memory_space<hbm>> -> memref<1x64x80xi32, #tpu.memory_space<hbm>>
      %dma_start3A_57 = tpu.memref_squeeze %dma_start3A_56 : memref<1x64x80xi32, #tpu.memory_space<hbm>> -> memref<64x80xi32, #tpu.memory_space<hbm>>
      %dma_start3A_58 = arith.constant 64 : i32
      %dma_start3A_59 = arith.constant 0 : i32
      %dma_start3A_60 = tpu.memref_slice %arg3[%add3A, %dma_start3A_58, %dma_start3A_59] : memref<32x128x80xi32, #tpu.memory_space<hbm>> -> memref<1x64x80xi32, #tpu.memory_space<hbm>>
      %dma_start3A_61 = tpu.memref_squeeze %dma_start3A_60 : memref<1x64x80xi32, #tpu.memory_space<hbm>> -> memref<64x80xi32, #tpu.memory_space<hbm>>
      tpu.enqueue_dma source(%dma_start3A_61 : memref<64x80xi32, #tpu.memory_space<hbm>>) target(%arg6 : memref<64x80xi32, #tpu.memory_space<vmem>>) target_semaphore(%run_scoped3A : memref<!tpu.dma_semaphore, #tpu.memory_space<semaphore_mem>>)
      %dma_wait3A = arith.constant 64 : i32
      %dma_wait3A_62 = arith.constant 0 : i32
      %dma_wait3A_63 = tpu.memref_slice %arg3[%add3A, %dma_wait3A, %dma_wait3A_62] : memref<32x128x80xi32, #tpu.memory_space<hbm>> -> memref<1x64x80xi32, #tpu.memory_space<hbm>>
      %dma_wait3A_64 = tpu.memref_squeeze %dma_wait3A_63 : memref<1x64x80xi32, #tpu.memory_space<hbm>> -> memref<64x80xi32, #tpu.memory_space<hbm>>
      %dma_wait3A_65 = arith.constant 64 : i32
      %dma_wait3A_66 = arith.constant 0 : i32
      %dma_wait3A_67 = tpu.memref_slice %arg3[%add3A, %dma_wait3A_65, %dma_wait3A_66] : memref<32x128x80xi32, #tpu.memory_space<hbm>> -> memref<1x64x80xi32, #tpu.memory_space<hbm>>
      %dma_wait3A_68 = tpu.memref_squeeze %dma_wait3A_67 : memref<1x64x80xi32, #tpu.memory_space<hbm>> -> memref<64x80xi32, #tpu.memory_space<hbm>>
      tpu.wait_dma2 semaphore(%run_scoped3A : memref<!tpu.dma_semaphore, #tpu.memory_space<semaphore_mem>>) src(%dma_wait3A_68 : memref<64x80xi32, #tpu.memory_space<hbm>>) dst(%arg6 : memref<64x80xi32, #tpu.memory_space<vmem>>)
      tpu.yield
    }) : () -> ()
    "tpu.region"() ({
      %run_scoped3A = tpu.sem_alloc : memref<!tpu.dma_semaphore, #tpu.memory_space<semaphore_mem>>
      %dma_start3A_54 = arith.constant 64 : i32
      %dma_start3A_55 = arith.constant 0 : i32
      %dma_start3A_56 = tpu.memref_slice %arg4[%add3A, %dma_start3A_54, %dma_start3A_55] : memref<32x128x80xi32, #tpu.memory_space<hbm>> -> memref<1x64x80xi32, #tpu.memory_space<hbm>>
      %dma_start3A_57 = tpu.memref_squeeze %dma_start3A_56 : memref<1x64x80xi32, #tpu.memory_space<hbm>> -> memref<64x80xi32, #tpu.memory_space<hbm>>
      %dma_start3A_58 = arith.constant 64 : i32
      %dma_start3A_59 = arith.constant 0 : i32
      %dma_start3A_60 = tpu.memref_slice %arg4[%add3A, %dma_start3A_58, %dma_start3A_59] : memref<32x128x80xi32, #tpu.memory_space<hbm>> -> memref<1x64x80xi32, #tpu.memory_space<hbm>>
      %dma_start3A_61 = tpu.memref_squeeze %dma_start3A_60 : memref<1x64x80xi32, #tpu.memory_space<hbm>> -> memref<64x80xi32, #tpu.memory_space<hbm>>
      tpu.enqueue_dma source(%dma_start3A_61 : memref<64x80xi32, #tpu.memory_space<hbm>>) target(%arg7 : memref<64x80xi32, #tpu.memory_space<vmem>>) target_semaphore(%run_scoped3A : memref<!tpu.dma_semaphore, #tpu.memory_space<semaphore_mem>>)
      %dma_wait3A = arith.constant 64 : i32
      %dma_wait3A_62 = arith.constant 0 : i32
      %dma_wait3A_63 = tpu.memref_slice %arg4[%add3A, %dma_wait3A, %dma_wait3A_62] : memref<32x128x80xi32, #tpu.memory_space<hbm>> -> memref<1x64x80xi32, #tpu.memory_space<hbm>>
      %dma_wait3A_64 = tpu.memref_squeeze %dma_wait3A_63 : memref<1x64x80xi32, #tpu.memory_space<hbm>> -> memref<64x80xi32, #tpu.memory_space<hbm>>
      %dma_wait3A_65 = arith.constant 64 : i32
      %dma_wait3A_66 = arith.constant 0 : i32
      %dma_wait3A_67 = tpu.memref_slice %arg4[%add3A, %dma_wait3A_65, %dma_wait3A_66] : memref<32x128x80xi32, #tpu.memory_space<hbm>> -> memref<1x64x80xi32, #tpu.memory_space<hbm>>
      %dma_wait3A_68 = tpu.memref_squeeze %dma_wait3A_67 : memref<1x64x80xi32, #tpu.memory_space<hbm>> -> memref<64x80xi32, #tpu.memory_space<hbm>>
      tpu.wait_dma2 semaphore(%run_scoped3A : memref<!tpu.dma_semaphore, #tpu.memory_space<semaphore_mem>>) src(%dma_wait3A_68 : memref<64x80xi32, #tpu.memory_space<hbm>>) dst(%arg7 : memref<64x80xi32, #tpu.memory_space<vmem>>)
      tpu.yield
    }) : () -> ()
    %dma_start3A_39 = arith.constant 0 : i32
    %dma_start3A_40 = arith.constant 0 : i32
    %dma_start3A_41 = tpu.memref_slice %arg6[%dma_start3A_39, %dma_start3A_40] : memref<64x80xi32, #tpu.memory_space<vmem>> -> memref<1x80xi32, #tpu.memory_space<vmem>>
    %dma_start3A_42 = tpu.memref_squeeze %dma_start3A_41 : memref<1x80xi32, #tpu.memory_space<vmem>> -> memref<80xi32, #tpu.memory_space<vmem>>
    %dma_start3A_43 = arith.constant 0 : i32
    %dma_start3A_44 = arith.constant 0 : i32
    %dma_start3A_45 = tpu.memref_slice %arg2[%dma_start3A_43, %dma_start3A_44] : memref<10240x128xf32, #tpu.memory_space<hbm>> -> memref<10240x128xf32, #tpu.memory_space<hbm>>
    tpu.enqueue_indirect_dma source(%dma_start3A_45 : memref<10240x128xf32, #tpu.memory_space<hbm>>) target(%arg8 : memref<80x128xf32, #tpu.memory_space<vmem>>) offsets(%dma_start3A_42 : memref<80xi32, #tpu.memory_space<vmem>>) semaphore(%arg11 : memref<!tpu.dma_semaphore, #tpu.memory_space<semaphore_mem>>)
    %scan3A_46 = arith.constant 0 : i32
    %scan3A_47 = arith.constant 0 : i32
    %scan3A_48 = arith.constant 32 : i32
    %scan3A_49 = arith.addi %scan3A_47, %scan3A_48 : i32
    %scan3A_50 = arith.constant 1 : i32
    %scan3A_51 = scf.for %scan3A_54 = %scan3A_47 to %scan3A_49 step %scan3A_50 iter_args(%scan3A_55 = %scan3A_46) -> (i32)  : i32 {
      %mul3A_56 = arith.constant 2 : i32
      %mul3A_57 = arith.muli %mul3A_56, %scan3A_54 : i32
      %dma_wait3A = arith.constant 0 : i32
      %dma_wait3A_58 = tpu.memref_slice %arg6[%mul3A_57, %dma_wait3A] : memref<64x80xi32, #tpu.memory_space<vmem>> -> memref<1x80xi32, #tpu.memory_space<vmem>>
      %dma_wait3A_59 = tpu.memref_squeeze %dma_wait3A_58 : memref<1x80xi32, #tpu.memory_space<vmem>> -> memref<80xi32, #tpu.memory_space<vmem>>
      %dma_wait3A_60 = arith.constant 0 : i32
      %dma_wait3A_61 = arith.constant 0 : i32
      %dma_wait3A_62 = tpu.memref_slice %arg2[%dma_wait3A_60, %dma_wait3A_61] : memref<10240x128xf32, #tpu.memory_space<hbm>> -> memref<10240x128xf32, #tpu.memory_space<hbm>>
      tpu.wait_indirect_dma semaphore(%arg11 : memref<!tpu.dma_semaphore, #tpu.memory_space<semaphore_mem>>) src(%dma_wait3A_62 : memref<10240x128xf32, #tpu.memory_space<hbm>>) dst(%arg8 : memref<80x128xf32, #tpu.memory_space<vmem>>)
      %add3A_63 = arith.constant 1 : i32
      %add3A_64 = arith.addi %mul3A_57, %add3A_63 : i32
      %dma_start3A_65 = arith.constant 0 : i32
      %dma_start3A_66 = tpu.memref_slice %arg6[%add3A_64, %dma_start3A_65] : memref<64x80xi32, #tpu.memory_space<vmem>> -> memref<1x80xi32, #tpu.memory_space<vmem>>
      %dma_start3A_67 = tpu.memref_squeeze %dma_start3A_66 : memref<1x80xi32, #tpu.memory_space<vmem>> -> memref<80xi32, #tpu.memory_space<vmem>>
      %dma_start3A_68 = arith.constant 0 : i32
      %dma_start3A_69 = arith.constant 0 : i32
      %dma_start3A_70 = tpu.memref_slice %arg2[%dma_start3A_68, %dma_start3A_69] : memref<10240x128xf32, #tpu.memory_space<hbm>> -> memref<10240x128xf32, #tpu.memory_space<hbm>>
      tpu.enqueue_indirect_dma source(%dma_start3A_70 : memref<10240x128xf32, #tpu.memory_space<hbm>>) target(%arg9 : memref<80x128xf32, #tpu.memory_space<vmem>>) offsets(%dma_start3A_67 : memref<80xi32, #tpu.memory_space<vmem>>) semaphore(%arg12 : memref<!tpu.dma_semaphore, #tpu.memory_space<semaphore_mem>>)
      "tpu.region"() ({
        %run_scoped3A = tpu.sem_alloc : memref<!tpu.dma_semaphore, #tpu.memory_space<semaphore_mem>>
        %dma_start3A_86 = arith.constant 0 : i32
        %dma_start3A_87 = tpu.memref_slice %arg7[%mul3A_57, %dma_start3A_86] : memref<64x80xi32, #tpu.memory_space<vmem>> -> memref<1x80xi32, #tpu.memory_space<vmem>>
        %dma_start3A_88 = tpu.memref_squeeze %dma_start3A_87 : memref<1x80xi32, #tpu.memory_space<vmem>> -> memref<80xi32, #tpu.memory_space<vmem>>
        %dma_start3A_89 = arith.constant 0 : i32
        %dma_start3A_90 = arith.constant 0 : i32
        %dma_start3A_91 = tpu.memref_slice %arg10[%dma_start3A_89, %dma_start3A_90] : memref<10240x128xf32, #tpu.memory_space<vmem_shared>> -> memref<10240x128xf32, #tpu.memory_space<vmem_shared>>
        tpu.enqueue_indirect_dma source(%arg8 : memref<80x128xf32, #tpu.memory_space<vmem>>) target(%dma_start3A_91 : memref<10240x128xf32, #tpu.memory_space<vmem_shared>>) offsets(%dma_start3A_88 : memref<80xi32, #tpu.memory_space<vmem>>) semaphore(%run_scoped3A : memref<!tpu.dma_semaphore, #tpu.memory_space<semaphore_mem>>) {add = true}
        %dma_wait3A_92 = arith.constant 0 : i32
        %dma_wait3A_93 = tpu.memref_slice %arg7[%mul3A_57, %dma_wait3A_92] : memref<64x80xi32, #tpu.memory_space<vmem>> -> memref<1x80xi32, #tpu.memory_space<vmem>>
        %dma_wait3A_94 = tpu.memref_squeeze %dma_wait3A_93 : memref<1x80xi32, #tpu.memory_space<vmem>> -> memref<80xi32, #tpu.memory_space<vmem>>
        %dma_wait3A_95 = arith.constant 0 : i32
        %dma_wait3A_96 = arith.constant 0 : i32
        %dma_wait3A_97 = tpu.memref_slice %arg10[%dma_wait3A_95, %dma_wait3A_96] : memref<10240x128xf32, #tpu.memory_space<vmem_shared>> -> memref<10240x128xf32, #tpu.memory_space<vmem_shared>>
        tpu.wait_indirect_dma semaphore(%run_scoped3A : memref<!tpu.dma_semaphore, #tpu.memory_space<semaphore_mem>>) src(%arg8 : memref<80x128xf32, #tpu.memory_space<vmem>>) dst(%dma_wait3A_97 : memref<10240x128xf32, #tpu.memory_space<vmem_shared>>)
        tpu.yield
      }) : () -> ()
      %add3A_71 = arith.constant 1 : i32
      %add3A_72 = arith.addi %mul3A_57, %add3A_71 : i32
      %dma_wait3A_73 = arith.constant 0 : i32
      %dma_wait3A_74 = tpu.memref_slice %arg6[%add3A_72, %dma_wait3A_73] : memref<64x80xi32, #tpu.memory_space<vmem>> -> memref<1x80xi32, #tpu.memory_space<vmem>>
      %dma_wait3A_75 = tpu.memref_squeeze %dma_wait3A_74 : memref<1x80xi32, #tpu.memory_space<vmem>> -> memref<80xi32, #tpu.memory_space<vmem>>
      %dma_wait3A_76 = arith.constant 0 : i32
      %dma_wait3A_77 = arith.constant 0 : i32
      %dma_wait3A_78 = tpu.memref_slice %arg2[%dma_wait3A_76, %dma_wait3A_77] : memref<10240x128xf32, #tpu.memory_space<hbm>> -> memref<10240x128xf32, #tpu.memory_space<hbm>>
      tpu.wait_indirect_dma semaphore(%arg12 : memref<!tpu.dma_semaphore, #tpu.memory_space<semaphore_mem>>) src(%dma_wait3A_78 : memref<10240x128xf32, #tpu.memory_space<hbm>>) dst(%arg9 : memref<80x128xf32, #tpu.memory_space<vmem>>)
      %add3A_79 = arith.constant 2 : i32
      %add3A_80 = arith.addi %mul3A_57, %add3A_79 : i32
      %lt3A = arith.constant 64 : i32
      %lt3A_81 = arith.cmpi slt, %add3A_80, %lt3A : i32
      %convert_element_type3A = arith.extui %lt3A_81 : i1 to i32
      %cond3A = arith.constant 0 : i32
      %cond3A_82 = arith.cmpi ne, %convert_element_type3A, %cond3A : i32
      scf.if %cond3A_82 {
        %add3A_86 = arith.constant 2 : i32
        %add3A_87 = arith.addi %mul3A_57, %add3A_86 : i32
        %dma_start3A_88 = arith.constant 0 : i32
        %dma_start3A_89 = tpu.memref_slice %arg6[%add3A_87, %dma_start3A_88] : memref<64x80xi32, #tpu.memory_space<vmem>> -> memref<1x80xi32, #tpu.memory_space<vmem>>
        %dma_start3A_90 = tpu.memref_squeeze %dma_start3A_89 : memref<1x80xi32, #tpu.memory_space<vmem>> -> memref<80xi32, #tpu.memory_space<vmem>>
        %dma_start3A_91 = arith.constant 0 : i32
        %dma_start3A_92 = arith.constant 0 : i32
        %dma_start3A_93 = tpu.memref_slice %arg2[%dma_start3A_91, %dma_start3A_92] : memref<10240x128xf32, #tpu.memory_space<hbm>> -> memref<10240x128xf32, #tpu.memory_space<hbm>>
        tpu.enqueue_indirect_dma source(%dma_start3A_93 : memref<10240x128xf32, #tpu.memory_space<hbm>>) target(%arg8 : memref<80x128xf32, #tpu.memory_space<vmem>>) offsets(%dma_start3A_90 : memref<80xi32, #tpu.memory_space<vmem>>) semaphore(%arg11 : memref<!tpu.dma_semaphore, #tpu.memory_space<semaphore_mem>>)
      } else {
      }
      %add3A_83 = arith.constant 1 : i32
      %add3A_84 = arith.addi %mul3A_57, %add3A_83 : i32
      "tpu.region"() ({
        %run_scoped3A = tpu.sem_alloc : memref<!tpu.dma_semaphore, #tpu.memory_space<semaphore_mem>>
        %dma_start3A_86 = arith.constant 0 : i32
        %dma_start3A_87 = tpu.memref_slice %arg7[%add3A_84, %dma_start3A_86] : memref<64x80xi32, #tpu.memory_space<vmem>> -> memref<1x80xi32, #tpu.memory_space<vmem>>
        %dma_start3A_88 = tpu.memref_squeeze %dma_start3A_87 : memref<1x80xi32, #tpu.memory_space<vmem>> -> memref<80xi32, #tpu.memory_space<vmem>>
        %dma_start3A_89 = arith.constant 0 : i32
        %dma_start3A_90 = arith.constant 0 : i32
        %dma_start3A_91 = tpu.memref_slice %arg10[%dma_start3A_89, %dma_start3A_90] : memref<10240x128xf32, #tpu.memory_space<vmem_shared>> -> memref<10240x128xf32, #tpu.memory_space<vmem_shared>>
        tpu.enqueue_indirect_dma source(%arg9 : memref<80x128xf32, #tpu.memory_space<vmem>>) target(%dma_start3A_91 : memref<10240x128xf32, #tpu.memory_space<vmem_shared>>) offsets(%dma_start3A_88 : memref<80xi32, #tpu.memory_space<vmem>>) semaphore(%run_scoped3A : memref<!tpu.dma_semaphore, #tpu.memory_space<semaphore_mem>>) {add = true}
        %dma_wait3A_92 = arith.constant 0 : i32
        %dma_wait3A_93 = tpu.memref_slice %arg7[%add3A_84, %dma_wait3A_92] : memref<64x80xi32, #tpu.memory_space<vmem>> -> memref<1x80xi32, #tpu.memory_space<vmem>>
        %dma_wait3A_94 = tpu.memref_squeeze %dma_wait3A_93 : memref<1x80xi32, #tpu.memory_space<vmem>> -> memref<80xi32, #tpu.memory_space<vmem>>
        %dma_wait3A_95 = arith.constant 0 : i32
        %dma_wait3A_96 = arith.constant 0 : i32
        %dma_wait3A_97 = tpu.memref_slice %arg10[%dma_wait3A_95, %dma_wait3A_96] : memref<10240x128xf32, #tpu.memory_space<vmem_shared>> -> memref<10240x128xf32, #tpu.memory_space<vmem_shared>>
        tpu.wait_indirect_dma semaphore(%run_scoped3A : memref<!tpu.dma_semaphore, #tpu.memory_space<semaphore_mem>>) src(%arg9 : memref<80x128xf32, #tpu.memory_space<vmem>>) dst(%dma_wait3A_97 : memref<10240x128xf32, #tpu.memory_space<vmem_shared>>)
        tpu.yield
      }) : () -> ()
      %scan3A_85 = arith.constant 0 : i32
      scf.yield %scan3A_85 : i32
    }
    %scan3A_52 = arith.constant 32 : i32
    %barrier3A_53 = arith.constant 0 : index
    tpu.barrier barrier_id(%barrier3A_53)
    "tpu.region"() ({
      %run_scoped3A = tpu.sem_alloc : memref<!tpu.dma_semaphore, #tpu.memory_space<semaphore_mem>>
      %dma_start3A_54 = arith.constant 0 : i32
      %dma_start3A_55 = tpu.memref_slice %arg5[%arg0, %mul3A_9, %dma_start3A_54] : memref<2x10240x128xf32, #tpu.memory_space<hbm>> -> memref<1x640x128xf32, #tpu.memory_space<hbm>>
      %dma_start3A_56 = tpu.memref_squeeze %dma_start3A_55 : memref<1x640x128xf32, #tpu.memory_space<hbm>> -> memref<640x128xf32, #tpu.memory_space<hbm>>
      %dma_start3A_57 = arith.constant 0 : i32
      %dma_start3A_58 = tpu.memref_slice %arg10[%mul3A_9, %dma_start3A_57] : memref<10240x128xf32, #tpu.memory_space<vmem_shared>> -> memref<640x128xf32, #tpu.memory_space<vmem_shared>>
      tpu.enqueue_dma source(%dma_start3A_58 : memref<640x128xf32, #tpu.memory_space<vmem_shared>>) target(%dma_start3A_56 : memref<640x128xf32, #tpu.memory_space<hbm>>) target_semaphore(%run_scoped3A : memref<!tpu.dma_semaphore, #tpu.memory_space<semaphore_mem>>)
      %dma_wait3A = arith.constant 0 : i32
      %dma_wait3A_59 = tpu.memref_slice %arg5[%arg0, %mul3A_9, %dma_wait3A] : memref<2x10240x128xf32, #tpu.memory_space<hbm>> -> memref<1x640x128xf32, #tpu.memory_space<hbm>>
      %dma_wait3A_60 = tpu.memref_squeeze %dma_wait3A_59 : memref<1x640x128xf32, #tpu.memory_space<hbm>> -> memref<640x128xf32, #tpu.memory_space<hbm>>
      %dma_wait3A_61 = arith.constant 0 : i32
      %dma_wait3A_62 = tpu.memref_slice %arg10[%mul3A_9, %dma_wait3A_61] : memref<10240x128xf32, #tpu.memory_space<vmem_shared>> -> memref<640x128xf32, #tpu.memory_space<vmem_shared>>
      tpu.wait_dma2 semaphore(%run_scoped3A : memref<!tpu.dma_semaphore, #tpu.memory_space<semaphore_mem>>) src(%dma_wait3A_62 : memref<640x128xf32, #tpu.memory_space<vmem_shared>>) dst(%dma_wait3A_60 : memref<640x128xf32, #tpu.memory_space<hbm>>)
      tpu.yield
    }) : () -> ()
    return
  }
}

#map = affine_map<(d0, d1) -> (0, 0)>
#map1 = affine_map<(d0, d1) -> (0, 0, 0)>
module attributes {stable_mosaic.version = 14 : i64} {
  func.func @k(%arg0: i32, %arg1: i32, %arg2: memref<10240x128xf32, #tpu.memory_space<hbm>>, %arg3: memref<32x128x80xi32, #tpu.memory_space<hbm>>, %arg4: memref<32x128x80xi32, #tpu.memory_space<hbm>>, %arg5: memref<2x10240x128xf32, #tpu.memory_space<hbm>>, %arg6: memref<64x80xi32, #tpu.memory_space<vmem>>, %arg7: memref<64x80xi32, #tpu.memory_space<vmem>>, %arg8: memref<80x128xf32, #tpu.memory_space<vmem>>, %arg9: memref<80x128xf32, #tpu.memory_space<vmem>>, %arg10: memref<10240x128xf32, #tpu.memory_space<vmem_shared>>, %arg11: memref<!tpu.dma_semaphore, #tpu.memory_space<semaphore_mem>>, %arg12: memref<!tpu.dma_semaphore, #tpu.memory_space<semaphore_mem>>) attributes {dimension_semantics = [#tpu.dimension_semantics<core_parallel>, #tpu.dimension_semantics<subcore_parallel>], iteration_bounds = array<i64: 2, 16>, scalar_prefetch = 0 : i64, scratch_operands = 7 : i64, tpu.core_type = #tpu.core_type<sc_vector_subcore>, window_params = [{transform_indices = #map}, {transform_indices = #map1}, {transform_indices = #map1}, {transform_indices = #map1}]} {
    %mul3A = arith.constant 16 : i32
    %mul3A_0 = arith.muli %arg0, %mul3A : i32
    %add3A = arith.addi %mul3A_0, %arg1 : i32
    %broadcast_in_dim3A = arith.constant 0.000000e+00 : f32
    %broadcast_in_dim3A_1 = vector.broadcast %broadcast_in_dim3A : f32 to vector<16xf32>
    %scan3A = arith.constant 0 : i32
    %scan3A_2 = arith.constant 0 : i32
    %scan3A_3 = arith.constant 80 : i32
    %scan3A_4 = arith.addi %scan3A_2, %scan3A_3 : i32
    %scan3A_5 = arith.constant 1 : i32
    %scan3A_6 = scf.for %scan3A_54 = %scan3A_2 to %scan3A_4 step %scan3A_5 iter_args(%scan3A_55 = %scan3A) -> (i32)  : i32 {
      %swap3A = arith.index_cast %scan3A_54 : i32 to index
      %swap3A_56 = arith.constant 0 : index
      %swap3A_57 = tpu.vector_load %arg8[%swap3A, %swap3A_56] {strides = array<i32>} : memref<80x128xf32, #tpu.memory_space<vmem>>, vector<1x16xf32>,
      %swap3A_58 = vector.shape_cast %swap3A_57 : vector<1x16xf32> to vector<16xf32>
      %swap3A_59 = vector.shape_cast %broadcast_in_dim3A_1 : vector<16xf32> to vector<1x16xf32>
      tpu.vector_store %arg8[%swap3A, %swap3A_56], %swap3A_59 {strides = array<i32>} : memref<80x128xf32, #tpu.memory_space<vmem>>, vector<1x16xf32>,
      %swap3A_60 = arith.index_cast %scan3A_54 : i32 to index
      %swap3A_61 = arith.constant 16 : index
      %swap3A_62 = tpu.vector_load %arg8[%swap3A_60, %swap3A_61] {strides = array<i32>} : memref<80x128xf32, #tpu.memory_space<vmem>>, vector<1x16xf32>,
      %swap3A_63 = vector.shape_cast %swap3A_62 : vector<1x16xf32> to vector<16xf32>
      %swap3A_64 = vector.shape_cast %broadcast_in_dim3A_1 : vector<16xf32> to vector<1x16xf32>
      tpu.vector_store %arg8[%swap3A_60, %swap3A_61], %swap3A_64 {strides = array<i32>} : memref<80x128xf32, #tpu.memory_space<vmem>>, vector<1x16xf32>,
      %swap3A_65 = arith.index_cast %scan3A_54 : i32 to index
      %swap3A_66 = arith.constant 32 : index
      %swap3A_67 = tpu.vector_load %arg8[%swap3A_65, %swap3A_66] {strides = array<i32>} : memref<80x128xf32, #tpu.memory_space<vmem>>, vector<1x16xf32>,
      %swap3A_68 = vector.shape_cast %swap3A_67 : vector<1x16xf32> to vector<16xf32>
      %swap3A_69 = vector.shape_cast %broadcast_in_dim3A_1 : vector<16xf32> to vector<1x16xf32>
      tpu.vector_store %arg8[%swap3A_65, %swap3A_66], %swap3A_69 {strides = array<i32>} : memref<80x128xf32, #tpu.memory_space<vmem>>, vector<1x16xf32>,
      %swap3A_70 = arith.index_cast %scan3A_54 : i32 to index
      %swap3A_71 = arith.constant 48 : index
      %swap3A_72 = tpu.vector_load %arg8[%swap3A_70, %swap3A_71] {strides = array<i32>} : memref<80x128xf32, #tpu.memory_space<vmem>>, vector<1x16xf32>,
      %swap3A_73 = vector.shape_cast %swap3A_72 : vector<1x16xf32> to vector<16xf32>
      %swap3A_74 = vector.shape_cast %broadcast_in_dim3A_1 : vector<16xf32> to vector<1x16xf32>
      tpu.vector_store %arg8[%swap3A_70, %swap3A_71], %swap3A_74 {strides = array<i32>} : memref<80x128xf32, #tpu.memory_space<vmem>>, vector<1x16xf32>,
      %swap3A_75 = arith.index_cast %scan3A_54 : i32 to index
      %swap3A_76 = arith.constant 64 : index
      %swap3A_77 = tpu.vector_load %arg8[%swap3A_75, %swap3A_76] {strides = array<i32>} : memref<80x128xf32, #tpu.memory_space<vmem>>, vector<1x16xf32>,
      %swap3A_78 = vector.shape_cast %swap3A_77 : vector<1x16xf32> to vector<16xf32>
      %swap3A_79 = vector.shape_cast %broadcast_in_dim3A_1 : vector<16xf32> to vector<1x16xf32>
      tpu.vector_store %arg8[%swap3A_75, %swap3A_76], %swap3A_79 {strides = array<i32>} : memref<80x128xf32, #tpu.memory_space<vmem>>, vector<1x16xf32>,
      %swap3A_80 = arith.index_cast %scan3A_54 : i32 to index
      %swap3A_81 = arith.constant 80 : index
      %swap3A_82 = tpu.vector_load %arg8[%swap3A_80, %swap3A_81] {strides = array<i32>} : memref<80x128xf32, #tpu.memory_space<vmem>>, vector<1x16xf32>,
      %swap3A_83 = vector.shape_cast %swap3A_82 : vector<1x16xf32> to vector<16xf32>
      %swap3A_84 = vector.shape_cast %broadcast_in_dim3A_1 : vector<16xf32> to vector<1x16xf32>
      tpu.vector_store %arg8[%swap3A_80, %swap3A_81], %swap3A_84 {strides = array<i32>} : memref<80x128xf32, #tpu.memory_space<vmem>>, vector<1x16xf32>,
      %swap3A_85 = arith.index_cast %scan3A_54 : i32 to index
      %swap3A_86 = arith.constant 96 : index
      %swap3A_87 = tpu.vector_load %arg8[%swap3A_85, %swap3A_86] {strides = array<i32>} : memref<80x128xf32, #tpu.memory_space<vmem>>, vector<1x16xf32>,
      %swap3A_88 = vector.shape_cast %swap3A_87 : vector<1x16xf32> to vector<16xf32>
      %swap3A_89 = vector.shape_cast %broadcast_in_dim3A_1 : vector<16xf32> to vector<1x16xf32>
      tpu.vector_store %arg8[%swap3A_85, %swap3A_86], %swap3A_89 {strides = array<i32>} : memref<80x128xf32, #tpu.memory_space<vmem>>, vector<1x16xf32>,
      %swap3A_90 = arith.index_cast %scan3A_54 : i32 to index
      %swap3A_91 = arith.constant 112 : index
      %swap3A_92 = tpu.vector_load %arg8[%swap3A_90, %swap3A_91] {strides = array<i32>} : memref<80x128xf32, #tpu.memory_space<vmem>>, vector<1x16xf32>,
      %swap3A_93 = vector.shape_cast %swap3A_92 : vector<1x16xf32> to vector<16xf32>
      %swap3A_94 = vector.shape_cast %broadcast_in_dim3A_1 : vector<16xf32> to vector<1x16xf32>
      tpu.vector_store %arg8[%swap3A_90, %swap3A_91], %swap3A_94 {strides = array<i32>} : memref<80x128xf32, #tpu.memory_space<vmem>>, vector<1x16xf32>,
      %scan3A_95 = arith.constant 0 : i32
      scf.yield %scan3A_95 : i32
    }
    %scan3A_7 = arith.constant 80 : i32
    %mul3A_8 = arith.constant 640 : i32
    %mul3A_9 = arith.muli %arg1, %mul3A_8 : i32
    %add3A_10 = arith.constant 0 : i32
    %add3A_11 = arith.addi %mul3A_9, %add3A_10 : i32
    "tpu.region"() ({
      %run_scoped3A = tpu.sem_alloc : memref<!tpu.dma_semaphore, #tpu.memory_space<semaphore_mem>>
      %dma_start3A_54 = arith.constant 0 : i32
      %dma_start3A_55 = tpu.memref_slice %arg10[%add3A_11, %dma_start3A_54] : memref<10240x128xf32, #tpu.memory_space<vmem_shared>> -> memref<80x128xf32, #tpu.memory_space<vmem_shared>>
      %dma_start3A_56 = arith.constant 0 : i32
      %dma_start3A_57 = tpu.memref_slice %arg10[%add3A_11, %dma_start3A_56] : memref<10240x128xf32, #tpu.memory_space<vmem_shared>> -> memref<80x128xf32, #tpu.memory_space<vmem_shared>>
      tpu.enqueue_dma source(%arg8 : memref<80x128xf32, #tpu.memory_space<vmem>>) target(%dma_start3A_57 : memref<80x128xf32, #tpu.memory_space<vmem_shared>>) target_semaphore(%run_scoped3A : memref<!tpu.dma_semaphore, #tpu.memory_space<semaphore_mem>>)
      %dma_wait3A = arith.constant 0 : i32
      %dma_wait3A_58 = tpu.memref_slice %arg10[%add3A_11, %dma_wait3A] : memref<10240x128xf32, #tpu.memory_space<vmem_shared>> -> memref<80x128xf32, #tpu.memory_space<vmem_shared>>
      %dma_wait3A_59 = arith.constant 0 : i32
      %dma_wait3A_60 = tpu.memref_slice %arg10[%add3A_11, %dma_wait3A_59] : memref<10240x128xf32, #tpu.memory_space<vmem_shared>> -> memref<80x128xf32, #tpu.memory_space<vmem_shared>>
      tpu.wait_dma2 semaphore(%run_scoped3A : memref<!tpu.dma_semaphore, #tpu.memory_space<semaphore_mem>>) src(%arg8 : memref<80x128xf32, #tpu.memory_space<vmem>>) dst(%dma_wait3A_60 : memref<80x128xf32, #tpu.memory_space<vmem_shared>>)
      tpu.yield
    }) : () -> ()
    %add3A_12 = arith.constant 80 : i32
    %add3A_13 = arith.addi %mul3A_9, %add3A_12 : i32
    "tpu.region"() ({
      %run_scoped3A = tpu.sem_alloc : memref<!tpu.dma_semaphore, #tpu.memory_space<semaphore_mem>>
      %dma_start3A_54 = arith.constant 0 : i32
      %dma_start3A_55 = tpu.memref_slice %arg10[%add3A_13, %dma_start3A_54] : memref<10240x128xf32, #tpu.memory_space<vmem_shared>> -> memref<80x128xf32, #tpu.memory_space<vmem_shared>>
      %dma_start3A_56 = arith.constant 0 : i32
      %dma_start3A_57 = tpu.memref_slice %arg10[%add3A_13, %dma_start3A_56] : memref<10240x128xf32, #tpu.memory_space<vmem_shared>> -> memref<80x128xf32, #tpu.memory_space<vmem_shared>>
      tpu.enqueue_dma source(%arg8 : memref<80x128xf32, #tpu.memory_space<vmem>>) target(%dma_start3A_57 : memref<80x128xf32, #tpu.memory_space<vmem_shared>>) target_semaphore(%run_scoped3A : memref<!tpu.dma_semaphore, #tpu.memory_space<semaphore_mem>>)
      %dma_wait3A = arith.constant 0 : i32
      %dma_wait3A_58 = tpu.memref_slice %arg10[%add3A_13, %dma_wait3A] : memref<10240x128xf32, #tpu.memory_space<vmem_shared>> -> memref<80x128xf32, #tpu.memory_space<vmem_shared>>
      %dma_wait3A_59 = arith.constant 0 : i32
      %dma_wait3A_60 = tpu.memref_slice %arg10[%add3A_13, %dma_wait3A_59] : memref<10240x128xf32, #tpu.memory_space<vmem_shared>> -> memref<80x128xf32, #tpu.memory_space<vmem_shared>>
      tpu.wait_dma2 semaphore(%run_scoped3A : memref<!tpu.dma_semaphore, #tpu.memory_space<semaphore_mem>>) src(%arg8 : memref<80x128xf32, #tpu.memory_space<vmem>>) dst(%dma_wait3A_60 : memref<80x128xf32, #tpu.memory_space<vmem_shared>>)
      tpu.yield
    }) : () -> ()
    %add3A_14 = arith.constant 160 : i32
    %add3A_15 = arith.addi %mul3A_9, %add3A_14 : i32
    "tpu.region"() ({
      %run_scoped3A = tpu.sem_alloc : memref<!tpu.dma_semaphore, #tpu.memory_space<semaphore_mem>>
      %dma_start3A_54 = arith.constant 0 : i32
      %dma_start3A_55 = tpu.memref_slice %arg10[%add3A_15, %dma_start3A_54] : memref<10240x128xf32, #tpu.memory_space<vmem_shared>> -> memref<80x128xf32, #tpu.memory_space<vmem_shared>>
      %dma_start3A_56 = arith.constant 0 : i32
      %dma_start3A_57 = tpu.memref_slice %arg10[%add3A_15, %dma_start3A_56] : memref<10240x128xf32, #tpu.memory_space<vmem_shared>> -> memref<80x128xf32, #tpu.memory_space<vmem_shared>>
      tpu.enqueue_dma source(%arg8 : memref<80x128xf32, #tpu.memory_space<vmem>>) target(%dma_start3A_57 : memref<80x128xf32, #tpu.memory_space<vmem_shared>>) target_semaphore(%run_scoped3A : memref<!tpu.dma_semaphore, #tpu.memory_space<semaphore_mem>>)
      %dma_wait3A = arith.constant 0 : i32
      %dma_wait3A_58 = tpu.memref_slice %arg10[%add3A_15, %dma_wait3A] : memref<10240x128xf32, #tpu.memory_space<vmem_shared>> -> memref<80x128xf32, #tpu.memory_space<vmem_shared>>
      %dma_wait3A_59 = arith.constant 0 : i32
      %dma_wait3A_60 = tpu.memref_slice %arg10[%add3A_15, %dma_wait3A_59] : memref<10240x128xf32, #tpu.memory_space<vmem_shared>> -> memref<80x128xf32, #tpu.memory_space<vmem_shared>>
      tpu.wait_dma2 semaphore(%run_scoped3A : memref<!tpu.dma_semaphore, #tpu.memory_space<semaphore_mem>>) src(%arg8 : memref<80x128xf32, #tpu.memory_space<vmem>>) dst(%dma_wait3A_60 : memref<80x128xf32, #tpu.memory_space<vmem_shared>>)
      tpu.yield
    }) : () -> ()
    %add3A_16 = arith.constant 240 : i32
    %add3A_17 = arith.addi %mul3A_9, %add3A_16 : i32
    "tpu.region"() ({
      %run_scoped3A = tpu.sem_alloc : memref<!tpu.dma_semaphore, #tpu.memory_space<semaphore_mem>>
      %dma_start3A_54 = arith.constant 0 : i32
      %dma_start3A_55 = tpu.memref_slice %arg10[%add3A_17, %dma_start3A_54] : memref<10240x128xf32, #tpu.memory_space<vmem_shared>> -> memref<80x128xf32, #tpu.memory_space<vmem_shared>>
      %dma_start3A_56 = arith.constant 0 : i32
      %dma_start3A_57 = tpu.memref_slice %arg10[%add3A_17, %dma_start3A_56] : memref<10240x128xf32, #tpu.memory_space<vmem_shared>> -> memref<80x128xf32, #tpu.memory_space<vmem_shared>>
      tpu.enqueue_dma source(%arg8 : memref<80x128xf32, #tpu.memory_space<vmem>>) target(%dma_start3A_57 : memref<80x128xf32, #tpu.memory_space<vmem_shared>>) target_semaphore(%run_scoped3A : memref<!tpu.dma_semaphore, #tpu.memory_space<semaphore_mem>>)
      %dma_wait3A = arith.constant 0 : i32
      %dma_wait3A_58 = tpu.memref_slice %arg10[%add3A_17, %dma_wait3A] : memref<10240x128xf32, #tpu.memory_space<vmem_shared>> -> memref<80x128xf32, #tpu.memory_space<vmem_shared>>
      %dma_wait3A_59 = arith.constant 0 : i32
      %dma_wait3A_60 = tpu.memref_slice %arg10[%add3A_17, %dma_wait3A_59] : memref<10240x128xf32, #tpu.memory_space<vmem_shared>> -> memref<80x128xf32, #tpu.memory_space<vmem_shared>>
      tpu.wait_dma2 semaphore(%run_scoped3A : memref<!tpu.dma_semaphore, #tpu.memory_space<semaphore_mem>>) src(%arg8 : memref<80x128xf32, #tpu.memory_space<vmem>>) dst(%dma_wait3A_60 : memref<80x128xf32, #tpu.memory_space<vmem_shared>>)
      tpu.yield
    }) : () -> ()
    %add3A_18 = arith.constant 320 : i32
    %add3A_19 = arith.addi %mul3A_9, %add3A_18 : i32
    "tpu.region"() ({
      %run_scoped3A = tpu.sem_alloc : memref<!tpu.dma_semaphore, #tpu.memory_space<semaphore_mem>>
      %dma_start3A_54 = arith.constant 0 : i32
      %dma_start3A_55 = tpu.memref_slice %arg10[%add3A_19, %dma_start3A_54] : memref<10240x128xf32, #tpu.memory_space<vmem_shared>> -> memref<80x128xf32, #tpu.memory_space<vmem_shared>>
      %dma_start3A_56 = arith.constant 0 : i32
      %dma_start3A_57 = tpu.memref_slice %arg10[%add3A_19, %dma_start3A_56] : memref<10240x128xf32, #tpu.memory_space<vmem_shared>> -> memref<80x128xf32, #tpu.memory_space<vmem_shared>>
      tpu.enqueue_dma source(%arg8 : memref<80x128xf32, #tpu.memory_space<vmem>>) target(%dma_start3A_57 : memref<80x128xf32, #tpu.memory_space<vmem_shared>>) target_semaphore(%run_scoped3A : memref<!tpu.dma_semaphore, #tpu.memory_space<semaphore_mem>>)
      %dma_wait3A = arith.constant 0 : i32
      %dma_wait3A_58 = tpu.memref_slice %arg10[%add3A_19, %dma_wait3A] : memref<10240x128xf32, #tpu.memory_space<vmem_shared>> -> memref<80x128xf32, #tpu.memory_space<vmem_shared>>
      %dma_wait3A_59 = arith.constant 0 : i32
      %dma_wait3A_60 = tpu.memref_slice %arg10[%add3A_19, %dma_wait3A_59] : memref<10240x128xf32, #tpu.memory_space<vmem_shared>> -> memref<80x128xf32, #tpu.memory_space<vmem_shared>>
      tpu.wait_dma2 semaphore(%run_scoped3A : memref<!tpu.dma_semaphore, #tpu.memory_space<semaphore_mem>>) src(%arg8 : memref<80x128xf32, #tpu.memory_space<vmem>>) dst(%dma_wait3A_60 : memref<80x128xf32, #tpu.memory_space<vmem_shared>>)
      tpu.yield
    }) : () -> ()
    %add3A_20 = arith.constant 400 : i32
    %add3A_21 = arith.addi %mul3A_9, %add3A_20 : i32
    "tpu.region"() ({
      %run_scoped3A = tpu.sem_alloc : memref<!tpu.dma_semaphore, #tpu.memory_space<semaphore_mem>>
      %dma_start3A_54 = arith.constant 0 : i32
      %dma_start3A_55 = tpu.memref_slice %arg10[%add3A_21, %dma_start3A_54] : memref<10240x128xf32, #tpu.memory_space<vmem_shared>> -> memref<80x128xf32, #tpu.memory_space<vmem_shared>>
      %dma_start3A_56 = arith.constant 0 : i32
      %dma_start3A_57 = tpu.memref_slice %arg10[%add3A_21, %dma_start3A_56] : memref<10240x128xf32, #tpu.memory_space<vmem_shared>> -> memref<80x128xf32, #tpu.memory_space<vmem_shared>>
      tpu.enqueue_dma source(%arg8 : memref<80x128xf32, #tpu.memory_space<vmem>>) target(%dma_start3A_57 : memref<80x128xf32, #tpu.memory_space<vmem_shared>>) target_semaphore(%run_scoped3A : memref<!tpu.dma_semaphore, #tpu.memory_space<semaphore_mem>>)
      %dma_wait3A = arith.constant 0 : i32
      %dma_wait3A_58 = tpu.memref_slice %arg10[%add3A_21, %dma_wait3A] : memref<10240x128xf32, #tpu.memory_space<vmem_shared>> -> memref<80x128xf32, #tpu.memory_space<vmem_shared>>
      %dma_wait3A_59 = arith.constant 0 : i32
      %dma_wait3A_60 = tpu.memref_slice %arg10[%add3A_21, %dma_wait3A_59] : memref<10240x128xf32, #tpu.memory_space<vmem_shared>> -> memref<80x128xf32, #tpu.memory_space<vmem_shared>>
      tpu.wait_dma2 semaphore(%run_scoped3A : memref<!tpu.dma_semaphore, #tpu.memory_space<semaphore_mem>>) src(%arg8 : memref<80x128xf32, #tpu.memory_space<vmem>>) dst(%dma_wait3A_60 : memref<80x128xf32, #tpu.memory_space<vmem_shared>>)
      tpu.yield
    }) : () -> ()
    %add3A_22 = arith.constant 480 : i32
    %add3A_23 = arith.addi %mul3A_9, %add3A_22 : i32
    "tpu.region"() ({
      %run_scoped3A = tpu.sem_alloc : memref<!tpu.dma_semaphore, #tpu.memory_space<semaphore_mem>>
      %dma_start3A_54 = arith.constant 0 : i32
      %dma_start3A_55 = tpu.memref_slice %arg10[%add3A_23, %dma_start3A_54] : memref<10240x128xf32, #tpu.memory_space<vmem_shared>> -> memref<80x128xf32, #tpu.memory_space<vmem_shared>>
      %dma_start3A_56 = arith.constant 0 : i32
      %dma_start3A_57 = tpu.memref_slice %arg10[%add3A_23, %dma_start3A_56] : memref<10240x128xf32, #tpu.memory_space<vmem_shared>> -> memref<80x128xf32, #tpu.memory_space<vmem_shared>>
      tpu.enqueue_dma source(%arg8 : memref<80x128xf32, #tpu.memory_space<vmem>>) target(%dma_start3A_57 : memref<80x128xf32, #tpu.memory_space<vmem_shared>>) target_semaphore(%run_scoped3A : memref<!tpu.dma_semaphore, #tpu.memory_space<semaphore_mem>>)
      %dma_wait3A = arith.constant 0 : i32
      %dma_wait3A_58 = tpu.memref_slice %arg10[%add3A_23, %dma_wait3A] : memref<10240x128xf32, #tpu.memory_space<vmem_shared>> -> memref<80x128xf32, #tpu.memory_space<vmem_shared>>
      %dma_wait3A_59 = arith.constant 0 : i32
      %dma_wait3A_60 = tpu.memref_slice %arg10[%add3A_23, %dma_wait3A_59] : memref<10240x128xf32, #tpu.memory_space<vmem_shared>> -> memref<80x128xf32, #tpu.memory_space<vmem_shared>>
      tpu.wait_dma2 semaphore(%run_scoped3A : memref<!tpu.dma_semaphore, #tpu.memory_space<semaphore_mem>>) src(%arg8 : memref<80x128xf32, #tpu.memory_space<vmem>>) dst(%dma_wait3A_60 : memref<80x128xf32, #tpu.memory_space<vmem_shared>>)
      tpu.yield
    }) : () -> ()
    %add3A_24 = arith.constant 560 : i32
    %add3A_25 = arith.addi %mul3A_9, %add3A_24 : i32
    "tpu.region"() ({
      %run_scoped3A = tpu.sem_alloc : memref<!tpu.dma_semaphore, #tpu.memory_space<semaphore_mem>>
      %dma_start3A_54 = arith.constant 0 : i32
      %dma_start3A_55 = tpu.memref_slice %arg10[%add3A_25, %dma_start3A_54] : memref<10240x128xf32, #tpu.memory_space<vmem_shared>> -> memref<80x128xf32, #tpu.memory_space<vmem_shared>>
      %dma_start3A_56 = arith.constant 0 : i32
      %dma_start3A_57 = tpu.memref_slice %arg10[%add3A_25, %dma_start3A_56] : memref<10240x128xf32, #tpu.memory_space<vmem_shared>> -> memref<80x128xf32, #tpu.memory_space<vmem_shared>>
      tpu.enqueue_dma source(%arg8 : memref<80x128xf32, #tpu.memory_space<vmem>>) target(%dma_start3A_57 : memref<80x128xf32, #tpu.memory_space<vmem_shared>>) target_semaphore(%run_scoped3A : memref<!tpu.dma_semaphore, #tpu.memory_space<semaphore_mem>>)
      %dma_wait3A = arith.constant 0 : i32
      %dma_wait3A_58 = tpu.memref_slice %arg10[%add3A_25, %dma_wait3A] : memref<10240x128xf32, #tpu.memory_space<vmem_shared>> -> memref<80x128xf32, #tpu.memory_space<vmem_shared>>
      %dma_wait3A_59 = arith.constant 0 : i32
      %dma_wait3A_60 = tpu.memref_slice %arg10[%add3A_25, %dma_wait3A_59] : memref<10240x128xf32, #tpu.memory_space<vmem_shared>> -> memref<80x128xf32, #tpu.memory_space<vmem_shared>>
      tpu.wait_dma2 semaphore(%run_scoped3A : memref<!tpu.dma_semaphore, #tpu.memory_space<semaphore_mem>>) src(%arg8 : memref<80x128xf32, #tpu.memory_space<vmem>>) dst(%dma_wait3A_60 : memref<80x128xf32, #tpu.memory_space<vmem_shared>>)
      tpu.yield
    }) : () -> ()
    %barrier3A = arith.constant 0 : index
    tpu.barrier barrier_id(%barrier3A)
    "tpu.region"() ({
      %run_scoped3A = tpu.sem_alloc : memref<!tpu.dma_semaphore, #tpu.memory_space<semaphore_mem>>
      %dma_start3A_54 = arith.constant 0 : i32
      %dma_start3A_55 = arith.constant 0 : i32
      %dma_start3A_56 = tpu.memref_slice %arg3[%add3A, %dma_start3A_54, %dma_start3A_55] : memref<32x128x80xi32, #tpu.memory_space<hbm>> -> memref<1x64x80xi32, #tpu.memory_space<hbm>>
      %dma_start3A_57 = tpu.memref_squeeze %dma_start3A_56 : memref<1x64x80xi32, #tpu.memory_space<hbm>> -> memref<64x80xi32, #tpu.memory_space<hbm>>
      %dma_start3A_58 = arith.constant 0 : i32
      %dma_start3A_59 = arith.constant 0 : i32
      %dma_start3A_60 = tpu.memref_slice %arg3[%add3A, %dma_start3A_58, %dma_start3A_59] : memref<32x128x80xi32, #tpu.memory_space<hbm>> -> memref<1x64x80xi32, #tpu.memory_space<hbm>>
      %dma_start3A_61 = tpu.memref_squeeze %dma_start3A_60 : memref<1x64x80xi32, #tpu.memory_space<hbm>> -> memref<64x80xi32, #tpu.memory_space<hbm>>
      tpu.enqueue_dma source(%dma_start3A_61 : memref<64x80xi32, #tpu.memory_space<hbm>>) target(%arg6 : memref<64x80xi32, #tpu.memory_space<vmem>>) target_semaphore(%run_scoped3A : memref<!tpu.dma_semaphore, #tpu.memory_space<semaphore_mem>>)
      %dma_wait3A = arith.constant 0 : i32
      %dma_wait3A_62 = arith.constant 0 : i32
      %dma_wait3A_63 = tpu.memref_slice %arg3[%add3A, %dma_wait3A, %dma_wait3A_62] : memref<32x128x80xi32, #tpu.memory_space<hbm>> -> memref<1x64x80xi32, #tpu.memory_space<hbm>>
      %dma_wait3A_64 = tpu.memref_squeeze %dma_wait3A_63 : memref<1x64x80xi32, #tpu.memory_space<hbm>> -> memref<64x80xi32, #tpu.memory_space<hbm>>
      %dma_wait3A_65 = arith.constant 0 : i32
      %dma_wait3A_66 = arith.constant 0 : i32
      %dma_wait3A_67 = tpu.memref_slice %arg3[%add3A, %dma_wait3A_65, %dma_wait3A_66] : memref<32x128x80xi32, #tpu.memory_space<hbm>> -> memref<1x64x80xi32, #tpu.memory_space<hbm>>
      %dma_wait3A_68 = tpu.memref_squeeze %dma_wait3A_67 : memref<1x64x80xi32, #tpu.memory_space<hbm>> -> memref<64x80xi32, #tpu.memory_space<hbm>>
      tpu.wait_dma2 semaphore(%run_scoped3A : memref<!tpu.dma_semaphore, #tpu.memory_space<semaphore_mem>>) src(%dma_wait3A_68 : memref<64x80xi32, #tpu.memory_space<hbm>>) dst(%arg6 : memref<64x80xi32, #tpu.memory_space<vmem>>)
      tpu.yield
    }) : () -> ()
    "tpu.region"() ({
      %run_scoped3A = tpu.sem_alloc : memref<!tpu.dma_semaphore, #tpu.memory_space<semaphore_mem>>
      %dma_start3A_54 = arith.constant 0 : i32
      %dma_start3A_55 = arith.constant 0 : i32
      %dma_start3A_56 = tpu.memref_slice %arg4[%add3A, %dma_start3A_54, %dma_start3A_55] : memref<32x128x80xi32, #tpu.memory_space<hbm>> -> memref<1x64x80xi32, #tpu.memory_space<hbm>>
      %dma_start3A_57 = tpu.memref_squeeze %dma_start3A_56 : memref<1x64x80xi32, #tpu.memory_space<hbm>> -> memref<64x80xi32, #tpu.memory_space<hbm>>
      %dma_start3A_58 = arith.constant 0 : i32
      %dma_start3A_59 = arith.constant 0 : i32
      %dma_start3A_60 = tpu.memref_slice %arg4[%add3A, %dma_start3A_58, %dma_start3A_59] : memref<32x128x80xi32, #tpu.memory_space<hbm>> -> memref<1x64x80xi32, #tpu.memory_space<hbm>>
      %dma_start3A_61 = tpu.memref_squeeze %dma_start3A_60 : memref<1x64x80xi32, #tpu.memory_space<hbm>> -> memref<64x80xi32, #tpu.memory_space<hbm>>
      tpu.enqueue_dma source(%dma_start3A_61 : memref<64x80xi32, #tpu.memory_space<hbm>>) target(%arg7 : memref<64x80xi32, #tpu.memory_space<vmem>>) target_semaphore(%run_scoped3A : memref<!tpu.dma_semaphore, #tpu.memory_space<semaphore_mem>>)
      %dma_wait3A = arith.constant 0 : i32
      %dma_wait3A_62 = arith.constant 0 : i32
      %dma_wait3A_63 = tpu.memref_slice %arg4[%add3A, %dma_wait3A, %dma_wait3A_62] : memref<32x128x80xi32, #tpu.memory_space<hbm>> -> memref<1x64x80xi32, #tpu.memory_space<hbm>>
      %dma_wait3A_64 = tpu.memref_squeeze %dma_wait3A_63 : memref<1x64x80xi32, #tpu.memory_space<hbm>> -> memref<64x80xi32, #tpu.memory_space<hbm>>
      %dma_wait3A_65 = arith.constant 0 : i32
      %dma_wait3A_66 = arith.constant 0 : i32
      %dma_wait3A_67 = tpu.memref_slice %arg4[%add3A, %dma_wait3A_65, %dma_wait3A_66] : memref<32x128x80xi32, #tpu.memory_space<hbm>> -> memref<1x64x80xi32, #tpu.memory_space<hbm>>
      %dma_wait3A_68 = tpu.memref_squeeze %dma_wait3A_67 : memref<1x64x80xi32, #tpu.memory_space<hbm>> -> memref<64x80xi32, #tpu.memory_space<hbm>>
      tpu.wait_dma2 semaphore(%run_scoped3A : memref<!tpu.dma_semaphore, #tpu.memory_space<semaphore_mem>>) src(%dma_wait3A_68 : memref<64x80xi32, #tpu.memory_space<hbm>>) dst(%arg7 : memref<64x80xi32, #tpu.memory_space<vmem>>)
      tpu.yield
    }) : () -> ()
    %dma_start3A = arith.constant 0 : i32
    %dma_start3A_26 = arith.constant 0 : i32
    %dma_start3A_27 = tpu.memref_slice %arg6[%dma_start3A, %dma_start3A_26] : memref<64x80xi32, #tpu.memory_space<vmem>> -> memref<1x80xi32, #tpu.memory_space<vmem>>
    %dma_start3A_28 = tpu.memref_squeeze %dma_start3A_27 : memref<1x80xi32, #tpu.memory_space<vmem>> -> memref<80xi32, #tpu.memory_space<vmem>>
    %dma_start3A_29 = arith.constant 0 : i32
    %dma_start3A_30 = arith.constant 0 : i32
    %dma_start3A_31 = tpu.memref_slice %arg2[%dma_start3A_29, %dma_start3A_30] : memref<10240x128xf32, #tpu.memory_space<hbm>> -> memref<10240x128xf32, #tpu.memory_space<hbm>>
    tpu.enqueue_indirect_dma source(%dma_start3A_31 : memref<10240x128xf32, #tpu.memory_space<hbm>>) target(%arg8 : memref<80x128xf32, #tpu.memory_space<vmem>>) offsets(%dma_start3A_28 : memref<80xi32, #tpu.memory_space<vmem>>) semaphore(%arg11 : memref<!tpu.dma_semaphore, #tpu.memory_space<semaphore_mem>>)
    %scan3A_32 = arith.constant 0 : i32
    %scan3A_33 = arith.constant 0 : i32
    %scan3A_34 = arith.constant 32 : i32
    %scan3A_35 = arith.addi %scan3A_33, %scan3A_34 : i32
    %scan3A_36 = arith.constant 1 : i32
    %scan3A_37 = scf.for %scan3A_54 = %scan3A_33 to %scan3A_35 step %scan3A_36 iter_args(%scan3A_55 = %scan3A_32) -> (i32)  : i32 {
      %mul3A_56 = arith.constant 2 : i32
      %mul3A_57 = arith.muli %mul3A_56, %scan3A_54 : i32
      %dma_wait3A = arith.constant 0 : i32
      %dma_wait3A_58 = tpu.memref_slice %arg6[%mul3A_57, %dma_wait3A] : memref<64x80xi32, #tpu.memory_space<vmem>> -> memref<1x80xi32, #tpu.memory_space<vmem>>
      %dma_wait3A_59 = tpu.memref_squeeze %dma_wait3A_58 : memref<1x80xi32, #tpu.memory_space<vmem>> -> memref<80xi32, #tpu.memory_space<vmem>>
      %dma_wait3A_60 = arith.constant 0 : i32
      %dma_wait3A_61 = arith.constant 0 : i32
      %dma_wait3A_62 = tpu.memref_slice %arg2[%dma_wait3A_60, %dma_wait3A_61] : memref<10240x128xf32, #tpu.memory_space<hbm>> -> memref<10240x128xf32, #tpu.memory_space<hbm>>
      tpu.wait_indirect_dma semaphore(%arg11 : memref<!tpu.dma_semaphore, #tpu.memory_space<semaphore_mem>>) src(%dma_wait3A_62 : memref<10240x128xf32, #tpu.memory_space<hbm>>) dst(%arg8 : memref<80x128xf32, #tpu.memory_space<vmem>>)
      %add3A_63 = arith.constant 1 : i32
      %add3A_64 = arith.addi %mul3A_57, %add3A_63 : i32
      %dma_start3A_65 = arith.constant 0 : i32
      %dma_start3A_66 = tpu.memref_slice %arg6[%add3A_64, %dma_start3A_65] : memref<64x80xi32, #tpu.memory_space<vmem>> -> memref<1x80xi32, #tpu.memory_space<vmem>>
      %dma_start3A_67 = tpu.memref_squeeze %dma_start3A_66 : memref<1x80xi32, #tpu.memory_space<vmem>> -> memref<80xi32, #tpu.memory_space<vmem>>
      %dma_start3A_68 = arith.constant 0 : i32
      %dma_start3A_69 = arith.constant 0 : i32
      %dma_start3A_70 = tpu.memref_slice %arg2[%dma_start3A_68, %dma_start3A_69] : memref<10240x128xf32, #tpu.memory_space<hbm>> -> memref<10240x128xf32, #tpu.memory_space<hbm>>
      tpu.enqueue_indirect_dma source(%dma_start3A_70 : memref<10240x128xf32, #tpu.memory_space<hbm>>) target(%arg9 : memref<80x128xf32, #tpu.memory_space<vmem>>) offsets(%dma_start3A_67 : memref<80xi32, #tpu.memory_space<vmem>>) semaphore(%arg12 : memref<!tpu.dma_semaphore, #tpu.memory_space<semaphore_mem>>)
      "tpu.region"() ({
        %run_scoped3A = tpu.sem_alloc : memref<!tpu.dma_semaphore, #tpu.memory_space<semaphore_mem>>
        %dma_start3A_86 = arith.constant 0 : i32
        %dma_start3A_87 = tpu.memref_slice %arg7[%mul3A_57, %dma_start3A_86] : memref<64x80xi32, #tpu.memory_space<vmem>> -> memref<1x80xi32, #tpu.memory_space<vmem>>
        %dma_start3A_88 = tpu.memref_squeeze %dma_start3A_87 : memref<1x80xi32, #tpu.memory_space<vmem>> -> memref<80xi32, #tpu.memory_space<vmem>>
        %dma_start3A_89 = arith.constant 0 : i32
        %dma_start3A_90 = arith.constant 0 : i32
        %dma_start3A_91 = tpu.memref_slice %arg10[%dma_start3A_89, %dma_start3A_90] : memref<10240x128xf32, #tpu.memory_space<vmem_shared>> -> memref<10240x128xf32, #tpu.memory_space<vmem_shared>>
        tpu.enqueue_indirect_dma source(%arg8 : memref<80x128xf32, #tpu.memory_space<vmem>>) target(%dma_start3A_91 : memref<10240x128xf32, #tpu.memory_space<vmem_shared>>) offsets(%dma_start3A_88 : memref<80xi32, #tpu.memory_space<vmem>>) semaphore(%run_scoped3A : memref<!tpu.dma_semaphore, #tpu.memory_space<semaphore_mem>>) {add = true}
        %dma_wait3A_92 = arith.constant 0 : i32
        %dma_wait3A_93 = tpu.memref_slice %arg7[%mul3A_57, %dma_wait3A_92] : memref<64x80xi32, #tpu.memory_space<vmem>> -> memref<1x80xi32, #tpu.memory_space<vmem>>
        %dma_wait3A_94 = tpu.memref_squeeze %dma_wait3A_93 : memref<1x80xi32, #tpu.memory_space<vmem>> -> memref<80xi32, #tpu.memory_space<vmem>>
        %dma_wait3A_95 = arith.constant 0 : i32
        %dma_wait3A_96 = arith.constant 0 : i32
        %dma_wait3A_97 = tpu.memref_slice %arg10[%dma_wait3A_95, %dma_wait3A_96] : memref<10240x128xf32, #tpu.memory_space<vmem_shared>> -> memref<10240x128xf32, #tpu.memory_space<vmem_shared>>
        tpu.wait_indirect_dma semaphore(%run_scoped3A : memref<!tpu.dma_semaphore, #tpu.memory_space<semaphore_mem>>) src(%arg8 : memref<80x128xf32, #tpu.memory_space<vmem>>) dst(%dma_wait3A_97 : memref<10240x128xf32, #tpu.memory_space<vmem_shared>>)
        tpu.yield
      }) : () -> ()
      %add3A_71 = arith.constant 1 : i32
      %add3A_72 = arith.addi %mul3A_57, %add3A_71 : i32
      %dma_wait3A_73 = arith.constant 0 : i32
      %dma_wait3A_74 = tpu.memref_slice %arg6[%add3A_72, %dma_wait3A_73] : memref<64x80xi32, #tpu.memory_space<vmem>> -> memref<1x80xi32, #tpu.memory_space<vmem>>
      %dma_wait3A_75 = tpu.memref_squeeze %dma_wait3A_74 : memref<1x80xi32, #tpu.memory_space<vmem>> -> memref<80xi32, #tpu.memory_space<vmem>>
      %dma_wait3A_76 = arith.constant 0 : i32
      %dma_wait3A_77 = arith.constant 0 : i32
      %dma_wait3A_78 = tpu.memref_slice %arg2[%dma_wait3A_76, %dma_wait3A_77] : memref<10240x128xf32, #tpu.memory_space<hbm>> -> memref<10240x128xf32, #tpu.memory_space<hbm>>
      tpu.wait_indirect_dma semaphore(%arg12 : memref<!tpu.dma_semaphore, #tpu.memory_space<semaphore_mem>>) src(%dma_wait3A_78 : memref<10240x128xf32, #tpu.memory_space<hbm>>) dst(%arg9 : memref<80x128xf32, #tpu.memory_space<vmem>>)
      %add3A_79 = arith.constant 2 : i32
      %add3A_80 = arith.addi %mul3A_57, %add3A_79 : i32
      %lt3A = arith.constant 64 : i32
      %lt3A_81 = arith.cmpi slt, %add3A_80, %lt3A : i32
      %convert_element_type3A = arith.extui %lt3A_81 : i1 to i32
      %cond3A = arith.constant 0 : i32
      %cond3A_82 = arith.cmpi ne, %convert_element_type3A, %cond3A : i32
      scf.if %cond3A_82 {
        %add3A_86 = arith.constant 2 : i32
        %add3A_87 = arith.addi %mul3A_57, %add3A_86 : i32
        %dma_start3A_88 = arith.constant 0 : i32
        %dma_start3A_89 = tpu.memref_slice %arg6[%add3A_87, %dma_start3A_88] : memref<64x80xi32, #tpu.memory_space<vmem>> -> memref<1x80xi32, #tpu.memory_space<vmem>>
        %dma_start3A_90 = tpu.memref_squeeze %dma_start3A_89 : memref<1x80xi32, #tpu.memory_space<vmem>> -> memref<80xi32, #tpu.memory_space<vmem>>
        %dma_start3A_91 = arith.constant 0 : i32
        %dma_start3A_92 = arith.constant 0 : i32
        %dma_start3A_93 = tpu.memref_slice %arg2[%dma_start3A_91, %dma_start3A_92] : memref<10240x128xf32, #tpu.memory_space<hbm>> -> memref<10240x128xf32, #tpu.memory_space<hbm>>
        tpu.enqueue_indirect_dma source(%dma_start3A_93 : memref<10240x128xf32, #tpu.memory_space<hbm>>) target(%arg8 : memref<80x128xf32, #tpu.memory_space<vmem>>) offsets(%dma_start3A_90 : memref<80xi32, #tpu.memory_space<vmem>>) semaphore(%arg11 : memref<!tpu.dma_semaphore, #tpu.memory_space<semaphore_mem>>)
      } else {
      }
      %add3A_83 = arith.constant 1 : i32
      %add3A_84 = arith.addi %mul3A_57, %add3A_83 : i32
      "tpu.region"() ({
        %run_scoped3A = tpu.sem_alloc : memref<!tpu.dma_semaphore, #tpu.memory_space<semaphore_mem>>
        %dma_start3A_86 = arith.constant 0 : i32
        %dma_start3A_87 = tpu.memref_slice %arg7[%add3A_84, %dma_start3A_86] : memref<64x80xi32, #tpu.memory_space<vmem>> -> memref<1x80xi32, #tpu.memory_space<vmem>>
        %dma_start3A_88 = tpu.memref_squeeze %dma_start3A_87 : memref<1x80xi32, #tpu.memory_space<vmem>> -> memref<80xi32, #tpu.memory_space<vmem>>
        %dma_start3A_89 = arith.constant 0 : i32
        %dma_start3A_90 = arith.constant 0 : i32
        %dma_start3A_91 = tpu.memref_slice %arg10[%dma_start3A_89, %dma_start3A_90] : memref<10240x128xf32, #tpu.memory_space<vmem_shared>> -> memref<10240x128xf32, #tpu.memory_space<vmem_shared>>
        tpu.enqueue_indirect_dma source(%arg9 : memref<80x128xf32, #tpu.memory_space<vmem>>) target(%dma_start3A_91 : memref<10240x128xf32, #tpu.memory_space<vmem_shared>>) offsets(%dma_start3A_88 : memref<80xi32, #tpu.memory_space<vmem>>) semaphore(%run_scoped3A : memref<!tpu.dma_semaphore, #tpu.memory_space<semaphore_mem>>) {add = true}
        %dma_wait3A_92 = arith.constant 0 : i32
        %dma_wait3A_93 = tpu.memref_slice %arg7[%add3A_84, %dma_wait3A_92] : memref<64x80xi32, #tpu.memory_space<vmem>> -> memref<1x80xi32, #tpu.memory_space<vmem>>
        %dma_wait3A_94 = tpu.memref_squeeze %dma_wait3A_93 : memref<1x80xi32, #tpu.memory_space<vmem>> -> memref<80xi32, #tpu.memory_space<vmem>>
        %dma_wait3A_95 = arith.constant 0 : i32
        %dma_wait3A_96 = arith.constant 0 : i32
        %dma_wait3A_97 = tpu.memref_slice %arg10[%dma_wait3A_95, %dma_wait3A_96] : memref<10240x128xf32, #tpu.memory_space<vmem_shared>> -> memref<10240x128xf32, #tpu.memory_space<vmem_shared>>
        tpu.wait_indirect_dma semaphore(%run_scoped3A : memref<!tpu.dma_semaphore, #tpu.memory_space<semaphore_mem>>) src(%arg9 : memref<80x128xf32, #tpu.memory_space<vmem>>) dst(%dma_wait3A_97 : memref<10240x128xf32, #tpu.memory_space<vmem_shared>>)
        tpu.yield
      }) : () -> ()
      %scan3A_85 = arith.constant 0 : i32
      scf.yield %scan3A_85 : i32
    }
    %scan3A_38 = arith.constant 32 : i32
    "tpu.region"() ({
      %run_scoped3A = tpu.sem_alloc : memref<!tpu.dma_semaphore, #tpu.memory_space<semaphore_mem>>
      %dma_start3A_54 = arith.constant 64 : i32
      %dma_start3A_55 = arith.constant 0 : i32
      %dma_start3A_56 = tpu.memref_slice %arg3[%add3A, %dma_start3A_54, %dma_start3A_55] : memref<32x128x80xi32, #tpu.memory_space<hbm>> -> memref<1x64x80xi32, #tpu.memory_space<hbm>>
      %dma_start3A_57 = tpu.memref_squeeze %dma_start3A_56 : memref<1x64x80xi32, #tpu.memory_space<hbm>> -> memref<64x80xi32, #tpu.memory_space<hbm>>
      %dma_start3A_58 = arith.constant 64 : i32
      %dma_start3A_59 = arith.constant 0 : i32
      %dma_start3A_60 = tpu.memref_slice %arg3[%add3A, %dma_start3A_58, %dma_start3A_59] : memref<32x128x80xi32, #tpu.memory_space<hbm>> -> memref<1x64x80xi32, #tpu.memory_space<hbm>>
      %dma_start3A_61 = tpu.memref_squeeze %dma_start3A_60 : memref<1x64x80xi32, #tpu.memory_space<hbm>> -> memref<64x80xi32, #tpu.memory_space<hbm>>
      tpu.enqueue_dma source(%dma_start3A_61 : memref<64x80xi32, #tpu.memory_space<hbm>>) target(%arg6 : memref<64x80xi32, #tpu.memory_space<vmem>>) target_semaphore(%run_scoped3A : memref<!tpu.dma_semaphore, #tpu.memory_space<semaphore_mem>>)
      %dma_wait3A = arith.constant 64 : i32
      %dma_wait3A_62 = arith.constant 0 : i32
      %dma_wait3A_63 = tpu.memref_slice %arg3[%add3A, %dma_wait3A, %dma_wait3A_62] : memref<32x128x80xi32, #tpu.memory_space<hbm>> -> memref<1x64x80xi32, #tpu.memory_space<hbm>>
      %dma_wait3A_64 = tpu.memref_squeeze %dma_wait3A_63 : memref<1x64x80xi32, #tpu.memory_space<hbm>> -> memref<64x80xi32, #tpu.memory_space<hbm>>
      %dma_wait3A_65 = arith.constant 64 : i32
      %dma_wait3A_66 = arith.constant 0 : i32
      %dma_wait3A_67 = tpu.memref_slice %arg3[%add3A, %dma_wait3A_65, %dma_wait3A_66] : memref<32x128x80xi32, #tpu.memory_space<hbm>> -> memref<1x64x80xi32, #tpu.memory_space<hbm>>
      %dma_wait3A_68 = tpu.memref_squeeze %dma_wait3A_67 : memref<1x64x80xi32, #tpu.memory_space<hbm>> -> memref<64x80xi32, #tpu.memory_space<hbm>>
      tpu.wait_dma2 semaphore(%run_scoped3A : memref<!tpu.dma_semaphore, #tpu.memory_space<semaphore_mem>>) src(%dma_wait3A_68 : memref<64x80xi32, #tpu.memory_space<hbm>>) dst(%arg6 : memref<64x80xi32, #tpu.memory_space<vmem>>)
      tpu.yield
    }) : () -> ()
    "tpu.region"() ({
      %run_scoped3A = tpu.sem_alloc : memref<!tpu.dma_semaphore, #tpu.memory_space<semaphore_mem>>
      %dma_start3A_54 = arith.constant 64 : i32
      %dma_start3A_55 = arith.constant 0 : i32
      %dma_start3A_56 = tpu.memref_slice %arg4[%add3A, %dma_start3A_54, %dma_start3A_55] : memref<32x128x80xi32, #tpu.memory_space<hbm>> -> memref<1x64x80xi32, #tpu.memory_space<hbm>>
      %dma_start3A_57 = tpu.memref_squeeze %dma_start3A_56 : memref<1x64x80xi32, #tpu.memory_space<hbm>> -> memref<64x80xi32, #tpu.memory_space<hbm>>
      %dma_start3A_58 = arith.constant 64 : i32
      %dma_start3A_59 = arith.constant 0 : i32
      %dma_start3A_60 = tpu.memref_slice %arg4[%add3A, %dma_start3A_58, %dma_start3A_59] : memref<32x128x80xi32, #tpu.memory_space<hbm>> -> memref<1x64x80xi32, #tpu.memory_space<hbm>>
      %dma_start3A_61 = tpu.memref_squeeze %dma_start3A_60 : memref<1x64x80xi32, #tpu.memory_space<hbm>> -> memref<64x80xi32, #tpu.memory_space<hbm>>
      tpu.enqueue_dma source(%dma_start3A_61 : memref<64x80xi32, #tpu.memory_space<hbm>>) target(%arg7 : memref<64x80xi32, #tpu.memory_space<vmem>>) target_semaphore(%run_scoped3A : memref<!tpu.dma_semaphore, #tpu.memory_space<semaphore_mem>>)
      %dma_wait3A = arith.constant 64 : i32
      %dma_wait3A_62 = arith.constant 0 : i32
      %dma_wait3A_63 = tpu.memref_slice %arg4[%add3A, %dma_wait3A, %dma_wait3A_62] : memref<32x128x80xi32, #tpu.memory_space<hbm>> -> memref<1x64x80xi32, #tpu.memory_space<hbm>>
      %dma_wait3A_64 = tpu.memref_squeeze %dma_wait3A_63 : memref<1x64x80xi32, #tpu.memory_space<hbm>> -> memref<64x80xi32, #tpu.memory_space<hbm>>
      %dma_wait3A_65 = arith.constant 64 : i32
      %dma_wait3A_66 = arith.constant 0 : i32
      %dma_wait3A_67 = tpu.memref_slice %arg4[%add3A, %dma_wait3A_65, %dma_wait3A_66] : memref<32x128x80xi32, #tpu.memory_space<hbm>> -> memref<1x64x80xi32, #tpu.memory_space<hbm>>
      %dma_wait3A_68 = tpu.memref_squeeze %dma_wait3A_67 : memref<1x64x80xi32, #tpu.memory_space<hbm>> -> memref<64x80xi32, #tpu.memory_space<hbm>>
      tpu.wait_dma2 semaphore(%run_scoped3A : memref<!tpu.dma_semaphore, #tpu.memory_space<semaphore_mem>>) src(%dma_wait3A_68 : memref<64x80xi32, #tpu.memory_space<hbm>>) dst(%arg7 : memref<64x80xi32, #tpu.memory_space<vmem>>)
      tpu.yield
    }) : () -> ()
    %dma_start3A_39 = arith.constant 0 : i32
    %dma_start3A_40 = arith.constant 0 : i32
    %dma_start3A_41 = tpu.memref_slice %arg6[%dma_start3A_39, %dma_start3A_40] : memref<64x80xi32, #tpu.memory_space<vmem>> -> memref<1x80xi32, #tpu.memory_space<vmem>>
    %dma_start3A_42 = tpu.memref_squeeze %dma_start3A_41 : memref<1x80xi32, #tpu.memory_space<vmem>> -> memref<80xi32, #tpu.memory_space<vmem>>
    %dma_start3A_43 = arith.constant 0 : i32
    %dma_start3A_44 = arith.constant 0 : i32
    %dma_start3A_45 = tpu.memref_slice %arg2[%dma_start3A_43, %dma_start3A_44] : memref<10240x128xf32, #tpu.memory_space<hbm>> -> memref<10240x128xf32, #tpu.memory_space<hbm>>
    tpu.enqueue_indirect_dma source(%dma_start3A_45 : memref<10240x128xf32, #tpu.memory_space<hbm>>) target(%arg8 : memref<80x128xf32, #tpu.memory_space<vmem>>) offsets(%dma_start3A_42 : memref<80xi32, #tpu.memory_space<vmem>>) semaphore(%arg11 : memref<!tpu.dma_semaphore, #tpu.memory_space<semaphore_mem>>)
    %scan3A_46 = arith.constant 0 : i32
    %scan3A_47 = arith.constant 0 : i32
    %scan3A_48 = arith.constant 32 : i32
    %scan3A_49 = arith.addi %scan3A_47, %scan3A_48 : i32
    %scan3A_50 = arith.constant 1 : i32
    %scan3A_51 = scf.for %scan3A_54 = %scan3A_47 to %scan3A_49 step %scan3A_50 iter_args(%scan3A_55 = %scan3A_46) -> (i32)  : i32 {
      %mul3A_56 = arith.constant 2 : i32
      %mul3A_57 = arith.muli %mul3A_56, %scan3A_54 : i32
      %dma_wait3A = arith.constant 0 : i32
      %dma_wait3A_58 = tpu.memref_slice %arg6[%mul3A_57, %dma_wait3A] : memref<64x80xi32, #tpu.memory_space<vmem>> -> memref<1x80xi32, #tpu.memory_space<vmem>>
      %dma_wait3A_59 = tpu.memref_squeeze %dma_wait3A_58 : memref<1x80xi32, #tpu.memory_space<vmem>> -> memref<80xi32, #tpu.memory_space<vmem>>
      %dma_wait3A_60 = arith.constant 0 : i32
      %dma_wait3A_61 = arith.constant 0 : i32
      %dma_wait3A_62 = tpu.memref_slice %arg2[%dma_wait3A_60, %dma_wait3A_61] : memref<10240x128xf32, #tpu.memory_space<hbm>> -> memref<10240x128xf32, #tpu.memory_space<hbm>>
      tpu.wait_indirect_dma semaphore(%arg11 : memref<!tpu.dma_semaphore, #tpu.memory_space<semaphore_mem>>) src(%dma_wait3A_62 : memref<10240x128xf32, #tpu.memory_space<hbm>>) dst(%arg8 : memref<80x128xf32, #tpu.memory_space<vmem>>)
      %add3A_63 = arith.constant 1 : i32
      %add3A_64 = arith.addi %mul3A_57, %add3A_63 : i32
      %dma_start3A_65 = arith.constant 0 : i32
      %dma_start3A_66 = tpu.memref_slice %arg6[%add3A_64, %dma_start3A_65] : memref<64x80xi32, #tpu.memory_space<vmem>> -> memref<1x80xi32, #tpu.memory_space<vmem>>
      %dma_start3A_67 = tpu.memref_squeeze %dma_start3A_66 : memref<1x80xi32, #tpu.memory_space<vmem>> -> memref<80xi32, #tpu.memory_space<vmem>>
      %dma_start3A_68 = arith.constant 0 : i32
      %dma_start3A_69 = arith.constant 0 : i32
      %dma_start3A_70 = tpu.memref_slice %arg2[%dma_start3A_68, %dma_start3A_69] : memref<10240x128xf32, #tpu.memory_space<hbm>> -> memref<10240x128xf32, #tpu.memory_space<hbm>>
      tpu.enqueue_indirect_dma source(%dma_start3A_70 : memref<10240x128xf32, #tpu.memory_space<hbm>>) target(%arg9 : memref<80x128xf32, #tpu.memory_space<vmem>>) offsets(%dma_start3A_67 : memref<80xi32, #tpu.memory_space<vmem>>) semaphore(%arg12 : memref<!tpu.dma_semaphore, #tpu.memory_space<semaphore_mem>>)
      "tpu.region"() ({
        %run_scoped3A = tpu.sem_alloc : memref<!tpu.dma_semaphore, #tpu.memory_space<semaphore_mem>>
        %dma_start3A_86 = arith.constant 0 : i32
        %dma_start3A_87 = tpu.memref_slice %arg7[%mul3A_57, %dma_start3A_86] : memref<64x80xi32, #tpu.memory_space<vmem>> -> memref<1x80xi32, #tpu.memory_space<vmem>>
        %dma_start3A_88 = tpu.memref_squeeze %dma_start3A_87 : memref<1x80xi32, #tpu.memory_space<vmem>> -> memref<80xi32, #tpu.memory_space<vmem>>
        %dma_start3A_89 = arith.constant 0 : i32
        %dma_start3A_90 = arith.constant 0 : i32
        %dma_start3A_91 = tpu.memref_slice %arg10[%dma_start3A_89, %dma_start3A_90] : memref<10240x128xf32, #tpu.memory_space<vmem_shared>> -> memref<10240x128xf32, #tpu.memory_space<vmem_shared>>
        tpu.enqueue_indirect_dma source(%arg8 : memref<80x128xf32, #tpu.memory_space<vmem>>) target(%dma_start3A_91 : memref<10240x128xf32, #tpu.memory_space<vmem_shared>>) offsets(%dma_start3A_88 : memref<80xi32, #tpu.memory_space<vmem>>) semaphore(%run_scoped3A : memref<!tpu.dma_semaphore, #tpu.memory_space<semaphore_mem>>) {add = true}
        %dma_wait3A_92 = arith.constant 0 : i32
        %dma_wait3A_93 = tpu.memref_slice %arg7[%mul3A_57, %dma_wait3A_92] : memref<64x80xi32, #tpu.memory_space<vmem>> -> memref<1x80xi32, #tpu.memory_space<vmem>>
        %dma_wait3A_94 = tpu.memref_squeeze %dma_wait3A_93 : memref<1x80xi32, #tpu.memory_space<vmem>> -> memref<80xi32, #tpu.memory_space<vmem>>
        %dma_wait3A_95 = arith.constant 0 : i32
        %dma_wait3A_96 = arith.constant 0 : i32
        %dma_wait3A_97 = tpu.memref_slice %arg10[%dma_wait3A_95, %dma_wait3A_96] : memref<10240x128xf32, #tpu.memory_space<vmem_shared>> -> memref<10240x128xf32, #tpu.memory_space<vmem_shared>>
        tpu.wait_indirect_dma semaphore(%run_scoped3A : memref<!tpu.dma_semaphore, #tpu.memory_space<semaphore_mem>>) src(%arg8 : memref<80x128xf32, #tpu.memory_space<vmem>>) dst(%dma_wait3A_97 : memref<10240x128xf32, #tpu.memory_space<vmem_shared>>)
        tpu.yield
      }) : () -> ()
      %add3A_71 = arith.constant 1 : i32
      %add3A_72 = arith.addi %mul3A_57, %add3A_71 : i32
      %dma_wait3A_73 = arith.constant 0 : i32
      %dma_wait3A_74 = tpu.memref_slice %arg6[%add3A_72, %dma_wait3A_73] : memref<64x80xi32, #tpu.memory_space<vmem>> -> memref<1x80xi32, #tpu.memory_space<vmem>>
      %dma_wait3A_75 = tpu.memref_squeeze %dma_wait3A_74 : memref<1x80xi32, #tpu.memory_space<vmem>> -> memref<80xi32, #tpu.memory_space<vmem>>
      %dma_wait3A_76 = arith.constant 0 : i32
      %dma_wait3A_77 = arith.constant 0 : i32
      %dma_wait3A_78 = tpu.memref_slice %arg2[%dma_wait3A_76, %dma_wait3A_77] : memref<10240x128xf32, #tpu.memory_space<hbm>> -> memref<10240x128xf32, #tpu.memory_space<hbm>>
      tpu.wait_indirect_dma semaphore(%arg12 : memref<!tpu.dma_semaphore, #tpu.memory_space<semaphore_mem>>) src(%dma_wait3A_78 : memref<10240x128xf32, #tpu.memory_space<hbm>>) dst(%arg9 : memref<80x128xf32, #tpu.memory_space<vmem>>)
      %add3A_79 = arith.constant 2 : i32
      %add3A_80 = arith.addi %mul3A_57, %add3A_79 : i32
      %lt3A = arith.constant 64 : i32
      %lt3A_81 = arith.cmpi slt, %add3A_80, %lt3A : i32
      %convert_element_type3A = arith.extui %lt3A_81 : i1 to i32
      %cond3A = arith.constant 0 : i32
      %cond3A_82 = arith.cmpi ne, %convert_element_type3A, %cond3A : i32
      scf.if %cond3A_82 {
        %add3A_86 = arith.constant 2 : i32
        %add3A_87 = arith.addi %mul3A_57, %add3A_86 : i32
        %dma_start3A_88 = arith.constant 0 : i32
        %dma_start3A_89 = tpu.memref_slice %arg6[%add3A_87, %dma_start3A_88] : memref<64x80xi32, #tpu.memory_space<vmem>> -> memref<1x80xi32, #tpu.memory_space<vmem>>
        %dma_start3A_90 = tpu.memref_squeeze %dma_start3A_89 : memref<1x80xi32, #tpu.memory_space<vmem>> -> memref<80xi32, #tpu.memory_space<vmem>>
        %dma_start3A_91 = arith.constant 0 : i32
        %dma_start3A_92 = arith.constant 0 : i32
        %dma_start3A_93 = tpu.memref_slice %arg2[%dma_start3A_91, %dma_start3A_92] : memref<10240x128xf32, #tpu.memory_space<hbm>> -> memref<10240x128xf32, #tpu.memory_space<hbm>>
        tpu.enqueue_indirect_dma source(%dma_start3A_93 : memref<10240x128xf32, #tpu.memory_space<hbm>>) target(%arg8 : memref<80x128xf32, #tpu.memory_space<vmem>>) offsets(%dma_start3A_90 : memref<80xi32, #tpu.memory_space<vmem>>) semaphore(%arg11 : memref<!tpu.dma_semaphore, #tpu.memory_space<semaphore_mem>>)
      } else {
      }
      %add3A_83 = arith.constant 1 : i32
      %add3A_84 = arith.addi %mul3A_57, %add3A_83 : i32
      "tpu.region"() ({
        %run_scoped3A = tpu.sem_alloc : memref<!tpu.dma_semaphore, #tpu.memory_space<semaphore_mem>>
        %dma_start3A_86 = arith.constant 0 : i32
        %dma_start3A_87 = tpu.memref_slice %arg7[%add3A_84, %dma_start3A_86] : memref<64x80xi32, #tpu.memory_space<vmem>> -> memref<1x80xi32, #tpu.memory_space<vmem>>
        %dma_start3A_88 = tpu.memref_squeeze %dma_start3A_87 : memref<1x80xi32, #tpu.memory_space<vmem>> -> memref<80xi32, #tpu.memory_space<vmem>>
        %dma_start3A_89 = arith.constant 0 : i32
        %dma_start3A_90 = arith.constant 0 : i32
        %dma_start3A_91 = tpu.memref_slice %arg10[%dma_start3A_89, %dma_start3A_90] : memref<10240x128xf32, #tpu.memory_space<vmem_shared>> -> memref<10240x128xf32, #tpu.memory_space<vmem_shared>>
        tpu.enqueue_indirect_dma source(%arg9 : memref<80x128xf32, #tpu.memory_space<vmem>>) target(%dma_start3A_91 : memref<10240x128xf32, #tpu.memory_space<vmem_shared>>) offsets(%dma_start3A_88 : memref<80xi32, #tpu.memory_space<vmem>>) semaphore(%run_scoped3A : memref<!tpu.dma_semaphore, #tpu.memory_space<semaphore_mem>>) {add = true}
        %dma_wait3A_92 = arith.constant 0 : i32
        %dma_wait3A_93 = tpu.memref_slice %arg7[%add3A_84, %dma_wait3A_92] : memref<64x80xi32, #tpu.memory_space<vmem>> -> memref<1x80xi32, #tpu.memory_space<vmem>>
        %dma_wait3A_94 = tpu.memref_squeeze %dma_wait3A_93 : memref<1x80xi32, #tpu.memory_space<vmem>> -> memref<80xi32, #tpu.memory_space<vmem>>
        %dma_wait3A_95 = arith.constant 0 : i32
        %dma_wait3A_96 = arith.constant 0 : i32
        %dma_wait3A_97 = tpu.memref_slice %arg10[%dma_wait3A_95, %dma_wait3A_96] : memref<10240x128xf32, #tpu.memory_space<vmem_shared>> -> memref<10240x128xf32, #tpu.memory_space<vmem_shared>>
        tpu.wait_indirect_dma semaphore(%run_scoped3A : memref<!tpu.dma_semaphore, #tpu.memory_space<semaphore_mem>>) src(%arg9 : memref<80x128xf32, #tpu.memory_space<vmem>>) dst(%dma_wait3A_97 : memref<10240x128xf32, #tpu.memory_space<vmem_shared>>)
        tpu.yield
      }) : () -> ()
      %scan3A_85 = arith.constant 0 : i32
      scf.yield %scan3A_85 : i32
    }
    %scan3A_52 = arith.constant 32 : i32
    %barrier3A_53 = arith.constant 0 : index
    tpu.barrier barrier_id(%barrier3A_53)
    "tpu.region"() ({
      %run_scoped3A = tpu.sem_alloc : memref<!tpu.dma_semaphore, #tpu.memory_space<semaphore_mem>>
      %dma_start3A_54 = arith.constant 0 : i32
      %dma_start3A_55 = tpu.memref_slice %arg5[%arg0, %mul3A_9, %dma_start3A_54] : memref<2x10240x128xf32, #tpu.memory_space<hbm>> -> memref<1x640x128xf32, #tpu.memory_space<hbm>>
      %dma_start3A_56 = tpu.memref_squeeze %dma_start3A_55 : memref<1x640x128xf32, #tpu.memory_space<hbm>> -> memref<640x128xf32, #tpu.memory_space<hbm>>
      %dma_start3A_57 = arith.constant 0 : i32
      %dma_start3A_58 = tpu.memref_slice %arg10[%mul3A_9, %dma_start3A_57] : memref<10240x128xf32, #tpu.memory_space<vmem_shared>> -> memref<640x128xf32, #tpu.memory_space<vmem_shared>>
      tpu.enqueue_dma source(%dma_start3A_58 : memref<640x128xf32, #tpu.memory_space<vmem_shared>>) target(%dma_start3A_56 : memref<640x128xf32, #tpu.memory_space<hbm>>) target_semaphore(%run_scoped3A : memref<!tpu.dma_semaphore, #tpu.memory_space<semaphore_mem>>)
      %dma_wait3A = arith.constant 0 : i32
      %dma_wait3A_59 = tpu.memref_slice %arg5[%arg0, %mul3A_9, %dma_wait3A] : memref<2x10240x128xf32, #tpu.memory_space<hbm>> -> memref<1x640x128xf32, #tpu.memory_space<hbm>>
      %dma_wait3A_60 = tpu.memref_squeeze %dma_wait3A_59 : memref<1x640x128xf32, #tpu.memory_space<hbm>> -> memref<640x128xf32, #tpu.memory_space<hbm>>
      %dma_wait3A_61 = arith.constant 0 : i32
      %dma_wait3A_62 = tpu.memref_slice %arg10[%mul3A_9, %dma_wait3A_61] : memref<10240x128xf32, #tpu.memory_space<vmem_shared>> -> memref<640x128xf32, #tpu.memory_space<vmem_shared>>
      tpu.wait_dma2 semaphore(%run_scoped3A : memref<!tpu.dma_semaphore, #tpu.memory_space<semaphore_mem>>) src(%dma_wait3A_62 : memref<640x128xf32, #tpu.memory_space<vmem_shared>>) dst(%dma_wait3A_60 : memref<640x128xf32, #tpu.memory_space<hbm>>)
      tpu.yield
    }) : () -> ()
    return
  }
}

#map = affine_map<(d0, d1) -> (0, 0)>
#map1 = affine_map<(d0, d1) -> (0, 0, 0)>
module attributes {stable_mosaic.version = 14 : i64} {
  func.func @k(%arg0: i32, %arg1: i32, %arg2: memref<10240x128xf32, #tpu.memory_space<hbm>>, %arg3: memref<10240x128xf32, #tpu.memory_space<hbm>>, %arg4: memref<10240x128xf32, #tpu.memory_space<hbm>>, %arg5: memref<10240x128xf32, #tpu.memory_space<hbm>>, %arg6: memref<10240x128xf32, #tpu.memory_space<hbm>>, %arg7: memref<32x2x96xi32, #tpu.memory_space<hbm>>, %arg8: memref<5x6144x128xf32, #tpu.memory_space<hbm>>, %arg9: memref<2x96xi32, #tpu.memory_space<vmem>>, %arg10: memref<960x128xf32, #tpu.memory_space<vmem>>, %arg11: memref<!tpu.dma_semaphore, #tpu.memory_space<semaphore_mem>>, %arg12: memref<!tpu.dma_semaphore, #tpu.memory_space<semaphore_mem>>) attributes {dimension_semantics = [#tpu.dimension_semantics<core_parallel>, #tpu.dimension_semantics<subcore_parallel>], iteration_bounds = array<i64: 2, 16>, scalar_prefetch = 0 : i64, scratch_operands = 4 : i64, tpu.core_type = #tpu.core_type<sc_vector_subcore>, window_params = [{transform_indices = #map}, {transform_indices = #map}, {transform_indices = #map}, {transform_indices = #map}, {transform_indices = #map}, {transform_indices = #map1}, {transform_indices = #map1}]} {
    %mul3A = arith.constant 16 : i32
    %mul3A_0 = arith.muli %arg0, %mul3A : i32
    %add3A = arith.addi %mul3A_0, %arg1 : i32
    "tpu.region"() ({
      %run_scoped3A = tpu.sem_alloc : memref<!tpu.dma_semaphore, #tpu.memory_space<semaphore_mem>>
      %dma_start3A_539 = arith.constant 0 : i32
      %dma_start3A_540 = arith.constant 0 : i32
      %dma_start3A_541 = tpu.memref_slice %arg7[%add3A, %dma_start3A_539, %dma_start3A_540] : memref<32x2x96xi32, #tpu.memory_space<hbm>> -> memref<1x2x96xi32, #tpu.memory_space<hbm>>
      %dma_start3A_542 = tpu.memref_squeeze %dma_start3A_541 : memref<1x2x96xi32, #tpu.memory_space<hbm>> -> memref<2x96xi32, #tpu.memory_space<hbm>>
      %dma_start3A_543 = arith.constant 0 : i32
      %dma_start3A_544 = arith.constant 0 : i32
      %dma_start3A_545 = tpu.memref_slice %arg7[%add3A, %dma_start3A_543, %dma_start3A_544] : memref<32x2x96xi32, #tpu.memory_space<hbm>> -> memref<1x2x96xi32, #tpu.memory_space<hbm>>
      %dma_start3A_546 = tpu.memref_squeeze %dma_start3A_545 : memref<1x2x96xi32, #tpu.memory_space<hbm>> -> memref<2x96xi32, #tpu.memory_space<hbm>>
      tpu.enqueue_dma source(%dma_start3A_546 : memref<2x96xi32, #tpu.memory_space<hbm>>) target(%arg9 : memref<2x96xi32, #tpu.memory_space<vmem>>) target_semaphore(%run_scoped3A : memref<!tpu.dma_semaphore, #tpu.memory_space<semaphore_mem>>)
      %dma_wait3A_547 = arith.constant 0 : i32
      %dma_wait3A_548 = arith.constant 0 : i32
      %dma_wait3A_549 = tpu.memref_slice %arg7[%add3A, %dma_wait3A_547, %dma_wait3A_548] : memref<32x2x96xi32, #tpu.memory_space<hbm>> -> memref<1x2x96xi32, #tpu.memory_space<hbm>>
      %dma_wait3A_550 = tpu.memref_squeeze %dma_wait3A_549 : memref<1x2x96xi32, #tpu.memory_space<hbm>> -> memref<2x96xi32, #tpu.memory_space<hbm>>
      %dma_wait3A_551 = arith.constant 0 : i32
      %dma_wait3A_552 = arith.constant 0 : i32
      %dma_wait3A_553 = tpu.memref_slice %arg7[%add3A, %dma_wait3A_551, %dma_wait3A_552] : memref<32x2x96xi32, #tpu.memory_space<hbm>> -> memref<1x2x96xi32, #tpu.memory_space<hbm>>
      %dma_wait3A_554 = tpu.memref_squeeze %dma_wait3A_553 : memref<1x2x96xi32, #tpu.memory_space<hbm>> -> memref<2x96xi32, #tpu.memory_space<hbm>>
      tpu.wait_dma2 semaphore(%run_scoped3A : memref<!tpu.dma_semaphore, #tpu.memory_space<semaphore_mem>>) src(%dma_wait3A_554 : memref<2x96xi32, #tpu.memory_space<hbm>>) dst(%arg9 : memref<2x96xi32, #tpu.memory_space<vmem>>)
      tpu.yield
    }) : () -> ()
    %dma_start3A = arith.constant 0 : i32
    %dma_start3A_1 = arith.constant 0 : i32
    %dma_start3A_2 = arith.constant 0 : i32
    %dma_start3A_3 = tpu.memref_slice %arg10[%dma_start3A_1, %dma_start3A_2] : memref<960x128xf32, #tpu.memory_space<vmem>> -> memref<96x128xf32, #tpu.memory_space<vmem>>
    %dma_start3A_4 = arith.constant 0 : i32
    %dma_start3A_5 = tpu.memref_slice %arg9[%dma_start3A, %dma_start3A_4] : memref<2x96xi32, #tpu.memory_space<vmem>> -> memref<1x96xi32, #tpu.memory_space<vmem>>
    %dma_start3A_6 = tpu.memref_squeeze %dma_start3A_5 : memref<1x96xi32, #tpu.memory_space<vmem>> -> memref<96xi32, #tpu.memory_space<vmem>>
    %dma_start3A_7 = arith.constant 0 : i32
    %dma_start3A_8 = arith.constant 0 : i32
    %dma_start3A_9 = tpu.memref_slice %arg2[%dma_start3A_7, %dma_start3A_8] : memref<10240x128xf32, #tpu.memory_space<hbm>> -> memref<10240x128xf32, #tpu.memory_space<hbm>>
    tpu.enqueue_indirect_dma source(%dma_start3A_9 : memref<10240x128xf32, #tpu.memory_space<hbm>>) target(%dma_start3A_3 : memref<96x128xf32, #tpu.memory_space<vmem>>) offsets(%dma_start3A_6 : memref<96xi32, #tpu.memory_space<vmem>>) semaphore(%arg11 : memref<!tpu.dma_semaphore, #tpu.memory_space<semaphore_mem>>)
    %dma_start3A_10 = arith.constant 1 : i32
    %dma_start3A_11 = arith.constant 96 : i32
    %dma_start3A_12 = arith.constant 0 : i32
    %dma_start3A_13 = tpu.memref_slice %arg10[%dma_start3A_11, %dma_start3A_12] : memref<960x128xf32, #tpu.memory_space<vmem>> -> memref<96x128xf32, #tpu.memory_space<vmem>>
    %dma_start3A_14 = arith.constant 0 : i32
    %dma_start3A_15 = tpu.memref_slice %arg9[%dma_start3A_10, %dma_start3A_14] : memref<2x96xi32, #tpu.memory_space<vmem>> -> memref<1x96xi32, #tpu.memory_space<vmem>>
    %dma_start3A_16 = tpu.memref_squeeze %dma_start3A_15 : memref<1x96xi32, #tpu.memory_space<vmem>> -> memref<96xi32, #tpu.memory_space<vmem>>
    %dma_start3A_17 = arith.constant 0 : i32
    %dma_start3A_18 = arith.constant 0 : i32
    %dma_start3A_19 = tpu.memref_slice %arg2[%dma_start3A_17, %dma_start3A_18] : memref<10240x128xf32, #tpu.memory_space<hbm>> -> memref<10240x128xf32, #tpu.memory_space<hbm>>
    tpu.enqueue_indirect_dma source(%dma_start3A_19 : memref<10240x128xf32, #tpu.memory_space<hbm>>) target(%dma_start3A_13 : memref<96x128xf32, #tpu.memory_space<vmem>>) offsets(%dma_start3A_16 : memref<96xi32, #tpu.memory_space<vmem>>) semaphore(%arg11 : memref<!tpu.dma_semaphore, #tpu.memory_space<semaphore_mem>>)
    %dma_start3A_20 = arith.constant 0 : i32
    %dma_start3A_21 = arith.constant 192 : i32
    %dma_start3A_22 = arith.constant 0 : i32
    %dma_start3A_23 = tpu.memref_slice %arg10[%dma_start3A_21, %dma_start3A_22] : memref<960x128xf32, #tpu.memory_space<vmem>> -> memref<96x128xf32, #tpu.memory_space<vmem>>
    %dma_start3A_24 = arith.constant 0 : i32
    %dma_start3A_25 = tpu.memref_slice %arg9[%dma_start3A_20, %dma_start3A_24] : memref<2x96xi32, #tpu.memory_space<vmem>> -> memref<1x96xi32, #tpu.memory_space<vmem>>
    %dma_start3A_26 = tpu.memref_squeeze %dma_start3A_25 : memref<1x96xi32, #tpu.memory_space<vmem>> -> memref<96xi32, #tpu.memory_space<vmem>>
    %dma_start3A_27 = arith.constant 0 : i32
    %dma_start3A_28 = arith.constant 0 : i32
    %dma_start3A_29 = tpu.memref_slice %arg3[%dma_start3A_27, %dma_start3A_28] : memref<10240x128xf32, #tpu.memory_space<hbm>> -> memref<10240x128xf32, #tpu.memory_space<hbm>>
    tpu.enqueue_indirect_dma source(%dma_start3A_29 : memref<10240x128xf32, #tpu.memory_space<hbm>>) target(%dma_start3A_23 : memref<96x128xf32, #tpu.memory_space<vmem>>) offsets(%dma_start3A_26 : memref<96xi32, #tpu.memory_space<vmem>>) semaphore(%arg11 : memref<!tpu.dma_semaphore, #tpu.memory_space<semaphore_mem>>)
    %dma_start3A_30 = arith.constant 1 : i32
    %dma_start3A_31 = arith.constant 288 : i32
    %dma_start3A_32 = arith.constant 0 : i32
    %dma_start3A_33 = tpu.memref_slice %arg10[%dma_start3A_31, %dma_start3A_32] : memref<960x128xf32, #tpu.memory_space<vmem>> -> memref<96x128xf32, #tpu.memory_space<vmem>>
    %dma_start3A_34 = arith.constant 0 : i32
    %dma_start3A_35 = tpu.memref_slice %arg9[%dma_start3A_30, %dma_start3A_34] : memref<2x96xi32, #tpu.memory_space<vmem>> -> memref<1x96xi32, #tpu.memory_space<vmem>>
    %dma_start3A_36 = tpu.memref_squeeze %dma_start3A_35 : memref<1x96xi32, #tpu.memory_space<vmem>> -> memref<96xi32, #tpu.memory_space<vmem>>
    %dma_start3A_37 = arith.constant 0 : i32
    %dma_start3A_38 = arith.constant 0 : i32
    %dma_start3A_39 = tpu.memref_slice %arg3[%dma_start3A_37, %dma_start3A_38] : memref<10240x128xf32, #tpu.memory_space<hbm>> -> memref<10240x128xf32, #tpu.memory_space<hbm>>
    tpu.enqueue_indirect_dma source(%dma_start3A_39 : memref<10240x128xf32, #tpu.memory_space<hbm>>) target(%dma_start3A_33 : memref<96x128xf32, #tpu.memory_space<vmem>>) offsets(%dma_start3A_36 : memref<96xi32, #tpu.memory_space<vmem>>) semaphore(%arg11 : memref<!tpu.dma_semaphore, #tpu.memory_space<semaphore_mem>>)
    %dma_start3A_40 = arith.constant 0 : i32
    %dma_start3A_41 = arith.constant 384 : i32
    %dma_start3A_42 = arith.constant 0 : i32
    %dma_start3A_43 = tpu.memref_slice %arg10[%dma_start3A_41, %dma_start3A_42] : memref<960x128xf32, #tpu.memory_space<vmem>> -> memref<96x128xf32, #tpu.memory_space<vmem>>
    %dma_start3A_44 = arith.constant 0 : i32
    %dma_start3A_45 = tpu.memref_slice %arg9[%dma_start3A_40, %dma_start3A_44] : memref<2x96xi32, #tpu.memory_space<vmem>> -> memref<1x96xi32, #tpu.memory_space<vmem>>
    %dma_start3A_46 = tpu.memref_squeeze %dma_start3A_45 : memref<1x96xi32, #tpu.memory_space<vmem>> -> memref<96xi32, #tpu.memory_space<vmem>>
    %dma_start3A_47 = arith.constant 0 : i32
    %dma_start3A_48 = arith.constant 0 : i32
    %dma_start3A_49 = tpu.memref_slice %arg4[%dma_start3A_47, %dma_start3A_48] : memref<10240x128xf32, #tpu.memory_space<hbm>> -> memref<10240x128xf32, #tpu.memory_space<hbm>>
    tpu.enqueue_indirect_dma source(%dma_start3A_49 : memref<10240x128xf32, #tpu.memory_space<hbm>>) target(%dma_start3A_43 : memref<96x128xf32, #tpu.memory_space<vmem>>) offsets(%dma_start3A_46 : memref<96xi32, #tpu.memory_space<vmem>>) semaphore(%arg11 : memref<!tpu.dma_semaphore, #tpu.memory_space<semaphore_mem>>)
    %dma_start3A_50 = arith.constant 1 : i32
    %dma_start3A_51 = arith.constant 480 : i32
    %dma_start3A_52 = arith.constant 0 : i32
    %dma_start3A_53 = tpu.memref_slice %arg10[%dma_start3A_51, %dma_start3A_52] : memref<960x128xf32, #tpu.memory_space<vmem>> -> memref<96x128xf32, #tpu.memory_space<vmem>>
    %dma_start3A_54 = arith.constant 0 : i32
    %dma_start3A_55 = tpu.memref_slice %arg9[%dma_start3A_50, %dma_start3A_54] : memref<2x96xi32, #tpu.memory_space<vmem>> -> memref<1x96xi32, #tpu.memory_space<vmem>>
    %dma_start3A_56 = tpu.memref_squeeze %dma_start3A_55 : memref<1x96xi32, #tpu.memory_space<vmem>> -> memref<96xi32, #tpu.memory_space<vmem>>
    %dma_start3A_57 = arith.constant 0 : i32
    %dma_start3A_58 = arith.constant 0 : i32
    %dma_start3A_59 = tpu.memref_slice %arg4[%dma_start3A_57, %dma_start3A_58] : memref<10240x128xf32, #tpu.memory_space<hbm>> -> memref<10240x128xf32, #tpu.memory_space<hbm>>
    tpu.enqueue_indirect_dma source(%dma_start3A_59 : memref<10240x128xf32, #tpu.memory_space<hbm>>) target(%dma_start3A_53 : memref<96x128xf32, #tpu.memory_space<vmem>>) offsets(%dma_start3A_56 : memref<96xi32, #tpu.memory_space<vmem>>) semaphore(%arg11 : memref<!tpu.dma_semaphore, #tpu.memory_space<semaphore_mem>>)
    %dma_start3A_60 = arith.constant 0 : i32
    %dma_start3A_61 = arith.constant 576 : i32
    %dma_start3A_62 = arith.constant 0 : i32
    %dma_start3A_63 = tpu.memref_slice %arg10[%dma_start3A_61, %dma_start3A_62] : memref<960x128xf32, #tpu.memory_space<vmem>> -> memref<96x128xf32, #tpu.memory_space<vmem>>
    %dma_start3A_64 = arith.constant 0 : i32
    %dma_start3A_65 = tpu.memref_slice %arg9[%dma_start3A_60, %dma_start3A_64] : memref<2x96xi32, #tpu.memory_space<vmem>> -> memref<1x96xi32, #tpu.memory_space<vmem>>
    %dma_start3A_66 = tpu.memref_squeeze %dma_start3A_65 : memref<1x96xi32, #tpu.memory_space<vmem>> -> memref<96xi32, #tpu.memory_space<vmem>>
    %dma_start3A_67 = arith.constant 0 : i32
    %dma_start3A_68 = arith.constant 0 : i32
    %dma_start3A_69 = tpu.memref_slice %arg5[%dma_start3A_67, %dma_start3A_68] : memref<10240x128xf32, #tpu.memory_space<hbm>> -> memref<10240x128xf32, #tpu.memory_space<hbm>>
    tpu.enqueue_indirect_dma source(%dma_start3A_69 : memref<10240x128xf32, #tpu.memory_space<hbm>>) target(%dma_start3A_63 : memref<96x128xf32, #tpu.memory_space<vmem>>) offsets(%dma_start3A_66 : memref<96xi32, #tpu.memory_space<vmem>>) semaphore(%arg11 : memref<!tpu.dma_semaphore, #tpu.memory_space<semaphore_mem>>)
    %dma_start3A_70 = arith.constant 1 : i32
    %dma_start3A_71 = arith.constant 672 : i32
    %dma_start3A_72 = arith.constant 0 : i32
    %dma_start3A_73 = tpu.memref_slice %arg10[%dma_start3A_71, %dma_start3A_72] : memref<960x128xf32, #tpu.memory_space<vmem>> -> memref<96x128xf32, #tpu.memory_space<vmem>>
    %dma_start3A_74 = arith.constant 0 : i32
    %dma_start3A_75 = tpu.memref_slice %arg9[%dma_start3A_70, %dma_start3A_74] : memref<2x96xi32, #tpu.memory_space<vmem>> -> memref<1x96xi32, #tpu.memory_space<vmem>>
    %dma_start3A_76 = tpu.memref_squeeze %dma_start3A_75 : memref<1x96xi32, #tpu.memory_space<vmem>> -> memref<96xi32, #tpu.memory_space<vmem>>
    %dma_start3A_77 = arith.constant 0 : i32
    %dma_start3A_78 = arith.constant 0 : i32
    %dma_start3A_79 = tpu.memref_slice %arg5[%dma_start3A_77, %dma_start3A_78] : memref<10240x128xf32, #tpu.memory_space<hbm>> -> memref<10240x128xf32, #tpu.memory_space<hbm>>
    tpu.enqueue_indirect_dma source(%dma_start3A_79 : memref<10240x128xf32, #tpu.memory_space<hbm>>) target(%dma_start3A_73 : memref<96x128xf32, #tpu.memory_space<vmem>>) offsets(%dma_start3A_76 : memref<96xi32, #tpu.memory_space<vmem>>) semaphore(%arg11 : memref<!tpu.dma_semaphore, #tpu.memory_space<semaphore_mem>>)
    %dma_start3A_80 = arith.constant 0 : i32
    %dma_start3A_81 = arith.constant 768 : i32
    %dma_start3A_82 = arith.constant 0 : i32
    %dma_start3A_83 = tpu.memref_slice %arg10[%dma_start3A_81, %dma_start3A_82] : memref<960x128xf32, #tpu.memory_space<vmem>> -> memref<96x128xf32, #tpu.memory_space<vmem>>
    %dma_start3A_84 = arith.constant 0 : i32
    %dma_start3A_85 = tpu.memref_slice %arg9[%dma_start3A_80, %dma_start3A_84] : memref<2x96xi32, #tpu.memory_space<vmem>> -> memref<1x96xi32, #tpu.memory_space<vmem>>
    %dma_start3A_86 = tpu.memref_squeeze %dma_start3A_85 : memref<1x96xi32, #tpu.memory_space<vmem>> -> memref<96xi32, #tpu.memory_space<vmem>>
    %dma_start3A_87 = arith.constant 0 : i32
    %dma_start3A_88 = arith.constant 0 : i32
    %dma_start3A_89 = tpu.memref_slice %arg6[%dma_start3A_87, %dma_start3A_88] : memref<10240x128xf32, #tpu.memory_space<hbm>> -> memref<10240x128xf32, #tpu.memory_space<hbm>>
    tpu.enqueue_indirect_dma source(%dma_start3A_89 : memref<10240x128xf32, #tpu.memory_space<hbm>>) target(%dma_start3A_83 : memref<96x128xf32, #tpu.memory_space<vmem>>) offsets(%dma_start3A_86 : memref<96xi32, #tpu.memory_space<vmem>>) semaphore(%arg11 : memref<!tpu.dma_semaphore, #tpu.memory_space<semaphore_mem>>)
    %dma_start3A_90 = arith.constant 1 : i32
    %dma_start3A_91 = arith.constant 864 : i32
    %dma_start3A_92 = arith.constant 0 : i32
    %dma_start3A_93 = tpu.memref_slice %arg10[%dma_start3A_91, %dma_start3A_92] : memref<960x128xf32, #tpu.memory_space<vmem>> -> memref<96x128xf32, #tpu.memory_space<vmem>>
    %dma_start3A_94 = arith.constant 0 : i32
    %dma_start3A_95 = tpu.memref_slice %arg9[%dma_start3A_90, %dma_start3A_94] : memref<2x96xi32, #tpu.memory_space<vmem>> -> memref<1x96xi32, #tpu.memory_space<vmem>>
    %dma_start3A_96 = tpu.memref_squeeze %dma_start3A_95 : memref<1x96xi32, #tpu.memory_space<vmem>> -> memref<96xi32, #tpu.memory_space<vmem>>
    %dma_start3A_97 = arith.constant 0 : i32
    %dma_start3A_98 = arith.constant 0 : i32
    %dma_start3A_99 = tpu.memref_slice %arg6[%dma_start3A_97, %dma_start3A_98] : memref<10240x128xf32, #tpu.memory_space<hbm>> -> memref<10240x128xf32, #tpu.memory_space<hbm>>
    tpu.enqueue_indirect_dma source(%dma_start3A_99 : memref<10240x128xf32, #tpu.memory_space<hbm>>) target(%dma_start3A_93 : memref<96x128xf32, #tpu.memory_space<vmem>>) offsets(%dma_start3A_96 : memref<96xi32, #tpu.memory_space<vmem>>) semaphore(%arg11 : memref<!tpu.dma_semaphore, #tpu.memory_space<semaphore_mem>>)
    %dma_wait3A = arith.constant 0 : i32
    %dma_wait3A_100 = arith.constant 0 : i32
    %dma_wait3A_101 = arith.constant 0 : i32
    %dma_wait3A_102 = tpu.memref_slice %arg10[%dma_wait3A_100, %dma_wait3A_101] : memref<960x128xf32, #tpu.memory_space<vmem>> -> memref<96x128xf32, #tpu.memory_space<vmem>>
    %dma_wait3A_103 = arith.constant 0 : i32
    %dma_wait3A_104 = tpu.memref_slice %arg9[%dma_wait3A, %dma_wait3A_103] : memref<2x96xi32, #tpu.memory_space<vmem>> -> memref<1x96xi32, #tpu.memory_space<vmem>>
    %dma_wait3A_105 = tpu.memref_squeeze %dma_wait3A_104 : memref<1x96xi32, #tpu.memory_space<vmem>> -> memref<96xi32, #tpu.memory_space<vmem>>
    %dma_wait3A_106 = arith.constant 0 : i32
    %dma_wait3A_107 = arith.constant 0 : i32
    %dma_wait3A_108 = tpu.memref_slice %arg2[%dma_wait3A_106, %dma_wait3A_107] : memref<10240x128xf32, #tpu.memory_space<hbm>> -> memref<10240x128xf32, #tpu.memory_space<hbm>>
    tpu.wait_indirect_dma semaphore(%arg11 : memref<!tpu.dma_semaphore, #tpu.memory_space<semaphore_mem>>) src(%dma_wait3A_108 : memref<10240x128xf32, #tpu.memory_space<hbm>>) dst(%dma_wait3A_102 : memref<96x128xf32, #tpu.memory_space<vmem>>)
    %mul3A_109 = arith.constant 192 : i32
    %mul3A_110 = arith.muli %add3A, %mul3A_109 : i32
    %add3A_111 = arith.constant 0 : i32
    %add3A_112 = arith.addi %mul3A_110, %add3A_111 : i32
    %dma_start3A_113 = arith.constant 0 : i32
    %dma_start3A_114 = arith.constant 0 : i32
    %dma_start3A_115 = arith.constant 0 : i32
    %dma_start3A_116 = tpu.memref_slice %arg10[%dma_start3A_114, %dma_start3A_115] : memref<960x128xf32, #tpu.memory_space<vmem>> -> memref<96x128xf32, #tpu.memory_space<vmem>>
    %dma_start3A_117 = arith.constant 0 : i32
    %dma_start3A_118 = tpu.memref_slice %arg8[%dma_start3A_113, %add3A_112, %dma_start3A_117] : memref<5x6144x128xf32, #tpu.memory_space<hbm>> -> memref<1x96x128xf32, #tpu.memory_space<hbm>>
    %dma_start3A_119 = tpu.memref_squeeze %dma_start3A_118 : memref<1x96x128xf32, #tpu.memory_space<hbm>> -> memref<96x128xf32, #tpu.memory_space<hbm>>
    %dma_start3A_120 = arith.constant 0 : i32
    %dma_start3A_121 = tpu.memref_slice %arg8[%dma_start3A_113, %add3A_112, %dma_start3A_120] : memref<5x6144x128xf32, #tpu.memory_space<hbm>> -> memref<1x96x128xf32, #tpu.memory_space<hbm>>
    %dma_start3A_122 = tpu.memref_squeeze %dma_start3A_121 : memref<1x96x128xf32, #tpu.memory_space<hbm>> -> memref<96x128xf32, #tpu.memory_space<hbm>>
    %dma_start3A_123 = arith.constant 0 : i32
    %dma_start3A_124 = arith.constant 0 : i32
    %dma_start3A_125 = tpu.memref_slice %arg10[%dma_start3A_123, %dma_start3A_124] : memref<960x128xf32, #tpu.memory_space<vmem>> -> memref<96x128xf32, #tpu.memory_space<vmem>>
    tpu.enqueue_dma source(%dma_start3A_125 : memref<96x128xf32, #tpu.memory_space<vmem>>) target(%dma_start3A_122 : memref<96x128xf32, #tpu.memory_space<hbm>>) target_semaphore(%arg12 : memref<!tpu.dma_semaphore, #tpu.memory_space<semaphore_mem>>)
    %dma_wait3A_126 = arith.constant 1 : i32
    %dma_wait3A_127 = arith.constant 96 : i32
    %dma_wait3A_128 = arith.constant 0 : i32
    %dma_wait3A_129 = tpu.memref_slice %arg10[%dma_wait3A_127, %dma_wait3A_128] : memref<960x128xf32, #tpu.memory_space<vmem>> -> memref<96x128xf32, #tpu.memory_space<vmem>>
    %dma_wait3A_130 = arith.constant 0 : i32
    %dma_wait3A_131 = tpu.memref_slice %arg9[%dma_wait3A_126, %dma_wait3A_130] : memref<2x96xi32, #tpu.memory_space<vmem>> -> memref<1x96xi32, #tpu.memory_space<vmem>>
    %dma_wait3A_132 = tpu.memref_squeeze %dma_wait3A_131 : memref<1x96xi32, #tpu.memory_space<vmem>> -> memref<96xi32, #tpu.memory_space<vmem>>
    %dma_wait3A_133 = arith.constant 0 : i32
    %dma_wait3A_134 = arith.constant 0 : i32
    %dma_wait3A_135 = tpu.memref_slice %arg2[%dma_wait3A_133, %dma_wait3A_134] : memref<10240x128xf32, #tpu.memory_space<hbm>> -> memref<10240x128xf32, #tpu.memory_space<hbm>>
    tpu.wait_indirect_dma semaphore(%arg11 : memref<!tpu.dma_semaphore, #tpu.memory_space<semaphore_mem>>) src(%dma_wait3A_135 : memref<10240x128xf32, #tpu.memory_space<hbm>>) dst(%dma_wait3A_129 : memref<96x128xf32, #tpu.memory_space<vmem>>)
    %mul3A_136 = arith.constant 192 : i32
    %mul3A_137 = arith.muli %add3A, %mul3A_136 : i32
    %add3A_138 = arith.constant 96 : i32
    %add3A_139 = arith.addi %mul3A_137, %add3A_138 : i32
    %dma_start3A_140 = arith.constant 0 : i32
    %dma_start3A_141 = arith.constant 96 : i32
    %dma_start3A_142 = arith.constant 0 : i32
    %dma_start3A_143 = tpu.memref_slice %arg10[%dma_start3A_141, %dma_start3A_142] : memref<960x128xf32, #tpu.memory_space<vmem>> -> memref<96x128xf32, #tpu.memory_space<vmem>>
    %dma_start3A_144 = arith.constant 0 : i32
    %dma_start3A_145 = tpu.memref_slice %arg8[%dma_start3A_140, %add3A_139, %dma_start3A_144] : memref<5x6144x128xf32, #tpu.memory_space<hbm>> -> memref<1x96x128xf32, #tpu.memory_space<hbm>>
    %dma_start3A_146 = tpu.memref_squeeze %dma_start3A_145 : memref<1x96x128xf32, #tpu.memory_space<hbm>> -> memref<96x128xf32, #tpu.memory_space<hbm>>
    %dma_start3A_147 = arith.constant 0 : i32
    %dma_start3A_148 = tpu.memref_slice %arg8[%dma_start3A_140, %add3A_139, %dma_start3A_147] : memref<5x6144x128xf32, #tpu.memory_space<hbm>> -> memref<1x96x128xf32, #tpu.memory_space<hbm>>
    %dma_start3A_149 = tpu.memref_squeeze %dma_start3A_148 : memref<1x96x128xf32, #tpu.memory_space<hbm>> -> memref<96x128xf32, #tpu.memory_space<hbm>>
    %dma_start3A_150 = arith.constant 96 : i32
    %dma_start3A_151 = arith.constant 0 : i32
    %dma_start3A_152 = tpu.memref_slice %arg10[%dma_start3A_150, %dma_start3A_151] : memref<960x128xf32, #tpu.memory_space<vmem>> -> memref<96x128xf32, #tpu.memory_space<vmem>>
    tpu.enqueue_dma source(%dma_start3A_152 : memref<96x128xf32, #tpu.memory_space<vmem>>) target(%dma_start3A_149 : memref<96x128xf32, #tpu.memory_space<hbm>>) target_semaphore(%arg12 : memref<!tpu.dma_semaphore, #tpu.memory_space<semaphore_mem>>)
    %dma_wait3A_153 = arith.constant 0 : i32
    %dma_wait3A_154 = arith.constant 192 : i32
    %dma_wait3A_155 = arith.constant 0 : i32
    %dma_wait3A_156 = tpu.memref_slice %arg10[%dma_wait3A_154, %dma_wait3A_155] : memref<960x128xf32, #tpu.memory_space<vmem>> -> memref<96x128xf32, #tpu.memory_space<vmem>>
    %dma_wait3A_157 = arith.constant 0 : i32
    %dma_wait3A_158 = tpu.memref_slice %arg9[%dma_wait3A_153, %dma_wait3A_157] : memref<2x96xi32, #tpu.memory_space<vmem>> -> memref<1x96xi32, #tpu.memory_space<vmem>>
    %dma_wait3A_159 = tpu.memref_squeeze %dma_wait3A_158 : memref<1x96xi32, #tpu.memory_space<vmem>> -> memref<96xi32, #tpu.memory_space<vmem>>
    %dma_wait3A_160 = arith.constant 0 : i32
    %dma_wait3A_161 = arith.constant 0 : i32
    %dma_wait3A_162 = tpu.memref_slice %arg3[%dma_wait3A_160, %dma_wait3A_161] : memref<10240x128xf32, #tpu.memory_space<hbm>> -> memref<10240x128xf32, #tpu.memory_space<hbm>>
    tpu.wait_indirect_dma semaphore(%arg11 : memref<!tpu.dma_semaphore, #tpu.memory_space<semaphore_mem>>) src(%dma_wait3A_162 : memref<10240x128xf32, #tpu.memory_space<hbm>>) dst(%dma_wait3A_156 : memref<96x128xf32, #tpu.memory_space<vmem>>)
    %mul3A_163 = arith.constant 192 : i32
    %mul3A_164 = arith.muli %add3A, %mul3A_163 : i32
    %add3A_165 = arith.constant 0 : i32
    %add3A_166 = arith.addi %mul3A_164, %add3A_165 : i32
    %dma_start3A_167 = arith.constant 1 : i32
    %dma_start3A_168 = arith.constant 192 : i32
    %dma_start3A_169 = arith.constant 0 : i32
    %dma_start3A_170 = tpu.memref_slice %arg10[%dma_start3A_168, %dma_start3A_169] : memref<960x128xf32, #tpu.memory_space<vmem>> -> memref<96x128xf32, #tpu.memory_space<vmem>>
    %dma_start3A_171 = arith.constant 0 : i32
    %dma_start3A_172 = tpu.memref_slice %arg8[%dma_start3A_167, %add3A_166, %dma_start3A_171] : memref<5x6144x128xf32, #tpu.memory_space<hbm>> -> memref<1x96x128xf32, #tpu.memory_space<hbm>>
    %dma_start3A_173 = tpu.memref_squeeze %dma_start3A_172 : memref<1x96x128xf32, #tpu.memory_space<hbm>> -> memref<96x128xf32, #tpu.memory_space<hbm>>
    %dma_start3A_174 = arith.constant 0 : i32
    %dma_start3A_175 = tpu.memref_slice %arg8[%dma_start3A_167, %add3A_166, %dma_start3A_174] : memref<5x6144x128xf32, #tpu.memory_space<hbm>> -> memref<1x96x128xf32, #tpu.memory_space<hbm>>
    %dma_start3A_176 = tpu.memref_squeeze %dma_start3A_175 : memref<1x96x128xf32, #tpu.memory_space<hbm>> -> memref<96x128xf32, #tpu.memory_space<hbm>>
    %dma_start3A_177 = arith.constant 192 : i32
    %dma_start3A_178 = arith.constant 0 : i32
    %dma_start3A_179 = tpu.memref_slice %arg10[%dma_start3A_177, %dma_start3A_178] : memref<960x128xf32, #tpu.memory_space<vmem>> -> memref<96x128xf32, #tpu.memory_space<vmem>>
    tpu.enqueue_dma source(%dma_start3A_179 : memref<96x128xf32, #tpu.memory_space<vmem>>) target(%dma_start3A_176 : memref<96x128xf32, #tpu.memory_space<hbm>>) target_semaphore(%arg12 : memref<!tpu.dma_semaphore, #tpu.memory_space<semaphore_mem>>)
    %dma_wait3A_180 = arith.constant 1 : i32
    %dma_wait3A_181 = arith.constant 288 : i32
    %dma_wait3A_182 = arith.constant 0 : i32
    %dma_wait3A_183 = tpu.memref_slice %arg10[%dma_wait3A_181, %dma_wait3A_182] : memref<960x128xf32, #tpu.memory_space<vmem>> -> memref<96x128xf32, #tpu.memory_space<vmem>>
    %dma_wait3A_184 = arith.constant 0 : i32
    %dma_wait3A_185 = tpu.memref_slice %arg9[%dma_wait3A_180, %dma_wait3A_184] : memref<2x96xi32, #tpu.memory_space<vmem>> -> memref<1x96xi32, #tpu.memory_space<vmem>>
    %dma_wait3A_186 = tpu.memref_squeeze %dma_wait3A_185 : memref<1x96xi32, #tpu.memory_space<vmem>> -> memref<96xi32, #tpu.memory_space<vmem>>
    %dma_wait3A_187 = arith.constant 0 : i32
    %dma_wait3A_188 = arith.constant 0 : i32
    %dma_wait3A_189 = tpu.memref_slice %arg3[%dma_wait3A_187, %dma_wait3A_188] : memref<10240x128xf32, #tpu.memory_space<hbm>> -> memref<10240x128xf32, #tpu.memory_space<hbm>>
    tpu.wait_indirect_dma semaphore(%arg11 : memref<!tpu.dma_semaphore, #tpu.memory_space<semaphore_mem>>) src(%dma_wait3A_189 : memref<10240x128xf32, #tpu.memory_space<hbm>>) dst(%dma_wait3A_183 : memref<96x128xf32, #tpu.memory_space<vmem>>)
    %mul3A_190 = arith.constant 192 : i32
    %mul3A_191 = arith.muli %add3A, %mul3A_190 : i32
    %add3A_192 = arith.constant 96 : i32
    %add3A_193 = arith.addi %mul3A_191, %add3A_192 : i32
    %dma_start3A_194 = arith.constant 1 : i32
    %dma_start3A_195 = arith.constant 288 : i32
    %dma_start3A_196 = arith.constant 0 : i32
    %dma_start3A_197 = tpu.memref_slice %arg10[%dma_start3A_195, %dma_start3A_196] : memref<960x128xf32, #tpu.memory_space<vmem>> -> memref<96x128xf32, #tpu.memory_space<vmem>>
    %dma_start3A_198 = arith.constant 0 : i32
    %dma_start3A_199 = tpu.memref_slice %arg8[%dma_start3A_194, %add3A_193, %dma_start3A_198] : memref<5x6144x128xf32, #tpu.memory_space<hbm>> -> memref<1x96x128xf32, #tpu.memory_space<hbm>>
    %dma_start3A_200 = tpu.memref_squeeze %dma_start3A_199 : memref<1x96x128xf32, #tpu.memory_space<hbm>> -> memref<96x128xf32, #tpu.memory_space<hbm>>
    %dma_start3A_201 = arith.constant 0 : i32
    %dma_start3A_202 = tpu.memref_slice %arg8[%dma_start3A_194, %add3A_193, %dma_start3A_201] : memref<5x6144x128xf32, #tpu.memory_space<hbm>> -> memref<1x96x128xf32, #tpu.memory_space<hbm>>
    %dma_start3A_203 = tpu.memref_squeeze %dma_start3A_202 : memref<1x96x128xf32, #tpu.memory_space<hbm>> -> memref<96x128xf32, #tpu.memory_space<hbm>>
    %dma_start3A_204 = arith.constant 288 : i32
    %dma_start3A_205 = arith.constant 0 : i32
    %dma_start3A_206 = tpu.memref_slice %arg10[%dma_start3A_204, %dma_start3A_205] : memref<960x128xf32, #tpu.memory_space<vmem>> -> memref<96x128xf32, #tpu.memory_space<vmem>>
    tpu.enqueue_dma source(%dma_start3A_206 : memref<96x128xf32, #tpu.memory_space<vmem>>) target(%dma_start3A_203 : memref<96x128xf32, #tpu.memory_space<hbm>>) target_semaphore(%arg12 : memref<!tpu.dma_semaphore, #tpu.memory_space<semaphore_mem>>)
    %dma_wait3A_207 = arith.constant 0 : i32
    %dma_wait3A_208 = arith.constant 384 : i32
    %dma_wait3A_209 = arith.constant 0 : i32
    %dma_wait3A_210 = tpu.memref_slice %arg10[%dma_wait3A_208, %dma_wait3A_209] : memref<960x128xf32, #tpu.memory_space<vmem>> -> memref<96x128xf32, #tpu.memory_space<vmem>>
    %dma_wait3A_211 = arith.constant 0 : i32
    %dma_wait3A_212 = tpu.memref_slice %arg9[%dma_wait3A_207, %dma_wait3A_211] : memref<2x96xi32, #tpu.memory_space<vmem>> -> memref<1x96xi32, #tpu.memory_space<vmem>>
    %dma_wait3A_213 = tpu.memref_squeeze %dma_wait3A_212 : memref<1x96xi32, #tpu.memory_space<vmem>> -> memref<96xi32, #tpu.memory_space<vmem>>
    %dma_wait3A_214 = arith.constant 0 : i32
    %dma_wait3A_215 = arith.constant 0 : i32
    %dma_wait3A_216 = tpu.memref_slice %arg4[%dma_wait3A_214, %dma_wait3A_215] : memref<10240x128xf32, #tpu.memory_space<hbm>> -> memref<10240x128xf32, #tpu.memory_space<hbm>>
    tpu.wait_indirect_dma semaphore(%arg11 : memref<!tpu.dma_semaphore, #tpu.memory_space<semaphore_mem>>) src(%dma_wait3A_216 : memref<10240x128xf32, #tpu.memory_space<hbm>>) dst(%dma_wait3A_210 : memref<96x128xf32, #tpu.memory_space<vmem>>)
    %mul3A_217 = arith.constant 192 : i32
    %mul3A_218 = arith.muli %add3A, %mul3A_217 : i32
    %add3A_219 = arith.constant 0 : i32
    %add3A_220 = arith.addi %mul3A_218, %add3A_219 : i32
    %dma_start3A_221 = arith.constant 2 : i32
    %dma_start3A_222 = arith.constant 384 : i32
    %dma_start3A_223 = arith.constant 0 : i32
    %dma_start3A_224 = tpu.memref_slice %arg10[%dma_start3A_222, %dma_start3A_223] : memref<960x128xf32, #tpu.memory_space<vmem>> -> memref<96x128xf32, #tpu.memory_space<vmem>>
    %dma_start3A_225 = arith.constant 0 : i32
    %dma_start3A_226 = tpu.memref_slice %arg8[%dma_start3A_221, %add3A_220, %dma_start3A_225] : memref<5x6144x128xf32, #tpu.memory_space<hbm>> -> memref<1x96x128xf32, #tpu.memory_space<hbm>>
    %dma_start3A_227 = tpu.memref_squeeze %dma_start3A_226 : memref<1x96x128xf32, #tpu.memory_space<hbm>> -> memref<96x128xf32, #tpu.memory_space<hbm>>
    %dma_start3A_228 = arith.constant 0 : i32
    %dma_start3A_229 = tpu.memref_slice %arg8[%dma_start3A_221, %add3A_220, %dma_start3A_228] : memref<5x6144x128xf32, #tpu.memory_space<hbm>> -> memref<1x96x128xf32, #tpu.memory_space<hbm>>
    %dma_start3A_230 = tpu.memref_squeeze %dma_start3A_229 : memref<1x96x128xf32, #tpu.memory_space<hbm>> -> memref<96x128xf32, #tpu.memory_space<hbm>>
    %dma_start3A_231 = arith.constant 384 : i32
    %dma_start3A_232 = arith.constant 0 : i32
    %dma_start3A_233 = tpu.memref_slice %arg10[%dma_start3A_231, %dma_start3A_232] : memref<960x128xf32, #tpu.memory_space<vmem>> -> memref<96x128xf32, #tpu.memory_space<vmem>>
    tpu.enqueue_dma source(%dma_start3A_233 : memref<96x128xf32, #tpu.memory_space<vmem>>) target(%dma_start3A_230 : memref<96x128xf32, #tpu.memory_space<hbm>>) target_semaphore(%arg12 : memref<!tpu.dma_semaphore, #tpu.memory_space<semaphore_mem>>)
    %dma_wait3A_234 = arith.constant 1 : i32
    %dma_wait3A_235 = arith.constant 480 : i32
    %dma_wait3A_236 = arith.constant 0 : i32
    %dma_wait3A_237 = tpu.memref_slice %arg10[%dma_wait3A_235, %dma_wait3A_236] : memref<960x128xf32, #tpu.memory_space<vmem>> -> memref<96x128xf32, #tpu.memory_space<vmem>>
    %dma_wait3A_238 = arith.constant 0 : i32
    %dma_wait3A_239 = tpu.memref_slice %arg9[%dma_wait3A_234, %dma_wait3A_238] : memref<2x96xi32, #tpu.memory_space<vmem>> -> memref<1x96xi32, #tpu.memory_space<vmem>>
    %dma_wait3A_240 = tpu.memref_squeeze %dma_wait3A_239 : memref<1x96xi32, #tpu.memory_space<vmem>> -> memref<96xi32, #tpu.memory_space<vmem>>
    %dma_wait3A_241 = arith.constant 0 : i32
    %dma_wait3A_242 = arith.constant 0 : i32
    %dma_wait3A_243 = tpu.memref_slice %arg4[%dma_wait3A_241, %dma_wait3A_242] : memref<10240x128xf32, #tpu.memory_space<hbm>> -> memref<10240x128xf32, #tpu.memory_space<hbm>>
    tpu.wait_indirect_dma semaphore(%arg11 : memref<!tpu.dma_semaphore, #tpu.memory_space<semaphore_mem>>) src(%dma_wait3A_243 : memref<10240x128xf32, #tpu.memory_space<hbm>>) dst(%dma_wait3A_237 : memref<96x128xf32, #tpu.memory_space<vmem>>)
    %mul3A_244 = arith.constant 192 : i32
    %mul3A_245 = arith.muli %add3A, %mul3A_244 : i32
    %add3A_246 = arith.constant 96 : i32
    %add3A_247 = arith.addi %mul3A_245, %add3A_246 : i32
    %dma_start3A_248 = arith.constant 2 : i32
    %dma_start3A_249 = arith.constant 480 : i32
    %dma_start3A_250 = arith.constant 0 : i32
    %dma_start3A_251 = tpu.memref_slice %arg10[%dma_start3A_249, %dma_start3A_250] : memref<960x128xf32, #tpu.memory_space<vmem>> -> memref<96x128xf32, #tpu.memory_space<vmem>>
    %dma_start3A_252 = arith.constant 0 : i32
    %dma_start3A_253 = tpu.memref_slice %arg8[%dma_start3A_248, %add3A_247, %dma_start3A_252] : memref<5x6144x128xf32, #tpu.memory_space<hbm>> -> memref<1x96x128xf32, #tpu.memory_space<hbm>>
    %dma_start3A_254 = tpu.memref_squeeze %dma_start3A_253 : memref<1x96x128xf32, #tpu.memory_space<hbm>> -> memref<96x128xf32, #tpu.memory_space<hbm>>
    %dma_start3A_255 = arith.constant 0 : i32
    %dma_start3A_256 = tpu.memref_slice %arg8[%dma_start3A_248, %add3A_247, %dma_start3A_255] : memref<5x6144x128xf32, #tpu.memory_space<hbm>> -> memref<1x96x128xf32, #tpu.memory_space<hbm>>
    %dma_start3A_257 = tpu.memref_squeeze %dma_start3A_256 : memref<1x96x128xf32, #tpu.memory_space<hbm>> -> memref<96x128xf32, #tpu.memory_space<hbm>>
    %dma_start3A_258 = arith.constant 480 : i32
    %dma_start3A_259 = arith.constant 0 : i32
    %dma_start3A_260 = tpu.memref_slice %arg10[%dma_start3A_258, %dma_start3A_259] : memref<960x128xf32, #tpu.memory_space<vmem>> -> memref<96x128xf32, #tpu.memory_space<vmem>>
    tpu.enqueue_dma source(%dma_start3A_260 : memref<96x128xf32, #tpu.memory_space<vmem>>) target(%dma_start3A_257 : memref<96x128xf32, #tpu.memory_space<hbm>>) target_semaphore(%arg12 : memref<!tpu.dma_semaphore, #tpu.memory_space<semaphore_mem>>)
    %dma_wait3A_261 = arith.constant 0 : i32
    %dma_wait3A_262 = arith.constant 576 : i32
    %dma_wait3A_263 = arith.constant 0 : i32
    %dma_wait3A_264 = tpu.memref_slice %arg10[%dma_wait3A_262, %dma_wait3A_263] : memref<960x128xf32, #tpu.memory_space<vmem>> -> memref<96x128xf32, #tpu.memory_space<vmem>>
    %dma_wait3A_265 = arith.constant 0 : i32
    %dma_wait3A_266 = tpu.memref_slice %arg9[%dma_wait3A_261, %dma_wait3A_265] : memref<2x96xi32, #tpu.memory_space<vmem>> -> memref<1x96xi32, #tpu.memory_space<vmem>>
    %dma_wait3A_267 = tpu.memref_squeeze %dma_wait3A_266 : memref<1x96xi32, #tpu.memory_space<vmem>> -> memref<96xi32, #tpu.memory_space<vmem>>
    %dma_wait3A_268 = arith.constant 0 : i32
    %dma_wait3A_269 = arith.constant 0 : i32
    %dma_wait3A_270 = tpu.memref_slice %arg5[%dma_wait3A_268, %dma_wait3A_269] : memref<10240x128xf32, #tpu.memory_space<hbm>> -> memref<10240x128xf32, #tpu.memory_space<hbm>>
    tpu.wait_indirect_dma semaphore(%arg11 : memref<!tpu.dma_semaphore, #tpu.memory_space<semaphore_mem>>) src(%dma_wait3A_270 : memref<10240x128xf32, #tpu.memory_space<hbm>>) dst(%dma_wait3A_264 : memref<96x128xf32, #tpu.memory_space<vmem>>)
    %mul3A_271 = arith.constant 192 : i32
    %mul3A_272 = arith.muli %add3A, %mul3A_271 : i32
    %add3A_273 = arith.constant 0 : i32
    %add3A_274 = arith.addi %mul3A_272, %add3A_273 : i32
    %dma_start3A_275 = arith.constant 3 : i32
    %dma_start3A_276 = arith.constant 576 : i32
    %dma_start3A_277 = arith.constant 0 : i32
    %dma_start3A_278 = tpu.memref_slice %arg10[%dma_start3A_276, %dma_start3A_277] : memref<960x128xf32, #tpu.memory_space<vmem>> -> memref<96x128xf32, #tpu.memory_space<vmem>>
    %dma_start3A_279 = arith.constant 0 : i32
    %dma_start3A_280 = tpu.memref_slice %arg8[%dma_start3A_275, %add3A_274, %dma_start3A_279] : memref<5x6144x128xf32, #tpu.memory_space<hbm>> -> memref<1x96x128xf32, #tpu.memory_space<hbm>>
    %dma_start3A_281 = tpu.memref_squeeze %dma_start3A_280 : memref<1x96x128xf32, #tpu.memory_space<hbm>> -> memref<96x128xf32, #tpu.memory_space<hbm>>
    %dma_start3A_282 = arith.constant 0 : i32
    %dma_start3A_283 = tpu.memref_slice %arg8[%dma_start3A_275, %add3A_274, %dma_start3A_282] : memref<5x6144x128xf32, #tpu.memory_space<hbm>> -> memref<1x96x128xf32, #tpu.memory_space<hbm>>
    %dma_start3A_284 = tpu.memref_squeeze %dma_start3A_283 : memref<1x96x128xf32, #tpu.memory_space<hbm>> -> memref<96x128xf32, #tpu.memory_space<hbm>>
    %dma_start3A_285 = arith.constant 576 : i32
    %dma_start3A_286 = arith.constant 0 : i32
    %dma_start3A_287 = tpu.memref_slice %arg10[%dma_start3A_285, %dma_start3A_286] : memref<960x128xf32, #tpu.memory_space<vmem>> -> memref<96x128xf32, #tpu.memory_space<vmem>>
    tpu.enqueue_dma source(%dma_start3A_287 : memref<96x128xf32, #tpu.memory_space<vmem>>) target(%dma_start3A_284 : memref<96x128xf32, #tpu.memory_space<hbm>>) target_semaphore(%arg12 : memref<!tpu.dma_semaphore, #tpu.memory_space<semaphore_mem>>)
    %dma_wait3A_288 = arith.constant 1 : i32
    %dma_wait3A_289 = arith.constant 672 : i32
    %dma_wait3A_290 = arith.constant 0 : i32
    %dma_wait3A_291 = tpu.memref_slice %arg10[%dma_wait3A_289, %dma_wait3A_290] : memref<960x128xf32, #tpu.memory_space<vmem>> -> memref<96x128xf32, #tpu.memory_space<vmem>>
    %dma_wait3A_292 = arith.constant 0 : i32
    %dma_wait3A_293 = tpu.memref_slice %arg9[%dma_wait3A_288, %dma_wait3A_292] : memref<2x96xi32, #tpu.memory_space<vmem>> -> memref<1x96xi32, #tpu.memory_space<vmem>>
    %dma_wait3A_294 = tpu.memref_squeeze %dma_wait3A_293 : memref<1x96xi32, #tpu.memory_space<vmem>> -> memref<96xi32, #tpu.memory_space<vmem>>
    %dma_wait3A_295 = arith.constant 0 : i32
    %dma_wait3A_296 = arith.constant 0 : i32
    %dma_wait3A_297 = tpu.memref_slice %arg5[%dma_wait3A_295, %dma_wait3A_296] : memref<10240x128xf32, #tpu.memory_space<hbm>> -> memref<10240x128xf32, #tpu.memory_space<hbm>>
    tpu.wait_indirect_dma semaphore(%arg11 : memref<!tpu.dma_semaphore, #tpu.memory_space<semaphore_mem>>) src(%dma_wait3A_297 : memref<10240x128xf32, #tpu.memory_space<hbm>>) dst(%dma_wait3A_291 : memref<96x128xf32, #tpu.memory_space<vmem>>)
    %mul3A_298 = arith.constant 192 : i32
    %mul3A_299 = arith.muli %add3A, %mul3A_298 : i32
    %add3A_300 = arith.constant 96 : i32
    %add3A_301 = arith.addi %mul3A_299, %add3A_300 : i32
    %dma_start3A_302 = arith.constant 3 : i32
    %dma_start3A_303 = arith.constant 672 : i32
    %dma_start3A_304 = arith.constant 0 : i32
    %dma_start3A_305 = tpu.memref_slice %arg10[%dma_start3A_303, %dma_start3A_304] : memref<960x128xf32, #tpu.memory_space<vmem>> -> memref<96x128xf32, #tpu.memory_space<vmem>>
    %dma_start3A_306 = arith.constant 0 : i32
    %dma_start3A_307 = tpu.memref_slice %arg8[%dma_start3A_302, %add3A_301, %dma_start3A_306] : memref<5x6144x128xf32, #tpu.memory_space<hbm>> -> memref<1x96x128xf32, #tpu.memory_space<hbm>>
    %dma_start3A_308 = tpu.memref_squeeze %dma_start3A_307 : memref<1x96x128xf32, #tpu.memory_space<hbm>> -> memref<96x128xf32, #tpu.memory_space<hbm>>
    %dma_start3A_309 = arith.constant 0 : i32
    %dma_start3A_310 = tpu.memref_slice %arg8[%dma_start3A_302, %add3A_301, %dma_start3A_309] : memref<5x6144x128xf32, #tpu.memory_space<hbm>> -> memref<1x96x128xf32, #tpu.memory_space<hbm>>
    %dma_start3A_311 = tpu.memref_squeeze %dma_start3A_310 : memref<1x96x128xf32, #tpu.memory_space<hbm>> -> memref<96x128xf32, #tpu.memory_space<hbm>>
    %dma_start3A_312 = arith.constant 672 : i32
    %dma_start3A_313 = arith.constant 0 : i32
    %dma_start3A_314 = tpu.memref_slice %arg10[%dma_start3A_312, %dma_start3A_313] : memref<960x128xf32, #tpu.memory_space<vmem>> -> memref<96x128xf32, #tpu.memory_space<vmem>>
    tpu.enqueue_dma source(%dma_start3A_314 : memref<96x128xf32, #tpu.memory_space<vmem>>) target(%dma_start3A_311 : memref<96x128xf32, #tpu.memory_space<hbm>>) target_semaphore(%arg12 : memref<!tpu.dma_semaphore, #tpu.memory_space<semaphore_mem>>)
    %dma_wait3A_315 = arith.constant 0 : i32
    %dma_wait3A_316 = arith.constant 768 : i32
    %dma_wait3A_317 = arith.constant 0 : i32
    %dma_wait3A_318 = tpu.memref_slice %arg10[%dma_wait3A_316, %dma_wait3A_317] : memref<960x128xf32, #tpu.memory_space<vmem>> -> memref<96x128xf32, #tpu.memory_space<vmem>>
    %dma_wait3A_319 = arith.constant 0 : i32
    %dma_wait3A_320 = tpu.memref_slice %arg9[%dma_wait3A_315, %dma_wait3A_319] : memref<2x96xi32, #tpu.memory_space<vmem>> -> memref<1x96xi32, #tpu.memory_space<vmem>>
    %dma_wait3A_321 = tpu.memref_squeeze %dma_wait3A_320 : memref<1x96xi32, #tpu.memory_space<vmem>> -> memref<96xi32, #tpu.memory_space<vmem>>
    %dma_wait3A_322 = arith.constant 0 : i32
    %dma_wait3A_323 = arith.constant 0 : i32
    %dma_wait3A_324 = tpu.memref_slice %arg6[%dma_wait3A_322, %dma_wait3A_323] : memref<10240x128xf32, #tpu.memory_space<hbm>> -> memref<10240x128xf32, #tpu.memory_space<hbm>>
    tpu.wait_indirect_dma semaphore(%arg11 : memref<!tpu.dma_semaphore, #tpu.memory_space<semaphore_mem>>) src(%dma_wait3A_324 : memref<10240x128xf32, #tpu.memory_space<hbm>>) dst(%dma_wait3A_318 : memref<96x128xf32, #tpu.memory_space<vmem>>)
    %mul3A_325 = arith.constant 192 : i32
    %mul3A_326 = arith.muli %add3A, %mul3A_325 : i32
    %add3A_327 = arith.constant 0 : i32
    %add3A_328 = arith.addi %mul3A_326, %add3A_327 : i32
    %dma_start3A_329 = arith.constant 4 : i32
    %dma_start3A_330 = arith.constant 768 : i32
    %dma_start3A_331 = arith.constant 0 : i32
    %dma_start3A_332 = tpu.memref_slice %arg10[%dma_start3A_330, %dma_start3A_331] : memref<960x128xf32, #tpu.memory_space<vmem>> -> memref<96x128xf32, #tpu.memory_space<vmem>>
    %dma_start3A_333 = arith.constant 0 : i32
    %dma_start3A_334 = tpu.memref_slice %arg8[%dma_start3A_329, %add3A_328, %dma_start3A_333] : memref<5x6144x128xf32, #tpu.memory_space<hbm>> -> memref<1x96x128xf32, #tpu.memory_space<hbm>>
    %dma_start3A_335 = tpu.memref_squeeze %dma_start3A_334 : memref<1x96x128xf32, #tpu.memory_space<hbm>> -> memref<96x128xf32, #tpu.memory_space<hbm>>
    %dma_start3A_336 = arith.constant 0 : i32
    %dma_start3A_337 = tpu.memref_slice %arg8[%dma_start3A_329, %add3A_328, %dma_start3A_336] : memref<5x6144x128xf32, #tpu.memory_space<hbm>> -> memref<1x96x128xf32, #tpu.memory_space<hbm>>
    %dma_start3A_338 = tpu.memref_squeeze %dma_start3A_337 : memref<1x96x128xf32, #tpu.memory_space<hbm>> -> memref<96x128xf32, #tpu.memory_space<hbm>>
    %dma_start3A_339 = arith.constant 768 : i32
    %dma_start3A_340 = arith.constant 0 : i32
    %dma_start3A_341 = tpu.memref_slice %arg10[%dma_start3A_339, %dma_start3A_340] : memref<960x128xf32, #tpu.memory_space<vmem>> -> memref<96x128xf32, #tpu.memory_space<vmem>>
    tpu.enqueue_dma source(%dma_start3A_341 : memref<96x128xf32, #tpu.memory_space<vmem>>) target(%dma_start3A_338 : memref<96x128xf32, #tpu.memory_space<hbm>>) target_semaphore(%arg12 : memref<!tpu.dma_semaphore, #tpu.memory_space<semaphore_mem>>)
    %dma_wait3A_342 = arith.constant 1 : i32
    %dma_wait3A_343 = arith.constant 864 : i32
    %dma_wait3A_344 = arith.constant 0 : i32
    %dma_wait3A_345 = tpu.memref_slice %arg10[%dma_wait3A_343, %dma_wait3A_344] : memref<960x128xf32, #tpu.memory_space<vmem>> -> memref<96x128xf32, #tpu.memory_space<vmem>>
    %dma_wait3A_346 = arith.constant 0 : i32
    %dma_wait3A_347 = tpu.memref_slice %arg9[%dma_wait3A_342, %dma_wait3A_346] : memref<2x96xi32, #tpu.memory_space<vmem>> -> memref<1x96xi32, #tpu.memory_space<vmem>>
    %dma_wait3A_348 = tpu.memref_squeeze %dma_wait3A_347 : memref<1x96xi32, #tpu.memory_space<vmem>> -> memref<96xi32, #tpu.memory_space<vmem>>
    %dma_wait3A_349 = arith.constant 0 : i32
    %dma_wait3A_350 = arith.constant 0 : i32
    %dma_wait3A_351 = tpu.memref_slice %arg6[%dma_wait3A_349, %dma_wait3A_350] : memref<10240x128xf32, #tpu.memory_space<hbm>> -> memref<10240x128xf32, #tpu.memory_space<hbm>>
    tpu.wait_indirect_dma semaphore(%arg11 : memref<!tpu.dma_semaphore, #tpu.memory_space<semaphore_mem>>) src(%dma_wait3A_351 : memref<10240x128xf32, #tpu.memory_space<hbm>>) dst(%dma_wait3A_345 : memref<96x128xf32, #tpu.memory_space<vmem>>)
    %mul3A_352 = arith.constant 192 : i32
    %mul3A_353 = arith.muli %add3A, %mul3A_352 : i32
    %add3A_354 = arith.constant 96 : i32
    %add3A_355 = arith.addi %mul3A_353, %add3A_354 : i32
    %dma_start3A_356 = arith.constant 4 : i32
    %dma_start3A_357 = arith.constant 864 : i32
    %dma_start3A_358 = arith.constant 0 : i32
    %dma_start3A_359 = tpu.memref_slice %arg10[%dma_start3A_357, %dma_start3A_358] : memref<960x128xf32, #tpu.memory_space<vmem>> -> memref<96x128xf32, #tpu.memory_space<vmem>>
    %dma_start3A_360 = arith.constant 0 : i32
    %dma_start3A_361 = tpu.memref_slice %arg8[%dma_start3A_356, %add3A_355, %dma_start3A_360] : memref<5x6144x128xf32, #tpu.memory_space<hbm>> -> memref<1x96x128xf32, #tpu.memory_space<hbm>>
    %dma_start3A_362 = tpu.memref_squeeze %dma_start3A_361 : memref<1x96x128xf32, #tpu.memory_space<hbm>> -> memref<96x128xf32, #tpu.memory_space<hbm>>
    %dma_start3A_363 = arith.constant 0 : i32
    %dma_start3A_364 = tpu.memref_slice %arg8[%dma_start3A_356, %add3A_355, %dma_start3A_363] : memref<5x6144x128xf32, #tpu.memory_space<hbm>> -> memref<1x96x128xf32, #tpu.memory_space<hbm>>
    %dma_start3A_365 = tpu.memref_squeeze %dma_start3A_364 : memref<1x96x128xf32, #tpu.memory_space<hbm>> -> memref<96x128xf32, #tpu.memory_space<hbm>>
    %dma_start3A_366 = arith.constant 864 : i32
    %dma_start3A_367 = arith.constant 0 : i32
    %dma_start3A_368 = tpu.memref_slice %arg10[%dma_start3A_366, %dma_start3A_367] : memref<960x128xf32, #tpu.memory_space<vmem>> -> memref<96x128xf32, #tpu.memory_space<vmem>>
    tpu.enqueue_dma source(%dma_start3A_368 : memref<96x128xf32, #tpu.memory_space<vmem>>) target(%dma_start3A_365 : memref<96x128xf32, #tpu.memory_space<hbm>>) target_semaphore(%arg12 : memref<!tpu.dma_semaphore, #tpu.memory_space<semaphore_mem>>)
    %mul3A_369 = arith.constant 192 : i32
    %mul3A_370 = arith.muli %add3A, %mul3A_369 : i32
    %add3A_371 = arith.constant 0 : i32
    %add3A_372 = arith.addi %mul3A_370, %add3A_371 : i32
    %dma_wait3A_373 = arith.constant 0 : i32
    %dma_wait3A_374 = arith.constant 0 : i32
    %dma_wait3A_375 = arith.constant 0 : i32
    %dma_wait3A_376 = tpu.memref_slice %arg10[%dma_wait3A_374, %dma_wait3A_375] : memref<960x128xf32, #tpu.memory_space<vmem>> -> memref<96x128xf32, #tpu.memory_space<vmem>>
    %dma_wait3A_377 = arith.constant 0 : i32
    %dma_wait3A_378 = tpu.memref_slice %arg8[%dma_wait3A_373, %add3A_372, %dma_wait3A_377] : memref<5x6144x128xf32, #tpu.memory_space<hbm>> -> memref<1x96x128xf32, #tpu.memory_space<hbm>>
    %dma_wait3A_379 = tpu.memref_squeeze %dma_wait3A_378 : memref<1x96x128xf32, #tpu.memory_space<hbm>> -> memref<96x128xf32, #tpu.memory_space<hbm>>
    %dma_wait3A_380 = arith.constant 0 : i32
    %dma_wait3A_381 = tpu.memref_slice %arg8[%dma_wait3A_373, %add3A_372, %dma_wait3A_380] : memref<5x6144x128xf32, #tpu.memory_space<hbm>> -> memref<1x96x128xf32, #tpu.memory_space<hbm>>
    %dma_wait3A_382 = tpu.memref_squeeze %dma_wait3A_381 : memref<1x96x128xf32, #tpu.memory_space<hbm>> -> memref<96x128xf32, #tpu.memory_space<hbm>>
    %dma_wait3A_383 = arith.constant 0 : i32
    %dma_wait3A_384 = arith.constant 0 : i32
    %dma_wait3A_385 = tpu.memref_slice %arg10[%dma_wait3A_383, %dma_wait3A_384] : memref<960x128xf32, #tpu.memory_space<vmem>> -> memref<96x128xf32, #tpu.memory_space<vmem>>
    tpu.wait_dma2 semaphore(%arg12 : memref<!tpu.dma_semaphore, #tpu.memory_space<semaphore_mem>>) src(%dma_wait3A_385 : memref<96x128xf32, #tpu.memory_space<vmem>>) dst(%dma_wait3A_382 : memref<96x128xf32, #tpu.memory_space<hbm>>)
    %mul3A_386 = arith.constant 192 : i32
    %mul3A_387 = arith.muli %add3A, %mul3A_386 : i32
    %add3A_388 = arith.constant 96 : i32
    %add3A_389 = arith.addi %mul3A_387, %add3A_388 : i32
    %dma_wait3A_390 = arith.constant 0 : i32
    %dma_wait3A_391 = arith.constant 96 : i32
    %dma_wait3A_392 = arith.constant 0 : i32
    %dma_wait3A_393 = tpu.memref_slice %arg10[%dma_wait3A_391, %dma_wait3A_392] : memref<960x128xf32, #tpu.memory_space<vmem>> -> memref<96x128xf32, #tpu.memory_space<vmem>>
    %dma_wait3A_394 = arith.constant 0 : i32
    %dma_wait3A_395 = tpu.memref_slice %arg8[%dma_wait3A_390, %add3A_389, %dma_wait3A_394] : memref<5x6144x128xf32, #tpu.memory_space<hbm>> -> memref<1x96x128xf32, #tpu.memory_space<hbm>>
    %dma_wait3A_396 = tpu.memref_squeeze %dma_wait3A_395 : memref<1x96x128xf32, #tpu.memory_space<hbm>> -> memref<96x128xf32, #tpu.memory_space<hbm>>
    %dma_wait3A_397 = arith.constant 0 : i32
    %dma_wait3A_398 = tpu.memref_slice %arg8[%dma_wait3A_390, %add3A_389, %dma_wait3A_397] : memref<5x6144x128xf32, #tpu.memory_space<hbm>> -> memref<1x96x128xf32, #tpu.memory_space<hbm>>
    %dma_wait3A_399 = tpu.memref_squeeze %dma_wait3A_398 : memref<1x96x128xf32, #tpu.memory_space<hbm>> -> memref<96x128xf32, #tpu.memory_space<hbm>>
    %dma_wait3A_400 = arith.constant 96 : i32
    %dma_wait3A_401 = arith.constant 0 : i32
    %dma_wait3A_402 = tpu.memref_slice %arg10[%dma_wait3A_400, %dma_wait3A_401] : memref<960x128xf32, #tpu.memory_space<vmem>> -> memref<96x128xf32, #tpu.memory_space<vmem>>
    tpu.wait_dma2 semaphore(%arg12 : memref<!tpu.dma_semaphore, #tpu.memory_space<semaphore_mem>>) src(%dma_wait3A_402 : memref<96x128xf32, #tpu.memory_space<vmem>>) dst(%dma_wait3A_399 : memref<96x128xf32, #tpu.memory_space<hbm>>)
    %mul3A_403 = arith.constant 192 : i32
    %mul3A_404 = arith.muli %add3A, %mul3A_403 : i32
    %add3A_405 = arith.constant 0 : i32
    %add3A_406 = arith.addi %mul3A_404, %add3A_405 : i32
    %dma_wait3A_407 = arith.constant 1 : i32
    %dma_wait3A_408 = arith.constant 192 : i32
    %dma_wait3A_409 = arith.constant 0 : i32
    %dma_wait3A_410 = tpu.memref_slice %arg10[%dma_wait3A_408, %dma_wait3A_409] : memref<960x128xf32, #tpu.memory_space<vmem>> -> memref<96x128xf32, #tpu.memory_space<vmem>>
    %dma_wait3A_411 = arith.constant 0 : i32
    %dma_wait3A_412 = tpu.memref_slice %arg8[%dma_wait3A_407, %add3A_406, %dma_wait3A_411] : memref<5x6144x128xf32, #tpu.memory_space<hbm>> -> memref<1x96x128xf32, #tpu.memory_space<hbm>>
    %dma_wait3A_413 = tpu.memref_squeeze %dma_wait3A_412 : memref<1x96x128xf32, #tpu.memory_space<hbm>> -> memref<96x128xf32, #tpu.memory_space<hbm>>
    %dma_wait3A_414 = arith.constant 0 : i32
    %dma_wait3A_415 = tpu.memref_slice %arg8[%dma_wait3A_407, %add3A_406, %dma_wait3A_414] : memref<5x6144x128xf32, #tpu.memory_space<hbm>> -> memref<1x96x128xf32, #tpu.memory_space<hbm>>
    %dma_wait3A_416 = tpu.memref_squeeze %dma_wait3A_415 : memref<1x96x128xf32, #tpu.memory_space<hbm>> -> memref<96x128xf32, #tpu.memory_space<hbm>>
    %dma_wait3A_417 = arith.constant 192 : i32
    %dma_wait3A_418 = arith.constant 0 : i32
    %dma_wait3A_419 = tpu.memref_slice %arg10[%dma_wait3A_417, %dma_wait3A_418] : memref<960x128xf32, #tpu.memory_space<vmem>> -> memref<96x128xf32, #tpu.memory_space<vmem>>
    tpu.wait_dma2 semaphore(%arg12 : memref<!tpu.dma_semaphore, #tpu.memory_space<semaphore_mem>>) src(%dma_wait3A_419 : memref<96x128xf32, #tpu.memory_space<vmem>>) dst(%dma_wait3A_416 : memref<96x128xf32, #tpu.memory_space<hbm>>)
    %mul3A_420 = arith.constant 192 : i32
    %mul3A_421 = arith.muli %add3A, %mul3A_420 : i32
    %add3A_422 = arith.constant 96 : i32
    %add3A_423 = arith.addi %mul3A_421, %add3A_422 : i32
    %dma_wait3A_424 = arith.constant 1 : i32
    %dma_wait3A_425 = arith.constant 288 : i32
    %dma_wait3A_426 = arith.constant 0 : i32
    %dma_wait3A_427 = tpu.memref_slice %arg10[%dma_wait3A_425, %dma_wait3A_426] : memref<960x128xf32, #tpu.memory_space<vmem>> -> memref<96x128xf32, #tpu.memory_space<vmem>>
    %dma_wait3A_428 = arith.constant 0 : i32
    %dma_wait3A_429 = tpu.memref_slice %arg8[%dma_wait3A_424, %add3A_423, %dma_wait3A_428] : memref<5x6144x128xf32, #tpu.memory_space<hbm>> -> memref<1x96x128xf32, #tpu.memory_space<hbm>>
    %dma_wait3A_430 = tpu.memref_squeeze %dma_wait3A_429 : memref<1x96x128xf32, #tpu.memory_space<hbm>> -> memref<96x128xf32, #tpu.memory_space<hbm>>
    %dma_wait3A_431 = arith.constant 0 : i32
    %dma_wait3A_432 = tpu.memref_slice %arg8[%dma_wait3A_424, %add3A_423, %dma_wait3A_431] : memref<5x6144x128xf32, #tpu.memory_space<hbm>> -> memref<1x96x128xf32, #tpu.memory_space<hbm>>
    %dma_wait3A_433 = tpu.memref_squeeze %dma_wait3A_432 : memref<1x96x128xf32, #tpu.memory_space<hbm>> -> memref<96x128xf32, #tpu.memory_space<hbm>>
    %dma_wait3A_434 = arith.constant 288 : i32
    %dma_wait3A_435 = arith.constant 0 : i32
    %dma_wait3A_436 = tpu.memref_slice %arg10[%dma_wait3A_434, %dma_wait3A_435] : memref<960x128xf32, #tpu.memory_space<vmem>> -> memref<96x128xf32, #tpu.memory_space<vmem>>
    tpu.wait_dma2 semaphore(%arg12 : memref<!tpu.dma_semaphore, #tpu.memory_space<semaphore_mem>>) src(%dma_wait3A_436 : memref<96x128xf32, #tpu.memory_space<vmem>>) dst(%dma_wait3A_433 : memref<96x128xf32, #tpu.memory_space<hbm>>)
    %mul3A_437 = arith.constant 192 : i32
    %mul3A_438 = arith.muli %add3A, %mul3A_437 : i32
    %add3A_439 = arith.constant 0 : i32
    %add3A_440 = arith.addi %mul3A_438, %add3A_439 : i32
    %dma_wait3A_441 = arith.constant 2 : i32
    %dma_wait3A_442 = arith.constant 384 : i32
    %dma_wait3A_443 = arith.constant 0 : i32
    %dma_wait3A_444 = tpu.memref_slice %arg10[%dma_wait3A_442, %dma_wait3A_443] : memref<960x128xf32, #tpu.memory_space<vmem>> -> memref<96x128xf32, #tpu.memory_space<vmem>>
    %dma_wait3A_445 = arith.constant 0 : i32
    %dma_wait3A_446 = tpu.memref_slice %arg8[%dma_wait3A_441, %add3A_440, %dma_wait3A_445] : memref<5x6144x128xf32, #tpu.memory_space<hbm>> -> memref<1x96x128xf32, #tpu.memory_space<hbm>>
    %dma_wait3A_447 = tpu.memref_squeeze %dma_wait3A_446 : memref<1x96x128xf32, #tpu.memory_space<hbm>> -> memref<96x128xf32, #tpu.memory_space<hbm>>
    %dma_wait3A_448 = arith.constant 0 : i32
    %dma_wait3A_449 = tpu.memref_slice %arg8[%dma_wait3A_441, %add3A_440, %dma_wait3A_448] : memref<5x6144x128xf32, #tpu.memory_space<hbm>> -> memref<1x96x128xf32, #tpu.memory_space<hbm>>
    %dma_wait3A_450 = tpu.memref_squeeze %dma_wait3A_449 : memref<1x96x128xf32, #tpu.memory_space<hbm>> -> memref<96x128xf32, #tpu.memory_space<hbm>>
    %dma_wait3A_451 = arith.constant 384 : i32
    %dma_wait3A_452 = arith.constant 0 : i32
    %dma_wait3A_453 = tpu.memref_slice %arg10[%dma_wait3A_451, %dma_wait3A_452] : memref<960x128xf32, #tpu.memory_space<vmem>> -> memref<96x128xf32, #tpu.memory_space<vmem>>
    tpu.wait_dma2 semaphore(%arg12 : memref<!tpu.dma_semaphore, #tpu.memory_space<semaphore_mem>>) src(%dma_wait3A_453 : memref<96x128xf32, #tpu.memory_space<vmem>>) dst(%dma_wait3A_450 : memref<96x128xf32, #tpu.memory_space<hbm>>)
    %mul3A_454 = arith.constant 192 : i32
    %mul3A_455 = arith.muli %add3A, %mul3A_454 : i32
    %add3A_456 = arith.constant 96 : i32
    %add3A_457 = arith.addi %mul3A_455, %add3A_456 : i32
    %dma_wait3A_458 = arith.constant 2 : i32
    %dma_wait3A_459 = arith.constant 480 : i32
    %dma_wait3A_460 = arith.constant 0 : i32
    %dma_wait3A_461 = tpu.memref_slice %arg10[%dma_wait3A_459, %dma_wait3A_460] : memref<960x128xf32, #tpu.memory_space<vmem>> -> memref<96x128xf32, #tpu.memory_space<vmem>>
    %dma_wait3A_462 = arith.constant 0 : i32
    %dma_wait3A_463 = tpu.memref_slice %arg8[%dma_wait3A_458, %add3A_457, %dma_wait3A_462] : memref<5x6144x128xf32, #tpu.memory_space<hbm>> -> memref<1x96x128xf32, #tpu.memory_space<hbm>>
    %dma_wait3A_464 = tpu.memref_squeeze %dma_wait3A_463 : memref<1x96x128xf32, #tpu.memory_space<hbm>> -> memref<96x128xf32, #tpu.memory_space<hbm>>
    %dma_wait3A_465 = arith.constant 0 : i32
    %dma_wait3A_466 = tpu.memref_slice %arg8[%dma_wait3A_458, %add3A_457, %dma_wait3A_465] : memref<5x6144x128xf32, #tpu.memory_space<hbm>> -> memref<1x96x128xf32, #tpu.memory_space<hbm>>
    %dma_wait3A_467 = tpu.memref_squeeze %dma_wait3A_466 : memref<1x96x128xf32, #tpu.memory_space<hbm>> -> memref<96x128xf32, #tpu.memory_space<hbm>>
    %dma_wait3A_468 = arith.constant 480 : i32
    %dma_wait3A_469 = arith.constant 0 : i32
    %dma_wait3A_470 = tpu.memref_slice %arg10[%dma_wait3A_468, %dma_wait3A_469] : memref<960x128xf32, #tpu.memory_space<vmem>> -> memref<96x128xf32, #tpu.memory_space<vmem>>
    tpu.wait_dma2 semaphore(%arg12 : memref<!tpu.dma_semaphore, #tpu.memory_space<semaphore_mem>>) src(%dma_wait3A_470 : memref<96x128xf32, #tpu.memory_space<vmem>>) dst(%dma_wait3A_467 : memref<96x128xf32, #tpu.memory_space<hbm>>)
    %mul3A_471 = arith.constant 192 : i32
    %mul3A_472 = arith.muli %add3A, %mul3A_471 : i32
    %add3A_473 = arith.constant 0 : i32
    %add3A_474 = arith.addi %mul3A_472, %add3A_473 : i32
    %dma_wait3A_475 = arith.constant 3 : i32
    %dma_wait3A_476 = arith.constant 576 : i32
    %dma_wait3A_477 = arith.constant 0 : i32
    %dma_wait3A_478 = tpu.memref_slice %arg10[%dma_wait3A_476, %dma_wait3A_477] : memref<960x128xf32, #tpu.memory_space<vmem>> -> memref<96x128xf32, #tpu.memory_space<vmem>>
    %dma_wait3A_479 = arith.constant 0 : i32
    %dma_wait3A_480 = tpu.memref_slice %arg8[%dma_wait3A_475, %add3A_474, %dma_wait3A_479] : memref<5x6144x128xf32, #tpu.memory_space<hbm>> -> memref<1x96x128xf32, #tpu.memory_space<hbm>>
    %dma_wait3A_481 = tpu.memref_squeeze %dma_wait3A_480 : memref<1x96x128xf32, #tpu.memory_space<hbm>> -> memref<96x128xf32, #tpu.memory_space<hbm>>
    %dma_wait3A_482 = arith.constant 0 : i32
    %dma_wait3A_483 = tpu.memref_slice %arg8[%dma_wait3A_475, %add3A_474, %dma_wait3A_482] : memref<5x6144x128xf32, #tpu.memory_space<hbm>> -> memref<1x96x128xf32, #tpu.memory_space<hbm>>
    %dma_wait3A_484 = tpu.memref_squeeze %dma_wait3A_483 : memref<1x96x128xf32, #tpu.memory_space<hbm>> -> memref<96x128xf32, #tpu.memory_space<hbm>>
    %dma_wait3A_485 = arith.constant 576 : i32
    %dma_wait3A_486 = arith.constant 0 : i32
    %dma_wait3A_487 = tpu.memref_slice %arg10[%dma_wait3A_485, %dma_wait3A_486] : memref<960x128xf32, #tpu.memory_space<vmem>> -> memref<96x128xf32, #tpu.memory_space<vmem>>
    tpu.wait_dma2 semaphore(%arg12 : memref<!tpu.dma_semaphore, #tpu.memory_space<semaphore_mem>>) src(%dma_wait3A_487 : memref<96x128xf32, #tpu.memory_space<vmem>>) dst(%dma_wait3A_484 : memref<96x128xf32, #tpu.memory_space<hbm>>)
    %mul3A_488 = arith.constant 192 : i32
    %mul3A_489 = arith.muli %add3A, %mul3A_488 : i32
    %add3A_490 = arith.constant 96 : i32
    %add3A_491 = arith.addi %mul3A_489, %add3A_490 : i32
    %dma_wait3A_492 = arith.constant 3 : i32
    %dma_wait3A_493 = arith.constant 672 : i32
    %dma_wait3A_494 = arith.constant 0 : i32
    %dma_wait3A_495 = tpu.memref_slice %arg10[%dma_wait3A_493, %dma_wait3A_494] : memref<960x128xf32, #tpu.memory_space<vmem>> -> memref<96x128xf32, #tpu.memory_space<vmem>>
    %dma_wait3A_496 = arith.constant 0 : i32
    %dma_wait3A_497 = tpu.memref_slice %arg8[%dma_wait3A_492, %add3A_491, %dma_wait3A_496] : memref<5x6144x128xf32, #tpu.memory_space<hbm>> -> memref<1x96x128xf32, #tpu.memory_space<hbm>>
    %dma_wait3A_498 = tpu.memref_squeeze %dma_wait3A_497 : memref<1x96x128xf32, #tpu.memory_space<hbm>> -> memref<96x128xf32, #tpu.memory_space<hbm>>
    %dma_wait3A_499 = arith.constant 0 : i32
    %dma_wait3A_500 = tpu.memref_slice %arg8[%dma_wait3A_492, %add3A_491, %dma_wait3A_499] : memref<5x6144x128xf32, #tpu.memory_space<hbm>> -> memref<1x96x128xf32, #tpu.memory_space<hbm>>
    %dma_wait3A_501 = tpu.memref_squeeze %dma_wait3A_500 : memref<1x96x128xf32, #tpu.memory_space<hbm>> -> memref<96x128xf32, #tpu.memory_space<hbm>>
    %dma_wait3A_502 = arith.constant 672 : i32
    %dma_wait3A_503 = arith.constant 0 : i32
    %dma_wait3A_504 = tpu.memref_slice %arg10[%dma_wait3A_502, %dma_wait3A_503] : memref<960x128xf32, #tpu.memory_space<vmem>> -> memref<96x128xf32, #tpu.memory_space<vmem>>
    tpu.wait_dma2 semaphore(%arg12 : memref<!tpu.dma_semaphore, #tpu.memory_space<semaphore_mem>>) src(%dma_wait3A_504 : memref<96x128xf32, #tpu.memory_space<vmem>>) dst(%dma_wait3A_501 : memref<96x128xf32, #tpu.memory_space<hbm>>)
    %mul3A_505 = arith.constant 192 : i32
    %mul3A_506 = arith.muli %add3A, %mul3A_505 : i32
    %add3A_507 = arith.constant 0 : i32
    %add3A_508 = arith.addi %mul3A_506, %add3A_507 : i32
    %dma_wait3A_509 = arith.constant 4 : i32
    %dma_wait3A_510 = arith.constant 768 : i32
    %dma_wait3A_511 = arith.constant 0 : i32
    %dma_wait3A_512 = tpu.memref_slice %arg10[%dma_wait3A_510, %dma_wait3A_511] : memref<960x128xf32, #tpu.memory_space<vmem>> -> memref<96x128xf32, #tpu.memory_space<vmem>>
    %dma_wait3A_513 = arith.constant 0 : i32
    %dma_wait3A_514 = tpu.memref_slice %arg8[%dma_wait3A_509, %add3A_508, %dma_wait3A_513] : memref<5x6144x128xf32, #tpu.memory_space<hbm>> -> memref<1x96x128xf32, #tpu.memory_space<hbm>>
    %dma_wait3A_515 = tpu.memref_squeeze %dma_wait3A_514 : memref<1x96x128xf32, #tpu.memory_space<hbm>> -> memref<96x128xf32, #tpu.memory_space<hbm>>
    %dma_wait3A_516 = arith.constant 0 : i32
    %dma_wait3A_517 = tpu.memref_slice %arg8[%dma_wait3A_509, %add3A_508, %dma_wait3A_516] : memref<5x6144x128xf32, #tpu.memory_space<hbm>> -> memref<1x96x128xf32, #tpu.memory_space<hbm>>
    %dma_wait3A_518 = tpu.memref_squeeze %dma_wait3A_517 : memref<1x96x128xf32, #tpu.memory_space<hbm>> -> memref<96x128xf32, #tpu.memory_space<hbm>>
    %dma_wait3A_519 = arith.constant 768 : i32
    %dma_wait3A_520 = arith.constant 0 : i32
    %dma_wait3A_521 = tpu.memref_slice %arg10[%dma_wait3A_519, %dma_wait3A_520] : memref<960x128xf32, #tpu.memory_space<vmem>> -> memref<96x128xf32, #tpu.memory_space<vmem>>
    tpu.wait_dma2 semaphore(%arg12 : memref<!tpu.dma_semaphore, #tpu.memory_space<semaphore_mem>>) src(%dma_wait3A_521 : memref<96x128xf32, #tpu.memory_space<vmem>>) dst(%dma_wait3A_518 : memref<96x128xf32, #tpu.memory_space<hbm>>)
    %mul3A_522 = arith.constant 192 : i32
    %mul3A_523 = arith.muli %add3A, %mul3A_522 : i32
    %add3A_524 = arith.constant 96 : i32
    %add3A_525 = arith.addi %mul3A_523, %add3A_524 : i32
    %dma_wait3A_526 = arith.constant 4 : i32
    %dma_wait3A_527 = arith.constant 864 : i32
    %dma_wait3A_528 = arith.constant 0 : i32
    %dma_wait3A_529 = tpu.memref_slice %arg10[%dma_wait3A_527, %dma_wait3A_528] : memref<960x128xf32, #tpu.memory_space<vmem>> -> memref<96x128xf32, #tpu.memory_space<vmem>>
    %dma_wait3A_530 = arith.constant 0 : i32
    %dma_wait3A_531 = tpu.memref_slice %arg8[%dma_wait3A_526, %add3A_525, %dma_wait3A_530] : memref<5x6144x128xf32, #tpu.memory_space<hbm>> -> memref<1x96x128xf32, #tpu.memory_space<hbm>>
    %dma_wait3A_532 = tpu.memref_squeeze %dma_wait3A_531 : memref<1x96x128xf32, #tpu.memory_space<hbm>> -> memref<96x128xf32, #tpu.memory_space<hbm>>
    %dma_wait3A_533 = arith.constant 0 : i32
    %dma_wait3A_534 = tpu.memref_slice %arg8[%dma_wait3A_526, %add3A_525, %dma_wait3A_533] : memref<5x6144x128xf32, #tpu.memory_space<hbm>> -> memref<1x96x128xf32, #tpu.memory_space<hbm>>
    %dma_wait3A_535 = tpu.memref_squeeze %dma_wait3A_534 : memref<1x96x128xf32, #tpu.memory_space<hbm>> -> memref<96x128xf32, #tpu.memory_space<hbm>>
    %dma_wait3A_536 = arith.constant 864 : i32
    %dma_wait3A_537 = arith.constant 0 : i32
    %dma_wait3A_538 = tpu.memref_slice %arg10[%dma_wait3A_536, %dma_wait3A_537] : memref<960x128xf32, #tpu.memory_space<vmem>> -> memref<96x128xf32, #tpu.memory_space<vmem>>
    tpu.wait_dma2 semaphore(%arg12 : memref<!tpu.dma_semaphore, #tpu.memory_space<semaphore_mem>>) src(%dma_wait3A_538 : memref<96x128xf32, #tpu.memory_space<vmem>>) dst(%dma_wait3A_535 : memref<96x128xf32, #tpu.memory_space<hbm>>)
    return
  }
}

module attributes {stable_mosaic.version = 14 : i64} {
  func.func @body(%arg0: i32, %arg1: memref<1000x128xf32, #tpu.memory_space<vmem>>, %arg2: memref<1x128xf32, #tpu.memory_space<vmem>>, %arg3: memref<1x128xf32, #tpu.memory_space<vmem>>, %arg4: memref<128x128xf32, #tpu.memory_space<vmem>>, %arg5: memref<1x128xf32, #tpu.memory_space<vmem>>, %arg6: memref<1000x128xf32, #tpu.memory_space<vmem>>) attributes {dimension_semantics = [#tpu.dimension_semantics<arbitrary>], iteration_bounds = array<i64: 6>, scalar_prefetch = 0 : i64, scratch_operands = 0 : i64, tpu.core_type = #tpu.core_type<tc>, window_params = [{transform_indices = @transform_0, window_bounds = array<i64: 1000, 128>}, {pipeline_mode = #tpu.pipeline_mode<synchronous>, transform_indices = @transform_1, window_bounds = array<i64: 1, 128>}, {pipeline_mode = #tpu.pipeline_mode<synchronous>, transform_indices = @transform_2, window_bounds = array<i64: 1, 128>}, {pipeline_mode = #tpu.pipeline_mode<synchronous>, transform_indices = @transform_3, window_bounds = array<i64: 128, 128>}, {pipeline_mode = #tpu.pipeline_mode<synchronous>, transform_indices = @transform_4, window_bounds = array<i64: 1, 128>}, {transform_indices = @transform_5, window_bounds = array<i64: 1000, 128>}]} {
    %get3A = arith.constant 0 : index
    %get3A_0 = arith.constant 0 : index
    %get3A_1 = vector.load %arg1[%get3A, %get3A_0] : memref<1000x128xf32, #tpu.memory_space<vmem>>, vector<1000x128xf32>
    %slice3A = vector.extract_strided_slice %get3A_1 {offsets = [0, 0], sizes = [1000, 1], strides = [1, 1]} : vector<1000x128xf32> to vector<1000x1xf32>
    %get3A_2 = arith.constant 0 : index
    %get3A_3 = arith.constant 0 : index
    %get3A_4 = vector.load %arg2[%get3A_2, %get3A_3] : memref<1x128xf32, #tpu.memory_space<vmem>>, vector<1x128xf32>
    %mul3A = vector.broadcast %slice3A : vector<1000x1xf32> to vector<1000x128xf32>
    %mul3A_5 = vector.broadcast %get3A_4 : vector<1x128xf32> to vector<1000x128xf32>
    %mul3A_6 = arith.mulf %mul3A, %mul3A_5 : vector<1000x128xf32>
    %get3A_7 = arith.constant 0 : index
    %get3A_8 = arith.constant 0 : index
    %get3A_9 = vector.load %arg3[%get3A_7, %get3A_8] : memref<1x128xf32, #tpu.memory_space<vmem>>, vector<1x128xf32>
    %add3A = vector.broadcast %get3A_9 : vector<1x128xf32> to vector<1000x128xf32>
    %add3A_10 = arith.addf %mul3A_6, %add3A : vector<1000x128xf32>
    %max3A = arith.constant 0.000000e+00 : f32
    %max3A_11 = vector.broadcast %max3A : f32 to vector<1000x128xf32>
    %max3A_12 = arith.maximumf %add3A_10, %max3A_11 : vector<1000x128xf32>
    %get3A_13 = arith.constant 0 : index
    %get3A_14 = arith.constant 0 : index
    %get3A_15 = vector.load %arg4[%get3A_13, %get3A_14] : memref<128x128xf32, #tpu.memory_space<vmem>>, vector<128x128xf32>
    %dot_general3A = arith.constant dense<0.000000e+00> : vector<1000x128xf32>
    %dot_general3A_16 = tpu.matmul %max3A_12, %get3A_15, %dot_general3A {dimension_numbers = #tpu.dot_dimension_numbers<[1], [0], [0], [1], [0, 0, 1, 1], [], []>, transpose_lhs_hint = false} : vector<1000x128xf32>, vector<128x128xf32>, vector<1000x128xf32> -> vector<1000x128xf32>
    %get3A_17 = arith.constant 0 : index
    %get3A_18 = arith.constant 0 : index
    %get3A_19 = vector.load %arg5[%get3A_17, %get3A_18] : memref<1x128xf32, #tpu.memory_space<vmem>>, vector<1x128xf32>
    %add3A_20 = vector.broadcast %get3A_19 : vector<1x128xf32> to vector<1000x128xf32>
    %add3A_21 = arith.addf %dot_general3A_16, %add3A_20 : vector<1000x128xf32>
    %iota3A = tpu.iota {dimensions = array<i32: 1>} : vector<1x128xi32>
    %eq3A = arith.constant 127 : i32
    %eq3A_22 = vector.broadcast %eq3A : i32 to vector<1x128xi32>
    %eq3A_23 = arith.cmpi eq, %iota3A, %eq3A_22 : vector<1x128xi32>
    %broadcast_in_dim3A = vector.shape_cast %eq3A_23 : vector<1x128xi1> to vector<1x128xi1>
    %broadcast_in_dim3A_24 = vector.broadcast %broadcast_in_dim3A : vector<1x128xi1> to vector<1000x128xi1>
    %select_n3A = arith.select %broadcast_in_dim3A_24, %get3A_1, %add3A_21 : vector<1000x128xi1>, vector<1000x128xf32>
    %swap3A = arith.constant 0 : index
    %swap3A_25 = arith.constant 0 : index
    %swap3A_26 = vector.load %arg6[%swap3A, %swap3A_25] : memref<1000x128xf32, #tpu.memory_space<vmem>>, vector<1000x128xf32>
    tpu.vector_store %arg6[%swap3A, %swap3A_25], %select_n3A {strides = array<i32>} : memref<1000x128xf32, #tpu.memory_space<vmem>>, vector<1000x128xf32>,
    return
  }
  func.func @transform_0(%arg0: i32) -> (i32, i32) {
    %c0_i32 = arith.constant 0 : i32
    %c0_i32_0 = arith.constant 0 : i32
    return %arg0, %c0_i32 : i32, i32
  }
  func.func @transform_1(%arg0: i32) -> (i32, i32) {
    %c0_i32 = arith.constant 0 : i32
    %c0_i32_0 = arith.constant 0 : i32
    %c0_i32_1 = arith.constant 0 : i32
    return %c0_i32, %c0_i32_0 : i32, i32
  }
  func.func @transform_2(%arg0: i32) -> (i32, i32) {
    %c0_i32 = arith.constant 0 : i32
    %c0_i32_0 = arith.constant 0 : i32
    %c0_i32_1 = arith.constant 0 : i32
    return %c0_i32, %c0_i32_0 : i32, i32
  }
  func.func @transform_3(%arg0: i32) -> (i32, i32) {
    %c0_i32 = arith.constant 0 : i32
    %c0_i32_0 = arith.constant 0 : i32
    %c0_i32_1 = arith.constant 0 : i32
    return %c0_i32, %c0_i32_0 : i32, i32
  }
  func.func @transform_4(%arg0: i32) -> (i32, i32) {
    %c0_i32 = arith.constant 0 : i32
    %c0_i32_0 = arith.constant 0 : i32
    %c0_i32_1 = arith.constant 0 : i32
    return %c0_i32, %c0_i32_0 : i32, i32
  }
  func.func @transform_5(%arg0: i32) -> (i32, i32) {
    %c0_i32 = arith.constant 0 : i32
    %c0_i32_0 = arith.constant 0 : i32
    return %arg0, %c0_i32 : i32, i32
  }
}

module attributes {stable_mosaic.version = 14 : i64} {
  func.func @body(%arg0: i32, %arg1: memref<1000x128xf32, #tpu.memory_space<vmem>>, %arg2: memref<1x128xf32, #tpu.memory_space<vmem>>, %arg3: memref<1x128xf32, #tpu.memory_space<vmem>>, %arg4: memref<128x128xf32, #tpu.memory_space<vmem>>, %arg5: memref<1x128xf32, #tpu.memory_space<vmem>>, %arg6: memref<1000x128xf32, #tpu.memory_space<vmem>>) attributes {dimension_semantics = [#tpu.dimension_semantics<arbitrary>], iteration_bounds = array<i64: 4>, scalar_prefetch = 0 : i64, scratch_operands = 0 : i64, tpu.core_type = #tpu.core_type<tc>, window_params = [{transform_indices = @transform_0, window_bounds = array<i64: 1000, 128>}, {pipeline_mode = #tpu.pipeline_mode<synchronous>, transform_indices = @transform_1, window_bounds = array<i64: 1, 128>}, {pipeline_mode = #tpu.pipeline_mode<synchronous>, transform_indices = @transform_2, window_bounds = array<i64: 1, 128>}, {pipeline_mode = #tpu.pipeline_mode<synchronous>, transform_indices = @transform_3, window_bounds = array<i64: 128, 128>}, {pipeline_mode = #tpu.pipeline_mode<synchronous>, transform_indices = @transform_4, window_bounds = array<i64: 1, 128>}, {transform_indices = @transform_5, window_bounds = array<i64: 1000, 128>}]} {
    %get3A = arith.constant 0 : index
    %get3A_0 = arith.constant 0 : index
    %get3A_1 = vector.load %arg1[%get3A, %get3A_0] : memref<1000x128xf32, #tpu.memory_space<vmem>>, vector<1000x128xf32>
    %slice3A = vector.extract_strided_slice %get3A_1 {offsets = [0, 0], sizes = [1000, 1], strides = [1, 1]} : vector<1000x128xf32> to vector<1000x1xf32>
    %get3A_2 = arith.constant 0 : index
    %get3A_3 = arith.constant 0 : index
    %get3A_4 = vector.load %arg2[%get3A_2, %get3A_3] : memref<1x128xf32, #tpu.memory_space<vmem>>, vector<1x128xf32>
    %mul3A = vector.broadcast %slice3A : vector<1000x1xf32> to vector<1000x128xf32>
    %mul3A_5 = vector.broadcast %get3A_4 : vector<1x128xf32> to vector<1000x128xf32>
    %mul3A_6 = arith.mulf %mul3A, %mul3A_5 : vector<1000x128xf32>
    %get3A_7 = arith.constant 0 : index
    %get3A_8 = arith.constant 0 : index
    %get3A_9 = vector.load %arg3[%get3A_7, %get3A_8] : memref<1x128xf32, #tpu.memory_space<vmem>>, vector<1x128xf32>
    %add3A = vector.broadcast %get3A_9 : vector<1x128xf32> to vector<1000x128xf32>
    %add3A_10 = arith.addf %mul3A_6, %add3A : vector<1000x128xf32>
    %max3A = arith.constant 0.000000e+00 : f32
    %max3A_11 = vector.broadcast %max3A : f32 to vector<1000x128xf32>
    %max3A_12 = arith.maximumf %add3A_10, %max3A_11 : vector<1000x128xf32>
    %get3A_13 = arith.constant 0 : index
    %get3A_14 = arith.constant 0 : index
    %get3A_15 = vector.load %arg4[%get3A_13, %get3A_14] : memref<128x128xf32, #tpu.memory_space<vmem>>, vector<128x128xf32>
    %dot_general3A = arith.constant dense<0.000000e+00> : vector<1000x128xf32>
    %dot_general3A_16 = tpu.matmul %max3A_12, %get3A_15, %dot_general3A {dimension_numbers = #tpu.dot_dimension_numbers<[1], [0], [0], [1], [0, 0, 1, 1], [], []>, transpose_lhs_hint = false} : vector<1000x128xf32>, vector<128x128xf32>, vector<1000x128xf32> -> vector<1000x128xf32>
    %get3A_17 = arith.constant 0 : index
    %get3A_18 = arith.constant 0 : index
    %get3A_19 = vector.load %arg5[%get3A_17, %get3A_18] : memref<1x128xf32, #tpu.memory_space<vmem>>, vector<1x128xf32>
    %add3A_20 = vector.broadcast %get3A_19 : vector<1x128xf32> to vector<1000x128xf32>
    %add3A_21 = arith.addf %dot_general3A_16, %add3A_20 : vector<1000x128xf32>
    %iota3A = tpu.iota {dimensions = array<i32: 1>} : vector<1x128xi32>
    %eq3A = arith.constant 127 : i32
    %eq3A_22 = vector.broadcast %eq3A : i32 to vector<1x128xi32>
    %eq3A_23 = arith.cmpi eq, %iota3A, %eq3A_22 : vector<1x128xi32>
    %broadcast_in_dim3A = vector.shape_cast %eq3A_23 : vector<1x128xi1> to vector<1x128xi1>
    %broadcast_in_dim3A_24 = vector.broadcast %broadcast_in_dim3A : vector<1x128xi1> to vector<1000x128xi1>
    %select_n3A = arith.select %broadcast_in_dim3A_24, %get3A_1, %add3A_21 : vector<1000x128xi1>, vector<1000x128xf32>
    %swap3A = arith.constant 0 : index
    %swap3A_25 = arith.constant 0 : index
    %swap3A_26 = vector.load %arg6[%swap3A, %swap3A_25] : memref<1000x128xf32, #tpu.memory_space<vmem>>, vector<1000x128xf32>
    tpu.vector_store %arg6[%swap3A, %swap3A_25], %select_n3A {strides = array<i32>} : memref<1000x128xf32, #tpu.memory_space<vmem>>, vector<1000x128xf32>,
    return
  }
  func.func @transform_0(%arg0: i32) -> (i32, i32) {
    %c0_i32 = arith.constant 0 : i32
    %c0_i32_0 = arith.constant 0 : i32
    return %arg0, %c0_i32 : i32, i32
  }
  func.func @transform_1(%arg0: i32) -> (i32, i32) {
    %c0_i32 = arith.constant 0 : i32
    %c0_i32_0 = arith.constant 0 : i32
    %c0_i32_1 = arith.constant 0 : i32
    return %c0_i32, %c0_i32_0 : i32, i32
  }
  func.func @transform_2(%arg0: i32) -> (i32, i32) {
    %c0_i32 = arith.constant 0 : i32
    %c0_i32_0 = arith.constant 0 : i32
    %c0_i32_1 = arith.constant 0 : i32
    return %c0_i32, %c0_i32_0 : i32, i32
  }
  func.func @transform_3(%arg0: i32) -> (i32, i32) {
    %c0_i32 = arith.constant 0 : i32
    %c0_i32_0 = arith.constant 0 : i32
    %c0_i32_1 = arith.constant 0 : i32
    return %c0_i32, %c0_i32_0 : i32, i32
  }
  func.func @transform_4(%arg0: i32) -> (i32, i32) {
    %c0_i32 = arith.constant 0 : i32
    %c0_i32_0 = arith.constant 0 : i32
    %c0_i32_1 = arith.constant 0 : i32
    return %c0_i32, %c0_i32_0 : i32, i32
  }
  func.func @transform_5(%arg0: i32) -> (i32, i32) {
    %c0_i32 = arith.constant 0 : i32
    %c0_i32_0 = arith.constant 0 : i32
    return %arg0, %c0_i32 : i32, i32
  }
}

module attributes {stable_mosaic.version = 14 : i64} {
  func.func @body(%arg0: i32, %arg1: memref<1280x128xf32, #tpu.memory_space<vmem>>, %arg2: memref<128x128xf32, #tpu.memory_space<vmem>>, %arg3: memref<1280x128xf32, #tpu.memory_space<vmem>>) attributes {dimension_semantics = [#tpu.dimension_semantics<arbitrary>], iteration_bounds = array<i64: 8>, scalar_prefetch = 0 : i64, scratch_operands = 0 : i64, tpu.core_type = #tpu.core_type<tc>, window_params = [{transform_indices = @transform_0, window_bounds = array<i64: 1280, 128>}, {pipeline_mode = #tpu.pipeline_mode<synchronous>, transform_indices = @transform_1, window_bounds = array<i64: 128, 128>}, {transform_indices = @transform_2, window_bounds = array<i64: 1280, 128>}]} {
    %get3A = arith.constant 0 : index
    %get3A_0 = arith.constant 0 : index
    %get3A_1 = vector.load %arg1[%get3A, %get3A_0] : memref<1280x128xf32, #tpu.memory_space<vmem>>, vector<1280x128xf32>
    %get3A_2 = arith.constant 0 : index
    %get3A_3 = arith.constant 0 : index
    %get3A_4 = vector.load %arg2[%get3A_2, %get3A_3] : memref<128x128xf32, #tpu.memory_space<vmem>>, vector<128x128xf32>
    %dot_general3A = arith.constant dense<0.000000e+00> : vector<1280x128xf32>
    %dot_general3A_5 = tpu.matmul %get3A_1, %get3A_4, %dot_general3A {dimension_numbers = #tpu.dot_dimension_numbers<[1], [0], [0], [1], [0, 0, 1, 1], [], []>, transpose_lhs_hint = false} : vector<1280x128xf32>, vector<128x128xf32>, vector<1280x128xf32> -> vector<1280x128xf32>
    %swap3A = arith.constant 0 : index
    %swap3A_6 = arith.constant 0 : index
    %swap3A_7 = vector.load %arg3[%swap3A, %swap3A_6] : memref<1280x128xf32, #tpu.memory_space<vmem>>, vector<1280x128xf32>
    tpu.vector_store %arg3[%swap3A, %swap3A_6], %dot_general3A_5 {strides = array<i32>} : memref<1280x128xf32, #tpu.memory_space<vmem>>, vector<1280x128xf32>,
    return
  }
  func.func @transform_0(%arg0: i32) -> (i32, i32) {
    %c0_i32 = arith.constant 0 : i32
    %c0_i32_0 = arith.constant 0 : i32
    return %arg0, %c0_i32 : i32, i32
  }
  func.func @transform_1(%arg0: i32) -> (i32, i32) {
    %c0_i32 = arith.constant 0 : i32
    %c0_i32_0 = arith.constant 0 : i32
    %c0_i32_1 = arith.constant 0 : i32
    return %c0_i32, %c0_i32_0 : i32, i32
  }
  func.func @transform_2(%arg0: i32) -> (i32, i32) {
    %c0_i32 = arith.constant 0 : i32
    %c0_i32_0 = arith.constant 0 : i32
    return %arg0, %c0_i32 : i32, i32
  }
}

module attributes {stable_mosaic.version = 14 : i64} {
  func.func @body(%arg0: i32, %arg1: memref<5x768x128xf32, #tpu.memory_space<vmem>>, %arg2: memref<5x128x128xf32, #tpu.memory_space<vmem>>, %arg3: memref<1x128xf32, #tpu.memory_space<vmem>>, %arg4: memref<128x128xf32, #tpu.memory_space<vmem>>, %arg5: memref<1x128xf32, #tpu.memory_space<vmem>>, %arg6: memref<128x128xf32, #tpu.memory_space<vmem>>, %arg7: memref<1x128xf32, #tpu.memory_space<vmem>>, %arg8: memref<128x128xf32, #tpu.memory_space<vmem>>, %arg9: memref<1x128xf32, #tpu.memory_space<vmem>>, %arg10: memref<768x128xf32, #tpu.memory_space<vmem>>) attributes {dimension_semantics = [#tpu.dimension_semantics<arbitrary>], iteration_bounds = array<i64: 8>, scalar_prefetch = 0 : i64, scratch_operands = 0 : i64, tpu.core_type = #tpu.core_type<tc>, window_params = [{transform_indices = @transform_0, window_bounds = array<i64: 5, 768, 128>}, {pipeline_mode = #tpu.pipeline_mode<synchronous>, transform_indices = @transform_1, window_bounds = array<i64: 5, 128, 128>}, {pipeline_mode = #tpu.pipeline_mode<synchronous>, transform_indices = @transform_2, window_bounds = array<i64: 1, 128>}, {pipeline_mode = #tpu.pipeline_mode<synchronous>, transform_indices = @transform_3, window_bounds = array<i64: 128, 128>}, {pipeline_mode = #tpu.pipeline_mode<synchronous>, transform_indices = @transform_4, window_bounds = array<i64: 1, 128>}, {pipeline_mode = #tpu.pipeline_mode<synchronous>, transform_indices = @transform_5, window_bounds = array<i64: 128, 128>}, {pipeline_mode = #tpu.pipeline_mode<synchronous>, transform_indices = @transform_6, window_bounds = array<i64: 1, 128>}, {pipeline_mode = #tpu.pipeline_mode<synchronous>, transform_indices = @transform_7, window_bounds = array<i64: 128, 128>}, {pipeline_mode = #tpu.pipeline_mode<synchronous>, transform_indices = @transform_8, window_bounds = array<i64: 1, 128>}, {transform_indices = @transform_9, window_bounds = array<i64: 768, 128>}]} {
    %get3A = arith.constant 0 : index
    %get3A_0 = arith.constant 0 : index
    %get3A_1 = vector.load %arg3[%get3A, %get3A_0] : memref<1x128xf32, #tpu.memory_space<vmem>>, vector<1x128xf32>
    %broadcast_in_dim3A = arith.constant 0.000000e+00 : f32
    %broadcast_in_dim3A_2 = vector.broadcast %broadcast_in_dim3A : f32 to vector<768x128xf32>
    %add3A = vector.broadcast %get3A_1 : vector<1x128xf32> to vector<768x128xf32>
    %add3A_3 = arith.addf %add3A, %broadcast_in_dim3A_2 : vector<768x128xf32>
    %get3A_4 = arith.constant 0 : index
    %get3A_5 = arith.constant 0 : index
    %get3A_6 = arith.constant 0 : index
    %get3A_7 = vector.load %arg1[%get3A_4, %get3A_5, %get3A_6] : memref<5x768x128xf32, #tpu.memory_space<vmem>>, vector<1x768x128xf32>
    %get3A_8 = vector.shape_cast %get3A_7 : vector<1x768x128xf32> to vector<768x128xf32>
    %get3A_9 = arith.constant 0 : index
    %get3A_10 = arith.constant 0 : index
    %get3A_11 = arith.constant 0 : index
    %get3A_12 = vector.load %arg2[%get3A_9, %get3A_10, %get3A_11] : memref<5x128x128xf32, #tpu.memory_space<vmem>>, vector<1x128x128xf32>
    %get3A_13 = vector.shape_cast %get3A_12 : vector<1x128x128xf32> to vector<128x128xf32>
    %dot_general3A = arith.constant dense<0.000000e+00> : vector<768x128xf32>
    %dot_general3A_14 = tpu.matmul %get3A_8, %get3A_13, %dot_general3A {dimension_numbers = #tpu.dot_dimension_numbers<[1], [0], [0], [1], [0, 0, 1, 1], [], []>, transpose_lhs_hint = false} : vector<768x128xf32>, vector<128x128xf32>, vector<768x128xf32> -> vector<768x128xf32>
    %add3A_15 = arith.addf %add3A_3, %dot_general3A_14 : vector<768x128xf32>
    %get3A_16 = arith.constant 1 : index
    %get3A_17 = arith.constant 0 : index
    %get3A_18 = arith.constant 0 : index
    %get3A_19 = vector.load %arg1[%get3A_16, %get3A_17, %get3A_18] : memref<5x768x128xf32, #tpu.memory_space<vmem>>, vector<1x768x128xf32>
    %get3A_20 = vector.shape_cast %get3A_19 : vector<1x768x128xf32> to vector<768x128xf32>
    %get3A_21 = arith.constant 1 : index
    %get3A_22 = arith.constant 0 : index
    %get3A_23 = arith.constant 0 : index
    %get3A_24 = vector.load %arg2[%get3A_21, %get3A_22, %get3A_23] : memref<5x128x128xf32, #tpu.memory_space<vmem>>, vector<1x128x128xf32>
    %get3A_25 = vector.shape_cast %get3A_24 : vector<1x128x128xf32> to vector<128x128xf32>
    %dot_general3A_26 = arith.constant dense<0.000000e+00> : vector<768x128xf32>
    %dot_general3A_27 = tpu.matmul %get3A_20, %get3A_25, %dot_general3A_26 {dimension_numbers = #tpu.dot_dimension_numbers<[1], [0], [0], [1], [0, 0, 1, 1], [], []>, transpose_lhs_hint = false} : vector<768x128xf32>, vector<128x128xf32>, vector<768x128xf32> -> vector<768x128xf32>
    %add3A_28 = arith.addf %add3A_15, %dot_general3A_27 : vector<768x128xf32>
    %get3A_29 = arith.constant 2 : index
    %get3A_30 = arith.constant 0 : index
    %get3A_31 = arith.constant 0 : index
    %get3A_32 = vector.load %arg1[%get3A_29, %get3A_30, %get3A_31] : memref<5x768x128xf32, #tpu.memory_space<vmem>>, vector<1x768x128xf32>
    %get3A_33 = vector.shape_cast %get3A_32 : vector<1x768x128xf32> to vector<768x128xf32>
    %get3A_34 = arith.constant 2 : index
    %get3A_35 = arith.constant 0 : index
    %get3A_36 = arith.constant 0 : index
    %get3A_37 = vector.load %arg2[%get3A_34, %get3A_35, %get3A_36] : memref<5x128x128xf32, #tpu.memory_space<vmem>>, vector<1x128x128xf32>
    %get3A_38 = vector.shape_cast %get3A_37 : vector<1x128x128xf32> to vector<128x128xf32>
    %dot_general3A_39 = arith.constant dense<0.000000e+00> : vector<768x128xf32>
    %dot_general3A_40 = tpu.matmul %get3A_33, %get3A_38, %dot_general3A_39 {dimension_numbers = #tpu.dot_dimension_numbers<[1], [0], [0], [1], [0, 0, 1, 1], [], []>, transpose_lhs_hint = false} : vector<768x128xf32>, vector<128x128xf32>, vector<768x128xf32> -> vector<768x128xf32>
    %add3A_41 = arith.addf %add3A_28, %dot_general3A_40 : vector<768x128xf32>
    %get3A_42 = arith.constant 3 : index
    %get3A_43 = arith.constant 0 : index
    %get3A_44 = arith.constant 0 : index
    %get3A_45 = vector.load %arg1[%get3A_42, %get3A_43, %get3A_44] : memref<5x768x128xf32, #tpu.memory_space<vmem>>, vector<1x768x128xf32>
    %get3A_46 = vector.shape_cast %get3A_45 : vector<1x768x128xf32> to vector<768x128xf32>
    %get3A_47 = arith.constant 3 : index
    %get3A_48 = arith.constant 0 : index
    %get3A_49 = arith.constant 0 : index
    %get3A_50 = vector.load %arg2[%get3A_47, %get3A_48, %get3A_49] : memref<5x128x128xf32, #tpu.memory_space<vmem>>, vector<1x128x128xf32>
    %get3A_51 = vector.shape_cast %get3A_50 : vector<1x128x128xf32> to vector<128x128xf32>
    %dot_general3A_52 = arith.constant dense<0.000000e+00> : vector<768x128xf32>
    %dot_general3A_53 = tpu.matmul %get3A_46, %get3A_51, %dot_general3A_52 {dimension_numbers = #tpu.dot_dimension_numbers<[1], [0], [0], [1], [0, 0, 1, 1], [], []>, transpose_lhs_hint = false} : vector<768x128xf32>, vector<128x128xf32>, vector<768x128xf32> -> vector<768x128xf32>
    %add3A_54 = arith.addf %add3A_41, %dot_general3A_53 : vector<768x128xf32>
    %get3A_55 = arith.constant 4 : index
    %get3A_56 = arith.constant 0 : index
    %get3A_57 = arith.constant 0 : index
    %get3A_58 = vector.load %arg1[%get3A_55, %get3A_56, %get3A_57] : memref<5x768x128xf32, #tpu.memory_space<vmem>>, vector<1x768x128xf32>
    %get3A_59 = vector.shape_cast %get3A_58 : vector<1x768x128xf32> to vector<768x128xf32>
    %get3A_60 = arith.constant 4 : index
    %get3A_61 = arith.constant 0 : index
    %get3A_62 = arith.constant 0 : index
    %get3A_63 = vector.load %arg2[%get3A_60, %get3A_61, %get3A_62] : memref<5x128x128xf32, #tpu.memory_space<vmem>>, vector<1x128x128xf32>
    %get3A_64 = vector.shape_cast %get3A_63 : vector<1x128x128xf32> to vector<128x128xf32>
    %dot_general3A_65 = arith.constant dense<0.000000e+00> : vector<768x128xf32>
    %dot_general3A_66 = tpu.matmul %get3A_59, %get3A_64, %dot_general3A_65 {dimension_numbers = #tpu.dot_dimension_numbers<[1], [0], [0], [1], [0, 0, 1, 1], [], []>, transpose_lhs_hint = false} : vector<768x128xf32>, vector<128x128xf32>, vector<768x128xf32> -> vector<768x128xf32>
    %add3A_67 = arith.addf %add3A_54, %dot_general3A_66 : vector<768x128xf32>
    %max3A = arith.constant 0.000000e+00 : f32
    %max3A_68 = vector.broadcast %max3A : f32 to vector<768x128xf32>
    %max3A_69 = arith.maximumf %add3A_67, %max3A_68 : vector<768x128xf32>
    %get3A_70 = arith.constant 0 : index
    %get3A_71 = arith.constant 0 : index
    %get3A_72 = vector.load %arg4[%get3A_70, %get3A_71] : memref<128x128xf32, #tpu.memory_space<vmem>>, vector<128x128xf32>
    %dot_general3A_73 = arith.constant dense<0.000000e+00> : vector<768x128xf32>
    %dot_general3A_74 = tpu.matmul %max3A_69, %get3A_72, %dot_general3A_73 {dimension_numbers = #tpu.dot_dimension_numbers<[1], [0], [0], [1], [0, 0, 1, 1], [], []>, transpose_lhs_hint = false} : vector<768x128xf32>, vector<128x128xf32>, vector<768x128xf32> -> vector<768x128xf32>
    %get3A_75 = arith.constant 0 : index
    %get3A_76 = arith.constant 0 : index
    %get3A_77 = vector.load %arg5[%get3A_75, %get3A_76] : memref<1x128xf32, #tpu.memory_space<vmem>>, vector<1x128xf32>
    %add3A_78 = vector.broadcast %get3A_77 : vector<1x128xf32> to vector<768x128xf32>
    %add3A_79 = arith.addf %dot_general3A_74, %add3A_78 : vector<768x128xf32>
    %max3A_80 = arith.constant 0.000000e+00 : f32
    %max3A_81 = vector.broadcast %max3A_80 : f32 to vector<768x128xf32>
    %max3A_82 = arith.maximumf %add3A_79, %max3A_81 : vector<768x128xf32>
    %get3A_83 = arith.constant 0 : index
    %get3A_84 = arith.constant 0 : index
    %get3A_85 = vector.load %arg6[%get3A_83, %get3A_84] : memref<128x128xf32, #tpu.memory_space<vmem>>, vector<128x128xf32>
    %dot_general3A_86 = arith.constant dense<0.000000e+00> : vector<768x128xf32>
    %dot_general3A_87 = tpu.matmul %max3A_82, %get3A_85, %dot_general3A_86 {dimension_numbers = #tpu.dot_dimension_numbers<[1], [0], [0], [1], [0, 0, 1, 1], [], []>, transpose_lhs_hint = false} : vector<768x128xf32>, vector<128x128xf32>, vector<768x128xf32> -> vector<768x128xf32>
    %get3A_88 = arith.constant 0 : index
    %get3A_89 = arith.constant 0 : index
    %get3A_90 = vector.load %arg7[%get3A_88, %get3A_89] : memref<1x128xf32, #tpu.memory_space<vmem>>, vector<1x128xf32>
    %add3A_91 = vector.broadcast %get3A_90 : vector<1x128xf32> to vector<768x128xf32>
    %add3A_92 = arith.addf %dot_general3A_87, %add3A_91 : vector<768x128xf32>
    %max3A_93 = arith.constant 0.000000e+00 : f32
    %max3A_94 = vector.broadcast %max3A_93 : f32 to vector<768x128xf32>
    %max3A_95 = arith.maximumf %add3A_92, %max3A_94 : vector<768x128xf32>
    %get3A_96 = arith.constant 0 : index
    %get3A_97 = arith.constant 0 : index
    %get3A_98 = vector.load %arg8[%get3A_96, %get3A_97] : memref<128x128xf32, #tpu.memory_space<vmem>>, vector<128x128xf32>
    %dot_general3A_99 = arith.constant dense<0.000000e+00> : vector<768x128xf32>
    %dot_general3A_100 = tpu.matmul %max3A_95, %get3A_98, %dot_general3A_99 {dimension_numbers = #tpu.dot_dimension_numbers<[1], [0], [0], [1], [0, 0, 1, 1], [], []>, transpose_lhs_hint = false} : vector<768x128xf32>, vector<128x128xf32>, vector<768x128xf32> -> vector<768x128xf32>
    %get3A_101 = arith.constant 0 : index
    %get3A_102 = arith.constant 0 : index
    %get3A_103 = vector.load %arg9[%get3A_101, %get3A_102] : memref<1x128xf32, #tpu.memory_space<vmem>>, vector<1x128xf32>
    %add3A_104 = vector.broadcast %get3A_103 : vector<1x128xf32> to vector<768x128xf32>
    %add3A_105 = arith.addf %dot_general3A_100, %add3A_104 : vector<768x128xf32>
    %swap3A = arith.constant 0 : index
    %swap3A_106 = arith.constant 0 : index
    %swap3A_107 = vector.load %arg10[%swap3A, %swap3A_106] : memref<768x128xf32, #tpu.memory_space<vmem>>, vector<768x128xf32>
    tpu.vector_store %arg10[%swap3A, %swap3A_106], %add3A_105 {strides = array<i32>} : memref<768x128xf32, #tpu.memory_space<vmem>>, vector<768x128xf32>,
    return
  }
  func.func @transform_0(%arg0: i32) -> (i32, i32, i32) {
    %c0_i32 = arith.constant 0 : i32
    %c0_i32_0 = arith.constant 0 : i32
    %c0_i32_1 = arith.constant 0 : i32
    return %c0_i32, %arg0, %c0_i32_0 : i32, i32, i32
  }
  func.func @transform_1(%arg0: i32) -> (i32, i32, i32) {
    %c0_i32 = arith.constant 0 : i32
    %c0_i32_0 = arith.constant 0 : i32
    %c0_i32_1 = arith.constant 0 : i32
    %c0_i32_2 = arith.constant 0 : i32
    return %c0_i32, %c0_i32_0, %c0_i32_1 : i32, i32, i32
  }
  func.func @transform_2(%arg0: i32) -> (i32, i32) {
    %c0_i32 = arith.constant 0 : i32
    %c0_i32_0 = arith.constant 0 : i32
    %c0_i32_1 = arith.constant 0 : i32
    return %c0_i32, %c0_i32_0 : i32, i32
  }
  func.func @transform_3(%arg0: i32) -> (i32, i32) {
    %c0_i32 = arith.constant 0 : i32
    %c0_i32_0 = arith.constant 0 : i32
    %c0_i32_1 = arith.constant 0 : i32
    return %c0_i32, %c0_i32_0 : i32, i32
  }
  func.func @transform_4(%arg0: i32) -> (i32, i32) {
    %c0_i32 = arith.constant 0 : i32
    %c0_i32_0 = arith.constant 0 : i32
    %c0_i32_1 = arith.constant 0 : i32
    return %c0_i32, %c0_i32_0 : i32, i32
  }
  func.func @transform_5(%arg0: i32) -> (i32, i32) {
    %c0_i32 = arith.constant 0 : i32
    %c0_i32_0 = arith.constant 0 : i32
    %c0_i32_1 = arith.constant 0 : i32
    return %c0_i32, %c0_i32_0 : i32, i32
  }
  func.func @transform_6(%arg0: i32) -> (i32, i32) {
    %c0_i32 = arith.constant 0 : i32
    %c0_i32_0 = arith.constant 0 : i32
    %c0_i32_1 = arith.constant 0 : i32
    return %c0_i32, %c0_i32_0 : i32, i32
  }
  func.func @transform_7(%arg0: i32) -> (i32, i32) {
    %c0_i32 = arith.constant 0 : i32
    %c0_i32_0 = arith.constant 0 : i32
    %c0_i32_1 = arith.constant 0 : i32
    return %c0_i32, %c0_i32_0 : i32, i32
  }
  func.func @transform_8(%arg0: i32) -> (i32, i32) {
    %c0_i32 = arith.constant 0 : i32
    %c0_i32_0 = arith.constant 0 : i32
    %c0_i32_1 = arith.constant 0 : i32
    return %c0_i32, %c0_i32_0 : i32, i32
  }
  func.func @transform_9(%arg0: i32) -> (i32, i32) {
    %c0_i32 = arith.constant 0 : i32
    %c0_i32_0 = arith.constant 0 : i32
    return %arg0, %c0_i32 : i32, i32
  }
}

</mosaic_0001>

<sc_bundles>
// kernel: gather_offload_async_start.1
scs
__scs_entry_jumppad:
0x0: {  	(pc) =	sbr.rel $0x88, $3  }
0x1: {  	(tag) =	ssettag $0x0;
	lr =	simm.s32 $0x1  }
0x2: {  	[smem:$0x3F80] =	sst lr;
	_ =	strace $0xD0000000  }
0x3: {  	_ = 	snop  }
0x4: {  	_ = 	snop  }
0x5: {  	_ = 	snop  }
0x6: {  	_ = 	snop  }
0x7: {  	_ = 	snop  }
__scs_overlays_trampoline_lowered:
0x8: {  	[smem:$0x3F8F] =	sst s0  }
0x9: {  	[smem:$0x3F90] =	sst s1  }
0xa: {  	[smem:$0x3F91] =	sst s2  }
0xb: {  	[smem:$0x3F92] =	sst s3  }
0xc: {  	[smem:$0x3F93] =	sst s4  }
0xd: {  	[smem:$0x3F94] =	sst s5  }
0xe: {  	[smem:$0x3F95] =	sst s6  }
0xf: {  	[smem:$0x3F96] =	sst s7  }
0x10: {  	[smem:$0x3F97] =	sst s8  }
0x11: {  	[smem:$0x3F98] =	sst s9;
	s0 =	simm.s32 @!p0 $0x0  }
0x12: {  	s1 =	sld [smem:$0x3F7E];
	s0 =	simm.s32 @p0 $0x1  }
0x13: {  	[smem:$0x3F99] =	sst s0;
	s0 =	simm.s32 @!p1 $0x0  }
0x14: {  	s2 =	sld [smem:$0x3F7D];
	s0 =	simm.s32 @p1 $0x1  }
0x15: {  	[smem:$0x3F9A] =	sst s0;
	s0 =	simm.s32 @!p2 $0x0  }
0x16: {  	s3 =	sld [smem:$0x3FDB];
	s0 =	simm.s32 @p2 $0x1  }
0x17: {  	s4 =	simm.s32 $0x1BF5;
	[smem:$0x3F9C] =	sst s0  }
0x18: {  	s0 =	sld [smem:$0x3F7F];
	_ =	swait.ge [sflag:s4], $0x0  }
0x19: {  	s7 =	sld [smem:$0x3F80]  }
0x1a: {  	s8 =	sadd.s32 $0xFFFFE003, lr  }
0x1b: {  	s9 =	sadd.s32 $0xFFFFFEF7, lr;
	s5 =	simm.s32 $0xFFFFFFFF;
	p2 =	slt.u32 s8, $0xFFFFF086  }
0x1c: {  	p1 =	slt.u32 s9, $0xF7A;
	s5 =	simm.s32 @!p2 $0x0  }
0x1d: {  	s5 =	simm.s32 @p1 $0x1;
	p0 =	seq.s32 s7, s2  }
0x1e: {  	s7 =	smul.u32 @!p0 $0xF7A, s2;
	p2 =	seq.s32 @!p0 s5, $0x0  }
0x1f: {  	s9 =	smul.u32 $0xF7A, s1;
	s8 =	simm.s32 @!p0 $0x1BF5;
	p2 =	por !p2, p0  }
0x20: {  	[sflag:s8] =	ssyncset.s32 @!p0 $0xFFFFF086;
	s6 =	sadd.s32 @!p0 s3, s7;
	s7 =	simm.s32 @!p0 $0x108  }
0x21: {  	s3 =	sadd.s32 s3, s9;
	s6 =	sadd.s32 @!p0 $0x88, s6;
	s7 =	simm.s32 @p2 $0x1082  }
0x22: {  	[simem:s7], [sflag:s8] =	dma.local @!p0 [hbm:s6], $0xF7A  }
0x23: {  	s9 =	sor.u32 $0xD0000000, s2;
	s6 =	simm.s32 $0x108;
	_ =	swait.ge @!p0 [sflag:s8], $0x0  }
0x24: {  	s3 =	sadd.s32 $0x88, s3;
	s6 =	simm.s32 @!p1 $0x1082;
	[sflag:s4] =	ssyncset.s32 $0xFFFFF086  }
0x25: {  	[simem:s6], [sflag:s4] =	dma.local [hbm:s3], $0xF7A  }
0x26: {  	[smem:$0x3F80] =	sst s1;
	(tag) =	ssettag s2;
	_ =	strace s9  }
0x27: {  	s1 =	sld [smem:$0x3F90]  }
0x28: {  	s2 =	sld [smem:$0x3F91]  }
0x29: {  	s4 =	sld [smem:$0x3F93]  }
0x2a: {  	p0 =	seq.s32 s5, $0x0;
	s5 =	sld [smem:$0x3F94]  }
0x2b: {  	s6 =	sld [smem:$0x3F95]  }
0x2c: {  	s7 =	sld [smem:$0x3F96]  }
0x2d: {  	s3 =	simm.s32 $0x108;
	s8 =	sld [smem:$0x3F97]  }
0x2e: {  	s3 =	simm.s32 @!p0 $0x1082;
	s9 =	sld [smem:$0x3F98]  }
0x2f: {  	lr =	sadd.s32 s0, s3;
	s0 =	sld [smem:$0x3F8F]  }
0x30: {  	s3 =	sld [smem:$0x3F92]  }
0x31: {  	[smem:$0x3F9B] =	sst s10  }
0x32: {  	s10 =	sld [smem:$0x3F99];
	_ =	sdelay $0x3  }
0x33: {  	p0 =	seq.s32 s10, $0x1;
	s10 =	sld [smem:$0x3F9B];
	_ =	sdelay $0x3  }
0x34: {  	[smem:$0x3F9B] =	sst s10  }
0x35: {  	s10 =	sld [smem:$0x3F9A];
	_ =	sdelay $0x3  }
0x36: {  	p1 =	seq.s32 s10, $0x1;
	s10 =	sld [smem:$0x3F9B];
	_ =	sdelay $0x3  }
0x37: {  	[smem:$0x3F9B] =	sst s10  }
0x38: {  	s10 =	sld [smem:$0x3F9C]  }
0x39: {  	_ = 	snop;
	(pc) =	sbr.ind lr, $3  }
0x3a: {  	_ = 	snop  }
0x3b: {  	_ = 	snop  }
0x3c: {  	p2 =	seq.s32 s10, $0x1;
	s10 =	sld [smem:$0x3F9B]  }
0x3d: {  	_ =	shalt  }
0x3e: {  	_ =	shalt  }
0x3f: {  	_ =	shalt  }
0x40: {  	_ =	shalt  }
0x41: {  	_ =	shalt  }
0x42: {  	_ =	shalt  }
0x43: {  	_ =	shalt  }
0x44: {  	_ =	shalt  }
0x45: {  	_ =	shalt  }
0x46: {  	_ =	shalt  }
0x47: {  	_ =	shalt  }
0x48: {  	_ =	shalt  }
0x49: {  	_ =	shalt  }
0x4a: {  	_ =	shalt  }
0x4b: {  	_ =	shalt  }
0x4c: {  	_ =	shalt  }
0x4d: {  	_ =	shalt  }
0x4e: {  	_ =	shalt  }
0x4f: {  	_ =	shalt  }
0x50: {  	_ =	shalt  }
0x51: {  	_ =	shalt  }
0x52: {  	_ =	shalt  }
0x53: {  	_ =	shalt  }
0x54: {  	_ =	shalt  }
0x55: {  	_ =	shalt  }
0x56: {  	_ =	shalt  }
0x57: {  	_ =	shalt  }
0x58: {  	_ =	shalt  }
0x59: {  	_ =	shalt  }
0x5a: {  	_ =	shalt  }
0x5b: {  	_ =	shalt  }
0x5c: {  	_ =	shalt  }
0x5d: {  	_ =	shalt  }
0x5e: {  	_ =	shalt  }
0x5f: {  	_ =	shalt  }
0x60: {  	_ =	shalt  }
0x61: {  	_ =	shalt  }
0x62: {  	_ =	shalt  }
0x63: {  	_ =	shalt  }
0x64: {  	_ =	shalt  }
0x65: {  	_ =	shalt  }
0x66: {  	_ =	shalt  }
0x67: {  	_ =	shalt  }
0x68: {  	_ =	shalt  }
0x69: {  	_ =	shalt  }
0x6a: {  	_ =	shalt  }
0x6b: {  	_ =	shalt  }
0x6c: {  	_ =	shalt  }
0x6d: {  	_ =	shalt  }
0x6e: {  	_ =	shalt  }
0x6f: {  	_ =	shalt  }
0x70: {  	_ =	shalt  }
0x71: {  	_ =	shalt  }
0x72: {  	_ =	shalt  }
0x73: {  	_ =	shalt  }
0x74: {  	_ =	shalt  }
0x75: {  	_ =	shalt  }
0x76: {  	_ =	shalt  }
0x77: {  	_ =	shalt  }
0x78: {  	_ =	shalt  }
0x79: {  	_ =	shalt  }
0x7a: {  	_ =	shalt  }
0x7b: {  	_ =	shalt  }
0x7c: {  	_ =	shalt  }
0x7d: {  	_ =	shalt  }
0x7e: {  	_ =	shalt  }
0x7f: {  	_ =	shalt  }
0x80: {  	_ =	shalt  }
0x81: {  	_ =	shalt  }
0x82: {  	_ =	shalt  }
0x83: {  	_ =	shalt  }
0x84: {  	_ =	shalt  }
0x85: {  	_ =	shalt  }
0x86: {  	_ =	shalt  }
0x87: {  	_ =	shalt  }
.Lfunc_end0:
.L_simem_size_0:
called_computation.1_lowered:
.L_overlay_start_0:
0x88: {  	s2 =	sld [smem:$0x3FD9]  }
0x89: {  	s3 =	sld [smem:$0x3FFE];
	_ =	sdelay $0x1  }
0x8a: {  	s1 =	srdreg.scid  }
0x8b: {  	s0 =	sand.u32 $0x1, s1  }
0x8c: {  	s16 =	sshll.u32 s0, $0xA;
	s2 =	sadd.s32 s3, s2  }
0x8d: {  	s2 =	sadd.s32 s2, s16  }
0x8e: {  	[smem:$0x3FA7] =	sst s2  }
0x8f: {  	_ = 	snop  }
0x90: {  	(tm) =	ssettm $0x1  }
0x91: {  	s17 =	sld [smem:$0x3FFB];
	_ =	sdelay $0x3  }
0x92: {  	_ =	strace s17  }
0x93: {  	s2 =	sld [smem:$0x3FFC];
	_ =	sdelay $0x3  }
0x94: {  	_ =	strace s2  }
0x95: {  	s2 =	sld [smem:$0x3FFD];
	_ =	sdelay $0x3  }
0x96: {  	_ =	strace s2  }
0x97: {  	_ =	strace $0x8FFFFFFF  }
0x98: {  	s18 =	sld [smem:$0x3FDB];
	_ =	sdelay $0x1  }
0x99: {  	s19 =	simm.s32 $_scs_section_size  }
0x9a: {  	s4 =	simm.s32 $_size__tile_overlayer_lowered;
	s5 =	simm.s32 $_tile_overlayer_lowered  }
0x9b: {  	s22 =	simm.s32 $0x1BFF;
	s21 =	sshll.u32 s5, $0x1;
	s2 =	sadd.s32 s19, s18  }
0x9c: {  	s6 =	simm.s32 $0x0;
	s20 =	sshll.u32 s4, $0x1;
	s4 =	sadd.s32 s21, s2  }
0x9d: {  	[timem:s6], [sflag:s22] =	dma.local [hbm:s4], s20  }
0x9e: {  	_ =	swait.ge [sflag:s22], s20  }
0x9f: {  	s3 =	ssub.s32 $0x0, s20;
	[sflag:s22] =	ssyncset.done $0x0  }
0xa0: {  	[sflag:s22] =	ssyncadd.s32 s3;
	_ =	sdelay $0x1  }
0xa1: {  	s23 =	simm.s32 $0x1B8B  }
0xa2: {  	_ =	swait.ge [sflag:s23], $0x1  }
0xa3: {  	[sflag:s23] =	ssyncset.done $0x0  }
0xa4: {  	s25 =	simm.s32 $0x1B8E;
	s24 =	sld [smem:$0x3FFE];
	[sflag:s23] =	ssyncadd.s32 $0xFFFFFFFF  }
0xa5: {  	s26 =	simm.s32 $execute0_lowered;
	[smem:$0x3FD2] =	sst s25  }
0xa6: {  	s4 =	sshll.u32 s26, $0x1;
	_ =	strace $0x80000046;
	[dreg:$0x1] =	wrdreg $0xFFFFFFFF  }
0xa7: {  	s28 =	simm.s32 $_size_execute0_lowered;
	s2 =	sadd.s32 s2, s4;
	[dreg:$0x0] =	wrdreg $0x0  }
0xa8: {  	s4 =	sshll.u32 s28, $0x1;
	[dreg:$0x2] =	wrdreg s2  }
0xa9: {  	[dreg:$0x3] =	wrdreg s4  }
0xaa: {  	[dreg:$0x4] =	wrdreg $0xC0  }
0xab: {  	_ =	task [dreg:s6], $0x5FFFF  }
0xac: {  	[dreg:$0x1] =	wrdreg $0xFFFFFFFF  }
0xad: {  	[dreg:$0x0] =	wrdreg $0x60  }
0xae: {  	[dreg:$0x2] =	wrdreg s24  }
0xaf: {  	[dreg:$0x3] =	wrdreg $0xA  }
0xb0: {  	_ =	task.clear_ibuf [dreg:s6], $0x4FFFF;
	_ =	strace $0x90000046  }
0xb1: {  	s29 =	simm.s32 $0xA;
	_ =	strace $0x80000048  }
0xb2: {  	_ =	swait.ge [sflag:s29], $0x1  }
0xb3: {  	[sflag:s29] =	ssyncadd.s32 $0xFFFFFFFF  }
0xb4: {  	_ =	strace $0x90000048  }
0xb5: {  	_ =	sfence  }
0xb6: {  	s30 =	sld [smem:$0x0];
	_ =	sdelay $0x2  }
0xb7: {  	s31 =	sshll.u32 s1, $0xD;
	s1 =	sshrl.u32 s1, $0x2  }
0xb8: {  	s3 =	sand.u32 $0x4000, s31;
	s1 =	sadd.s32 s1, s30  }
0xb9: {  	s0 =	sor.u32 s3, s0;
	s1 =	sshll.u32 s1, $0x11  }
0xba: {  	s0 =	sor.u32 s1, s0  }
0xbb: {  	s0 =	sadd.s32 $0x8F2B, s0  }
0xbc: {  	[sflag:s0] =	ssyncadd.remote.s32 $0x1  }
0xbd: {  	_ =	sfence.sel $0xFFFF  }
0xbe: {  	[dreg:$0x0] =	wrdreg $0xFFFFFFFF;
	(pc) =	sbr.abs _section_cstart, $3  }
0xbf: {  	[dreg:$0x1] =	wrdreg $0xFFFFFFFF  }
0xc0: {  	_ =	task.clear_ibuf [dreg:s6], $0x2FFFF;
	_ =	strace $0x9FFFFFFF  }
0xc1: {  	(tm) =	ssettm $0x7FFFFFFF  }
tec
execute0_lowered:
.L_overlay_start_1:
0x0: {  	(tag) =	ssettag $0x1  }
0x1: {  	s8 =	rddreg [dreg:$0x0]  }
0x2: {  	s0 =	rddreg [dreg:$0x1];
	_ =	strace $0x80000047;
	s1 =	stileid.u32  }
0x3: {  	s3 =	srdreg.scid;
	s4 =	simm.s32 $0x1;
	s7 =	simm.s32 $0x1  }
0x4: {  	s9 =	simm.s32 $0x1;
	s10 =	simm.s32 $0x3;
	s13 =	simm.s32 $0x0  }
0x5: {  	s12 =	simm.s32 $0x0;
	s5 =	sand.u32 $0x1, s3;
	s6 =	sshll.u32 s1, $0x1  }
0x6: {  	s2 =	sadd.s32 $0xFC00, s8;
	s3 =	sadd.s32 $0x23800, s8;
	s5 =	sor.u32 s6, s5  }
.Ltmp0:
0x7: {  	[sflag:s4] =	ssyncpa.u1 $0x0;
	p0 =	slt.u32 s5, $0x9;
	(pc) =	sbr.rel .LBB2_1-.Ltmp0, $4  }
0x8: {  	s6 =	simm.s32 $0x2;
	s7 =	simm.s32 @!p0 $0x0;
	p0 =	sne.s32 s5, $0x8  }
0x9: {  	[sflag:s6] =	ssyncpa.u1 $0x0;
	s5 =	smul.u32 $0x1F40, s5;
	s9 =	simm.s32 @!p0 $0x0  }
0xa: {  	s8 =	sadd.s32 $0x55600, s8;
	[sflag:s10] =	ssyncpa.u1 $0x0;
	s7 =	sadd.s32 s9, s7  }
0xb: {  	vm0 =	vmmov $0xffff;
	s10 =	simm.s32 $0x0;
	s11 =	smov.u32 s5;
	s9 =	sadd.s32 $0x1, s7  }
.LBB2_4:
0xc: {  	v2 =	vnsel vm1, $0x0, v2  }
0xd: {  	vm1 =	vgt.s32 v0, $0x0;
	v2 =	vmin.u32 v2, $0x4E1FF  }
0xe: {  	v0 =	vnsel vm1, $0x0, v0  }
0xf: {  	v0 =	vmin.u32 v0, $0x4E1FF  }
0x10: {  	[tilespmem:s18], [sflag:$0x1] =	stream.indirect_vreg.gather [hbm4b:s2+s10], $0x1, v1, vm0, $0x4038;
	[tilespmem:$0x7D00] =	vst v63  }
0x11: {  	(ifvalue) =	ssetifvalue $0x7FFFFFFF  }
0x12: {  	[tilespmem:s15], [sflag:$0x1] =	stream.indirect_vreg.gather [hbm4b:s2+s10], $0x1, v2, vm0, $0x4038;
	[tilespmem:$0x7D00] =	vst v63  }
0x13: {  	s29 =	sadd.s32 $0x10, s15;
	(ifvalue) =	ssetifvalue $0x7FFFFFFF  }
0x14: {  	[tilespmem:s29], [sflag:$0x1] =	stream.indirect_vreg.gather [hbm4b:s2+s10], $0x1, v0, vm0, $0x4038;
	[tilespmem:$0x7D00] =	vst v63  }
0x15: {  	_ =	swait.ge [sflag:s4], $0x1F40  }
0x16: {  	s30 =	sshrl.u32 s13, $0x3;
	[sflag:s4] =	ssyncset.done $0x0  }
0x17: {  	s31 =	sand.u32 $0x7, s13;
	s15 =	sadd.s32 s8, s30;
	[sflag:s4] =	ssyncadd.s32 $0xFFFFE0C0  }
0x18: {  	[hbm4b:s15+s31] =	stream.linear.scatter [tilespmem:s14], [sflag:$0x3], $0x1F40, $0x38;
	[tilespmem:$0x7D00] =	vst v63  }
.LBB2_5:
0x19: {  	s15 =	sadd.s32 $0x3E800, s11  }
0x1a: {  	p1 =	sgt.s32 s15, $0x4E1FF  }
0x1b: {  	s15 =	smov.u32 @p1 s5;
	p1 =	sne.s32 s12, s9  }
.Ltmp1:
0x1c: {  	p0 =	slt.u32 s12, $0x2;
	(pc) =	sbr.rel @!p1 .LBB2_6-.Ltmp1, $4  }
0x1d: {  	s14 =	simm.s32 @!p0 $0x3  }
0x1e: {  	_ =	swait.ge @!p0 [sflag:s14], $0x1F40  }
0x1f: {  	s16 =	sadd.s32 $0x1, s12;
	s13 =	smov.u32 s11;
	[sflag:s14] =	ssyncset.done @!p0 $0x0  }
0x20: {  	s12 =	smov.u32 s16;
	s11 =	smov.u32 s15;
	[sflag:s14] =	ssyncadd.s32 @!p0 $0xFFFFE0C0  }
.LBB2_1:
0x21: {  	p0 =	sge.u32 s12, s7  }
0x22: {  	s14 =	sxor.u32 @!p0 $0x1, s12  }
0x23: {  	s14 =	smul.u32 @!p0 $0x7D00, s14  }
0x24: {  	s31 =	sadd.s32 $0xFFFFFFFF, s12;
	s15 =	sshrl.u32 @!p0 s11, $0x3  }
0x25: {  	s16 =	sand.u32 @!p0 $0x7, s11;
	s15 =	sadd.s32 @!p0 s3, s15;
	s14 =	sshra.s32 @!p0 s14, $0x2  }
0x26: {  	[tilespmem:s14], [sflag:$0x2] =	stream.linear.gather @!p0 [hbm4b:s15+s16], $0x1F40, $0x38;
	[tilespmem:$0x7D00] =	vst v63  }
0x27: {  	p0 =	sge.u32 s31, s7  }
.Ltmp2:
0x28: {  	_ = 	snop;
	(pc) =	sbr.rel @p0 .LBB2_5-.Ltmp2, $1  }
0x29: {  	_ =	sdelay $0x3  }
0x2a: {  	s14 =	sand.u32 $0x1, s12  }
0x2b: {  	_ =	swait.ge [sflag:s6], $0x1F40;
	p0 =	seq.s32 s14, $0x1;
	s14 =	simm.s32 $0x1F40  }
0x2c: {  	[sflag:s6] =	ssyncset.done $0x0;
	s14 =	simm.s32 @!p0 $0x0  }
0x2d: {  	[sflag:s6] =	ssyncadd.s32 $0xFFFFE0C0;
	(ifvalue) =	ssetifvalue $0x7FFFFFFF;
	v0 =	vld.msk [tilespmem:s14+$0x0 ss:$0x1], $0xffff;
	_ =	sdelay $0x4  }
0x2e: {  	s15 =	sadd.s32 $0x10, s14;
	vm1 =	vgt.s32 v0, $0x0  }
0x2f: {  	v2 =	vld.msk [tilespmem:s15+$0x0 ss:$0x1], $0xffff;
	v1 =	vnsel vm1, $0x0, v0  }
0x30: {  	v1 =	vmin.u32 v1, $0x4E1FF;
	_ =	sdelay $0x2  }
0x31: {  	s17 =	simm.s32 $0x20;
	s14 =	sadd.s32 $0x3E80, s14;
	s16 =	sadd.s32 $0x10, s15  }
0x32: {  	s15 =	sadd.s32 $0x10, s14;
	s18 =	smov.u32 s14;
	v0 =	vld.msk [tilespmem:s16+$0x0 ss:$0x1], $0xffff;
	vm1 =	vgt.s32 v2, $0x0;
	(ifvalue) =	ssetifvalue $0x7FFFFFFF  }
.LBB2_3:
0x33: {  	[tilespmem:s18], [sflag:$0x1] =	stream.indirect_vreg.gather [hbm4b:s2+s10], $0x1, v1, vm0, $0x4038;
	[tilespmem:$0x7D00] =	vst v63  }
0x34: {  	s17 =	sadd.s32 $0x10, s17  }
0x35: {  	v2 =	vnsel vm1, $0x0, v2;
	p0 =	slt.u32 s17, $0x1F30  }
.Ltmp3:
0x36: {  	s18 =	smov.u32 s15;
	v1 =	vmin.u32 v2, $0x4E1FF;
	(pc) =	sbr.rel @p0 .LBB2_3-.Ltmp3, $3  }
0x37: {  	_ =	sdelay $0x1  }
0x38: {  	s16 =	sadd.s32 $0x10, s16  }
0x39: {  	vm1 =	vgt.s32 v0, $0x0;
	s15 =	sadd.s32 $0x10, s15;
	v2 =	vmov v0;
	(ifvalue) =	ssetifvalue $0x7FFFFFFF;
	v0 =	vld.msk [tilespmem:s16+$0x0 ss:$0x1], $0xffff  }
.Ltmp4:
0x3a: {  	_ = 	snop;
	(pc) =	sbr.rel .LBB2_4-.Ltmp4, $1  }
0x3b: {  	_ =	sdelay $0x3  }
.LBB2_6:
0x3c: {  	_ =	sfence.sel $0x180000  }
0x3d: {  	s2 =	simm.s32 $0x2;
	[bflag:$0x0] =	sbarrier.arrive $0xFFFF  }
0x3e: {  	s30 =	simm.s32 $0x3;
	[sflag:s2] =	ssyncpa.u1 $0x1  }
0x3f: {  	s31 =	simm.s32 $0x1;
	[sflag:s30] =	ssyncpa.u1 $0x1  }
0x40: {  	[sflag:s31] =	ssyncpa.u1 $0x1  }
0x41: {  	p0 =	sne.s32 s1, $0x0;
	_ =	strace $0x90000047  }
0x42: {  	s0 =	sadd.s32 @!p0 $0x100000, s0;
	[bflag:$0x2] =	sbarrier.arrive $0xFFFF  }
0x43: {  	[sflag:s0] =	ssyncadd.tile.s32 @!p0 $0x1;
	_ =	shalt  }
.Lfunc_end2:
_tile_overlayer_lowered:
.L_overlay_start_2:
0x44: {  	(tag) =	ssettag $0x2  }
0x45: {  	s0 =	rddreg [dreg:$0x0];
	s2 =	stileid.u32  }
0x46: {  	s1 =	rddreg [dreg:$0x1];
	p0 =	sne.s32 s2, $0x0  }
0x47: {  	s3 =	rddreg [dreg:$0x2];
	[bflag:$0x3] =	sbarrier.arrive $0xFFFF;
	s2 =	simm.s32 @!p0 $0x1C01  }
0x48: {  	[timem:s3], [sflag:s2] =	dma.local @!p0 [hbm:s0], s1  }
0x49: {  	s0 =	simm.s32 @!p0 $0x1  }
0x4a: {  	_ =	swait.ge @!p0 [sflag:s0], s1  }
0x4b: {  	s1 =	ssub.s32 @!p0 $0x0, s1;
	[sflag:s0] =	ssyncset.done @!p0 $0x0  }
0x4c: {  	[sflag:s0] =	ssyncadd.s32 @!p0 s1  }
0x4d: {  	[bflag:$0x3] =	sbarrier.arrive $0xFFFF  }
0x4e: {  	_ =	shalt  }

// kernel: gather_offload_async_start
scs
__scs_entry_jumppad:
0x0: {  	(pc) =	sbr.rel $0x88, $3  }
0x1: {  	(tag) =	ssettag $0x0;
	lr =	simm.s32 $0x1  }
0x2: {  	[smem:$0x3F80] =	sst lr;
	_ =	strace $0xD0000000  }
0x3: {  	_ = 	snop  }
0x4: {  	_ = 	snop  }
0x5: {  	_ = 	snop  }
0x6: {  	_ = 	snop  }
0x7: {  	_ = 	snop  }
__scs_overlays_trampoline_lowered:
0x8: {  	[smem:$0x3F8F] =	sst s0  }
0x9: {  	[smem:$0x3F90] =	sst s1  }
0xa: {  	[smem:$0x3F91] =	sst s2  }
0xb: {  	[smem:$0x3F92] =	sst s3  }
0xc: {  	[smem:$0x3F93] =	sst s4  }
0xd: {  	[smem:$0x3F94] =	sst s5  }
0xe: {  	[smem:$0x3F95] =	sst s6  }
0xf: {  	[smem:$0x3F96] =	sst s7  }
0x10: {  	[smem:$0x3F97] =	sst s8  }
0x11: {  	[smem:$0x3F98] =	sst s9;
	s0 =	simm.s32 @!p0 $0x0  }
0x12: {  	s1 =	sld [smem:$0x3F7E];
	s0 =	simm.s32 @p0 $0x1  }
0x13: {  	[smem:$0x3F99] =	sst s0;
	s0 =	simm.s32 @!p1 $0x0  }
0x14: {  	s2 =	sld [smem:$0x3F7D];
	s0 =	simm.s32 @p1 $0x1  }
0x15: {  	[smem:$0x3F9A] =	sst s0;
	s0 =	simm.s32 @!p2 $0x0  }
0x16: {  	s3 =	sld [smem:$0x3FDB];
	s0 =	simm.s32 @p2 $0x1  }
0x17: {  	s4 =	simm.s32 $0x1BF5;
	[smem:$0x3F9C] =	sst s0  }
0x18: {  	s0 =	sld [smem:$0x3F7F];
	_ =	swait.ge [sflag:s4], $0x0  }
0x19: {  	s7 =	sld [smem:$0x3F80]  }
0x1a: {  	s8 =	sadd.s32 $0xFFFFE003, lr  }
0x1b: {  	s9 =	sadd.s32 $0xFFFFFEF7, lr;
	s5 =	simm.s32 $0xFFFFFFFF;
	p2 =	slt.u32 s8, $0xFFFFF086  }
0x1c: {  	p1 =	slt.u32 s9, $0xF7A;
	s5 =	simm.s32 @!p2 $0x0  }
0x1d: {  	s5 =	simm.s32 @p1 $0x1;
	p0 =	seq.s32 s7, s2  }
0x1e: {  	s7 =	smul.u32 @!p0 $0xF7A, s2;
	p2 =	seq.s32 @!p0 s5, $0x0  }
0x1f: {  	s9 =	smul.u32 $0xF7A, s1;
	s8 =	simm.s32 @!p0 $0x1BF5;
	p2 =	por !p2, p0  }
0x20: {  	[sflag:s8] =	ssyncset.s32 @!p0 $0xFFFFF086;
	s6 =	sadd.s32 @!p0 s3, s7;
	s7 =	simm.s32 @!p0 $0x108  }
0x21: {  	s3 =	sadd.s32 s3, s9;
	s6 =	sadd.s32 @!p0 $0x88, s6;
	s7 =	simm.s32 @p2 $0x1082  }
0x22: {  	[simem:s7], [sflag:s8] =	dma.local @!p0 [hbm:s6], $0xF7A  }
0x23: {  	s9 =	sor.u32 $0xD0000000, s2;
	s6 =	simm.s32 $0x108;
	_ =	swait.ge @!p0 [sflag:s8], $0x0  }
0x24: {  	s3 =	sadd.s32 $0x88, s3;
	s6 =	simm.s32 @!p1 $0x1082;
	[sflag:s4] =	ssyncset.s32 $0xFFFFF086  }
0x25: {  	[simem:s6], [sflag:s4] =	dma.local [hbm:s3], $0xF7A  }
0x26: {  	[smem:$0x3F80] =	sst s1;
	(tag) =	ssettag s2;
	_ =	strace s9  }
0x27: {  	s1 =	sld [smem:$0x3F90]  }
0x28: {  	s2 =	sld [smem:$0x3F91]  }
0x29: {  	s4 =	sld [smem:$0x3F93]  }
0x2a: {  	p0 =	seq.s32 s5, $0x0;
	s5 =	sld [smem:$0x3F94]  }
0x2b: {  	s6 =	sld [smem:$0x3F95]  }
0x2c: {  	s7 =	sld [smem:$0x3F96]  }
0x2d: {  	s3 =	simm.s32 $0x108;
	s8 =	sld [smem:$0x3F97]  }
0x2e: {  	s3 =	simm.s32 @!p0 $0x1082;
	s9 =	sld [smem:$0x3F98]  }
0x2f: {  	lr =	sadd.s32 s0, s3;
	s0 =	sld [smem:$0x3F8F]  }
0x30: {  	s3 =	sld [smem:$0x3F92]  }
0x31: {  	[smem:$0x3F9B] =	sst s10  }
0x32: {  	s10 =	sld [smem:$0x3F99];
	_ =	sdelay $0x3  }
0x33: {  	p0 =	seq.s32 s10, $0x1;
	s10 =	sld [smem:$0x3F9B];
	_ =	sdelay $0x3  }
0x34: {  	[smem:$0x3F9B] =	sst s10  }
0x35: {  	s10 =	sld [smem:$0x3F9A];
	_ =	sdelay $0x3  }
0x36: {  	p1 =	seq.s32 s10, $0x1;
	s10 =	sld [smem:$0x3F9B];
	_ =	sdelay $0x3  }
0x37: {  	[smem:$0x3F9B] =	sst s10  }
0x38: {  	s10 =	sld [smem:$0x3F9C]  }
0x39: {  	_ = 	snop;
	(pc) =	sbr.ind lr, $3  }
0x3a: {  	_ = 	snop  }
0x3b: {  	_ = 	snop  }
0x3c: {  	p2 =	seq.s32 s10, $0x1;
	s10 =	sld [smem:$0x3F9B]  }
0x3d: {  	_ =	shalt  }
0x3e: {  	_ =	shalt  }
0x3f: {  	_ =	shalt  }
0x40: {  	_ =	shalt  }
0x41: {  	_ =	shalt  }
0x42: {  	_ =	shalt  }
0x43: {  	_ =	shalt  }
0x44: {  	_ =	shalt  }
0x45: {  	_ =	shalt  }
0x46: {  	_ =	shalt  }
0x47: {  	_ =	shalt  }
0x48: {  	_ =	shalt  }
0x49: {  	_ =	shalt  }
0x4a: {  	_ =	shalt  }
0x4b: {  	_ =	shalt  }
0x4c: {  	_ =	shalt  }
0x4d: {  	_ =	shalt  }
0x4e: {  	_ =	shalt  }
0x4f: {  	_ =	shalt  }
0x50: {  	_ =	shalt  }
0x51: {  	_ =	shalt  }
0x52: {  	_ =	shalt  }
0x53: {  	_ =	shalt  }
0x54: {  	_ =	shalt  }
0x55: {  	_ =	shalt  }
0x56: {  	_ =	shalt  }
0x57: {  	_ =	shalt  }
0x58: {  	_ =	shalt  }
0x59: {  	_ =	shalt  }
0x5a: {  	_ =	shalt  }
0x5b: {  	_ =	shalt  }
0x5c: {  	_ =	shalt  }
0x5d: {  	_ =	shalt  }
0x5e: {  	_ =	shalt  }
0x5f: {  	_ =	shalt  }
0x60: {  	_ =	shalt  }
0x61: {  	_ =	shalt  }
0x62: {  	_ =	shalt  }
0x63: {  	_ =	shalt  }
0x64: {  	_ =	shalt  }
0x65: {  	_ =	shalt  }
0x66: {  	_ =	shalt  }
0x67: {  	_ =	shalt  }
0x68: {  	_ =	shalt  }
0x69: {  	_ =	shalt  }
0x6a: {  	_ =	shalt  }
0x6b: {  	_ =	shalt  }
0x6c: {  	_ =	shalt  }
0x6d: {  	_ =	shalt  }
0x6e: {  	_ =	shalt  }
0x6f: {  	_ =	shalt  }
0x70: {  	_ =	shalt  }
0x71: {  	_ =	shalt  }
0x72: {  	_ =	shalt  }
0x73: {  	_ =	shalt  }
0x74: {  	_ =	shalt  }
0x75: {  	_ =	shalt  }
0x76: {  	_ =	shalt  }
0x77: {  	_ =	shalt  }
0x78: {  	_ =	shalt  }
0x79: {  	_ =	shalt  }
0x7a: {  	_ =	shalt  }
0x7b: {  	_ =	shalt  }
0x7c: {  	_ =	shalt  }
0x7d: {  	_ =	shalt  }
0x7e: {  	_ =	shalt  }
0x7f: {  	_ =	shalt  }
0x80: {  	_ =	shalt  }
0x81: {  	_ =	shalt  }
0x82: {  	_ =	shalt  }
0x83: {  	_ =	shalt  }
0x84: {  	_ =	shalt  }
0x85: {  	_ =	shalt  }
0x86: {  	_ =	shalt  }
0x87: {  	_ =	shalt  }
.Lfunc_end0:
.L_simem_size_0:
called_computation_lowered:
.L_overlay_start_0:
0x88: {  	s2 =	sld [smem:$0x3FD9]  }
0x89: {  	s3 =	sld [smem:$0x3FFE];
	_ =	sdelay $0x1  }
0x8a: {  	s1 =	srdreg.scid  }
0x8b: {  	s0 =	sand.u32 $0x1, s1  }
0x8c: {  	s17 =	sshll.u32 s0, $0xA;
	s2 =	sadd.s32 s3, s2  }
0x8d: {  	s2 =	sadd.s32 s2, s17  }
0x8e: {  	[smem:$0x3FA7] =	sst s2  }
0x8f: {  	_ = 	snop  }
0x90: {  	(tm) =	ssettm $0x1  }
0x91: {  	s18 =	sld [smem:$0x3FFB];
	_ =	sdelay $0x3  }
0x92: {  	_ =	strace s18  }
0x93: {  	s2 =	sld [smem:$0x3FFC];
	_ =	sdelay $0x3  }
0x94: {  	_ =	strace s2  }
0x95: {  	s2 =	sld [smem:$0x3FFD];
	_ =	sdelay $0x3  }
0x96: {  	_ =	strace s2  }
0x97: {  	_ =	strace $0x8FFFFFFF  }
0x98: {  	s19 =	sld [smem:$0x3FDB];
	_ =	sdelay $0x1  }
0x99: {  	s20 =	simm.s32 $_scs_section_size  }
0x9a: {  	s4 =	simm.s32 $_size__tile_overlayer_lowered;
	s5 =	simm.s32 $_tile_overlayer_lowered  }
0x9b: {  	s6 =	simm.s32 $0x1BFF;
	s21 =	sshll.u32 s5, $0x1;
	s3 =	sadd.s32 s20, s19  }
0x9c: {  	s22 =	simm.s32 $0x0;
	s4 =	sshll.u32 s4, $0x1;
	s5 =	sadd.s32 s21, s3  }
0x9d: {  	[timem:s22], [sflag:s6] =	dma.local [hbm:s5], s4  }
0x9e: {  	_ =	swait.ge [sflag:s6], s4  }
0x9f: {  	s4 =	ssub.s32 $0x0, s4;
	[sflag:s6] =	ssyncset.done $0x0  }
0xa0: {  	[sflag:s6] =	ssyncadd.s32 s4;
	_ =	sdelay $0x1  }
0xa1: {  	s23 =	simm.s32 $0x1B8B  }
0xa2: {  	_ =	swait.ge [sflag:s23], $0x1  }
0xa3: {  	[sflag:s23] =	ssyncset.done $0x0  }
0xa4: {  	[sflag:s23] =	ssyncadd.s32 $0xFFFFFFFF  }
0xa5: {  	s4 =	sld [smem:$0x0]  }
0xa6: {  	s5 =	sand.u32 $0xFFFFFFFE, s1  }
0xa7: {  	p0 =	sne.s32 s1, s5  }
0xa8: {  	s5 =	sshll.u32 @p0 s5, $0xE  }
0xa9: {  	s5 =	sadd.s32 @p0 $0x11B8D, s5;
	s6 =	sshll.u32 @p0 s4, $0x11  }
0xaa: {  	s5 =	sor.u32 @p0 s6, s5  }
0xab: {  	[sflag:s5] =	ssyncadd.remote.s32 @p0 $0x1;
	_ =	sdelay $0x1  }
0xac: {  	s5 =	simm.s32 @p0 $0x1B8D  }
0xad: {  	_ =	swait.eq @p0 [sflag:s5], $0x1  }
0xae: {  	[sflag:s5] =	ssyncadd.s32 @p0 $0xFFFFFFFF  }
0xaf: {  	s6 =	sshll.u32 @!p0 s1, $0xE  }
0xb0: {  	s6 =	sor.u32 @!p0 $0x4000, s6;
	s5 =	simm.s32 @!p0 $0x1B8D  }
0xb1: {  	s4 =	sshll.u32 @!p0 s4, $0x11;
	s6 =	sadd.s32 @!p0 $0x11B8D, s6;
	_ =	swait.eq @!p0 [sflag:s5], $0x1  }
0xb2: {  	s4 =	sor.u32 @!p0 s4, s6;
	[sflag:s5] =	ssyncadd.s32 @!p0 $0xFFFFFFFF  }
0xb3: {  	s25 =	simm.s32 $0x1B8E;
	s24 =	sld [smem:$0x3FFE];
	[sflag:s4] =	ssyncadd.remote.s32 @!p0 $0x1  }
0xb4: {  	s26 =	simm.s32 $execute0_lowered;
	[smem:$0x3FD2] =	sst s25  }
0xb5: {  	s5 =	sshll.u32 s26, $0x1;
	_ =	strace $0x80000049;
	[dreg:$0x1] =	wrdreg $0xFFFFFFFF  }
0xb6: {  	s28 =	simm.s32 $_size_execute0_lowered;
	s3 =	sadd.s32 s3, s5;
	[dreg:$0x0] =	wrdreg $0x0  }
0xb7: {  	s5 =	sshll.u32 s28, $0x1;
	[dreg:$0x2] =	wrdreg s3  }
0xb8: {  	[dreg:$0x3] =	wrdreg s5  }
0xb9: {  	[dreg:$0x4] =	wrdreg $0xC0  }
0xba: {  	_ =	task [dreg:s22], $0x5FFFF  }
0xbb: {  	[dreg:$0x1] =	wrdreg $0xFFFFFFFF  }
0xbc: {  	[dreg:$0x0] =	wrdreg $0x60  }
0xbd: {  	[dreg:$0x2] =	wrdreg s24  }
0xbe: {  	[dreg:$0x3] =	wrdreg $0x9  }
0xbf: {  	_ =	task.clear_ibuf [dreg:s22], $0x4FFFF;
	_ =	strace $0x90000049  }
0xc0: {  	s29 =	simm.s32 $0x9;
	_ =	strace $0x8000004B  }
0xc1: {  	_ =	swait.ge [sflag:s29], $0x1  }
0xc2: {  	[sflag:s29] =	ssyncadd.s32 $0xFFFFFFFF  }
0xc3: {  	_ =	strace $0x9000004B  }
0xc4: {  	_ =	sfence  }
0xc5: {  	s30 =	sld [smem:$0x0];
	_ =	sdelay $0x2  }
0xc6: {  	s31 =	sshll.u32 s1, $0xD;
	s1 =	sshrl.u32 s1, $0x2  }
0xc7: {  	s4 =	sand.u32 $0x4000, s31;
	s1 =	sadd.s32 s1, s30  }
0xc8: {  	s0 =	sor.u32 s4, s0;
	s1 =	sshll.u32 s1, $0x11  }
0xc9: {  	s0 =	sor.u32 s1, s0  }
0xca: {  	s0 =	sadd.s32 $0x8F2B, s0  }
0xcb: {  	[sflag:s0] =	ssyncadd.remote.s32 $0x1  }
0xcc: {  	_ =	sfence.sel $0xFFFF  }
0xcd: {  	[dreg:$0x0] =	wrdreg $0xFFFFFFFF;
	(pc) =	sbr.abs _section_cstart, $3  }
0xce: {  	[dreg:$0x1] =	wrdreg $0xFFFFFFFF  }
0xcf: {  	_ =	task.clear_ibuf [dreg:s22], $0x2FFFF;
	_ =	strace $0x9FFFFFFF  }
0xd0: {  	(tm) =	ssettm $0x7FFFFFFF  }
0xd1: {  	_ =	shalt  }
tec
execute0_lowered:
.L_overlay_start_1:
0x0: {  	(tag) =	ssettag $0x1  }
0x1: {  	s8 =	rddreg [dreg:$0x0]  }
0x2: {  	s0 =	rddreg [dreg:$0x1];
	_ =	strace $0x8000004A;
	s1 =	stileid.u32  }
0x3: {  	s3 =	srdreg.scid;
	s4 =	simm.s32 $0x1;
	s7 =	simm.s32 $0x1  }
0x4: {  	s9 =	simm.s32 $0x1;
	s10 =	simm.s32 $0x3;
	s13 =	simm.s32 $0x0  }
0x5: {  	s12 =	simm.s32 $0x0;
	s5 =	sand.u32 $0x1, s3;
	s6 =	sshll.u32 s1, $0x1  }
0x6: {  	s2 =	sadd.s32 $0x5E00, s8;
	s3 =	sadd.s32 $0x23800, s8;
	s5 =	sor.u32 s6, s5  }
.Ltmp0:
0x7: {  	[sflag:s4] =	ssyncpa.u1 $0x0;
	p0 =	slt.u32 s5, $0x9;
	(pc) =	sbr.rel .LBB2_1-.Ltmp0, $4  }
0x8: {  	s6 =	simm.s32 $0x2;
	s7 =	simm.s32 @!p0 $0x0;
	p0 =	sne.s32 s5, $0x8  }
0x9: {  	[sflag:s6] =	ssyncpa.u1 $0x0;
	s5 =	smul.u32 $0x1F40, s5;
	s9 =	simm.s32 @!p0 $0x0  }
0xa: {  	s8 =	sadd.s32 $0x5F400, s8;
	[sflag:s10] =	ssyncpa.u1 $0x0;
	s7 =	sadd.s32 s9, s7  }
0xb: {  	vm0 =	vmmov $0xffff;
	s10 =	simm.s32 $0x0;
	s11 =	smov.u32 s5;
	s9 =	sadd.s32 $0x1, s7  }
.LBB2_4:
0xc: {  	v2 =	vnsel vm1, $0x0, v2  }
0xd: {  	vm1 =	vgt.s32 v0, $0x0;
	v2 =	vmin.u32 v2, $0x4E1FF  }
0xe: {  	v0 =	vnsel vm1, $0x0, v0  }
0xf: {  	v0 =	vmin.u32 v0, $0x4E1FF  }
0x10: {  	[tilespmem:s18], [sflag:$0x1] =	stream.indirect_vreg.gather [hbm4b:s2+s10], $0x1, v1, vm0, $0x4038;
	[tilespmem:$0x7D00] =	vst v63  }
0x11: {  	(ifvalue) =	ssetifvalue $0x7FFFFFFF  }
0x12: {  	[tilespmem:s15], [sflag:$0x1] =	stream.indirect_vreg.gather [hbm4b:s2+s10], $0x1, v2, vm0, $0x4038;
	[tilespmem:$0x7D00] =	vst v63  }
0x13: {  	s29 =	sadd.s32 $0x10, s15;
	(ifvalue) =	ssetifvalue $0x7FFFFFFF  }
0x14: {  	[tilespmem:s29], [sflag:$0x1] =	stream.indirect_vreg.gather [hbm4b:s2+s10], $0x1, v0, vm0, $0x4038;
	[tilespmem:$0x7D00] =	vst v63  }
0x15: {  	_ =	swait.ge [sflag:s4], $0x1F40  }
0x16: {  	s30 =	sshrl.u32 s13, $0x3;
	[sflag:s4] =	ssyncset.done $0x0  }
0x17: {  	s31 =	sand.u32 $0x7, s13;
	s15 =	sadd.s32 s8, s30;
	[sflag:s4] =	ssyncadd.s32 $0xFFFFE0C0  }
0x18: {  	[hbm4b:s15+s31] =	stream.linear.scatter [tilespmem:s14], [sflag:$0x3], $0x1F40, $0x38;
	[tilespmem:$0x7D00] =	vst v63  }
.LBB2_5:
0x19: {  	s15 =	sadd.s32 $0x3E800, s11  }
0x1a: {  	p1 =	sgt.s32 s15, $0x4E1FF  }
0x1b: {  	s15 =	smov.u32 @p1 s5;
	p1 =	sne.s32 s12, s9  }
.Ltmp1:
0x1c: {  	p0 =	slt.u32 s12, $0x2;
	(pc) =	sbr.rel @!p1 .LBB2_6-.Ltmp1, $4  }
0x1d: {  	s14 =	simm.s32 @!p0 $0x3  }
0x1e: {  	_ =	swait.ge @!p0 [sflag:s14], $0x1F40  }
0x1f: {  	s16 =	sadd.s32 $0x1, s12;
	s13 =	smov.u32 s11;
	[sflag:s14] =	ssyncset.done @!p0 $0x0  }
0x20: {  	s12 =	smov.u32 s16;
	s11 =	smov.u32 s15;
	[sflag:s14] =	ssyncadd.s32 @!p0 $0xFFFFE0C0  }
.LBB2_1:
0x21: {  	p0 =	sge.u32 s12, s7  }
0x22: {  	s14 =	sxor.u32 @!p0 $0x1, s12  }
0x23: {  	s14 =	smul.u32 @!p0 $0x7D00, s14  }
0x24: {  	s31 =	sadd.s32 $0xFFFFFFFF, s12;
	s15 =	sshrl.u32 @!p0 s11, $0x3  }
0x25: {  	s16 =	sand.u32 @!p0 $0x7, s11;
	s15 =	sadd.s32 @!p0 s3, s15;
	s14 =	sshra.s32 @!p0 s14, $0x2  }
0x26: {  	[tilespmem:s14], [sflag:$0x2] =	stream.linear.gather @!p0 [hbm4b:s15+s16], $0x1F40, $0x38;
	[tilespmem:$0x7D00] =	vst v63  }
0x27: {  	p0 =	sge.u32 s31, s7  }
.Ltmp2:
0x28: {  	_ = 	snop;
	(pc) =	sbr.rel @p0 .LBB2_5-.Ltmp2, $1  }
0x29: {  	_ =	sdelay $0x3  }
0x2a: {  	s14 =	sand.u32 $0x1, s12  }
0x2b: {  	_ =	swait.ge [sflag:s6], $0x1F40;
	p0 =	seq.s32 s14, $0x1;
	s14 =	simm.s32 $0x1F40  }
0x2c: {  	[sflag:s6] =	ssyncset.done $0x0;
	s14 =	simm.s32 @!p0 $0x0  }
0x2d: {  	[sflag:s6] =	ssyncadd.s32 $0xFFFFE0C0;
	(ifvalue) =	ssetifvalue $0x7FFFFFFF;
	v0 =	vld.msk [tilespmem:s14+$0x0 ss:$0x1], $0xffff;
	_ =	sdelay $0x4  }
0x2e: {  	s15 =	sadd.s32 $0x10, s14;
	vm1 =	vgt.s32 v0, $0x0  }
0x2f: {  	v2 =	vld.msk [tilespmem:s15+$0x0 ss:$0x1], $0xffff;
	v1 =	vnsel vm1, $0x0, v0  }
0x30: {  	v1 =	vmin.u32 v1, $0x4E1FF;
	_ =	sdelay $0x2  }
0x31: {  	s17 =	simm.s32 $0x20;
	s14 =	sadd.s32 $0x3E80, s14;
	s16 =	sadd.s32 $0x10, s15  }
0x32: {  	s15 =	sadd.s32 $0x10, s14;
	s18 =	smov.u32 s14;
	v0 =	vld.msk [tilespmem:s16+$0x0 ss:$0x1], $0xffff;
	vm1 =	vgt.s32 v2, $0x0;
	(ifvalue) =	ssetifvalue $0x7FFFFFFF  }
.LBB2_3:
0x33: {  	[tilespmem:s18], [sflag:$0x1] =	stream.indirect_vreg.gather [hbm4b:s2+s10], $0x1, v1, vm0, $0x4038;
	[tilespmem:$0x7D00] =	vst v63  }
0x34: {  	s17 =	sadd.s32 $0x10, s17  }
0x35: {  	v2 =	vnsel vm1, $0x0, v2;
	p0 =	slt.u32 s17, $0x1F30  }
.Ltmp3:
0x36: {  	s18 =	smov.u32 s15;
	v1 =	vmin.u32 v2, $0x4E1FF;
	(pc) =	sbr.rel @p0 .LBB2_3-.Ltmp3, $3  }
0x37: {  	_ =	sdelay $0x1  }
0x38: {  	s16 =	sadd.s32 $0x10, s16  }
0x39: {  	vm1 =	vgt.s32 v0, $0x0;
	s15 =	sadd.s32 $0x10, s15;
	v2 =	vmov v0;
	(ifvalue) =	ssetifvalue $0x7FFFFFFF;
	v0 =	vld.msk [tilespmem:s16+$0x0 ss:$0x1], $0xffff  }
.Ltmp4:
0x3a: {  	_ = 	snop;
	(pc) =	sbr.rel .LBB2_4-.Ltmp4, $1  }
0x3b: {  	_ =	sdelay $0x3  }
.LBB2_6:
0x3c: {  	_ =	sfence.sel $0x180000  }
0x3d: {  	s2 =	simm.s32 $0x2;
	[bflag:$0x0] =	sbarrier.arrive $0xFFFF  }
0x3e: {  	s30 =	simm.s32 $0x3;
	[sflag:s2] =	ssyncpa.u1 $0x1  }
0x3f: {  	s31 =	simm.s32 $0x1;
	[sflag:s30] =	ssyncpa.u1 $0x1  }
0x40: {  	[sflag:s31] =	ssyncpa.u1 $0x1  }
0x41: {  	p0 =	sne.s32 s1, $0x0;
	_ =	strace $0x9000004A  }
0x42: {  	s0 =	sadd.s32 @!p0 $0x100000, s0;
	[bflag:$0x2] =	sbarrier.arrive $0xFFFF  }
0x43: {  	[sflag:s0] =	ssyncadd.tile.s32 @!p0 $0x1;
	_ =	shalt  }
.Lfunc_end2:
_tile_overlayer_lowered:
.L_overlay_start_2:
0x44: {  	(tag) =	ssettag $0x2  }
0x45: {  	s0 =	rddreg [dreg:$0x0];
	s2 =	stileid.u32  }
0x46: {  	s1 =	rddreg [dreg:$0x1];
	p0 =	sne.s32 s2, $0x0  }
0x47: {  	s3 =	rddreg [dreg:$0x2];
	[bflag:$0x3] =	sbarrier.arrive $0xFFFF;
	s2 =	simm.s32 @!p0 $0x1C01  }
0x48: {  	[timem:s3], [sflag:s2] =	dma.local @!p0 [hbm:s0], s1  }
0x49: {  	s0 =	simm.s32 @!p0 $0x1  }
0x4a: {  	_ =	swait.ge @!p0 [sflag:s0], s1  }
0x4b: {  	s1 =	ssub.s32 @!p0 $0x0, s1;
	[sflag:s0] =	ssyncset.done @!p0 $0x0  }
0x4c: {  	[sflag:s0] =	ssyncadd.s32 @!p0 s1  }
0x4d: {  	[bflag:$0x3] =	sbarrier.arrive $0xFFFF  }
0x4e: {  	_ =	shalt  }

// kernel: kernel.15.cloned.1.call-start
scs
__scs_entry_jumppad:
0x0: {  	(pc) =	sbr.rel $0x88, $3  }
0x1: {  	(tag) =	ssettag $0x0;
	lr =	simm.s32 $0x1  }
0x2: {  	[smem:$0x3F80] =	sst lr;
	_ =	strace $0xD0000000  }
0x3: {  	_ = 	snop  }
0x4: {  	_ = 	snop  }
0x5: {  	_ = 	snop  }
0x6: {  	_ = 	snop  }
0x7: {  	_ = 	snop  }
__scs_overlays_trampoline_lowered:
0x8: {  	[smem:$0x3F8F] =	sst s0  }
0x9: {  	[smem:$0x3F90] =	sst s1  }
0xa: {  	[smem:$0x3F91] =	sst s2  }
0xb: {  	[smem:$0x3F92] =	sst s3  }
0xc: {  	[smem:$0x3F93] =	sst s4  }
0xd: {  	[smem:$0x3F94] =	sst s5  }
0xe: {  	[smem:$0x3F95] =	sst s6  }
0xf: {  	[smem:$0x3F96] =	sst s7  }
0x10: {  	[smem:$0x3F97] =	sst s8  }
0x11: {  	[smem:$0x3F98] =	sst s9;
	s0 =	simm.s32 @!p0 $0x0  }
0x12: {  	s1 =	sld [smem:$0x3F7E];
	s0 =	simm.s32 @p0 $0x1  }
0x13: {  	[smem:$0x3F99] =	sst s0;
	s0 =	simm.s32 @!p1 $0x0  }
0x14: {  	s2 =	sld [smem:$0x3F7D];
	s0 =	simm.s32 @p1 $0x1  }
0x15: {  	[smem:$0x3F9A] =	sst s0;
	s0 =	simm.s32 @!p2 $0x0  }
0x16: {  	s3 =	sld [smem:$0x3FDB];
	s0 =	simm.s32 @p2 $0x1  }
0x17: {  	s4 =	simm.s32 $0x1BF5;
	[smem:$0x3F9C] =	sst s0  }
0x18: {  	s0 =	sld [smem:$0x3F7F];
	_ =	swait.ge [sflag:s4], $0x0  }
0x19: {  	s7 =	sld [smem:$0x3F80]  }
0x1a: {  	s8 =	sadd.s32 $0xFFFFE003, lr  }
0x1b: {  	s9 =	sadd.s32 $0xFFFFFEF7, lr;
	s5 =	simm.s32 $0xFFFFFFFF;
	p2 =	slt.u32 s8, $0xFFFFF086  }
0x1c: {  	p1 =	slt.u32 s9, $0xF7A;
	s5 =	simm.s32 @!p2 $0x0  }
0x1d: {  	s5 =	simm.s32 @p1 $0x1;
	p0 =	seq.s32 s7, s2  }
0x1e: {  	s7 =	smul.u32 @!p0 $0xF7A, s2;
	p2 =	seq.s32 @!p0 s5, $0x0  }
0x1f: {  	s9 =	smul.u32 $0xF7A, s1;
	s8 =	simm.s32 @!p0 $0x1BF5;
	p2 =	por !p2, p0  }
0x20: {  	[sflag:s8] =	ssyncset.s32 @!p0 $0xFFFFF086;
	s6 =	sadd.s32 @!p0 s3, s7;
	s7 =	simm.s32 @!p0 $0x108  }
0x21: {  	s3 =	sadd.s32 s3, s9;
	s6 =	sadd.s32 @!p0 $0x88, s6;
	s7 =	simm.s32 @p2 $0x1082  }
0x22: {  	[simem:s7], [sflag:s8] =	dma.local @!p0 [hbm:s6], $0xF7A  }
0x23: {  	s9 =	sor.u32 $0xD0000000, s2;
	s6 =	simm.s32 $0x108;
	_ =	swait.ge @!p0 [sflag:s8], $0x0  }
0x24: {  	s3 =	sadd.s32 $0x88, s3;
	s6 =	simm.s32 @!p1 $0x1082;
	[sflag:s4] =	ssyncset.s32 $0xFFFFF086  }
0x25: {  	[simem:s6], [sflag:s4] =	dma.local [hbm:s3], $0xF7A  }
0x26: {  	[smem:$0x3F80] =	sst s1;
	(tag) =	ssettag s2;
	_ =	strace s9  }
0x27: {  	s1 =	sld [smem:$0x3F90]  }
0x28: {  	s2 =	sld [smem:$0x3F91]  }
0x29: {  	s4 =	sld [smem:$0x3F93]  }
0x2a: {  	p0 =	seq.s32 s5, $0x0;
	s5 =	sld [smem:$0x3F94]  }
0x2b: {  	s6 =	sld [smem:$0x3F95]  }
0x2c: {  	s7 =	sld [smem:$0x3F96]  }
0x2d: {  	s3 =	simm.s32 $0x108;
	s8 =	sld [smem:$0x3F97]  }
0x2e: {  	s3 =	simm.s32 @!p0 $0x1082;
	s9 =	sld [smem:$0x3F98]  }
0x2f: {  	lr =	sadd.s32 s0, s3;
	s0 =	sld [smem:$0x3F8F]  }
0x30: {  	s3 =	sld [smem:$0x3F92]  }
0x31: {  	[smem:$0x3F9B] =	sst s10  }
0x32: {  	s10 =	sld [smem:$0x3F99];
	_ =	sdelay $0x3  }
0x33: {  	p0 =	seq.s32 s10, $0x1;
	s10 =	sld [smem:$0x3F9B];
	_ =	sdelay $0x3  }
0x34: {  	[smem:$0x3F9B] =	sst s10  }
0x35: {  	s10 =	sld [smem:$0x3F9A];
	_ =	sdelay $0x3  }
0x36: {  	p1 =	seq.s32 s10, $0x1;
	s10 =	sld [smem:$0x3F9B];
	_ =	sdelay $0x3  }
0x37: {  	[smem:$0x3F9B] =	sst s10  }
0x38: {  	s10 =	sld [smem:$0x3F9C]  }
0x39: {  	_ = 	snop;
	(pc) =	sbr.ind lr, $3  }
0x3a: {  	_ = 	snop  }
0x3b: {  	_ = 	snop  }
0x3c: {  	p2 =	seq.s32 s10, $0x1;
	s10 =	sld [smem:$0x3F9B]  }
0x3d: {  	_ =	shalt  }
0x3e: {  	_ =	shalt  }
0x3f: {  	_ =	shalt  }
0x40: {  	_ =	shalt  }
0x41: {  	_ =	shalt  }
0x42: {  	_ =	shalt  }
0x43: {  	_ =	shalt  }
0x44: {  	_ =	shalt  }
0x45: {  	_ =	shalt  }
0x46: {  	_ =	shalt  }
0x47: {  	_ =	shalt  }
0x48: {  	_ =	shalt  }
0x49: {  	_ =	shalt  }
0x4a: {  	_ =	shalt  }
0x4b: {  	_ =	shalt  }
0x4c: {  	_ =	shalt  }
0x4d: {  	_ =	shalt  }
0x4e: {  	_ =	shalt  }
0x4f: {  	_ =	shalt  }
0x50: {  	_ =	shalt  }
0x51: {  	_ =	shalt  }
0x52: {  	_ =	shalt  }
0x53: {  	_ =	shalt  }
0x54: {  	_ =	shalt  }
0x55: {  	_ =	shalt  }
0x56: {  	_ =	shalt  }
0x57: {  	_ =	shalt  }
0x58: {  	_ =	shalt  }
0x59: {  	_ =	shalt  }
0x5a: {  	_ =	shalt  }
0x5b: {  	_ =	shalt  }
0x5c: {  	_ =	shalt  }
0x5d: {  	_ =	shalt  }
0x5e: {  	_ =	shalt  }
0x5f: {  	_ =	shalt  }
0x60: {  	_ =	shalt  }
0x61: {  	_ =	shalt  }
0x62: {  	_ =	shalt  }
0x63: {  	_ =	shalt  }
0x64: {  	_ =	shalt  }
0x65: {  	_ =	shalt  }
0x66: {  	_ =	shalt  }
0x67: {  	_ =	shalt  }
0x68: {  	_ =	shalt  }
0x69: {  	_ =	shalt  }
0x6a: {  	_ =	shalt  }
0x6b: {  	_ =	shalt  }
0x6c: {  	_ =	shalt  }
0x6d: {  	_ =	shalt  }
0x6e: {  	_ =	shalt  }
0x6f: {  	_ =	shalt  }
0x70: {  	_ =	shalt  }
0x71: {  	_ =	shalt  }
0x72: {  	_ =	shalt  }
0x73: {  	_ =	shalt  }
0x74: {  	_ =	shalt  }
0x75: {  	_ =	shalt  }
0x76: {  	_ =	shalt  }
0x77: {  	_ =	shalt  }
0x78: {  	_ =	shalt  }
0x79: {  	_ =	shalt  }
0x7a: {  	_ =	shalt  }
0x7b: {  	_ =	shalt  }
0x7c: {  	_ =	shalt  }
0x7d: {  	_ =	shalt  }
0x7e: {  	_ =	shalt  }
0x7f: {  	_ =	shalt  }
0x80: {  	_ =	shalt  }
0x81: {  	_ =	shalt  }
0x82: {  	_ =	shalt  }
0x83: {  	_ =	shalt  }
0x84: {  	_ =	shalt  }
0x85: {  	_ =	shalt  }
0x86: {  	_ =	shalt  }
0x87: {  	_ =	shalt  }
.Lfunc_end0:
.L_simem_size_0:
called_computation.2_lowered:
.L_overlay_start_0:
0x88: {  	s2 =	sld [smem:$0x3FD9]  }
0x89: {  	s3 =	sld [smem:$0x3FFE];
	_ =	sdelay $0x1  }
0x8a: {  	s1 =	srdreg.scid  }
0x8b: {  	s0 =	sand.u32 $0x1, s1  }
0x8c: {  	s17 =	sshll.u32 s0, $0xA;
	s2 =	sadd.s32 s3, s2  }
0x8d: {  	s2 =	sadd.s32 s2, s17  }
0x8e: {  	[smem:$0x3FA7] =	sst s2  }
0x8f: {  	_ = 	snop  }
0x90: {  	(tm) =	ssettm $0x1  }
0x91: {  	s18 =	sld [smem:$0x3FFB];
	_ =	sdelay $0x3  }
0x92: {  	_ =	strace s18  }
0x93: {  	s2 =	sld [smem:$0x3FFC];
	_ =	sdelay $0x3  }
0x94: {  	_ =	strace s2  }
0x95: {  	s2 =	sld [smem:$0x3FFD];
	_ =	sdelay $0x3  }
0x96: {  	_ =	strace s2  }
0x97: {  	_ =	strace $0x8FFFFFFF  }
0x98: {  	s19 =	sld [smem:$0x3FDB];
	_ =	sdelay $0x1  }
0x99: {  	s20 =	simm.s32 $_scs_section_size  }
0x9a: {  	s4 =	simm.s32 $_size__tile_overlayer_lowered;
	s5 =	simm.s32 $_tile_overlayer_lowered  }
0x9b: {  	s6 =	simm.s32 $0x1BFF;
	s21 =	sshll.u32 s5, $0x1;
	s3 =	sadd.s32 s20, s19  }
0x9c: {  	s22 =	simm.s32 $0x0;
	s4 =	sshll.u32 s4, $0x1;
	s5 =	sadd.s32 s21, s3  }
0x9d: {  	[timem:s22], [sflag:s6] =	dma.local [hbm:s5], s4  }
0x9e: {  	_ =	swait.ge [sflag:s6], s4  }
0x9f: {  	s4 =	ssub.s32 $0x0, s4;
	[sflag:s6] =	ssyncset.done $0x0  }
0xa0: {  	[sflag:s6] =	ssyncadd.s32 s4;
	_ =	sdelay $0x1  }
0xa1: {  	s23 =	simm.s32 $0x1B8B  }
0xa2: {  	_ =	swait.ge [sflag:s23], $0x1  }
0xa3: {  	[sflag:s23] =	ssyncset.done $0x0  }
0xa4: {  	[sflag:s23] =	ssyncadd.s32 $0xFFFFFFFF  }
0xa5: {  	s4 =	sld [smem:$0x0]  }
0xa6: {  	s5 =	sand.u32 $0xFFFFFFFE, s1  }
0xa7: {  	p0 =	sne.s32 s1, s5  }
0xa8: {  	s5 =	sshll.u32 @p0 s5, $0xE  }
0xa9: {  	s5 =	sadd.s32 @p0 $0x11B8D, s5;
	s6 =	sshll.u32 @p0 s4, $0x11  }
0xaa: {  	s5 =	sor.u32 @p0 s6, s5  }
0xab: {  	[sflag:s5] =	ssyncadd.remote.s32 @p0 $0x1;
	_ =	sdelay $0x1  }
0xac: {  	s5 =	simm.s32 @p0 $0x1B8D  }
0xad: {  	_ =	swait.eq @p0 [sflag:s5], $0x1  }
0xae: {  	[sflag:s5] =	ssyncadd.s32 @p0 $0xFFFFFFFF  }
0xaf: {  	s6 =	sshll.u32 @!p0 s1, $0xE  }
0xb0: {  	s6 =	sor.u32 @!p0 $0x4000, s6;
	s5 =	simm.s32 @!p0 $0x1B8D  }
0xb1: {  	s4 =	sshll.u32 @!p0 s4, $0x11;
	s6 =	sadd.s32 @!p0 $0x11B8D, s6;
	_ =	swait.eq @!p0 [sflag:s5], $0x1  }
0xb2: {  	s4 =	sor.u32 @!p0 s4, s6;
	[sflag:s5] =	ssyncadd.s32 @!p0 $0xFFFFFFFF  }
0xb3: {  	s25 =	simm.s32 $0x1B8E;
	s24 =	sld [smem:$0x3FFE];
	[sflag:s4] =	ssyncadd.remote.s32 @!p0 $0x1  }
0xb4: {  	s26 =	simm.s32 $execute0_lowered;
	[smem:$0x3FD2] =	sst s25  }
0xb5: {  	s5 =	sshll.u32 s26, $0x1;
	_ =	strace $0x8000004C;
	[dreg:$0x1] =	wrdreg $0xFFFFFFFF  }
0xb6: {  	s28 =	simm.s32 $_size_execute0_lowered;
	s3 =	sadd.s32 s3, s5;
	[dreg:$0x0] =	wrdreg $0x0  }
0xb7: {  	s5 =	sshll.u32 s28, $0x1;
	[dreg:$0x2] =	wrdreg s3  }
0xb8: {  	[dreg:$0x3] =	wrdreg s5  }
0xb9: {  	[dreg:$0x4] =	wrdreg $0xC0  }
0xba: {  	_ =	task [dreg:s22], $0x5FFFF  }
0xbb: {  	[dreg:$0x1] =	wrdreg $0xFFFFFFFF  }
0xbc: {  	[dreg:$0x0] =	wrdreg $0x60  }
0xbd: {  	[dreg:$0x2] =	wrdreg s24  }
0xbe: {  	[dreg:$0x3] =	wrdreg $0xB  }
0xbf: {  	_ =	task.clear_ibuf [dreg:s22], $0x4FFFF;
	_ =	strace $0x9000004C  }
0xc0: {  	s29 =	simm.s32 $0xB;
	_ =	strace $0x8000004E  }
0xc1: {  	_ =	swait.ge [sflag:s29], $0x1  }
0xc2: {  	[sflag:s29] =	ssyncadd.s32 $0xFFFFFFFF  }
0xc3: {  	_ =	strace $0x9000004E  }
0xc4: {  	_ =	sfence  }
0xc5: {  	s30 =	sld [smem:$0x0];
	_ =	sdelay $0x2  }
0xc6: {  	s31 =	sshll.u32 s1, $0xD;
	s1 =	sshrl.u32 s1, $0x2  }
0xc7: {  	s4 =	sand.u32 $0x4000, s31;
	s1 =	sadd.s32 s1, s30  }
0xc8: {  	s0 =	sor.u32 s4, s0;
	s1 =	sshll.u32 s1, $0x11  }
0xc9: {  	s0 =	sor.u32 s1, s0  }
0xca: {  	s0 =	sadd.s32 $0x8F2B, s0  }
0xcb: {  	[sflag:s0] =	ssyncadd.remote.s32 $0x1  }
0xcc: {  	_ =	sfence.sel $0xFFFF  }
0xcd: {  	[dreg:$0x0] =	wrdreg $0xFFFFFFFF;
	(pc) =	sbr.abs _section_cstart, $3  }
0xce: {  	[dreg:$0x1] =	wrdreg $0xFFFFFFFF  }
0xcf: {  	_ =	task.clear_ibuf [dreg:s22], $0x2FFFF;
	_ =	strace $0x9FFFFFFF  }
0xd0: {  	(tm) =	ssettm $0x7FFFFFFF  }
0xd1: {  	_ =	shalt  }
tec
execute0_lowered:
.L_overlay_start_1:
0x0: {  	(tag) =	ssettag $0x1  }
0x1: {  	s0 =	srdreg.scid  }
0x2: {  	s15 =	sand.u32 $0x1, s0  }
0x3: {  	s0 =	stileid.u32;
	s1 =	sshll.u32 s15, $0x4  }
0x4: {  	s16 =	rddreg [dreg:$0x0];
	s2 =	simm.s32 $0x0;
	s17 =	sor.u32 s0, s1  }
0x5: {  	[smem:$0x7FF] =	sst s2;
	s3 =	sshll.u32 s17, $0x6  }
0x6: {  	s1 =	rddreg [dreg:$0x1];
	s3 =	sadd.s32 s3, s16  }
0x7: {  	_ =	strace $0x8000004D;
	s4 =	sadd.s32 $0x2D600, s3;
	s3 =	simm.s32 $0x2  }
0x8: {  	[tilespmem:s2], [sflag:$0x2] =	stream.linear.gather [hbm4b:s4+s2], $0x200, $0x38;
	[tilespmem:$0xA200] =	vst v63  }
0x9: {  	_ =	swait.ge [sflag:s3], $0x200  }
0xa: {  	s6 =	simm.s32 $0x50;
	[sflag:s3] =	ssyncset.done $0x0  }
0xb: {  	s7 =	simm.s32 $0x200;
	s5 =	sadd.s32 $0x69200, s16;
	[sflag:s3] =	ssyncadd.s32 $0xFFFFFE00  }
0xc: {  	[tilespmem:s7], [sflag:$0x1] =	stream.indirect.gather [hbm4b:s5+s6], $0x80, s2, s6, $0xb8;
	[tilespmem:$0xA200] =	vst v63  }
0xd: {  	s8 =	simm.s32 $0x80;
	s9 =	simm.s32 $0x2A00  }
0xe: {  	[tilespmem:s9], [sflag:$0x1] =	stream.indirect.gather [hbm4b:s5+s6], $0x80, s8, s6, $0xb8;
	[tilespmem:$0xA200] =	vst v63  }
0xf: {  	s10 =	simm.s32 $0x100;
	s11 =	simm.s32 $0x5200  }
0x10: {  	[tilespmem:s11], [sflag:$0x1] =	stream.indirect.gather [hbm4b:s5+s6], $0x80, s10, s6, $0xb8;
	[tilespmem:$0xA200] =	vst v63  }
0x11: {  	s12 =	simm.s32 $0x180;
	s13 =	simm.s32 $0x7A00;
	s14 =	simm.s32 $0x1  }
0x12: {  	[tilespmem:s13], [sflag:$0x1] =	stream.indirect.gather [hbm4b:s5+s6], $0x80, s12, s6, $0xb8;
	[tilespmem:$0xA200] =	vst v63  }
0x13: {  	_ =	swait.ge [sflag:s14], $0x2800  }
0x14: {  	[sflag:s14] =	ssyncset.done $0x0  }
0x15: {  	[sflag:s14] =	ssyncadd.s32 $0xFFFFD800  }
0x16: {  	_ =	swait.ge [sflag:s14], $0x2800  }
0x17: {  	[sflag:s14] =	ssyncset.done $0x0  }
0x18: {  	s15 =	ssub.s32 $0x2, s15;
	[sflag:s14] =	ssyncadd.s32 $0xFFFFD800  }
0x19: {  	s18 =	sshrl.u32 s15, $0x1;
	_ =	swait.ge [sflag:s14], $0x2800  }
0x1a: {  	s30 =	ssub.s32 s15, s18;
	[sflag:s14] =	ssyncset.done $0x0  }
0x1b: {  	s17 =	smul.u32 $0x1400, s17;
	s31 =	smax.u32 s30, $0x1;
	[sflag:s14] =	ssyncadd.s32 $0xFFFFD800  }
0x1c: {  	p0 =	sne.s32 s31, $0x1;
	_ =	swait.ge [sflag:s14], $0x2800  }
.Ltmp0:
0x1d: {  	s16 =	sadd.s32 s17, s16;
	[sflag:s14] =	ssyncset.done $0x0;
	(pc) =	sbr.rel @!p0 .LBB2_2-.Ltmp0, $4  }
0x1e: {  	s15 =	sadd.s32 $0x91200, s16;
	[sflag:s14] =	ssyncadd.s32 $0xFFFFD800  }
0x1f: {  	[hbm4b:s15+s2] =	stream.linear.scatter [tilespmem:s7], [sflag:$0x2], $0xA000, $0x38;
	[tilespmem:$0xA200] =	vst v63  }
0x20: {  	_ =	swait.ge [sflag:s3], $0xA000  }
0x21: {  	s16 =	sadd.s32 $0xFFFFFFFF, s31;
	[sflag:s3] =	ssyncset.done $0x0  }
.LBB2_1:
0x22: {  	p0 =	sne.s32 s16, $0x1;
	s16 =	sadd.s32 $0xFFFFFFFF, s16;
	[sflag:s3] =	ssyncadd.s32 $0xFFFF6000  }
0x23: {  	[tilespmem:s2], [sflag:$0x2] =	stream.linear.gather [hbm4b:s4+s2], $0x200, $0x38;
	[tilespmem:$0xA200] =	vst v63  }
0x24: {  	_ =	swait.ge [sflag:s3], $0x200  }
0x25: {  	[sflag:s3] =	ssyncset.done $0x0  }
0x26: {  	[sflag:s3] =	ssyncadd.s32 $0xFFFFFE00  }
0x27: {  	[tilespmem:s7], [sflag:$0x1] =	stream.indirect.gather [hbm4b:s5+s6], $0x80, s2, s6, $0xb8;
	[tilespmem:$0xA200] =	vst v63  }
0x28: {  	_ = 	snop  }
0x29: {  	[tilespmem:s9], [sflag:$0x1] =	stream.indirect.gather [hbm4b:s5+s6], $0x80, s8, s6, $0xb8;
	[tilespmem:$0xA200] =	vst v63  }
0x2a: {  	_ = 	snop  }
0x2b: {  	[tilespmem:s11], [sflag:$0x1] =	stream.indirect.gather [hbm4b:s5+s6], $0x80, s10, s6, $0xb8;
	[tilespmem:$0xA200] =	vst v63  }
0x2c: {  	_ = 	snop  }
0x2d: {  	[tilespmem:s13], [sflag:$0x1] =	stream.indirect.gather [hbm4b:s5+s6], $0x80, s12, s6, $0xb8;
	[tilespmem:$0xA200] =	vst v63  }
0x2e: {  	_ =	swait.ge [sflag:s14], $0x2800  }
0x2f: {  	[sflag:s14] =	ssyncset.done $0x0  }
0x30: {  	[sflag:s14] =	ssyncadd.s32 $0xFFFFD800  }
0x31: {  	_ =	swait.ge [sflag:s14], $0x2800  }
0x32: {  	[sflag:s14] =	ssyncset.done $0x0  }
0x33: {  	[sflag:s14] =	ssyncadd.s32 $0xFFFFD800  }
0x34: {  	_ =	swait.ge [sflag:s14], $0x2800  }
0x35: {  	[sflag:s14] =	ssyncset.done $0x0  }
0x36: {  	[sflag:s14] =	ssyncadd.s32 $0xFFFFD800  }
0x37: {  	_ =	swait.ge [sflag:s14], $0x2800  }
.Ltmp1:
0x38: {  	[sflag:s14] =	ssyncset.done $0x0;
	(pc) =	sbr.rel @p0 .LBB2_1-.Ltmp1, $4  }
0x39: {  	[sflag:s14] =	ssyncadd.s32 $0xFFFFD800  }
0x3a: {  	[hbm4b:s15+s2] =	stream.linear.scatter [tilespmem:s7], [sflag:$0x2], $0xA000, $0x38;
	[tilespmem:$0xA200] =	vst v63  }
0x3b: {  	_ =	swait.ge [sflag:s3], $0xA000  }
0x3c: {  	[sflag:s3] =	ssyncset.done $0x0  }
.LBB2_2:
0x3d: {  	[sflag:s3] =	ssyncadd.s32 $0xFFFF6000  }
0x3e: {  	_ =	sfence.sel $0x180000  }
0x3f: {  	[bflag:$0x0] =	sbarrier.arrive $0xFFFF  }
0x40: {  	p0 =	sne.s32 s0, $0x0;
	_ =	strace $0x9000004D  }
0x41: {  	s0 =	sadd.s32 @!p0 $0x100000, s1;
	[bflag:$0x2] =	sbarrier.arrive $0xFFFF  }
0x42: {  	[sflag:s0] =	ssyncadd.tile.s32 @!p0 $0x1;
	_ =	shalt  }
.Lfunc_end2:
_tile_overlayer_lowered:
.L_overlay_start_2:
0x43: {  	(tag) =	ssettag $0x2  }
0x44: {  	s0 =	rddreg [dreg:$0x0];
	s2 =	stileid.u32  }
0x45: {  	s1 =	rddreg [dreg:$0x1];
	p0 =	sne.s32 s2, $0x0  }
0x46: {  	s3 =	rddreg [dreg:$0x2];
	[bflag:$0x3] =	sbarrier.arrive $0xFFFF;
	s2 =	simm.s32 @!p0 $0x1C02  }
0x47: {  	[timem:s3], [sflag:s2] =	dma.local @!p0 [hbm:s0], s1  }
0x48: {  	s0 =	simm.s32 @!p0 $0x2  }
0x49: {  	_ =	swait.ge @!p0 [sflag:s0], s1  }
0x4a: {  	s1 =	ssub.s32 @!p0 $0x0, s1;
	[sflag:s0] =	ssyncset.done @!p0 $0x0  }
0x4b: {  	[sflag:s0] =	ssyncadd.s32 @!p0 s1  }
0x4c: {  	[bflag:$0x3] =	sbarrier.arrive $0xFFFF  }
0x4d: {  	_ =	shalt  }

// kernel: kernel.18.cloned.1.call-start
scs
__scs_entry_jumppad:
0x0: {  	(pc) =	sbr.rel $0x88, $3  }
0x1: {  	(tag) =	ssettag $0x0;
	lr =	simm.s32 $0x1  }
0x2: {  	[smem:$0x3F80] =	sst lr;
	_ =	strace $0xD0000000  }
0x3: {  	_ = 	snop  }
0x4: {  	_ = 	snop  }
0x5: {  	_ = 	snop  }
0x6: {  	_ = 	snop  }
0x7: {  	_ = 	snop  }
__scs_overlays_trampoline_lowered:
0x8: {  	[smem:$0x3F8F] =	sst s0  }
0x9: {  	[smem:$0x3F90] =	sst s1  }
0xa: {  	[smem:$0x3F91] =	sst s2  }
0xb: {  	[smem:$0x3F92] =	sst s3  }
0xc: {  	[smem:$0x3F93] =	sst s4  }
0xd: {  	[smem:$0x3F94] =	sst s5  }
0xe: {  	[smem:$0x3F95] =	sst s6  }
0xf: {  	[smem:$0x3F96] =	sst s7  }
0x10: {  	[smem:$0x3F97] =	sst s8  }
0x11: {  	[smem:$0x3F98] =	sst s9;
	s0 =	simm.s32 @!p0 $0x0  }
0x12: {  	s1 =	sld [smem:$0x3F7E];
	s0 =	simm.s32 @p0 $0x1  }
0x13: {  	[smem:$0x3F99] =	sst s0;
	s0 =	simm.s32 @!p1 $0x0  }
0x14: {  	s2 =	sld [smem:$0x3F7D];
	s0 =	simm.s32 @p1 $0x1  }
0x15: {  	[smem:$0x3F9A] =	sst s0;
	s0 =	simm.s32 @!p2 $0x0  }
0x16: {  	s3 =	sld [smem:$0x3FDB];
	s0 =	simm.s32 @p2 $0x1  }
0x17: {  	s4 =	simm.s32 $0x1BF5;
	[smem:$0x3F9C] =	sst s0  }
0x18: {  	s0 =	sld [smem:$0x3F7F];
	_ =	swait.ge [sflag:s4], $0x0  }
0x19: {  	s7 =	sld [smem:$0x3F80]  }
0x1a: {  	s8 =	sadd.s32 $0xFFFFE003, lr  }
0x1b: {  	s9 =	sadd.s32 $0xFFFFFEF7, lr;
	s5 =	simm.s32 $0xFFFFFFFF;
	p2 =	slt.u32 s8, $0xFFFFF086  }
0x1c: {  	p1 =	slt.u32 s9, $0xF7A;
	s5 =	simm.s32 @!p2 $0x0  }
0x1d: {  	s5 =	simm.s32 @p1 $0x1;
	p0 =	seq.s32 s7, s2  }
0x1e: {  	s7 =	smul.u32 @!p0 $0xF7A, s2;
	p2 =	seq.s32 @!p0 s5, $0x0  }
0x1f: {  	s9 =	smul.u32 $0xF7A, s1;
	s8 =	simm.s32 @!p0 $0x1BF5;
	p2 =	por !p2, p0  }
0x20: {  	[sflag:s8] =	ssyncset.s32 @!p0 $0xFFFFF086;
	s6 =	sadd.s32 @!p0 s3, s7;
	s7 =	simm.s32 @!p0 $0x108  }
0x21: {  	s3 =	sadd.s32 s3, s9;
	s6 =	sadd.s32 @!p0 $0x88, s6;
	s7 =	simm.s32 @p2 $0x1082  }
0x22: {  	[simem:s7], [sflag:s8] =	dma.local @!p0 [hbm:s6], $0xF7A  }
0x23: {  	s9 =	sor.u32 $0xD0000000, s2;
	s6 =	simm.s32 $0x108;
	_ =	swait.ge @!p0 [sflag:s8], $0x0  }
0x24: {  	s3 =	sadd.s32 $0x88, s3;
	s6 =	simm.s32 @!p1 $0x1082;
	[sflag:s4] =	ssyncset.s32 $0xFFFFF086  }
0x25: {  	[simem:s6], [sflag:s4] =	dma.local [hbm:s3], $0xF7A  }
0x26: {  	[smem:$0x3F80] =	sst s1;
	(tag) =	ssettag s2;
	_ =	strace s9  }
0x27: {  	s1 =	sld [smem:$0x3F90]  }
0x28: {  	s2 =	sld [smem:$0x3F91]  }
0x29: {  	s4 =	sld [smem:$0x3F93]  }
0x2a: {  	p0 =	seq.s32 s5, $0x0;
	s5 =	sld [smem:$0x3F94]  }
0x2b: {  	s6 =	sld [smem:$0x3F95]  }
0x2c: {  	s7 =	sld [smem:$0x3F96]  }
0x2d: {  	s3 =	simm.s32 $0x108;
	s8 =	sld [smem:$0x3F97]  }
0x2e: {  	s3 =	simm.s32 @!p0 $0x1082;
	s9 =	sld [smem:$0x3F98]  }
0x2f: {  	lr =	sadd.s32 s0, s3;
	s0 =	sld [smem:$0x3F8F]  }
0x30: {  	s3 =	sld [smem:$0x3F92]  }
0x31: {  	[smem:$0x3F9B] =	sst s10  }
0x32: {  	s10 =	sld [smem:$0x3F99];
	_ =	sdelay $0x3  }
0x33: {  	p0 =	seq.s32 s10, $0x1;
	s10 =	sld [smem:$0x3F9B];
	_ =	sdelay $0x3  }
0x34: {  	[smem:$0x3F9B] =	sst s10  }
0x35: {  	s10 =	sld [smem:$0x3F9A];
	_ =	sdelay $0x3  }
0x36: {  	p1 =	seq.s32 s10, $0x1;
	s10 =	sld [smem:$0x3F9B];
	_ =	sdelay $0x3  }
0x37: {  	[smem:$0x3F9B] =	sst s10  }
0x38: {  	s10 =	sld [smem:$0x3F9C]  }
0x39: {  	_ = 	snop;
	(pc) =	sbr.ind lr, $3  }
0x3a: {  	_ = 	snop  }
0x3b: {  	_ = 	snop  }
0x3c: {  	p2 =	seq.s32 s10, $0x1;
	s10 =	sld [smem:$0x3F9B]  }
0x3d: {  	_ =	shalt  }
0x3e: {  	_ =	shalt  }
0x3f: {  	_ =	shalt  }
0x40: {  	_ =	shalt  }
0x41: {  	_ =	shalt  }
0x42: {  	_ =	shalt  }
0x43: {  	_ =	shalt  }
0x44: {  	_ =	shalt  }
0x45: {  	_ =	shalt  }
0x46: {  	_ =	shalt  }
0x47: {  	_ =	shalt  }
0x48: {  	_ =	shalt  }
0x49: {  	_ =	shalt  }
0x4a: {  	_ =	shalt  }
0x4b: {  	_ =	shalt  }
0x4c: {  	_ =	shalt  }
0x4d: {  	_ =	shalt  }
0x4e: {  	_ =	shalt  }
0x4f: {  	_ =	shalt  }
0x50: {  	_ =	shalt  }
0x51: {  	_ =	shalt  }
0x52: {  	_ =	shalt  }
0x53: {  	_ =	shalt  }
0x54: {  	_ =	shalt  }
0x55: {  	_ =	shalt  }
0x56: {  	_ =	shalt  }
0x57: {  	_ =	shalt  }
0x58: {  	_ =	shalt  }
0x59: {  	_ =	shalt  }
0x5a: {  	_ =	shalt  }
0x5b: {  	_ =	shalt  }
0x5c: {  	_ =	shalt  }
0x5d: {  	_ =	shalt  }
0x5e: {  	_ =	shalt  }
0x5f: {  	_ =	shalt  }
0x60: {  	_ =	shalt  }
0x61: {  	_ =	shalt  }
0x62: {  	_ =	shalt  }
0x63: {  	_ =	shalt  }
0x64: {  	_ =	shalt  }
0x65: {  	_ =	shalt  }
0x66: {  	_ =	shalt  }
0x67: {  	_ =	shalt  }
0x68: {  	_ =	shalt  }
0x69: {  	_ =	shalt  }
0x6a: {  	_ =	shalt  }
0x6b: {  	_ =	shalt  }
0x6c: {  	_ =	shalt  }
0x6d: {  	_ =	shalt  }
0x6e: {  	_ =	shalt  }
0x6f: {  	_ =	shalt  }
0x70: {  	_ =	shalt  }
0x71: {  	_ =	shalt  }
0x72: {  	_ =	shalt  }
0x73: {  	_ =	shalt  }
0x74: {  	_ =	shalt  }
0x75: {  	_ =	shalt  }
0x76: {  	_ =	shalt  }
0x77: {  	_ =	shalt  }
0x78: {  	_ =	shalt  }
0x79: {  	_ =	shalt  }
0x7a: {  	_ =	shalt  }
0x7b: {  	_ =	shalt  }
0x7c: {  	_ =	shalt  }
0x7d: {  	_ =	shalt  }
0x7e: {  	_ =	shalt  }
0x7f: {  	_ =	shalt  }
0x80: {  	_ =	shalt  }
0x81: {  	_ =	shalt  }
0x82: {  	_ =	shalt  }
0x83: {  	_ =	shalt  }
0x84: {  	_ =	shalt  }
0x85: {  	_ =	shalt  }
0x86: {  	_ =	shalt  }
0x87: {  	_ =	shalt  }
.Lfunc_end0:
.L_simem_size_0:
called_computation.3_lowered:
.L_overlay_start_0:
0x88: {  	s2 =	sld [smem:$0x3FD9]  }
0x89: {  	s3 =	sld [smem:$0x3FFE];
	_ =	sdelay $0x1  }
0x8a: {  	s1 =	srdreg.scid  }
0x8b: {  	s0 =	sand.u32 $0x1, s1  }
0x8c: {  	s16 =	sshll.u32 s0, $0xA;
	s2 =	sadd.s32 s3, s2  }
0x8d: {  	s2 =	sadd.s32 s2, s16  }
0x8e: {  	[smem:$0x3FA7] =	sst s2  }
0x8f: {  	_ = 	snop  }
0x90: {  	(tm) =	ssettm $0x1  }
0x91: {  	s17 =	sld [smem:$0x3FFB];
	_ =	sdelay $0x3  }
0x92: {  	_ =	strace s17  }
0x93: {  	s2 =	sld [smem:$0x3FFC];
	_ =	sdelay $0x3  }
0x94: {  	_ =	strace s2  }
0x95: {  	s2 =	sld [smem:$0x3FFD];
	_ =	sdelay $0x3  }
0x96: {  	_ =	strace s2  }
0x97: {  	_ =	strace $0x8FFFFFFF  }
0x98: {  	s18 =	sld [smem:$0x3FDB];
	_ =	sdelay $0x1  }
0x99: {  	s19 =	simm.s32 $_scs_section_size  }
0x9a: {  	s4 =	simm.s32 $_size__tile_overlayer_lowered;
	s5 =	simm.s32 $_tile_overlayer_lowered  }
0x9b: {  	s22 =	simm.s32 $0x1BFF;
	s21 =	sshll.u32 s5, $0x1;
	s2 =	sadd.s32 s19, s18  }
0x9c: {  	s6 =	simm.s32 $0x0;
	s20 =	sshll.u32 s4, $0x1;
	s4 =	sadd.s32 s21, s2  }
0x9d: {  	[timem:s6], [sflag:s22] =	dma.local [hbm:s4], s20  }
0x9e: {  	_ =	swait.ge [sflag:s22], s20  }
0x9f: {  	s3 =	ssub.s32 $0x0, s20;
	[sflag:s22] =	ssyncset.done $0x0  }
0xa0: {  	[sflag:s22] =	ssyncadd.s32 s3;
	_ =	sdelay $0x1  }
0xa1: {  	s23 =	simm.s32 $0x1B8B  }
0xa2: {  	_ =	swait.ge [sflag:s23], $0x1  }
0xa3: {  	[sflag:s23] =	ssyncset.done $0x0  }
0xa4: {  	s25 =	simm.s32 $0x1B8E;
	s24 =	sld [smem:$0x3FFE];
	[sflag:s23] =	ssyncadd.s32 $0xFFFFFFFF  }
0xa5: {  	s26 =	simm.s32 $execute0_lowered;
	[smem:$0x3FD2] =	sst s25  }
0xa6: {  	s4 =	sshll.u32 s26, $0x1;
	_ =	strace $0x8000004F;
	[dreg:$0x1] =	wrdreg $0xFFFFFFFF  }
0xa7: {  	s28 =	simm.s32 $_size_execute0_lowered;
	s2 =	sadd.s32 s2, s4;
	[dreg:$0x0] =	wrdreg $0x0  }
0xa8: {  	s4 =	sshll.u32 s28, $0x1;
	[dreg:$0x2] =	wrdreg s2  }
0xa9: {  	[dreg:$0x3] =	wrdreg s4  }
0xaa: {  	[dreg:$0x4] =	wrdreg $0xC0  }
0xab: {  	_ =	task [dreg:s6], $0x5FFFF  }
0xac: {  	[dreg:$0x1] =	wrdreg $0xFFFFFFFF  }
0xad: {  	[dreg:$0x0] =	wrdreg $0x60  }
0xae: {  	[dreg:$0x2] =	wrdreg s24  }
0xaf: {  	[dreg:$0x3] =	wrdreg $0x90000  }
0xb0: {  	[dreg:$0x4] =	wrdreg $0x9  }
0xb1: {  	_ =	task.clear_ibuf [dreg:s6], $0x5FFFF;
	_ =	strace $0x9000004F  }
0xb2: {  	s29 =	simm.s32 $0x9;
	_ =	strace $0x80000051  }
0xb3: {  	_ =	swait.ge [sflag:s29], $0x1  }
0xb4: {  	[sflag:s29] =	ssyncadd.s32 $0xFFFFFFFF  }
0xb5: {  	_ =	strace $0x90000051  }
0xb6: {  	_ =	sfence  }
0xb7: {  	s30 =	sld [smem:$0x0];
	_ =	sdelay $0x2  }
0xb8: {  	s31 =	sshll.u32 s1, $0xD;
	s1 =	sshrl.u32 s1, $0x2  }
0xb9: {  	s3 =	sand.u32 $0x4000, s31;
	s1 =	sadd.s32 s1, s30  }
0xba: {  	s0 =	sor.u32 s3, s0;
	s1 =	sshll.u32 s1, $0x11  }
0xbb: {  	s0 =	sor.u32 s1, s0  }
0xbc: {  	s0 =	sadd.s32 $0x8F2B, s0  }
0xbd: {  	[sflag:s0] =	ssyncadd.remote.s32 $0x1  }
0xbe: {  	_ =	sfence.sel $0xFFFF  }
0xbf: {  	[dreg:$0x0] =	wrdreg $0xFFFFFFFF;
	(pc) =	sbr.abs _section_cstart, $3  }
0xc0: {  	[dreg:$0x1] =	wrdreg $0xFFFFFFFF  }
0xc1: {  	_ =	task.clear_ibuf [dreg:s6], $0x2FFFF;
	_ =	strace $0x9FFFFFFF  }
0xc2: {  	(tm) =	ssettm $0x7FFFFFFF  }
0xc3: {  	_ =	shalt  }
tec
execute0_lowered:
.L_overlay_start_1:
0x0: {  	(tag) =	ssettag $0x1  }
0x1: {  	s5 =	rddreg [dreg:$0x0]  }
0x2: {  	s1 =	rddreg [dreg:$0x1];
	s3 =	simm.s32 $0x0;
	s2 =	srdreg.scid  }
0x3: {  	s20 =	simm.s32 $0x3;
	s21 =	simm.s32 $0x2000;
	s22 =	simm.s32 $0x50  }
0x4: {  	s23 =	simm.s32 $0x1;
	s24 =	simm.s32 $0x6800;
	s25 =	simm.s32 $0x2  }
0x5: {  	s26 =	simm.s32 $0x1F80;
	s28 =	simm.s32 $0x3F00;
	s10 =	sand.u32 $0x1, s2  }
0x6: {  	s29 =	simm.s32 $0x3F80;
	s2 =	stileid.u32;
	s6 =	smul.u32 $0x140000, s10  }
0x7: {  	[smem:$0x7FF] =	sst s3;
	s4 =	sadd.s32 $0x25E00, s5;
	s7 =	smul.u32 $0x14000, s2  }
0x8: {  	s15 =	sadd.s32 $0x5E00, s5;
	s16 =	sadd.s32 $0x15E00, s5;
	s8 =	smul.u32 $0x50000, s2  }
0x9: {  	s31 =	ssub.s32 $0x2, s10;
	s12 =	sshll.u32 s10, $0xF;
	s13 =	sshll.u32 s2, $0xB  }
0xa: {  	_ =	strace $0x80000050;
	s9 =	sshrl.u32 s31, $0x1;
	s14 =	sor.u32 s13, s12  }
0xb: {  	s6 =	sadd.s32 s7, s6;
	s8 =	sshrl.u32 s8, $0x2;
	s18 =	ssub.s32 s31, s9  }
0xc: {  	s13 =	sadd.s32 s15, s14;
	s19 =	sor.u32 $0x400, s14;
	s14 =	sadd.s32 s16, s14  }
0xd: {  	s6 =	sshrl.u32 s6, $0x3;
	s15 =	sadd.s32 s15, s19;
	s16 =	sadd.s32 s16, s19  }
0xe: {  	s18 =	smax.u32 s18, $0x1;
	s17 =	sadd.s32 s6, s5;
	s5 =	sadd.s32 s8, s1  }
0xf: {  	s19 =	simm.s32 $0x4000;
	s6 =	sadd.s32 $0x2800, s5;
	s7 =	sadd.s32 $0x5000, s5  }
0x10: {  	s8 =	sadd.s32 $0x7800, s5;
	s9 =	sadd.s32 $0xA000, s5;
	s10 =	sadd.s32 $0xC800, s5  }
0x11: {  	v0 =	vimm.f32 $0.0e+00;
	s11 =	sadd.s32 $0xF000, s5;
	s12 =	sadd.s32 $0x11800, s5;
	s17 =	sadd.s32 $0xB9200, s17  }
.LBB2_1:
0x12: {  	s30 =	simm.s32 $0x0;
	s31 =	simm.s32 $0x200  }
.LBB2_2:
0x13: {  	p0 =	sne.s32 s31, $0x9E00;
	[tilespmem:s30+$0x4070] =	vst v0  }
0x14: {  	[tilespmem:s30+$0x4000] =	vst v0  }
0x15: {  	[tilespmem:s30+$0x4010] =	vst v0  }
.Ltmp0:
0x16: {  	[tilespmem:s30+$0x4020] =	vst v0;
	(pc) =	sbr.rel @p0 .LBB2_2-.Ltmp0, $4  }
0x17: {  	[tilespmem:s30+$0x4030] =	vst v0  }
0x18: {  	[tilespmem:s30+$0x4040] =	vst v0  }
0x19: {  	[tilespmem:s30+$0x4050] =	vst v0  }
0x1a: {  	[tilespmem:s30+$0x4060] =	vst v0;
	s30 =	sshra.s32 s31, $0x2;
	s31 =	sadd.s32 $0x200, s31  }
0x1b: {  	[tilespmem:s30+$0x4070] =	vst v0  }
0x1c: {  	[tilespmem:s30+$0x4000] =	vst v0  }
0x1d: {  	[tilespmem:s30+$0x4010] =	vst v0  }
0x1e: {  	[tilespmem:s30+$0x4020] =	vst v0  }
0x1f: {  	[tilespmem:s30+$0x4030] =	vst v0  }
0x20: {  	[tilespmem:s30+$0x4040] =	vst v0  }
0x21: {  	[tilespmem:s30+$0x4050] =	vst v0  }
0x22: {  	[tilespmem:s30+$0x4060] =	vst v0  }
0x23: {  	[spmem:s5] =	stream.linear.scatter [tilespmem:s19], [sflag:$0x3], $0x2800, $0x38;
	[tilespmem:$0x1D000] =	vst v63  }
0x24: {  	_ =	swait.ge [sflag:s20], $0x2800  }
0x25: {  	[sflag:s20] =	ssyncset.done $0x0  }
0x26: {  	[sflag:s20] =	ssyncadd.s32 $0xFFFFD800  }
0x27: {  	[spmem:s6] =	stream.linear.scatter [tilespmem:s19], [sflag:$0x3], $0x2800, $0x38;
	[tilespmem:$0x1D000] =	vst v63  }
0x28: {  	_ =	swait.ge [sflag:s20], $0x2800  }
0x29: {  	[sflag:s20] =	ssyncset.done $0x0  }
0x2a: {  	[sflag:s20] =	ssyncadd.s32 $0xFFFFD800  }
0x2b: {  	[spmem:s7] =	stream.linear.scatter [tilespmem:s19], [sflag:$0x3], $0x2800, $0x38;
	[tilespmem:$0x1D000] =	vst v63  }
0x2c: {  	_ =	swait.ge [sflag:s20], $0x2800  }
0x2d: {  	[sflag:s20] =	ssyncset.done $0x0  }
0x2e: {  	[sflag:s20] =	ssyncadd.s32 $0xFFFFD800  }
0x2f: {  	[spmem:s8] =	stream.linear.scatter [tilespmem:s19], [sflag:$0x3], $0x2800, $0x38;
	[tilespmem:$0x1D000] =	vst v63  }
0x30: {  	_ =	swait.ge [sflag:s20], $0x2800  }
0x31: {  	[sflag:s20] =	ssyncset.done $0x0  }
0x32: {  	[sflag:s20] =	ssyncadd.s32 $0xFFFFD800  }
0x33: {  	[spmem:s9] =	stream.linear.scatter [tilespmem:s19], [sflag:$0x3], $0x2800, $0x38;
	[tilespmem:$0x1D000] =	vst v63  }
0x34: {  	_ =	swait.ge [sflag:s20], $0x2800  }
0x35: {  	[sflag:s20] =	ssyncset.done $0x0  }
0x36: {  	[sflag:s20] =	ssyncadd.s32 $0xFFFFD800  }
0x37: {  	[spmem:s10] =	stream.linear.scatter [tilespmem:s19], [sflag:$0x3], $0x2800, $0x38;
	[tilespmem:$0x1D000] =	vst v63  }
0x38: {  	_ =	swait.ge [sflag:s20], $0x2800  }
0x39: {  	[sflag:s20] =	ssyncset.done $0x0  }
0x3a: {  	[sflag:s20] =	ssyncadd.s32 $0xFFFFD800  }
0x3b: {  	[spmem:s11] =	stream.linear.scatter [tilespmem:s19], [sflag:$0x3], $0x2800, $0x38;
	[tilespmem:$0x1D000] =	vst v63  }
0x3c: {  	_ =	swait.ge [sflag:s20], $0x2800  }
0x3d: {  	[sflag:s20] =	ssyncset.done $0x0  }
0x3e: {  	[sflag:s20] =	ssyncadd.s32 $0xFFFFD800  }
0x3f: {  	[spmem:s12] =	stream.linear.scatter [tilespmem:s19], [sflag:$0x3], $0x2800, $0x38;
	[tilespmem:$0x1D000] =	vst v63  }
0x40: {  	_ =	swait.ge [sflag:s20], $0x2800  }
0x41: {  	[sflag:s20] =	ssyncset.done $0x0  }
0x42: {  	[sflag:s20] =	ssyncadd.s32 $0xFFFFD800  }
0x43: {  	s30 =	simm.s32 $0x0;
	[bflag:$0x0] =	sbarrier.arrive $0xFFFF  }
0x44: {  	[tilespmem:s30], [sflag:$0x3] =	stream.linear.gather [hbm4b:s13+s30], $0x2000, $0x38;
	[tilespmem:$0x1D000] =	vst v63  }
0x45: {  	_ =	swait.ge [sflag:s20], $0x2000  }
0x46: {  	[sflag:s20] =	ssyncset.done $0x0  }
0x47: {  	[sflag:s20] =	ssyncadd.s32 $0xFFFFE000  }
0x48: {  	[tilespmem:s21], [sflag:$0x3] =	stream.linear.gather [hbm4b:s14+s30], $0x2000, $0x38;
	[tilespmem:$0x1D000] =	vst v63  }
0x49: {  	_ =	swait.ge [sflag:s20], $0x2000  }
0x4a: {  	[sflag:s20] =	ssyncset.done $0x0  }
0x4b: {  	[sflag:s20] =	ssyncadd.s32 $0xFFFFE000  }
0x4c: {  	[tilespmem:s19], [sflag:$0x1] =	stream.indirect.gather [hbm4b:s4+s22], $0x80, s30, s22, $0xb8;
	[tilespmem:$0x1D000] =	vst v63  }
0x4d: {  	_ =	swait.ge [sflag:s23], $0x2800  }
0x4e: {  	[sflag:s23] =	ssyncset.done $0x0  }
0x4f: {  	s30 =	simm.s32 $0x80;
	[sflag:s23] =	ssyncadd.s32 $0xFFFFD800  }
0x50: {  	[tilespmem:s24], [sflag:$0x2] =	stream.indirect.gather [hbm4b:s4+s22], $0x80, s30, s22, $0xb8;
	[tilespmem:$0x1D000] =	vst v63  }
0x51: {  	s30 =	simm.s32 $0x2000  }
0x52: {  	[spmem:s1] =	stream.indirect.scatter.add.f32 [tilespmem:s19], [sflag:$0x3], $0x80, s30, s22, $0xb8;
	[tilespmem:$0x1D000] =	vst v63  }
0x53: {  	_ =	swait.ge [sflag:s20], $0x2800  }
0x54: {  	[sflag:s20] =	ssyncset.done $0x0  }
0x55: {  	[sflag:s20] =	ssyncadd.s32 $0xFFFFD800  }
0x56: {  	_ =	swait.ge [sflag:s25], $0x2800  }
0x57: {  	[sflag:s25] =	ssyncset.done $0x0  }
0x58: {  	s30 =	simm.s32 $0x100;
	[sflag:s25] =	ssyncadd.s32 $0xFFFFD800  }
0x59: {  	[tilespmem:s19], [sflag:$0x1] =	stream.indirect.gather [hbm4b:s4+s22], $0x80, s30, s22, $0xb8;
	[tilespmem:$0x1D000] =	vst v63  }
0x5a: {  	s30 =	simm.s32 $0x2080  }
0x5b: {  	[spmem:s1] =	stream.indirect.scatter.add.f32 [tilespmem:s24], [sflag:$0x3], $0x80, s30, s22, $0xb8;
	[tilespmem:$0x1D000] =	vst v63  }
0x5c: {  	_ =	swait.ge [sflag:s20], $0x2800  }
0x5d: {  	s30 =	simm.s32 $0x400;
	[sflag:s20] =	ssyncset.done $0x0  }
.LBB2_4:
0x5e: {  	p0 =	sne.s32 s30, $0x7800  }
0x5f: {  	[sflag:s20] =	ssyncadd.s32 $0xFFFFD800;
	s31 =	smov.u32 s30;
	s30 =	sadd.s32 $0x400, s30  }
0x60: {  	_ = 	snop  }
0x61: {  	_ =	swait.ge [sflag:s23], $0x2800  }
0x62: {  	s31 =	sshra.s32 s31, $0x2;
	[sflag:s23] =	ssyncset.done $0x0  }
0x63: {  	s0 =	sadd.s32 $0x80, s31;
	[sflag:s23] =	ssyncadd.s32 $0xFFFFD800  }
0x64: {  	[tilespmem:s24], [sflag:$0x2] =	stream.indirect.gather [hbm4b:s4+s22], $0x80, s0, s22, $0xb8;
	[tilespmem:$0x1D000] =	vst v63  }
0x65: {  	s0 =	sadd.s32 $0x2000, s31  }
0x66: {  	[spmem:s1] =	stream.indirect.scatter.add.f32 [tilespmem:s19], [sflag:$0x3], $0x80, s0, s22, $0xb8;
	[tilespmem:$0x1D000] =	vst v63  }
0x67: {  	_ =	swait.ge [sflag:s20], $0x2800  }
0x68: {  	[sflag:s20] =	ssyncset.done $0x0  }
0x69: {  	[sflag:s20] =	ssyncadd.s32 $0xFFFFD800  }
0x6a: {  	_ =	swait.ge [sflag:s25], $0x2800  }
0x6b: {  	[sflag:s25] =	ssyncset.done $0x0  }
0x6c: {  	s0 =	sadd.s32 $0x100, s31;
	[sflag:s25] =	ssyncadd.s32 $0xFFFFD800  }
0x6d: {  	[tilespmem:s19], [sflag:$0x1] =	stream.indirect.gather [hbm4b:s4+s22], $0x80, s0, s22, $0xb8;
	[tilespmem:$0x1D000] =	vst v63  }
.Ltmp1:
0x6e: {  	_ = 	snop;
	(pc) =	sbr.rel @p0 .LBB2_4-.Ltmp1, $4  }
0x6f: {  	s0 =	sadd.s32 $0x2080, s31  }
0x70: {  	[spmem:s1] =	stream.indirect.scatter.add.f32 [tilespmem:s24], [sflag:$0x3], $0x80, s0, s22, $0xb8;
	[tilespmem:$0x1D000] =	vst v63  }
0x71: {  	_ =	swait.ge [sflag:s20], $0x2800  }
0x72: {  	[sflag:s20] =	ssyncset.done $0x0  }
0x73: {  	[sflag:s20] =	ssyncadd.s32 $0xFFFFD800  }
0x74: {  	_ =	swait.ge [sflag:s23], $0x2800  }
0x75: {  	[sflag:s23] =	ssyncset.done $0x0  }
0x76: {  	[sflag:s23] =	ssyncadd.s32 $0xFFFFD800  }
0x77: {  	[tilespmem:s24], [sflag:$0x2] =	stream.indirect.gather [hbm4b:s4+s22], $0x80, s26, s22, $0xb8;
	[tilespmem:$0x1D000] =	vst v63  }
0x78: {  	_ = 	snop  }
0x79: {  	[spmem:s1] =	stream.indirect.scatter.add.f32 [tilespmem:s19], [sflag:$0x3], $0x80, s28, s22, $0xb8;
	[tilespmem:$0x1D000] =	vst v63  }
0x7a: {  	_ =	swait.ge [sflag:s20], $0x2800  }
0x7b: {  	[sflag:s20] =	ssyncset.done $0x0  }
0x7c: {  	[sflag:s20] =	ssyncadd.s32 $0xFFFFD800  }
0x7d: {  	_ =	swait.ge [sflag:s25], $0x2800  }
0x7e: {  	[sflag:s25] =	ssyncset.done $0x0  }
0x7f: {  	[sflag:s25] =	ssyncadd.s32 $0xFFFFD800  }
0x80: {  	[spmem:s1] =	stream.indirect.scatter.add.f32 [tilespmem:s24], [sflag:$0x3], $0x80, s29, s22, $0xb8;
	[tilespmem:$0x1D000] =	vst v63  }
0x81: {  	_ =	swait.ge [sflag:s20], $0x2800  }
0x82: {  	[sflag:s20] =	ssyncset.done $0x0  }
0x83: {  	s0 =	simm.s32 $0x0;
	[sflag:s20] =	ssyncadd.s32 $0xFFFFD800  }
0x84: {  	[tilespmem:s0], [sflag:$0x3] =	stream.linear.gather [hbm4b:s15+s0], $0x2000, $0x38;
	[tilespmem:$0x1D000] =	vst v63  }
0x85: {  	_ =	swait.ge [sflag:s20], $0x2000  }
0x86: {  	[sflag:s20] =	ssyncset.done $0x0  }
0x87: {  	[sflag:s20] =	ssyncadd.s32 $0xFFFFE000  }
0x88: {  	[tilespmem:s21], [sflag:$0x3] =	stream.linear.gather [hbm4b:s16+s0], $0x2000, $0x38;
	[tilespmem:$0x1D000] =	vst v63  }
0x89: {  	_ =	swait.ge [sflag:s20], $0x2000  }
0x8a: {  	[sflag:s20] =	ssyncset.done $0x0  }
0x8b: {  	[sflag:s20] =	ssyncadd.s32 $0xFFFFE000  }
0x8c: {  	[tilespmem:s19], [sflag:$0x1] =	stream.indirect.gather [hbm4b:s4+s22], $0x80, s0, s22, $0xb8;
	[tilespmem:$0x1D000] =	vst v63  }
0x8d: {  	_ =	swait.ge [sflag:s23], $0x2800  }
0x8e: {  	[sflag:s23] =	ssyncset.done $0x0  }
0x8f: {  	s31 =	simm.s32 $0x80;
	[sflag:s23] =	ssyncadd.s32 $0xFFFFD800  }
0x90: {  	[tilespmem:s24], [sflag:$0x2] =	stream.indirect.gather [hbm4b:s4+s22], $0x80, s31, s22, $0xb8;
	[tilespmem:$0x1D000] =	vst v63  }
0x91: {  	s31 =	simm.s32 $0x2000  }
0x92: {  	[spmem:s1] =	stream.indirect.scatter.add.f32 [tilespmem:s19], [sflag:$0x3], $0x80, s31, s22, $0xb8;
	[tilespmem:$0x1D000] =	vst v63  }
0x93: {  	_ =	swait.ge [sflag:s20], $0x2800  }
0x94: {  	[sflag:s20] =	ssyncset.done $0x0  }
0x95: {  	[sflag:s20] =	ssyncadd.s32 $0xFFFFD800  }
0x96: {  	_ =	swait.ge [sflag:s25], $0x2800  }
0x97: {  	[sflag:s25] =	ssyncset.done $0x0  }
0x98: {  	s31 =	simm.s32 $0x100;
	[sflag:s25] =	ssyncadd.s32 $0xFFFFD800  }
0x99: {  	[tilespmem:s19], [sflag:$0x1] =	stream.indirect.gather [hbm4b:s4+s22], $0x80, s31, s22, $0xb8;
	[tilespmem:$0x1D000] =	vst v63  }
0x9a: {  	s31 =	simm.s32 $0x2080  }
0x9b: {  	[spmem:s1] =	stream.indirect.scatter.add.f32 [tilespmem:s24], [sflag:$0x3], $0x80, s31, s22, $0xb8;
	[tilespmem:$0x1D000] =	vst v63  }
0x9c: {  	_ =	swait.ge [sflag:s20], $0x2800  }
0x9d: {  	s30 =	simm.s32 $0x400;
	[sflag:s20] =	ssyncset.done $0x0  }
.LBB2_6:
0x9e: {  	p0 =	sne.s32 s30, $0x7800  }
0x9f: {  	[sflag:s20] =	ssyncadd.s32 $0xFFFFD800;
	s0 =	smov.u32 s30;
	s30 =	sadd.s32 $0x400, s30  }
0xa0: {  	_ = 	snop  }
0xa1: {  	_ =	swait.ge [sflag:s23], $0x2800  }
0xa2: {  	s0 =	sshra.s32 s0, $0x2;
	[sflag:s23] =	ssyncset.done $0x0  }
0xa3: {  	s31 =	sadd.s32 $0x80, s0;
	[sflag:s23] =	ssyncadd.s32 $0xFFFFD800  }
0xa4: {  	[tilespmem:s24], [sflag:$0x2] =	stream.indirect.gather [hbm4b:s4+s22], $0x80, s31, s22, $0xb8;
	[tilespmem:$0x1D000] =	vst v63  }
0xa5: {  	s31 =	sadd.s32 $0x2000, s0  }
0xa6: {  	[spmem:s1] =	stream.indirect.scatter.add.f32 [tilespmem:s19], [sflag:$0x3], $0x80, s31, s22, $0xb8;
	[tilespmem:$0x1D000] =	vst v63  }
0xa7: {  	_ =	swait.ge [sflag:s20], $0x2800  }
0xa8: {  	[sflag:s20] =	ssyncset.done $0x0  }
0xa9: {  	[sflag:s20] =	ssyncadd.s32 $0xFFFFD800  }
0xaa: {  	_ =	swait.ge [sflag:s25], $0x2800  }
0xab: {  	[sflag:s25] =	ssyncset.done $0x0  }
0xac: {  	s31 =	sadd.s32 $0x100, s0;
	[sflag:s25] =	ssyncadd.s32 $0xFFFFD800  }
0xad: {  	[tilespmem:s19], [sflag:$0x1] =	stream.indirect.gather [hbm4b:s4+s22], $0x80, s31, s22, $0xb8;
	[tilespmem:$0x1D000] =	vst v63  }
.Ltmp2:
0xae: {  	_ = 	snop;
	(pc) =	sbr.rel @p0 .LBB2_6-.Ltmp2, $4  }
0xaf: {  	s0 =	sadd.s32 $0x2080, s0  }
0xb0: {  	[spmem:s1] =	stream.indirect.scatter.add.f32 [tilespmem:s24], [sflag:$0x3], $0x80, s0, s22, $0xb8;
	[tilespmem:$0x1D000] =	vst v63  }
0xb1: {  	_ =	swait.ge [sflag:s20], $0x2800  }
0xb2: {  	[sflag:s20] =	ssyncset.done $0x0  }
0xb3: {  	[sflag:s20] =	ssyncadd.s32 $0xFFFFD800  }
0xb4: {  	_ =	swait.ge [sflag:s23], $0x2800  }
0xb5: {  	[sflag:s23] =	ssyncset.done $0x0  }
0xb6: {  	[sflag:s23] =	ssyncadd.s32 $0xFFFFD800  }
0xb7: {  	[tilespmem:s24], [sflag:$0x2] =	stream.indirect.gather [hbm4b:s4+s22], $0x80, s26, s22, $0xb8;
	[tilespmem:$0x1D000] =	vst v63  }
0xb8: {  	_ = 	snop  }
0xb9: {  	[spmem:s1] =	stream.indirect.scatter.add.f32 [tilespmem:s19], [sflag:$0x3], $0x80, s28, s22, $0xb8;
	[tilespmem:$0x1D000] =	vst v63  }
0xba: {  	_ =	swait.ge [sflag:s20], $0x2800  }
0xbb: {  	[sflag:s20] =	ssyncset.done $0x0  }
0xbc: {  	[sflag:s20] =	ssyncadd.s32 $0xFFFFD800  }
0xbd: {  	_ =	swait.ge [sflag:s25], $0x2800  }
0xbe: {  	[sflag:s25] =	ssyncset.done $0x0  }
0xbf: {  	[sflag:s25] =	ssyncadd.s32 $0xFFFFD800  }
0xc0: {  	[spmem:s1] =	stream.indirect.scatter.add.f32 [tilespmem:s24], [sflag:$0x3], $0x80, s29, s22, $0xb8;
	[tilespmem:$0x1D000] =	vst v63  }
0xc1: {  	_ =	swait.ge [sflag:s20], $0x2800  }
0xc2: {  	s0 =	sshll.u32 s2, $0x6;
	s3 =	sadd.s32 $0x1, s3;
	[sflag:s20] =	ssyncset.done $0x0  }
0xc3: {  	s30 =	sshrl.u32 s5, $0x3;
	p0 =	sne.s32 s3, s18;
	[sflag:s20] =	ssyncadd.s32 $0xFFFFD800  }
.Ltmp3:
0xc4: {  	s0 =	sor.u32 $0x1C03, s0;
	[bflag:$0x0] =	sbarrier.arrive $0xFFFF;
	(pc) =	sbr.rel @p0 .LBB2_1-.Ltmp3, $4  }
0xc5: {  	[hbm:s17], [sflag:s0] =	dma.local [spmem:s30], $0x2800  }
0xc6: {  	_ =	swait.ge [sflag:s20], $0x2800  }
0xc7: {  	[sflag:s20] =	ssyncset.done $0x0  }
0xc8: {  	[sflag:s20] =	ssyncadd.s32 $0xFFFFD800  }
0xc9: {  	_ =	sfence.sel $0x180000  }
0xca: {  	[bflag:$0x0] =	sbarrier.arrive $0xFFFF  }
0xcb: {  	_ =	strace $0x90000050  }
0xcc: {  	[bflag:$0x2] =	sbarrier.arrive $0xFFFF  }
0xcd: {  	p0 =	sne.s32 s2, $0x0;
	s0 =	rddreg [dreg:$0x2]  }
0xce: {  	s0 =	sadd.s32 @!p0 $0x100000, s0  }
0xcf: {  	[sflag:s0] =	ssyncadd.tile.s32 @!p0 $0x1;
	_ =	shalt  }
.Lfunc_end2:
_tile_overlayer_lowered:
.L_overlay_start_2:
0xd0: {  	(tag) =	ssettag $0x2  }
0xd1: {  	s0 =	rddreg [dreg:$0x0];
	s2 =	stileid.u32  }
0xd2: {  	s1 =	rddreg [dreg:$0x1];
	p0 =	sne.s32 s2, $0x0  }
0xd3: {  	s3 =	rddreg [dreg:$0x2];
	[bflag:$0x3] =	sbarrier.arrive $0xFFFF;
	s2 =	simm.s32 @!p0 $0x1C03  }
0xd4: {  	[timem:s3], [sflag:s2] =	dma.local @!p0 [hbm:s0], s1  }
0xd5: {  	s0 =	simm.s32 @!p0 $0x3  }
0xd6: {  	_ =	swait.ge @!p0 [sflag:s0], s1  }
0xd7: {  	s1 =	ssub.s32 @!p0 $0x0, s1;
	[sflag:s0] =	ssyncset.done @!p0 $0x0  }
0xd8: {  	[sflag:s0] =	ssyncadd.s32 @!p0 s1  }
0xd9: {  	[bflag:$0x3] =	sbarrier.arrive $0xFFFF  }
0xda: {  	_ =	shalt  }

// kernel: kernel.21.cloned.1.call-start
scs
__scs_entry_jumppad:
0x0: {  	(pc) =	sbr.rel $0x88, $3  }
0x1: {  	(tag) =	ssettag $0x0;
	lr =	simm.s32 $0x1  }
0x2: {  	[smem:$0x3F80] =	sst lr;
	_ =	strace $0xD0000000  }
0x3: {  	_ = 	snop  }
0x4: {  	_ = 	snop  }
0x5: {  	_ = 	snop  }
0x6: {  	_ = 	snop  }
0x7: {  	_ = 	snop  }
__scs_overlays_trampoline_lowered:
0x8: {  	[smem:$0x3F8F] =	sst s0  }
0x9: {  	[smem:$0x3F90] =	sst s1  }
0xa: {  	[smem:$0x3F91] =	sst s2  }
0xb: {  	[smem:$0x3F92] =	sst s3  }
0xc: {  	[smem:$0x3F93] =	sst s4  }
0xd: {  	[smem:$0x3F94] =	sst s5  }
0xe: {  	[smem:$0x3F95] =	sst s6  }
0xf: {  	[smem:$0x3F96] =	sst s7  }
0x10: {  	[smem:$0x3F97] =	sst s8  }
0x11: {  	[smem:$0x3F98] =	sst s9;
	s0 =	simm.s32 @!p0 $0x0  }
0x12: {  	s1 =	sld [smem:$0x3F7E];
	s0 =	simm.s32 @p0 $0x1  }
0x13: {  	[smem:$0x3F99] =	sst s0;
	s0 =	simm.s32 @!p1 $0x0  }
0x14: {  	s2 =	sld [smem:$0x3F7D];
	s0 =	simm.s32 @p1 $0x1  }
0x15: {  	[smem:$0x3F9A] =	sst s0;
	s0 =	simm.s32 @!p2 $0x0  }
0x16: {  	s3 =	sld [smem:$0x3FDB];
	s0 =	simm.s32 @p2 $0x1  }
0x17: {  	s4 =	simm.s32 $0x1BF5;
	[smem:$0x3F9C] =	sst s0  }
0x18: {  	s0 =	sld [smem:$0x3F7F];
	_ =	swait.ge [sflag:s4], $0x0  }
0x19: {  	s7 =	sld [smem:$0x3F80]  }
0x1a: {  	s8 =	sadd.s32 $0xFFFFE003, lr  }
0x1b: {  	s9 =	sadd.s32 $0xFFFFFEF7, lr;
	s5 =	simm.s32 $0xFFFFFFFF;
	p2 =	slt.u32 s8, $0xFFFFF086  }
0x1c: {  	p1 =	slt.u32 s9, $0xF7A;
	s5 =	simm.s32 @!p2 $0x0  }
0x1d: {  	s5 =	simm.s32 @p1 $0x1;
	p0 =	seq.s32 s7, s2  }
0x1e: {  	s7 =	smul.u32 @!p0 $0xF7A, s2;
	p2 =	seq.s32 @!p0 s5, $0x0  }
0x1f: {  	s9 =	smul.u32 $0xF7A, s1;
	s8 =	simm.s32 @!p0 $0x1BF5;
	p2 =	por !p2, p0  }
0x20: {  	[sflag:s8] =	ssyncset.s32 @!p0 $0xFFFFF086;
	s6 =	sadd.s32 @!p0 s3, s7;
	s7 =	simm.s32 @!p0 $0x108  }
0x21: {  	s3 =	sadd.s32 s3, s9;
	s6 =	sadd.s32 @!p0 $0x88, s6;
	s7 =	simm.s32 @p2 $0x1082  }
0x22: {  	[simem:s7], [sflag:s8] =	dma.local @!p0 [hbm:s6], $0xF7A  }
0x23: {  	s9 =	sor.u32 $0xD0000000, s2;
	s6 =	simm.s32 $0x108;
	_ =	swait.ge @!p0 [sflag:s8], $0x0  }
0x24: {  	s3 =	sadd.s32 $0x88, s3;
	s6 =	simm.s32 @!p1 $0x1082;
	[sflag:s4] =	ssyncset.s32 $0xFFFFF086  }
0x25: {  	[simem:s6], [sflag:s4] =	dma.local [hbm:s3], $0xF7A  }
0x26: {  	[smem:$0x3F80] =	sst s1;
	(tag) =	ssettag s2;
	_ =	strace s9  }
0x27: {  	s1 =	sld [smem:$0x3F90]  }
0x28: {  	s2 =	sld [smem:$0x3F91]  }
0x29: {  	s4 =	sld [smem:$0x3F93]  }
0x2a: {  	p0 =	seq.s32 s5, $0x0;
	s5 =	sld [smem:$0x3F94]  }
0x2b: {  	s6 =	sld [smem:$0x3F95]  }
0x2c: {  	s7 =	sld [smem:$0x3F96]  }
0x2d: {  	s3 =	simm.s32 $0x108;
	s8 =	sld [smem:$0x3F97]  }
0x2e: {  	s3 =	simm.s32 @!p0 $0x1082;
	s9 =	sld [smem:$0x3F98]  }
0x2f: {  	lr =	sadd.s32 s0, s3;
	s0 =	sld [smem:$0x3F8F]  }
0x30: {  	s3 =	sld [smem:$0x3F92]  }
0x31: {  	[smem:$0x3F9B] =	sst s10  }
0x32: {  	s10 =	sld [smem:$0x3F99];
	_ =	sdelay $0x3  }
0x33: {  	p0 =	seq.s32 s10, $0x1;
	s10 =	sld [smem:$0x3F9B];
	_ =	sdelay $0x3  }
0x34: {  	[smem:$0x3F9B] =	sst s10  }
0x35: {  	s10 =	sld [smem:$0x3F9A];
	_ =	sdelay $0x3  }
0x36: {  	p1 =	seq.s32 s10, $0x1;
	s10 =	sld [smem:$0x3F9B];
	_ =	sdelay $0x3  }
0x37: {  	[smem:$0x3F9B] =	sst s10  }
0x38: {  	s10 =	sld [smem:$0x3F9C]  }
0x39: {  	_ = 	snop;
	(pc) =	sbr.ind lr, $3  }
0x3a: {  	_ = 	snop  }
0x3b: {  	_ = 	snop  }
0x3c: {  	p2 =	seq.s32 s10, $0x1;
	s10 =	sld [smem:$0x3F9B]  }
0x3d: {  	_ =	shalt  }
0x3e: {  	_ =	shalt  }
0x3f: {  	_ =	shalt  }
0x40: {  	_ =	shalt  }
0x41: {  	_ =	shalt  }
0x42: {  	_ =	shalt  }
0x43: {  	_ =	shalt  }
0x44: {  	_ =	shalt  }
0x45: {  	_ =	shalt  }
0x46: {  	_ =	shalt  }
0x47: {  	_ =	shalt  }
0x48: {  	_ =	shalt  }
0x49: {  	_ =	shalt  }
0x4a: {  	_ =	shalt  }
0x4b: {  	_ =	shalt  }
0x4c: {  	_ =	shalt  }
0x4d: {  	_ =	shalt  }
0x4e: {  	_ =	shalt  }
0x4f: {  	_ =	shalt  }
0x50: {  	_ =	shalt  }
0x51: {  	_ =	shalt  }
0x52: {  	_ =	shalt  }
0x53: {  	_ =	shalt  }
0x54: {  	_ =	shalt  }
0x55: {  	_ =	shalt  }
0x56: {  	_ =	shalt  }
0x57: {  	_ =	shalt  }
0x58: {  	_ =	shalt  }
0x59: {  	_ =	shalt  }
0x5a: {  	_ =	shalt  }
0x5b: {  	_ =	shalt  }
0x5c: {  	_ =	shalt  }
0x5d: {  	_ =	shalt  }
0x5e: {  	_ =	shalt  }
0x5f: {  	_ =	shalt  }
0x60: {  	_ =	shalt  }
0x61: {  	_ =	shalt  }
0x62: {  	_ =	shalt  }
0x63: {  	_ =	shalt  }
0x64: {  	_ =	shalt  }
0x65: {  	_ =	shalt  }
0x66: {  	_ =	shalt  }
0x67: {  	_ =	shalt  }
0x68: {  	_ =	shalt  }
0x69: {  	_ =	shalt  }
0x6a: {  	_ =	shalt  }
0x6b: {  	_ =	shalt  }
0x6c: {  	_ =	shalt  }
0x6d: {  	_ =	shalt  }
0x6e: {  	_ =	shalt  }
0x6f: {  	_ =	shalt  }
0x70: {  	_ =	shalt  }
0x71: {  	_ =	shalt  }
0x72: {  	_ =	shalt  }
0x73: {  	_ =	shalt  }
0x74: {  	_ =	shalt  }
0x75: {  	_ =	shalt  }
0x76: {  	_ =	shalt  }
0x77: {  	_ =	shalt  }
0x78: {  	_ =	shalt  }
0x79: {  	_ =	shalt  }
0x7a: {  	_ =	shalt  }
0x7b: {  	_ =	shalt  }
0x7c: {  	_ =	shalt  }
0x7d: {  	_ =	shalt  }
0x7e: {  	_ =	shalt  }
0x7f: {  	_ =	shalt  }
0x80: {  	_ =	shalt  }
0x81: {  	_ =	shalt  }
0x82: {  	_ =	shalt  }
0x83: {  	_ =	shalt  }
0x84: {  	_ =	shalt  }
0x85: {  	_ =	shalt  }
0x86: {  	_ =	shalt  }
0x87: {  	_ =	shalt  }
.Lfunc_end0:
.L_simem_size_0:
called_computation.4_lowered:
.L_overlay_start_0:
0x88: {  	s2 =	sld [smem:$0x3FD9]  }
0x89: {  	s3 =	sld [smem:$0x3FFE];
	_ =	sdelay $0x1  }
0x8a: {  	s1 =	srdreg.scid  }
0x8b: {  	s0 =	sand.u32 $0x1, s1  }
0x8c: {  	s16 =	sshll.u32 s0, $0xA;
	s2 =	sadd.s32 s3, s2  }
0x8d: {  	s2 =	sadd.s32 s2, s16  }
0x8e: {  	[smem:$0x3FA7] =	sst s2  }
0x8f: {  	_ = 	snop  }
0x90: {  	(tm) =	ssettm $0x1  }
0x91: {  	s17 =	sld [smem:$0x3FFB];
	_ =	sdelay $0x3  }
0x92: {  	_ =	strace s17  }
0x93: {  	s2 =	sld [smem:$0x3FFC];
	_ =	sdelay $0x3  }
0x94: {  	_ =	strace s2  }
0x95: {  	s2 =	sld [smem:$0x3FFD];
	_ =	sdelay $0x3  }
0x96: {  	_ =	strace s2  }
0x97: {  	_ =	strace $0x8FFFFFFF  }
0x98: {  	s18 =	sld [smem:$0x3FDB];
	_ =	sdelay $0x1  }
0x99: {  	s19 =	simm.s32 $_scs_section_size  }
0x9a: {  	s4 =	simm.s32 $_size__tile_overlayer_lowered;
	s5 =	simm.s32 $_tile_overlayer_lowered  }
0x9b: {  	s22 =	simm.s32 $0x1BFF;
	s21 =	sshll.u32 s5, $0x1;
	s2 =	sadd.s32 s19, s18  }
0x9c: {  	s6 =	simm.s32 $0x0;
	s20 =	sshll.u32 s4, $0x1;
	s4 =	sadd.s32 s21, s2  }
0x9d: {  	[timem:s6], [sflag:s22] =	dma.local [hbm:s4], s20  }
0x9e: {  	_ =	swait.ge [sflag:s22], s20  }
0x9f: {  	s3 =	ssub.s32 $0x0, s20;
	[sflag:s22] =	ssyncset.done $0x0  }
0xa0: {  	[sflag:s22] =	ssyncadd.s32 s3;
	_ =	sdelay $0x1  }
0xa1: {  	s23 =	simm.s32 $0x1B8B  }
0xa2: {  	_ =	swait.ge [sflag:s23], $0x1  }
0xa3: {  	[sflag:s23] =	ssyncset.done $0x0  }
0xa4: {  	s25 =	simm.s32 $0x1B8E;
	s24 =	sld [smem:$0x3FFE];
	[sflag:s23] =	ssyncadd.s32 $0xFFFFFFFF  }
0xa5: {  	s26 =	simm.s32 $execute0_lowered;
	[smem:$0x3FD2] =	sst s25  }
0xa6: {  	s4 =	sshll.u32 s26, $0x1;
	_ =	strace $0x80000052;
	[dreg:$0x1] =	wrdreg $0xFFFFFFFF  }
0xa7: {  	s28 =	simm.s32 $_size_execute0_lowered;
	s2 =	sadd.s32 s2, s4;
	[dreg:$0x0] =	wrdreg $0x0  }
0xa8: {  	s4 =	sshll.u32 s28, $0x1;
	[dreg:$0x2] =	wrdreg s2  }
0xa9: {  	[dreg:$0x3] =	wrdreg s4  }
0xaa: {  	[dreg:$0x4] =	wrdreg $0xC0  }
0xab: {  	_ =	task [dreg:s6], $0x5FFFF  }
0xac: {  	[dreg:$0x1] =	wrdreg $0xFFFFFFFF  }
0xad: {  	[dreg:$0x0] =	wrdreg $0x60  }
0xae: {  	[dreg:$0x2] =	wrdreg s24  }
0xaf: {  	[dreg:$0x3] =	wrdreg $0x90000  }
0xb0: {  	[dreg:$0x4] =	wrdreg $0x9  }
0xb1: {  	_ =	task.clear_ibuf [dreg:s6], $0x5FFFF;
	_ =	strace $0x90000052  }
0xb2: {  	s29 =	simm.s32 $0x9;
	_ =	strace $0x80000054  }
0xb3: {  	_ =	swait.ge [sflag:s29], $0x1  }
0xb4: {  	[sflag:s29] =	ssyncadd.s32 $0xFFFFFFFF  }
0xb5: {  	_ =	strace $0x90000054  }
0xb6: {  	_ =	sfence  }
0xb7: {  	s30 =	sld [smem:$0x0];
	_ =	sdelay $0x2  }
0xb8: {  	s31 =	sshll.u32 s1, $0xD;
	s1 =	sshrl.u32 s1, $0x2  }
0xb9: {  	s3 =	sand.u32 $0x4000, s31;
	s1 =	sadd.s32 s1, s30  }
0xba: {  	s0 =	sor.u32 s3, s0;
	s1 =	sshll.u32 s1, $0x11  }
0xbb: {  	s0 =	sor.u32 s1, s0  }
0xbc: {  	s0 =	sadd.s32 $0x8F2B, s0  }
0xbd: {  	[sflag:s0] =	ssyncadd.remote.s32 $0x1  }
0xbe: {  	_ =	sfence.sel $0xFFFF  }
0xbf: {  	[dreg:$0x0] =	wrdreg $0xFFFFFFFF;
	(pc) =	sbr.abs _section_cstart, $3  }
0xc0: {  	[dreg:$0x1] =	wrdreg $0xFFFFFFFF  }
0xc1: {  	_ =	task.clear_ibuf [dreg:s6], $0x2FFFF;
	_ =	strace $0x9FFFFFFF  }
0xc2: {  	(tm) =	ssettm $0x7FFFFFFF  }
0xc3: {  	_ =	shalt  }
tec
execute0_lowered:
.L_overlay_start_1:
0x0: {  	(tag) =	ssettag $0x1  }
0x1: {  	s5 =	rddreg [dreg:$0x0]  }
0x2: {  	s1 =	rddreg [dreg:$0x1];
	s3 =	simm.s32 $0x0;
	s2 =	srdreg.scid  }
0x3: {  	s20 =	simm.s32 $0x3;
	s21 =	simm.s32 $0x2000;
	s22 =	simm.s32 $0x50  }
0x4: {  	s23 =	simm.s32 $0x1;
	s24 =	simm.s32 $0x6800;
	s25 =	simm.s32 $0x2  }
0x5: {  	s26 =	simm.s32 $0x1F80;
	s28 =	simm.s32 $0x3F00;
	s10 =	sand.u32 $0x1, s2  }
0x6: {  	s29 =	simm.s32 $0x3F80;
	s2 =	stileid.u32;
	s6 =	smul.u32 $0x140000, s10  }
0x7: {  	[smem:$0x7FF] =	sst s3;
	s4 =	sadd.s32 $0x4DE00, s5;
	s7 =	smul.u32 $0x14000, s2  }
0x8: {  	s15 =	sadd.s32 $0x5E00, s5;
	s16 =	sadd.s32 $0x15E00, s5;
	s8 =	smul.u32 $0x50000, s2  }
0x9: {  	s31 =	ssub.s32 $0x2, s10;
	s12 =	sshll.u32 s10, $0xF;
	s13 =	sshll.u32 s2, $0xB  }
0xa: {  	_ =	strace $0x80000053;
	s9 =	sshrl.u32 s31, $0x1;
	s14 =	sor.u32 s13, s12  }
0xb: {  	s6 =	sadd.s32 s7, s6;
	s8 =	sshrl.u32 s8, $0x2;
	s18 =	ssub.s32 s31, s9  }
0xc: {  	s13 =	sadd.s32 s15, s14;
	s19 =	sor.u32 $0x400, s14;
	s14 =	sadd.s32 s16, s14  }
0xd: {  	s6 =	sshrl.u32 s6, $0x3;
	s15 =	sadd.s32 s15, s19;
	s16 =	sadd.s32 s16, s19  }
0xe: {  	s18 =	smax.u32 s18, $0x1;
	s17 =	sadd.s32 s6, s5;
	s5 =	sadd.s32 s8, s1  }
0xf: {  	s19 =	simm.s32 $0x4000;
	s6 =	sadd.s32 $0x2800, s5;
	s7 =	sadd.s32 $0x5000, s5  }
0x10: {  	s8 =	sadd.s32 $0x7800, s5;
	s9 =	sadd.s32 $0xA000, s5;
	s10 =	sadd.s32 $0xC800, s5  }
0x11: {  	v0 =	vimm.f32 $0.0e+00;
	s11 =	sadd.s32 $0xF000, s5;
	s12 =	sadd.s32 $0x11800, s5;
	s17 =	sadd.s32 $0xB9200, s17  }
.LBB2_1:
0x12: {  	s30 =	simm.s32 $0x0;
	s31 =	simm.s32 $0x200  }
.LBB2_2:
0x13: {  	p0 =	sne.s32 s31, $0x9E00;
	[tilespmem:s30+$0x4070] =	vst v0  }
0x14: {  	[tilespmem:s30+$0x4000] =	vst v0  }
0x15: {  	[tilespmem:s30+$0x4010] =	vst v0  }
.Ltmp0:
0x16: {  	[tilespmem:s30+$0x4020] =	vst v0;
	(pc) =	sbr.rel @p0 .LBB2_2-.Ltmp0, $4  }
0x17: {  	[tilespmem:s30+$0x4030] =	vst v0  }
0x18: {  	[tilespmem:s30+$0x4040] =	vst v0  }
0x19: {  	[tilespmem:s30+$0x4050] =	vst v0  }
0x1a: {  	[tilespmem:s30+$0x4060] =	vst v0;
	s30 =	sshra.s32 s31, $0x2;
	s31 =	sadd.s32 $0x200, s31  }
0x1b: {  	[tilespmem:s30+$0x4070] =	vst v0  }
0x1c: {  	[tilespmem:s30+$0x4000] =	vst v0  }
0x1d: {  	[tilespmem:s30+$0x4010] =	vst v0  }
0x1e: {  	[tilespmem:s30+$0x4020] =	vst v0  }
0x1f: {  	[tilespmem:s30+$0x4030] =	vst v0  }
0x20: {  	[tilespmem:s30+$0x4040] =	vst v0  }
0x21: {  	[tilespmem:s30+$0x4050] =	vst v0  }
0x22: {  	[tilespmem:s30+$0x4060] =	vst v0  }
0x23: {  	[spmem:s5] =	stream.linear.scatter [tilespmem:s19], [sflag:$0x3], $0x2800, $0x38;
	[tilespmem:$0x1D000] =	vst v63  }
0x24: {  	_ =	swait.ge [sflag:s20], $0x2800  }
0x25: {  	[sflag:s20] =	ssyncset.done $0x0  }
0x26: {  	[sflag:s20] =	ssyncadd.s32 $0xFFFFD800  }
0x27: {  	[spmem:s6] =	stream.linear.scatter [tilespmem:s19], [sflag:$0x3], $0x2800, $0x38;
	[tilespmem:$0x1D000] =	vst v63  }
0x28: {  	_ =	swait.ge [sflag:s20], $0x2800  }
0x29: {  	[sflag:s20] =	ssyncset.done $0x0  }
0x2a: {  	[sflag:s20] =	ssyncadd.s32 $0xFFFFD800  }
0x2b: {  	[spmem:s7] =	stream.linear.scatter [tilespmem:s19], [sflag:$0x3], $0x2800, $0x38;
	[tilespmem:$0x1D000] =	vst v63  }
0x2c: {  	_ =	swait.ge [sflag:s20], $0x2800  }
0x2d: {  	[sflag:s20] =	ssyncset.done $0x0  }
0x2e: {  	[sflag:s20] =	ssyncadd.s32 $0xFFFFD800  }
0x2f: {  	[spmem:s8] =	stream.linear.scatter [tilespmem:s19], [sflag:$0x3], $0x2800, $0x38;
	[tilespmem:$0x1D000] =	vst v63  }
0x30: {  	_ =	swait.ge [sflag:s20], $0x2800  }
0x31: {  	[sflag:s20] =	ssyncset.done $0x0  }
0x32: {  	[sflag:s20] =	ssyncadd.s32 $0xFFFFD800  }
0x33: {  	[spmem:s9] =	stream.linear.scatter [tilespmem:s19], [sflag:$0x3], $0x2800, $0x38;
	[tilespmem:$0x1D000] =	vst v63  }
0x34: {  	_ =	swait.ge [sflag:s20], $0x2800  }
0x35: {  	[sflag:s20] =	ssyncset.done $0x0  }
0x36: {  	[sflag:s20] =	ssyncadd.s32 $0xFFFFD800  }
0x37: {  	[spmem:s10] =	stream.linear.scatter [tilespmem:s19], [sflag:$0x3], $0x2800, $0x38;
	[tilespmem:$0x1D000] =	vst v63  }
0x38: {  	_ =	swait.ge [sflag:s20], $0x2800  }
0x39: {  	[sflag:s20] =	ssyncset.done $0x0  }
0x3a: {  	[sflag:s20] =	ssyncadd.s32 $0xFFFFD800  }
0x3b: {  	[spmem:s11] =	stream.linear.scatter [tilespmem:s19], [sflag:$0x3], $0x2800, $0x38;
	[tilespmem:$0x1D000] =	vst v63  }
0x3c: {  	_ =	swait.ge [sflag:s20], $0x2800  }
0x3d: {  	[sflag:s20] =	ssyncset.done $0x0  }
0x3e: {  	[sflag:s20] =	ssyncadd.s32 $0xFFFFD800  }
0x3f: {  	[spmem:s12] =	stream.linear.scatter [tilespmem:s19], [sflag:$0x3], $0x2800, $0x38;
	[tilespmem:$0x1D000] =	vst v63  }
0x40: {  	_ =	swait.ge [sflag:s20], $0x2800  }
0x41: {  	[sflag:s20] =	ssyncset.done $0x0  }
0x42: {  	[sflag:s20] =	ssyncadd.s32 $0xFFFFD800  }
0x43: {  	s30 =	simm.s32 $0x0;
	[bflag:$0x0] =	sbarrier.arrive $0xFFFF  }
0x44: {  	[tilespmem:s30], [sflag:$0x3] =	stream.linear.gather [hbm4b:s13+s30], $0x2000, $0x38;
	[tilespmem:$0x1D000] =	vst v63  }
0x45: {  	_ =	swait.ge [sflag:s20], $0x2000  }
0x46: {  	[sflag:s20] =	ssyncset.done $0x0  }
0x47: {  	[sflag:s20] =	ssyncadd.s32 $0xFFFFE000  }
0x48: {  	[tilespmem:s21], [sflag:$0x3] =	stream.linear.gather [hbm4b:s14+s30], $0x2000, $0x38;
	[tilespmem:$0x1D000] =	vst v63  }
0x49: {  	_ =	swait.ge [sflag:s20], $0x2000  }
0x4a: {  	[sflag:s20] =	ssyncset.done $0x0  }
0x4b: {  	[sflag:s20] =	ssyncadd.s32 $0xFFFFE000  }
0x4c: {  	[tilespmem:s19], [sflag:$0x1] =	stream.indirect.gather [hbm4b:s4+s22], $0x80, s30, s22, $0xb8;
	[tilespmem:$0x1D000] =	vst v63  }
0x4d: {  	_ =	swait.ge [sflag:s23], $0x2800  }
0x4e: {  	[sflag:s23] =	ssyncset.done $0x0  }
0x4f: {  	s30 =	simm.s32 $0x80;
	[sflag:s23] =	ssyncadd.s32 $0xFFFFD800  }
0x50: {  	[tilespmem:s24], [sflag:$0x2] =	stream.indirect.gather [hbm4b:s4+s22], $0x80, s30, s22, $0xb8;
	[tilespmem:$0x1D000] =	vst v63  }
0x51: {  	s30 =	simm.s32 $0x2000  }
0x52: {  	[spmem:s1] =	stream.indirect.scatter.add.f32 [tilespmem:s19], [sflag:$0x3], $0x80, s30, s22, $0xb8;
	[tilespmem:$0x1D000] =	vst v63  }
0x53: {  	_ =	swait.ge [sflag:s20], $0x2800  }
0x54: {  	[sflag:s20] =	ssyncset.done $0x0  }
0x55: {  	[sflag:s20] =	ssyncadd.s32 $0xFFFFD800  }
0x56: {  	_ =	swait.ge [sflag:s25], $0x2800  }
0x57: {  	[sflag:s25] =	ssyncset.done $0x0  }
0x58: {  	s30 =	simm.s32 $0x100;
	[sflag:s25] =	ssyncadd.s32 $0xFFFFD800  }
0x59: {  	[tilespmem:s19], [sflag:$0x1] =	stream.indirect.gather [hbm4b:s4+s22], $0x80, s30, s22, $0xb8;
	[tilespmem:$0x1D000] =	vst v63  }
0x5a: {  	s30 =	simm.s32 $0x2080  }
0x5b: {  	[spmem:s1] =	stream.indirect.scatter.add.f32 [tilespmem:s24], [sflag:$0x3], $0x80, s30, s22, $0xb8;
	[tilespmem:$0x1D000] =	vst v63  }
0x5c: {  	_ =	swait.ge [sflag:s20], $0x2800  }
0x5d: {  	s30 =	simm.s32 $0x400;
	[sflag:s20] =	ssyncset.done $0x0  }
.LBB2_4:
0x5e: {  	p0 =	sne.s32 s30, $0x7800  }
0x5f: {  	[sflag:s20] =	ssyncadd.s32 $0xFFFFD800;
	s31 =	smov.u32 s30;
	s30 =	sadd.s32 $0x400, s30  }
0x60: {  	_ = 	snop  }
0x61: {  	_ =	swait.ge [sflag:s23], $0x2800  }
0x62: {  	s31 =	sshra.s32 s31, $0x2;
	[sflag:s23] =	ssyncset.done $0x0  }
0x63: {  	s0 =	sadd.s32 $0x80, s31;
	[sflag:s23] =	ssyncadd.s32 $0xFFFFD800  }
0x64: {  	[tilespmem:s24], [sflag:$0x2] =	stream.indirect.gather [hbm4b:s4+s22], $0x80, s0, s22, $0xb8;
	[tilespmem:$0x1D000] =	vst v63  }
0x65: {  	s0 =	sadd.s32 $0x2000, s31  }
0x66: {  	[spmem:s1] =	stream.indirect.scatter.add.f32 [tilespmem:s19], [sflag:$0x3], $0x80, s0, s22, $0xb8;
	[tilespmem:$0x1D000] =	vst v63  }
0x67: {  	_ =	swait.ge [sflag:s20], $0x2800  }
0x68: {  	[sflag:s20] =	ssyncset.done $0x0  }
0x69: {  	[sflag:s20] =	ssyncadd.s32 $0xFFFFD800  }
0x6a: {  	_ =	swait.ge [sflag:s25], $0x2800  }
0x6b: {  	[sflag:s25] =	ssyncset.done $0x0  }
0x6c: {  	s0 =	sadd.s32 $0x100, s31;
	[sflag:s25] =	ssyncadd.s32 $0xFFFFD800  }
0x6d: {  	[tilespmem:s19], [sflag:$0x1] =	stream.indirect.gather [hbm4b:s4+s22], $0x80, s0, s22, $0xb8;
	[tilespmem:$0x1D000] =	vst v63  }
.Ltmp1:
0x6e: {  	_ = 	snop;
	(pc) =	sbr.rel @p0 .LBB2_4-.Ltmp1, $4  }
0x6f: {  	s0 =	sadd.s32 $0x2080, s31  }
0x70: {  	[spmem:s1] =	stream.indirect.scatter.add.f32 [tilespmem:s24], [sflag:$0x3], $0x80, s0, s22, $0xb8;
	[tilespmem:$0x1D000] =	vst v63  }
0x71: {  	_ =	swait.ge [sflag:s20], $0x2800  }
0x72: {  	[sflag:s20] =	ssyncset.done $0x0  }
0x73: {  	[sflag:s20] =	ssyncadd.s32 $0xFFFFD800  }
0x74: {  	_ =	swait.ge [sflag:s23], $0x2800  }
0x75: {  	[sflag:s23] =	ssyncset.done $0x0  }
0x76: {  	[sflag:s23] =	ssyncadd.s32 $0xFFFFD800  }
0x77: {  	[tilespmem:s24], [sflag:$0x2] =	stream.indirect.gather [hbm4b:s4+s22], $0x80, s26, s22, $0xb8;
	[tilespmem:$0x1D000] =	vst v63  }
0x78: {  	_ = 	snop  }
0x79: {  	[spmem:s1] =	stream.indirect.scatter.add.f32 [tilespmem:s19], [sflag:$0x3], $0x80, s28, s22, $0xb8;
	[tilespmem:$0x1D000] =	vst v63  }
0x7a: {  	_ =	swait.ge [sflag:s20], $0x2800  }
0x7b: {  	[sflag:s20] =	ssyncset.done $0x0  }
0x7c: {  	[sflag:s20] =	ssyncadd.s32 $0xFFFFD800  }
0x7d: {  	_ =	swait.ge [sflag:s25], $0x2800  }
0x7e: {  	[sflag:s25] =	ssyncset.done $0x0  }
0x7f: {  	[sflag:s25] =	ssyncadd.s32 $0xFFFFD800  }
0x80: {  	[spmem:s1] =	stream.indirect.scatter.add.f32 [tilespmem:s24], [sflag:$0x3], $0x80, s29, s22, $0xb8;
	[tilespmem:$0x1D000] =	vst v63  }
0x81: {  	_ =	swait.ge [sflag:s20], $0x2800  }
0x82: {  	[sflag:s20] =	ssyncset.done $0x0  }
0x83: {  	s0 =	simm.s32 $0x0;
	[sflag:s20] =	ssyncadd.s32 $0xFFFFD800  }
0x84: {  	[tilespmem:s0], [sflag:$0x3] =	stream.linear.gather [hbm4b:s15+s0], $0x2000, $0x38;
	[tilespmem:$0x1D000] =	vst v63  }
0x85: {  	_ =	swait.ge [sflag:s20], $0x2000  }
0x86: {  	[sflag:s20] =	ssyncset.done $0x0  }
0x87: {  	[sflag:s20] =	ssyncadd.s32 $0xFFFFE000  }
0x88: {  	[tilespmem:s21], [sflag:$0x3] =	stream.linear.gather [hbm4b:s16+s0], $0x2000, $0x38;
	[tilespmem:$0x1D000] =	vst v63  }
0x89: {  	_ =	swait.ge [sflag:s20], $0x2000  }
0x8a: {  	[sflag:s20] =	ssyncset.done $0x0  }
0x8b: {  	[sflag:s20] =	ssyncadd.s32 $0xFFFFE000  }
0x8c: {  	[tilespmem:s19], [sflag:$0x1] =	stream.indirect.gather [hbm4b:s4+s22], $0x80, s0, s22, $0xb8;
	[tilespmem:$0x1D000] =	vst v63  }
0x8d: {  	_ =	swait.ge [sflag:s23], $0x2800  }
0x8e: {  	[sflag:s23] =	ssyncset.done $0x0  }
0x8f: {  	s31 =	simm.s32 $0x80;
	[sflag:s23] =	ssyncadd.s32 $0xFFFFD800  }
0x90: {  	[tilespmem:s24], [sflag:$0x2] =	stream.indirect.gather [hbm4b:s4+s22], $0x80, s31, s22, $0xb8;
	[tilespmem:$0x1D000] =	vst v63  }
0x91: {  	s31 =	simm.s32 $0x2000  }
0x92: {  	[spmem:s1] =	stream.indirect.scatter.add.f32 [tilespmem:s19], [sflag:$0x3], $0x80, s31, s22, $0xb8;
	[tilespmem:$0x1D000] =	vst v63  }
0x93: {  	_ =	swait.ge [sflag:s20], $0x2800  }
0x94: {  	[sflag:s20] =	ssyncset.done $0x0  }
0x95: {  	[sflag:s20] =	ssyncadd.s32 $0xFFFFD800  }
0x96: {  	_ =	swait.ge [sflag:s25], $0x2800  }
0x97: {  	[sflag:s25] =	ssyncset.done $0x0  }
0x98: {  	s31 =	simm.s32 $0x100;
	[sflag:s25] =	ssyncadd.s32 $0xFFFFD800  }
0x99: {  	[tilespmem:s19], [sflag:$0x1] =	stream.indirect.gather [hbm4b:s4+s22], $0x80, s31, s22, $0xb8;
	[tilespmem:$0x1D000] =	vst v63  }
0x9a: {  	s31 =	simm.s32 $0x2080  }
0x9b: {  	[spmem:s1] =	stream.indirect.scatter.add.f32 [tilespmem:s24], [sflag:$0x3], $0x80, s31, s22, $0xb8;
	[tilespmem:$0x1D000] =	vst v63  }
0x9c: {  	_ =	swait.ge [sflag:s20], $0x2800  }
0x9d: {  	s30 =	simm.s32 $0x400;
	[sflag:s20] =	ssyncset.done $0x0  }
.LBB2_6:
0x9e: {  	p0 =	sne.s32 s30, $0x7800  }
0x9f: {  	[sflag:s20] =	ssyncadd.s32 $0xFFFFD800;
	s0 =	smov.u32 s30;
	s30 =	sadd.s32 $0x400, s30  }
0xa0: {  	_ = 	snop  }
0xa1: {  	_ =	swait.ge [sflag:s23], $0x2800  }
0xa2: {  	s0 =	sshra.s32 s0, $0x2;
	[sflag:s23] =	ssyncset.done $0x0  }
0xa3: {  	s31 =	sadd.s32 $0x80, s0;
	[sflag:s23] =	ssyncadd.s32 $0xFFFFD800  }
0xa4: {  	[tilespmem:s24], [sflag:$0x2] =	stream.indirect.gather [hbm4b:s4+s22], $0x80, s31, s22, $0xb8;
	[tilespmem:$0x1D000] =	vst v63  }
0xa5: {  	s31 =	sadd.s32 $0x2000, s0  }
0xa6: {  	[spmem:s1] =	stream.indirect.scatter.add.f32 [tilespmem:s19], [sflag:$0x3], $0x80, s31, s22, $0xb8;
	[tilespmem:$0x1D000] =	vst v63  }
0xa7: {  	_ =	swait.ge [sflag:s20], $0x2800  }
0xa8: {  	[sflag:s20] =	ssyncset.done $0x0  }
0xa9: {  	[sflag:s20] =	ssyncadd.s32 $0xFFFFD800  }
0xaa: {  	_ =	swait.ge [sflag:s25], $0x2800  }
0xab: {  	[sflag:s25] =	ssyncset.done $0x0  }
0xac: {  	s31 =	sadd.s32 $0x100, s0;
	[sflag:s25] =	ssyncadd.s32 $0xFFFFD800  }
0xad: {  	[tilespmem:s19], [sflag:$0x1] =	stream.indirect.gather [hbm4b:s4+s22], $0x80, s31, s22, $0xb8;
	[tilespmem:$0x1D000] =	vst v63  }
.Ltmp2:
0xae: {  	_ = 	snop;
	(pc) =	sbr.rel @p0 .LBB2_6-.Ltmp2, $4  }
0xaf: {  	s0 =	sadd.s32 $0x2080, s0  }
0xb0: {  	[spmem:s1] =	stream.indirect.scatter.add.f32 [tilespmem:s24], [sflag:$0x3], $0x80, s0, s22, $0xb8;
	[tilespmem:$0x1D000] =	vst v63  }
0xb1: {  	_ =	swait.ge [sflag:s20], $0x2800  }
0xb2: {  	[sflag:s20] =	ssyncset.done $0x0  }
0xb3: {  	[sflag:s20] =	ssyncadd.s32 $0xFFFFD800  }
0xb4: {  	_ =	swait.ge [sflag:s23], $0x2800  }
0xb5: {  	[sflag:s23] =	ssyncset.done $0x0  }
0xb6: {  	[sflag:s23] =	ssyncadd.s32 $0xFFFFD800  }
0xb7: {  	[tilespmem:s24], [sflag:$0x2] =	stream.indirect.gather [hbm4b:s4+s22], $0x80, s26, s22, $0xb8;
	[tilespmem:$0x1D000] =	vst v63  }
0xb8: {  	_ = 	snop  }
0xb9: {  	[spmem:s1] =	stream.indirect.scatter.add.f32 [tilespmem:s19], [sflag:$0x3], $0x80, s28, s22, $0xb8;
	[tilespmem:$0x1D000] =	vst v63  }
0xba: {  	_ =	swait.ge [sflag:s20], $0x2800  }
0xbb: {  	[sflag:s20] =	ssyncset.done $0x0  }
0xbc: {  	[sflag:s20] =	ssyncadd.s32 $0xFFFFD800  }
0xbd: {  	_ =	swait.ge [sflag:s25], $0x2800  }
0xbe: {  	[sflag:s25] =	ssyncset.done $0x0  }
0xbf: {  	[sflag:s25] =	ssyncadd.s32 $0xFFFFD800  }
0xc0: {  	[spmem:s1] =	stream.indirect.scatter.add.f32 [tilespmem:s24], [sflag:$0x3], $0x80, s29, s22, $0xb8;
	[tilespmem:$0x1D000] =	vst v63  }
0xc1: {  	_ =	swait.ge [sflag:s20], $0x2800  }
0xc2: {  	s0 =	sshll.u32 s2, $0x6;
	s3 =	sadd.s32 $0x1, s3;
	[sflag:s20] =	ssyncset.done $0x0  }
0xc3: {  	s30 =	sshrl.u32 s5, $0x3;
	p0 =	sne.s32 s3, s18;
	[sflag:s20] =	ssyncadd.s32 $0xFFFFD800  }
.Ltmp3:
0xc4: {  	s0 =	sor.u32 $0x1C03, s0;
	[bflag:$0x0] =	sbarrier.arrive $0xFFFF;
	(pc) =	sbr.rel @p0 .LBB2_1-.Ltmp3, $4  }
0xc5: {  	[hbm:s17], [sflag:s0] =	dma.local [spmem:s30], $0x2800  }
0xc6: {  	_ =	swait.ge [sflag:s20], $0x2800  }
0xc7: {  	[sflag:s20] =	ssyncset.done $0x0  }
0xc8: {  	[sflag:s20] =	ssyncadd.s32 $0xFFFFD800  }
0xc9: {  	_ =	sfence.sel $0x180000  }
0xca: {  	[bflag:$0x0] =	sbarrier.arrive $0xFFFF  }
0xcb: {  	_ =	strace $0x90000053  }
0xcc: {  	[bflag:$0x2] =	sbarrier.arrive $0xFFFF  }
0xcd: {  	p0 =	sne.s32 s2, $0x0;
	s0 =	rddreg [dreg:$0x2]  }
0xce: {  	s0 =	sadd.s32 @!p0 $0x100000, s0  }
0xcf: {  	[sflag:s0] =	ssyncadd.tile.s32 @!p0 $0x1;
	_ =	shalt  }
.Lfunc_end2:
_tile_overlayer_lowered:
.L_overlay_start_2:
0xd0: {  	(tag) =	ssettag $0x2  }
0xd1: {  	s0 =	rddreg [dreg:$0x0];
	s2 =	stileid.u32  }
0xd2: {  	s1 =	rddreg [dreg:$0x1];
	p0 =	sne.s32 s2, $0x0  }
0xd3: {  	s3 =	rddreg [dreg:$0x2];
	[bflag:$0x3] =	sbarrier.arrive $0xFFFF;
	s2 =	simm.s32 @!p0 $0x1C03  }
0xd4: {  	[timem:s3], [sflag:s2] =	dma.local @!p0 [hbm:s0], s1  }
0xd5: {  	s0 =	simm.s32 @!p0 $0x3  }
0xd6: {  	_ =	swait.ge @!p0 [sflag:s0], s1  }
0xd7: {  	s1 =	ssub.s32 @!p0 $0x0, s1;
	[sflag:s0] =	ssyncset.done @!p0 $0x0  }
0xd8: {  	[sflag:s0] =	ssyncadd.s32 @!p0 s1  }
0xd9: {  	[bflag:$0x3] =	sbarrier.arrive $0xFFFF  }
0xda: {  	_ =	shalt  }

// kernel: kernel.24.cloned.1.call-start
scs
__scs_entry_jumppad:
0x0: {  	(pc) =	sbr.rel $0x88, $3  }
0x1: {  	(tag) =	ssettag $0x0;
	lr =	simm.s32 $0x1  }
0x2: {  	[smem:$0x3F80] =	sst lr;
	_ =	strace $0xD0000000  }
0x3: {  	_ = 	snop  }
0x4: {  	_ = 	snop  }
0x5: {  	_ = 	snop  }
0x6: {  	_ = 	snop  }
0x7: {  	_ = 	snop  }
__scs_overlays_trampoline_lowered:
0x8: {  	[smem:$0x3F8F] =	sst s0  }
0x9: {  	[smem:$0x3F90] =	sst s1  }
0xa: {  	[smem:$0x3F91] =	sst s2  }
0xb: {  	[smem:$0x3F92] =	sst s3  }
0xc: {  	[smem:$0x3F93] =	sst s4  }
0xd: {  	[smem:$0x3F94] =	sst s5  }
0xe: {  	[smem:$0x3F95] =	sst s6  }
0xf: {  	[smem:$0x3F96] =	sst s7  }
0x10: {  	[smem:$0x3F97] =	sst s8  }
0x11: {  	[smem:$0x3F98] =	sst s9;
	s0 =	simm.s32 @!p0 $0x0  }
0x12: {  	s1 =	sld [smem:$0x3F7E];
	s0 =	simm.s32 @p0 $0x1  }
0x13: {  	[smem:$0x3F99] =	sst s0;
	s0 =	simm.s32 @!p1 $0x0  }
0x14: {  	s2 =	sld [smem:$0x3F7D];
	s0 =	simm.s32 @p1 $0x1  }
0x15: {  	[smem:$0x3F9A] =	sst s0;
	s0 =	simm.s32 @!p2 $0x0  }
0x16: {  	s3 =	sld [smem:$0x3FDB];
	s0 =	simm.s32 @p2 $0x1  }
0x17: {  	s4 =	simm.s32 $0x1BF5;
	[smem:$0x3F9C] =	sst s0  }
0x18: {  	s0 =	sld [smem:$0x3F7F];
	_ =	swait.ge [sflag:s4], $0x0  }
0x19: {  	s7 =	sld [smem:$0x3F80]  }
0x1a: {  	s8 =	sadd.s32 $0xFFFFE003, lr  }
0x1b: {  	s9 =	sadd.s32 $0xFFFFFEF7, lr;
	s5 =	simm.s32 $0xFFFFFFFF;
	p2 =	slt.u32 s8, $0xFFFFF086  }
0x1c: {  	p1 =	slt.u32 s9, $0xF7A;
	s5 =	simm.s32 @!p2 $0x0  }
0x1d: {  	s5 =	simm.s32 @p1 $0x1;
	p0 =	seq.s32 s7, s2  }
0x1e: {  	s7 =	smul.u32 @!p0 $0xF7A, s2;
	p2 =	seq.s32 @!p0 s5, $0x0  }
0x1f: {  	s9 =	smul.u32 $0xF7A, s1;
	s8 =	simm.s32 @!p0 $0x1BF5;
	p2 =	por !p2, p0  }
0x20: {  	[sflag:s8] =	ssyncset.s32 @!p0 $0xFFFFF086;
	s6 =	sadd.s32 @!p0 s3, s7;
	s7 =	simm.s32 @!p0 $0x108  }
0x21: {  	s3 =	sadd.s32 s3, s9;
	s6 =	sadd.s32 @!p0 $0x88, s6;
	s7 =	simm.s32 @p2 $0x1082  }
0x22: {  	[simem:s7], [sflag:s8] =	dma.local @!p0 [hbm:s6], $0xF7A  }
0x23: {  	s9 =	sor.u32 $0xD0000000, s2;
	s6 =	simm.s32 $0x108;
	_ =	swait.ge @!p0 [sflag:s8], $0x0  }
0x24: {  	s3 =	sadd.s32 $0x88, s3;
	s6 =	simm.s32 @!p1 $0x1082;
	[sflag:s4] =	ssyncset.s32 $0xFFFFF086  }
0x25: {  	[simem:s6], [sflag:s4] =	dma.local [hbm:s3], $0xF7A  }
0x26: {  	[smem:$0x3F80] =	sst s1;
	(tag) =	ssettag s2;
	_ =	strace s9  }
0x27: {  	s1 =	sld [smem:$0x3F90]  }
0x28: {  	s2 =	sld [smem:$0x3F91]  }
0x29: {  	s4 =	sld [smem:$0x3F93]  }
0x2a: {  	p0 =	seq.s32 s5, $0x0;
	s5 =	sld [smem:$0x3F94]  }
0x2b: {  	s6 =	sld [smem:$0x3F95]  }
0x2c: {  	s7 =	sld [smem:$0x3F96]  }
0x2d: {  	s3 =	simm.s32 $0x108;
	s8 =	sld [smem:$0x3F97]  }
0x2e: {  	s3 =	simm.s32 @!p0 $0x1082;
	s9 =	sld [smem:$0x3F98]  }
0x2f: {  	lr =	sadd.s32 s0, s3;
	s0 =	sld [smem:$0x3F8F]  }
0x30: {  	s3 =	sld [smem:$0x3F92]  }
0x31: {  	[smem:$0x3F9B] =	sst s10  }
0x32: {  	s10 =	sld [smem:$0x3F99];
	_ =	sdelay $0x3  }
0x33: {  	p0 =	seq.s32 s10, $0x1;
	s10 =	sld [smem:$0x3F9B];
	_ =	sdelay $0x3  }
0x34: {  	[smem:$0x3F9B] =	sst s10  }
0x35: {  	s10 =	sld [smem:$0x3F9A];
	_ =	sdelay $0x3  }
0x36: {  	p1 =	seq.s32 s10, $0x1;
	s10 =	sld [smem:$0x3F9B];
	_ =	sdelay $0x3  }
0x37: {  	[smem:$0x3F9B] =	sst s10  }
0x38: {  	s10 =	sld [smem:$0x3F9C]  }
0x39: {  	_ = 	snop;
	(pc) =	sbr.ind lr, $3  }
0x3a: {  	_ = 	snop  }
0x3b: {  	_ = 	snop  }
0x3c: {  	p2 =	seq.s32 s10, $0x1;
	s10 =	sld [smem:$0x3F9B]  }
0x3d: {  	_ =	shalt  }
0x3e: {  	_ =	shalt  }
0x3f: {  	_ =	shalt  }
0x40: {  	_ =	shalt  }
0x41: {  	_ =	shalt  }
0x42: {  	_ =	shalt  }
0x43: {  	_ =	shalt  }
0x44: {  	_ =	shalt  }
0x45: {  	_ =	shalt  }
0x46: {  	_ =	shalt  }
0x47: {  	_ =	shalt  }
0x48: {  	_ =	shalt  }
0x49: {  	_ =	shalt  }
0x4a: {  	_ =	shalt  }
0x4b: {  	_ =	shalt  }
0x4c: {  	_ =	shalt  }
0x4d: {  	_ =	shalt  }
0x4e: {  	_ =	shalt  }
0x4f: {  	_ =	shalt  }
0x50: {  	_ =	shalt  }
0x51: {  	_ =	shalt  }
0x52: {  	_ =	shalt  }
0x53: {  	_ =	shalt  }
0x54: {  	_ =	shalt  }
0x55: {  	_ =	shalt  }
0x56: {  	_ =	shalt  }
0x57: {  	_ =	shalt  }
0x58: {  	_ =	shalt  }
0x59: {  	_ =	shalt  }
0x5a: {  	_ =	shalt  }
0x5b: {  	_ =	shalt  }
0x5c: {  	_ =	shalt  }
0x5d: {  	_ =	shalt  }
0x5e: {  	_ =	shalt  }
0x5f: {  	_ =	shalt  }
0x60: {  	_ =	shalt  }
0x61: {  	_ =	shalt  }
0x62: {  	_ =	shalt  }
0x63: {  	_ =	shalt  }
0x64: {  	_ =	shalt  }
0x65: {  	_ =	shalt  }
0x66: {  	_ =	shalt  }
0x67: {  	_ =	shalt  }
0x68: {  	_ =	shalt  }
0x69: {  	_ =	shalt  }
0x6a: {  	_ =	shalt  }
0x6b: {  	_ =	shalt  }
0x6c: {  	_ =	shalt  }
0x6d: {  	_ =	shalt  }
0x6e: {  	_ =	shalt  }
0x6f: {  	_ =	shalt  }
0x70: {  	_ =	shalt  }
0x71: {  	_ =	shalt  }
0x72: {  	_ =	shalt  }
0x73: {  	_ =	shalt  }
0x74: {  	_ =	shalt  }
0x75: {  	_ =	shalt  }
0x76: {  	_ =	shalt  }
0x77: {  	_ =	shalt  }
0x78: {  	_ =	shalt  }
0x79: {  	_ =	shalt  }
0x7a: {  	_ =	shalt  }
0x7b: {  	_ =	shalt  }
0x7c: {  	_ =	shalt  }
0x7d: {  	_ =	shalt  }
0x7e: {  	_ =	shalt  }
0x7f: {  	_ =	shalt  }
0x80: {  	_ =	shalt  }
0x81: {  	_ =	shalt  }
0x82: {  	_ =	shalt  }
0x83: {  	_ =	shalt  }
0x84: {  	_ =	shalt  }
0x85: {  	_ =	shalt  }
0x86: {  	_ =	shalt  }
0x87: {  	_ =	shalt  }
.Lfunc_end0:
.L_simem_size_0:
called_computation.5_lowered:
.L_overlay_start_0:
0x88: {  	s2 =	sld [smem:$0x3FD9]  }
0x89: {  	s3 =	sld [smem:$0x3FFE];
	_ =	sdelay $0x1  }
0x8a: {  	s1 =	srdreg.scid  }
0x8b: {  	s0 =	sand.u32 $0x1, s1  }
0x8c: {  	s16 =	sshll.u32 s0, $0xA;
	s2 =	sadd.s32 s3, s2  }
0x8d: {  	s2 =	sadd.s32 s2, s16  }
0x8e: {  	[smem:$0x3FA7] =	sst s2  }
0x8f: {  	_ = 	snop  }
0x90: {  	(tm) =	ssettm $0x1  }
0x91: {  	s17 =	sld [smem:$0x3FFB];
	_ =	sdelay $0x3  }
0x92: {  	_ =	strace s17  }
0x93: {  	s2 =	sld [smem:$0x3FFC];
	_ =	sdelay $0x3  }
0x94: {  	_ =	strace s2  }
0x95: {  	s2 =	sld [smem:$0x3FFD];
	_ =	sdelay $0x3  }
0x96: {  	_ =	strace s2  }
0x97: {  	_ =	strace $0x8FFFFFFF  }
0x98: {  	s18 =	sld [smem:$0x3FDB];
	_ =	sdelay $0x1  }
0x99: {  	s19 =	simm.s32 $_scs_section_size  }
0x9a: {  	s4 =	simm.s32 $_size__tile_overlayer_lowered;
	s5 =	simm.s32 $_tile_overlayer_lowered  }
0x9b: {  	s22 =	simm.s32 $0x1BFF;
	s21 =	sshll.u32 s5, $0x1;
	s2 =	sadd.s32 s19, s18  }
0x9c: {  	s6 =	simm.s32 $0x0;
	s20 =	sshll.u32 s4, $0x1;
	s4 =	sadd.s32 s21, s2  }
0x9d: {  	[timem:s6], [sflag:s22] =	dma.local [hbm:s4], s20  }
0x9e: {  	_ =	swait.ge [sflag:s22], s20  }
0x9f: {  	s3 =	ssub.s32 $0x0, s20;
	[sflag:s22] =	ssyncset.done $0x0  }
0xa0: {  	[sflag:s22] =	ssyncadd.s32 s3;
	_ =	sdelay $0x1  }
0xa1: {  	s23 =	simm.s32 $0x1B8B  }
0xa2: {  	_ =	swait.ge [sflag:s23], $0x1  }
0xa3: {  	[sflag:s23] =	ssyncset.done $0x0  }
0xa4: {  	s25 =	simm.s32 $0x1B8E;
	s24 =	sld [smem:$0x3FFE];
	[sflag:s23] =	ssyncadd.s32 $0xFFFFFFFF  }
0xa5: {  	s26 =	simm.s32 $execute0_lowered;
	[smem:$0x3FD2] =	sst s25  }
0xa6: {  	s4 =	sshll.u32 s26, $0x1;
	_ =	strace $0x80000055;
	[dreg:$0x1] =	wrdreg $0xFFFFFFFF  }
0xa7: {  	s28 =	simm.s32 $_size_execute0_lowered;
	s2 =	sadd.s32 s2, s4;
	[dreg:$0x0] =	wrdreg $0x0  }
0xa8: {  	s4 =	sshll.u32 s28, $0x1;
	[dreg:$0x2] =	wrdreg s2  }
0xa9: {  	[dreg:$0x3] =	wrdreg s4  }
0xaa: {  	[dreg:$0x4] =	wrdreg $0xC0  }
0xab: {  	_ =	task [dreg:s6], $0x5FFFF  }
0xac: {  	[dreg:$0x1] =	wrdreg $0xFFFFFFFF  }
0xad: {  	[dreg:$0x0] =	wrdreg $0x60  }
0xae: {  	[dreg:$0x2] =	wrdreg s24  }
0xaf: {  	[dreg:$0x3] =	wrdreg $0x90000  }
0xb0: {  	[dreg:$0x4] =	wrdreg $0x9  }
0xb1: {  	_ =	task.clear_ibuf [dreg:s6], $0x5FFFF;
	_ =	strace $0x90000055  }
0xb2: {  	s29 =	simm.s32 $0x9;
	_ =	strace $0x80000057  }
0xb3: {  	_ =	swait.ge [sflag:s29], $0x1  }
0xb4: {  	[sflag:s29] =	ssyncadd.s32 $0xFFFFFFFF  }
0xb5: {  	_ =	strace $0x90000057  }
0xb6: {  	_ =	sfence  }
0xb7: {  	s30 =	sld [smem:$0x0];
	_ =	sdelay $0x2  }
0xb8: {  	s31 =	sshll.u32 s1, $0xD;
	s1 =	sshrl.u32 s1, $0x2  }
0xb9: {  	s3 =	sand.u32 $0x4000, s31;
	s1 =	sadd.s32 s1, s30  }
0xba: {  	s0 =	sor.u32 s3, s0;
	s1 =	sshll.u32 s1, $0x11  }
0xbb: {  	s0 =	sor.u32 s1, s0  }
0xbc: {  	s0 =	sadd.s32 $0x8F2B, s0  }
0xbd: {  	[sflag:s0] =	ssyncadd.remote.s32 $0x1  }
0xbe: {  	_ =	sfence.sel $0xFFFF  }
0xbf: {  	[dreg:$0x0] =	wrdreg $0xFFFFFFFF;
	(pc) =	sbr.abs _section_cstart, $3  }
0xc0: {  	[dreg:$0x1] =	wrdreg $0xFFFFFFFF  }
0xc1: {  	_ =	task.clear_ibuf [dreg:s6], $0x2FFFF;
	_ =	strace $0x9FFFFFFF  }
0xc2: {  	(tm) =	ssettm $0x7FFFFFFF  }
0xc3: {  	_ =	shalt  }
tec
execute0_lowered:
.L_overlay_start_1:
0x0: {  	(tag) =	ssettag $0x1  }
0x1: {  	s5 =	rddreg [dreg:$0x0]  }
0x2: {  	s1 =	rddreg [dreg:$0x1];
	s3 =	simm.s32 $0x0;
	s2 =	srdreg.scid  }
0x3: {  	s20 =	simm.s32 $0x3;
	s21 =	simm.s32 $0x2000;
	s22 =	simm.s32 $0x50  }
0x4: {  	s23 =	simm.s32 $0x1;
	s24 =	simm.s32 $0x6800;
	s25 =	simm.s32 $0x2  }
0x5: {  	s26 =	simm.s32 $0x1F80;
	s28 =	simm.s32 $0x3F00;
	s10 =	sand.u32 $0x1, s2  }
0x6: {  	s29 =	simm.s32 $0x3F80;
	s2 =	stileid.u32;
	s6 =	smul.u32 $0x140000, s10  }
0x7: {  	[smem:$0x7FF] =	sst s3;
	s4 =	sadd.s32 $0xB9200, s5;
	s7 =	smul.u32 $0x14000, s2  }
0x8: {  	s15 =	sadd.s32 $0x5E00, s5;
	s16 =	sadd.s32 $0x15E00, s5;
	s8 =	smul.u32 $0x50000, s2  }
0x9: {  	s31 =	ssub.s32 $0x2, s10;
	s12 =	sshll.u32 s10, $0xF;
	s13 =	sshll.u32 s2, $0xB  }
0xa: {  	_ =	strace $0x80000056;
	s9 =	sshrl.u32 s31, $0x1;
	s14 =	sor.u32 s13, s12  }
0xb: {  	s6 =	sadd.s32 s7, s6;
	s8 =	sshrl.u32 s8, $0x2;
	s18 =	ssub.s32 s31, s9  }
0xc: {  	s13 =	sadd.s32 s15, s14;
	s19 =	sor.u32 $0x400, s14;
	s14 =	sadd.s32 s16, s14  }
0xd: {  	s6 =	sshrl.u32 s6, $0x3;
	s15 =	sadd.s32 s15, s19;
	s16 =	sadd.s32 s16, s19  }
0xe: {  	s18 =	smax.u32 s18, $0x1;
	s17 =	sadd.s32 s6, s5;
	s5 =	sadd.s32 s8, s1  }
0xf: {  	s19 =	simm.s32 $0x4000;
	s6 =	sadd.s32 $0x2800, s5;
	s7 =	sadd.s32 $0x5000, s5  }
0x10: {  	s8 =	sadd.s32 $0x7800, s5;
	s9 =	sadd.s32 $0xA000, s5;
	s10 =	sadd.s32 $0xC800, s5  }
0x11: {  	v0 =	vimm.f32 $0.0e+00;
	s11 =	sadd.s32 $0xF000, s5;
	s12 =	sadd.s32 $0x11800, s5;
	s17 =	sadd.s32 $0xE1200, s17  }
.LBB2_1:
0x12: {  	s30 =	simm.s32 $0x0;
	s31 =	simm.s32 $0x200  }
.LBB2_2:
0x13: {  	p0 =	sne.s32 s31, $0x9E00;
	[tilespmem:s30+$0x4070] =	vst v0  }
0x14: {  	[tilespmem:s30+$0x4000] =	vst v0  }
0x15: {  	[tilespmem:s30+$0x4010] =	vst v0  }
.Ltmp0:
0x16: {  	[tilespmem:s30+$0x4020] =	vst v0;
	(pc) =	sbr.rel @p0 .LBB2_2-.Ltmp0, $4  }
0x17: {  	[tilespmem:s30+$0x4030] =	vst v0  }
0x18: {  	[tilespmem:s30+$0x4040] =	vst v0  }
0x19: {  	[tilespmem:s30+$0x4050] =	vst v0  }
0x1a: {  	[tilespmem:s30+$0x4060] =	vst v0;
	s30 =	sshra.s32 s31, $0x2;
	s31 =	sadd.s32 $0x200, s31  }
0x1b: {  	[tilespmem:s30+$0x4070] =	vst v0  }
0x1c: {  	[tilespmem:s30+$0x4000] =	vst v0  }
0x1d: {  	[tilespmem:s30+$0x4010] =	vst v0  }
0x1e: {  	[tilespmem:s30+$0x4020] =	vst v0  }
0x1f: {  	[tilespmem:s30+$0x4030] =	vst v0  }
0x20: {  	[tilespmem:s30+$0x4040] =	vst v0  }
0x21: {  	[tilespmem:s30+$0x4050] =	vst v0  }
0x22: {  	[tilespmem:s30+$0x4060] =	vst v0  }
0x23: {  	[spmem:s5] =	stream.linear.scatter [tilespmem:s19], [sflag:$0x3], $0x2800, $0x38;
	[tilespmem:$0x1D000] =	vst v63  }
0x24: {  	_ =	swait.ge [sflag:s20], $0x2800  }
0x25: {  	[sflag:s20] =	ssyncset.done $0x0  }
0x26: {  	[sflag:s20] =	ssyncadd.s32 $0xFFFFD800  }
0x27: {  	[spmem:s6] =	stream.linear.scatter [tilespmem:s19], [sflag:$0x3], $0x2800, $0x38;
	[tilespmem:$0x1D000] =	vst v63  }
0x28: {  	_ =	swait.ge [sflag:s20], $0x2800  }
0x29: {  	[sflag:s20] =	ssyncset.done $0x0  }
0x2a: {  	[sflag:s20] =	ssyncadd.s32 $0xFFFFD800  }
0x2b: {  	[spmem:s7] =	stream.linear.scatter [tilespmem:s19], [sflag:$0x3], $0x2800, $0x38;
	[tilespmem:$0x1D000] =	vst v63  }
0x2c: {  	_ =	swait.ge [sflag:s20], $0x2800  }
0x2d: {  	[sflag:s20] =	ssyncset.done $0x0  }
0x2e: {  	[sflag:s20] =	ssyncadd.s32 $0xFFFFD800  }
0x2f: {  	[spmem:s8] =	stream.linear.scatter [tilespmem:s19], [sflag:$0x3], $0x2800, $0x38;
	[tilespmem:$0x1D000] =	vst v63  }
0x30: {  	_ =	swait.ge [sflag:s20], $0x2800  }
0x31: {  	[sflag:s20] =	ssyncset.done $0x0  }
0x32: {  	[sflag:s20] =	ssyncadd.s32 $0xFFFFD800  }
0x33: {  	[spmem:s9] =	stream.linear.scatter [tilespmem:s19], [sflag:$0x3], $0x2800, $0x38;
	[tilespmem:$0x1D000] =	vst v63  }
0x34: {  	_ =	swait.ge [sflag:s20], $0x2800  }
0x35: {  	[sflag:s20] =	ssyncset.done $0x0  }
0x36: {  	[sflag:s20] =	ssyncadd.s32 $0xFFFFD800  }
0x37: {  	[spmem:s10] =	stream.linear.scatter [tilespmem:s19], [sflag:$0x3], $0x2800, $0x38;
	[tilespmem:$0x1D000] =	vst v63  }
0x38: {  	_ =	swait.ge [sflag:s20], $0x2800  }
0x39: {  	[sflag:s20] =	ssyncset.done $0x0  }
0x3a: {  	[sflag:s20] =	ssyncadd.s32 $0xFFFFD800  }
0x3b: {  	[spmem:s11] =	stream.linear.scatter [tilespmem:s19], [sflag:$0x3], $0x2800, $0x38;
	[tilespmem:$0x1D000] =	vst v63  }
0x3c: {  	_ =	swait.ge [sflag:s20], $0x2800  }
0x3d: {  	[sflag:s20] =	ssyncset.done $0x0  }
0x3e: {  	[sflag:s20] =	ssyncadd.s32 $0xFFFFD800  }
0x3f: {  	[spmem:s12] =	stream.linear.scatter [tilespmem:s19], [sflag:$0x3], $0x2800, $0x38;
	[tilespmem:$0x1D000] =	vst v63  }
0x40: {  	_ =	swait.ge [sflag:s20], $0x2800  }
0x41: {  	[sflag:s20] =	ssyncset.done $0x0  }
0x42: {  	[sflag:s20] =	ssyncadd.s32 $0xFFFFD800  }
0x43: {  	s30 =	simm.s32 $0x0;
	[bflag:$0x0] =	sbarrier.arrive $0xFFFF  }
0x44: {  	[tilespmem:s30], [sflag:$0x3] =	stream.linear.gather [hbm4b:s13+s30], $0x2000, $0x38;
	[tilespmem:$0x1D000] =	vst v63  }
0x45: {  	_ =	swait.ge [sflag:s20], $0x2000  }
0x46: {  	[sflag:s20] =	ssyncset.done $0x0  }
0x47: {  	[sflag:s20] =	ssyncadd.s32 $0xFFFFE000  }
0x48: {  	[tilespmem:s21], [sflag:$0x3] =	stream.linear.gather [hbm4b:s14+s30], $0x2000, $0x38;
	[tilespmem:$0x1D000] =	vst v63  }
0x49: {  	_ =	swait.ge [sflag:s20], $0x2000  }
0x4a: {  	[sflag:s20] =	ssyncset.done $0x0  }
0x4b: {  	[sflag:s20] =	ssyncadd.s32 $0xFFFFE000  }
0x4c: {  	[tilespmem:s19], [sflag:$0x1] =	stream.indirect.gather [hbm4b:s4+s22], $0x80, s30, s22, $0xb8;
	[tilespmem:$0x1D000] =	vst v63  }
0x4d: {  	_ =	swait.ge [sflag:s23], $0x2800  }
0x4e: {  	[sflag:s23] =	ssyncset.done $0x0  }
0x4f: {  	s30 =	simm.s32 $0x80;
	[sflag:s23] =	ssyncadd.s32 $0xFFFFD800  }
0x50: {  	[tilespmem:s24], [sflag:$0x2] =	stream.indirect.gather [hbm4b:s4+s22], $0x80, s30, s22, $0xb8;
	[tilespmem:$0x1D000] =	vst v63  }
0x51: {  	s30 =	simm.s32 $0x2000  }
0x52: {  	[spmem:s1] =	stream.indirect.scatter.add.f32 [tilespmem:s19], [sflag:$0x3], $0x80, s30, s22, $0xb8;
	[tilespmem:$0x1D000] =	vst v63  }
0x53: {  	_ =	swait.ge [sflag:s20], $0x2800  }
0x54: {  	[sflag:s20] =	ssyncset.done $0x0  }
0x55: {  	[sflag:s20] =	ssyncadd.s32 $0xFFFFD800  }
0x56: {  	_ =	swait.ge [sflag:s25], $0x2800  }
0x57: {  	[sflag:s25] =	ssyncset.done $0x0  }
0x58: {  	s30 =	simm.s32 $0x100;
	[sflag:s25] =	ssyncadd.s32 $0xFFFFD800  }
0x59: {  	[tilespmem:s19], [sflag:$0x1] =	stream.indirect.gather [hbm4b:s4+s22], $0x80, s30, s22, $0xb8;
	[tilespmem:$0x1D000] =	vst v63  }
0x5a: {  	s30 =	simm.s32 $0x2080  }
0x5b: {  	[spmem:s1] =	stream.indirect.scatter.add.f32 [tilespmem:s24], [sflag:$0x3], $0x80, s30, s22, $0xb8;
	[tilespmem:$0x1D000] =	vst v63  }
0x5c: {  	_ =	swait.ge [sflag:s20], $0x2800  }
0x5d: {  	s30 =	simm.s32 $0x400;
	[sflag:s20] =	ssyncset.done $0x0  }
.LBB2_4:
0x5e: {  	p0 =	sne.s32 s30, $0x7800  }
0x5f: {  	[sflag:s20] =	ssyncadd.s32 $0xFFFFD800;
	s31 =	smov.u32 s30;
	s30 =	sadd.s32 $0x400, s30  }
0x60: {  	_ = 	snop  }
0x61: {  	_ =	swait.ge [sflag:s23], $0x2800  }
0x62: {  	s31 =	sshra.s32 s31, $0x2;
	[sflag:s23] =	ssyncset.done $0x0  }
0x63: {  	s0 =	sadd.s32 $0x80, s31;
	[sflag:s23] =	ssyncadd.s32 $0xFFFFD800  }
0x64: {  	[tilespmem:s24], [sflag:$0x2] =	stream.indirect.gather [hbm4b:s4+s22], $0x80, s0, s22, $0xb8;
	[tilespmem:$0x1D000] =	vst v63  }
0x65: {  	s0 =	sadd.s32 $0x2000, s31  }
0x66: {  	[spmem:s1] =	stream.indirect.scatter.add.f32 [tilespmem:s19], [sflag:$0x3], $0x80, s0, s22, $0xb8;
	[tilespmem:$0x1D000] =	vst v63  }
0x67: {  	_ =	swait.ge [sflag:s20], $0x2800  }
0x68: {  	[sflag:s20] =	ssyncset.done $0x0  }
0x69: {  	[sflag:s20] =	ssyncadd.s32 $0xFFFFD800  }
0x6a: {  	_ =	swait.ge [sflag:s25], $0x2800  }
0x6b: {  	[sflag:s25] =	ssyncset.done $0x0  }
0x6c: {  	s0 =	sadd.s32 $0x100, s31;
	[sflag:s25] =	ssyncadd.s32 $0xFFFFD800  }
0x6d: {  	[tilespmem:s19], [sflag:$0x1] =	stream.indirect.gather [hbm4b:s4+s22], $0x80, s0, s22, $0xb8;
	[tilespmem:$0x1D000] =	vst v63  }
.Ltmp1:
0x6e: {  	_ = 	snop;
	(pc) =	sbr.rel @p0 .LBB2_4-.Ltmp1, $4  }
0x6f: {  	s0 =	sadd.s32 $0x2080, s31  }
0x70: {  	[spmem:s1] =	stream.indirect.scatter.add.f32 [tilespmem:s24], [sflag:$0x3], $0x80, s0, s22, $0xb8;
	[tilespmem:$0x1D000] =	vst v63  }
0x71: {  	_ =	swait.ge [sflag:s20], $0x2800  }
0x72: {  	[sflag:s20] =	ssyncset.done $0x0  }
0x73: {  	[sflag:s20] =	ssyncadd.s32 $0xFFFFD800  }
0x74: {  	_ =	swait.ge [sflag:s23], $0x2800  }
0x75: {  	[sflag:s23] =	ssyncset.done $0x0  }
0x76: {  	[sflag:s23] =	ssyncadd.s32 $0xFFFFD800  }
0x77: {  	[tilespmem:s24], [sflag:$0x2] =	stream.indirect.gather [hbm4b:s4+s22], $0x80, s26, s22, $0xb8;
	[tilespmem:$0x1D000] =	vst v63  }
0x78: {  	_ = 	snop  }
0x79: {  	[spmem:s1] =	stream.indirect.scatter.add.f32 [tilespmem:s19], [sflag:$0x3], $0x80, s28, s22, $0xb8;
	[tilespmem:$0x1D000] =	vst v63  }
0x7a: {  	_ =	swait.ge [sflag:s20], $0x2800  }
0x7b: {  	[sflag:s20] =	ssyncset.done $0x0  }
0x7c: {  	[sflag:s20] =	ssyncadd.s32 $0xFFFFD800  }
0x7d: {  	_ =	swait.ge [sflag:s25], $0x2800  }
0x7e: {  	[sflag:s25] =	ssyncset.done $0x0  }
0x7f: {  	[sflag:s25] =	ssyncadd.s32 $0xFFFFD800  }
0x80: {  	[spmem:s1] =	stream.indirect.scatter.add.f32 [tilespmem:s24], [sflag:$0x3], $0x80, s29, s22, $0xb8;
	[tilespmem:$0x1D000] =	vst v63  }
0x81: {  	_ =	swait.ge [sflag:s20], $0x2800  }
0x82: {  	[sflag:s20] =	ssyncset.done $0x0  }
0x83: {  	s0 =	simm.s32 $0x0;
	[sflag:s20] =	ssyncadd.s32 $0xFFFFD800  }
0x84: {  	[tilespmem:s0], [sflag:$0x3] =	stream.linear.gather [hbm4b:s15+s0], $0x2000, $0x38;
	[tilespmem:$0x1D000] =	vst v63  }
0x85: {  	_ =	swait.ge [sflag:s20], $0x2000  }
0x86: {  	[sflag:s20] =	ssyncset.done $0x0  }
0x87: {  	[sflag:s20] =	ssyncadd.s32 $0xFFFFE000  }
0x88: {  	[tilespmem:s21], [sflag:$0x3] =	stream.linear.gather [hbm4b:s16+s0], $0x2000, $0x38;
	[tilespmem:$0x1D000] =	vst v63  }
0x89: {  	_ =	swait.ge [sflag:s20], $0x2000  }
0x8a: {  	[sflag:s20] =	ssyncset.done $0x0  }
0x8b: {  	[sflag:s20] =	ssyncadd.s32 $0xFFFFE000  }
0x8c: {  	[tilespmem:s19], [sflag:$0x1] =	stream.indirect.gather [hbm4b:s4+s22], $0x80, s0, s22, $0xb8;
	[tilespmem:$0x1D000] =	vst v63  }
0x8d: {  	_ =	swait.ge [sflag:s23], $0x2800  }
0x8e: {  	[sflag:s23] =	ssyncset.done $0x0  }
0x8f: {  	s31 =	simm.s32 $0x80;
	[sflag:s23] =	ssyncadd.s32 $0xFFFFD800  }
0x90: {  	[tilespmem:s24], [sflag:$0x2] =	stream.indirect.gather [hbm4b:s4+s22], $0x80, s31, s22, $0xb8;
	[tilespmem:$0x1D000] =	vst v63  }
0x91: {  	s31 =	simm.s32 $0x2000  }
0x92: {  	[spmem:s1] =	stream.indirect.scatter.add.f32 [tilespmem:s19], [sflag:$0x3], $0x80, s31, s22, $0xb8;
	[tilespmem:$0x1D000] =	vst v63  }
0x93: {  	_ =	swait.ge [sflag:s20], $0x2800  }
0x94: {  	[sflag:s20] =	ssyncset.done $0x0  }
0x95: {  	[sflag:s20] =	ssyncadd.s32 $0xFFFFD800  }
0x96: {  	_ =	swait.ge [sflag:s25], $0x2800  }
0x97: {  	[sflag:s25] =	ssyncset.done $0x0  }
0x98: {  	s31 =	simm.s32 $0x100;
	[sflag:s25] =	ssyncadd.s32 $0xFFFFD800  }
0x99: {  	[tilespmem:s19], [sflag:$0x1] =	stream.indirect.gather [hbm4b:s4+s22], $0x80, s31, s22, $0xb8;
	[tilespmem:$0x1D000] =	vst v63  }
0x9a: {  	s31 =	simm.s32 $0x2080  }
0x9b: {  	[spmem:s1] =	stream.indirect.scatter.add.f32 [tilespmem:s24], [sflag:$0x3], $0x80, s31, s22, $0xb8;
	[tilespmem:$0x1D000] =	vst v63  }
0x9c: {  	_ =	swait.ge [sflag:s20], $0x2800  }
0x9d: {  	s30 =	simm.s32 $0x400;
	[sflag:s20] =	ssyncset.done $0x0  }
.LBB2_6:
0x9e: {  	p0 =	sne.s32 s30, $0x7800  }
0x9f: {  	[sflag:s20] =	ssyncadd.s32 $0xFFFFD800;
	s0 =	smov.u32 s30;
	s30 =	sadd.s32 $0x400, s30  }
0xa0: {  	_ = 	snop  }
0xa1: {  	_ =	swait.ge [sflag:s23], $0x2800  }
0xa2: {  	s0 =	sshra.s32 s0, $0x2;
	[sflag:s23] =	ssyncset.done $0x0  }
0xa3: {  	s31 =	sadd.s32 $0x80, s0;
	[sflag:s23] =	ssyncadd.s32 $0xFFFFD800  }
0xa4: {  	[tilespmem:s24], [sflag:$0x2] =	stream.indirect.gather [hbm4b:s4+s22], $0x80, s31, s22, $0xb8;
	[tilespmem:$0x1D000] =	vst v63  }
0xa5: {  	s31 =	sadd.s32 $0x2000, s0  }
0xa6: {  	[spmem:s1] =	stream.indirect.scatter.add.f32 [tilespmem:s19], [sflag:$0x3], $0x80, s31, s22, $0xb8;
	[tilespmem:$0x1D000] =	vst v63  }
0xa7: {  	_ =	swait.ge [sflag:s20], $0x2800  }
0xa8: {  	[sflag:s20] =	ssyncset.done $0x0  }
0xa9: {  	[sflag:s20] =	ssyncadd.s32 $0xFFFFD800  }
0xaa: {  	_ =	swait.ge [sflag:s25], $0x2800  }
0xab: {  	[sflag:s25] =	ssyncset.done $0x0  }
0xac: {  	s31 =	sadd.s32 $0x100, s0;
	[sflag:s25] =	ssyncadd.s32 $0xFFFFD800  }
0xad: {  	[tilespmem:s19], [sflag:$0x1] =	stream.indirect.gather [hbm4b:s4+s22], $0x80, s31, s22, $0xb8;
	[tilespmem:$0x1D000] =	vst v63  }
.Ltmp2:
0xae: {  	_ = 	snop;
	(pc) =	sbr.rel @p0 .LBB2_6-.Ltmp2, $4  }
0xaf: {  	s0 =	sadd.s32 $0x2080, s0  }
0xb0: {  	[spmem:s1] =	stream.indirect.scatter.add.f32 [tilespmem:s24], [sflag:$0x3], $0x80, s0, s22, $0xb8;
	[tilespmem:$0x1D000] =	vst v63  }
0xb1: {  	_ =	swait.ge [sflag:s20], $0x2800  }
0xb2: {  	[sflag:s20] =	ssyncset.done $0x0  }
0xb3: {  	[sflag:s20] =	ssyncadd.s32 $0xFFFFD800  }
0xb4: {  	_ =	swait.ge [sflag:s23], $0x2800  }
0xb5: {  	[sflag:s23] =	ssyncset.done $0x0  }
0xb6: {  	[sflag:s23] =	ssyncadd.s32 $0xFFFFD800  }
0xb7: {  	[tilespmem:s24], [sflag:$0x2] =	stream.indirect.gather [hbm4b:s4+s22], $0x80, s26, s22, $0xb8;
	[tilespmem:$0x1D000] =	vst v63  }
0xb8: {  	_ = 	snop  }
0xb9: {  	[spmem:s1] =	stream.indirect.scatter.add.f32 [tilespmem:s19], [sflag:$0x3], $0x80, s28, s22, $0xb8;
	[tilespmem:$0x1D000] =	vst v63  }
0xba: {  	_ =	swait.ge [sflag:s20], $0x2800  }
0xbb: {  	[sflag:s20] =	ssyncset.done $0x0  }
0xbc: {  	[sflag:s20] =	ssyncadd.s32 $0xFFFFD800  }
0xbd: {  	_ =	swait.ge [sflag:s25], $0x2800  }
0xbe: {  	[sflag:s25] =	ssyncset.done $0x0  }
0xbf: {  	[sflag:s25] =	ssyncadd.s32 $0xFFFFD800  }
0xc0: {  	[spmem:s1] =	stream.indirect.scatter.add.f32 [tilespmem:s24], [sflag:$0x3], $0x80, s29, s22, $0xb8;
	[tilespmem:$0x1D000] =	vst v63  }
0xc1: {  	_ =	swait.ge [sflag:s20], $0x2800  }
0xc2: {  	s0 =	sshll.u32 s2, $0x6;
	s3 =	sadd.s32 $0x1, s3;
	[sflag:s20] =	ssyncset.done $0x0  }
0xc3: {  	s30 =	sshrl.u32 s5, $0x3;
	p0 =	sne.s32 s3, s18;
	[sflag:s20] =	ssyncadd.s32 $0xFFFFD800  }
.Ltmp3:
0xc4: {  	s0 =	sor.u32 $0x1C03, s0;
	[bflag:$0x0] =	sbarrier.arrive $0xFFFF;
	(pc) =	sbr.rel @p0 .LBB2_1-.Ltmp3, $4  }
0xc5: {  	[hbm:s17], [sflag:s0] =	dma.local [spmem:s30], $0x2800  }
0xc6: {  	_ =	swait.ge [sflag:s20], $0x2800  }
0xc7: {  	[sflag:s20] =	ssyncset.done $0x0  }
0xc8: {  	[sflag:s20] =	ssyncadd.s32 $0xFFFFD800  }
0xc9: {  	_ =	sfence.sel $0x180000  }
0xca: {  	[bflag:$0x0] =	sbarrier.arrive $0xFFFF  }
0xcb: {  	_ =	strace $0x90000056  }
0xcc: {  	[bflag:$0x2] =	sbarrier.arrive $0xFFFF  }
0xcd: {  	p0 =	sne.s32 s2, $0x0;
	s0 =	rddreg [dreg:$0x2]  }
0xce: {  	s0 =	sadd.s32 @!p0 $0x100000, s0  }
0xcf: {  	[sflag:s0] =	ssyncadd.tile.s32 @!p0 $0x1;
	_ =	shalt  }
.Lfunc_end2:
_tile_overlayer_lowered:
.L_overlay_start_2:
0xd0: {  	(tag) =	ssettag $0x2  }
0xd1: {  	s0 =	rddreg [dreg:$0x0];
	s2 =	stileid.u32  }
0xd2: {  	s1 =	rddreg [dreg:$0x1];
	p0 =	sne.s32 s2, $0x0  }
0xd3: {  	s3 =	rddreg [dreg:$0x2];
	[bflag:$0x3] =	sbarrier.arrive $0xFFFF;
	s2 =	simm.s32 @!p0 $0x1C03  }
0xd4: {  	[timem:s3], [sflag:s2] =	dma.local @!p0 [hbm:s0], s1  }
0xd5: {  	s0 =	simm.s32 @!p0 $0x3  }
0xd6: {  	_ =	swait.ge @!p0 [sflag:s0], s1  }
0xd7: {  	s1 =	ssub.s32 @!p0 $0x0, s1;
	[sflag:s0] =	ssyncset.done @!p0 $0x0  }
0xd8: {  	[sflag:s0] =	ssyncadd.s32 @!p0 s1  }
0xd9: {  	[bflag:$0x3] =	sbarrier.arrive $0xFFFF  }
0xda: {  	_ =	shalt  }

// kernel: kernel.27.cloned.1.call-start
scs
__scs_entry_jumppad:
0x0: {  	(pc) =	sbr.rel $0x88, $3  }
0x1: {  	(tag) =	ssettag $0x0;
	lr =	simm.s32 $0x1  }
0x2: {  	[smem:$0x3F80] =	sst lr;
	_ =	strace $0xD0000000  }
0x3: {  	_ = 	snop  }
0x4: {  	_ = 	snop  }
0x5: {  	_ = 	snop  }
0x6: {  	_ = 	snop  }
0x7: {  	_ = 	snop  }
__scs_overlays_trampoline_lowered:
0x8: {  	[smem:$0x3F8F] =	sst s0  }
0x9: {  	[smem:$0x3F90] =	sst s1  }
0xa: {  	[smem:$0x3F91] =	sst s2  }
0xb: {  	[smem:$0x3F92] =	sst s3  }
0xc: {  	[smem:$0x3F93] =	sst s4  }
0xd: {  	[smem:$0x3F94] =	sst s5  }
0xe: {  	[smem:$0x3F95] =	sst s6  }
0xf: {  	[smem:$0x3F96] =	sst s7  }
0x10: {  	[smem:$0x3F97] =	sst s8  }
0x11: {  	[smem:$0x3F98] =	sst s9;
	s0 =	simm.s32 @!p0 $0x0  }
0x12: {  	s1 =	sld [smem:$0x3F7E];
	s0 =	simm.s32 @p0 $0x1  }
0x13: {  	[smem:$0x3F99] =	sst s0;
	s0 =	simm.s32 @!p1 $0x0  }
0x14: {  	s2 =	sld [smem:$0x3F7D];
	s0 =	simm.s32 @p1 $0x1  }
0x15: {  	[smem:$0x3F9A] =	sst s0;
	s0 =	simm.s32 @!p2 $0x0  }
0x16: {  	s3 =	sld [smem:$0x3FDB];
	s0 =	simm.s32 @p2 $0x1  }
0x17: {  	s4 =	simm.s32 $0x1BF5;
	[smem:$0x3F9C] =	sst s0  }
0x18: {  	s0 =	sld [smem:$0x3F7F];
	_ =	swait.ge [sflag:s4], $0x0  }
0x19: {  	s7 =	sld [smem:$0x3F80]  }
0x1a: {  	s8 =	sadd.s32 $0xFFFFE003, lr  }
0x1b: {  	s9 =	sadd.s32 $0xFFFFFEF7, lr;
	s5 =	simm.s32 $0xFFFFFFFF;
	p2 =	slt.u32 s8, $0xFFFFF086  }
0x1c: {  	p1 =	slt.u32 s9, $0xF7A;
	s5 =	simm.s32 @!p2 $0x0  }
0x1d: {  	s5 =	simm.s32 @p1 $0x1;
	p0 =	seq.s32 s7, s2  }
0x1e: {  	s7 =	smul.u32 @!p0 $0xF7A, s2;
	p2 =	seq.s32 @!p0 s5, $0x0  }
0x1f: {  	s9 =	smul.u32 $0xF7A, s1;
	s8 =	simm.s32 @!p0 $0x1BF5;
	p2 =	por !p2, p0  }
0x20: {  	[sflag:s8] =	ssyncset.s32 @!p0 $0xFFFFF086;
	s6 =	sadd.s32 @!p0 s3, s7;
	s7 =	simm.s32 @!p0 $0x108  }
0x21: {  	s3 =	sadd.s32 s3, s9;
	s6 =	sadd.s32 @!p0 $0x88, s6;
	s7 =	simm.s32 @p2 $0x1082  }
0x22: {  	[simem:s7], [sflag:s8] =	dma.local @!p0 [hbm:s6], $0xF7A  }
0x23: {  	s9 =	sor.u32 $0xD0000000, s2;
	s6 =	simm.s32 $0x108;
	_ =	swait.ge @!p0 [sflag:s8], $0x0  }
0x24: {  	s3 =	sadd.s32 $0x88, s3;
	s6 =	simm.s32 @!p1 $0x1082;
	[sflag:s4] =	ssyncset.s32 $0xFFFFF086  }
0x25: {  	[simem:s6], [sflag:s4] =	dma.local [hbm:s3], $0xF7A  }
0x26: {  	[smem:$0x3F80] =	sst s1;
	(tag) =	ssettag s2;
	_ =	strace s9  }
0x27: {  	s1 =	sld [smem:$0x3F90]  }
0x28: {  	s2 =	sld [smem:$0x3F91]  }
0x29: {  	s4 =	sld [smem:$0x3F93]  }
0x2a: {  	p0 =	seq.s32 s5, $0x0;
	s5 =	sld [smem:$0x3F94]  }
0x2b: {  	s6 =	sld [smem:$0x3F95]  }
0x2c: {  	s7 =	sld [smem:$0x3F96]  }
0x2d: {  	s3 =	simm.s32 $0x108;
	s8 =	sld [smem:$0x3F97]  }
0x2e: {  	s3 =	simm.s32 @!p0 $0x1082;
	s9 =	sld [smem:$0x3F98]  }
0x2f: {  	lr =	sadd.s32 s0, s3;
	s0 =	sld [smem:$0x3F8F]  }
0x30: {  	s3 =	sld [smem:$0x3F92]  }
0x31: {  	[smem:$0x3F9B] =	sst s10  }
0x32: {  	s10 =	sld [smem:$0x3F99];
	_ =	sdelay $0x3  }
0x33: {  	p0 =	seq.s32 s10, $0x1;
	s10 =	sld [smem:$0x3F9B];
	_ =	sdelay $0x3  }
0x34: {  	[smem:$0x3F9B] =	sst s10  }
0x35: {  	s10 =	sld [smem:$0x3F9A];
	_ =	sdelay $0x3  }
0x36: {  	p1 =	seq.s32 s10, $0x1;
	s10 =	sld [smem:$0x3F9B];
	_ =	sdelay $0x3  }
0x37: {  	[smem:$0x3F9B] =	sst s10  }
0x38: {  	s10 =	sld [smem:$0x3F9C]  }
0x39: {  	_ = 	snop;
	(pc) =	sbr.ind lr, $3  }
0x3a: {  	_ = 	snop  }
0x3b: {  	_ = 	snop  }
0x3c: {  	p2 =	seq.s32 s10, $0x1;
	s10 =	sld [smem:$0x3F9B]  }
0x3d: {  	_ =	shalt  }
0x3e: {  	_ =	shalt  }
0x3f: {  	_ =	shalt  }
0x40: {  	_ =	shalt  }
0x41: {  	_ =	shalt  }
0x42: {  	_ =	shalt  }
0x43: {  	_ =	shalt  }
0x44: {  	_ =	shalt  }
0x45: {  	_ =	shalt  }
0x46: {  	_ =	shalt  }
0x47: {  	_ =	shalt  }
0x48: {  	_ =	shalt  }
0x49: {  	_ =	shalt  }
0x4a: {  	_ =	shalt  }
0x4b: {  	_ =	shalt  }
0x4c: {  	_ =	shalt  }
0x4d: {  	_ =	shalt  }
0x4e: {  	_ =	shalt  }
0x4f: {  	_ =	shalt  }
0x50: {  	_ =	shalt  }
0x51: {  	_ =	shalt  }
0x52: {  	_ =	shalt  }
0x53: {  	_ =	shalt  }
0x54: {  	_ =	shalt  }
0x55: {  	_ =	shalt  }
0x56: {  	_ =	shalt  }
0x57: {  	_ =	shalt  }
0x58: {  	_ =	shalt  }
0x59: {  	_ =	shalt  }
0x5a: {  	_ =	shalt  }
0x5b: {  	_ =	shalt  }
0x5c: {  	_ =	shalt  }
0x5d: {  	_ =	shalt  }
0x5e: {  	_ =	shalt  }
0x5f: {  	_ =	shalt  }
0x60: {  	_ =	shalt  }
0x61: {  	_ =	shalt  }
0x62: {  	_ =	shalt  }
0x63: {  	_ =	shalt  }
0x64: {  	_ =	shalt  }
0x65: {  	_ =	shalt  }
0x66: {  	_ =	shalt  }
0x67: {  	_ =	shalt  }
0x68: {  	_ =	shalt  }
0x69: {  	_ =	shalt  }
0x6a: {  	_ =	shalt  }
0x6b: {  	_ =	shalt  }
0x6c: {  	_ =	shalt  }
0x6d: {  	_ =	shalt  }
0x6e: {  	_ =	shalt  }
0x6f: {  	_ =	shalt  }
0x70: {  	_ =	shalt  }
0x71: {  	_ =	shalt  }
0x72: {  	_ =	shalt  }
0x73: {  	_ =	shalt  }
0x74: {  	_ =	shalt  }
0x75: {  	_ =	shalt  }
0x76: {  	_ =	shalt  }
0x77: {  	_ =	shalt  }
0x78: {  	_ =	shalt  }
0x79: {  	_ =	shalt  }
0x7a: {  	_ =	shalt  }
0x7b: {  	_ =	shalt  }
0x7c: {  	_ =	shalt  }
0x7d: {  	_ =	shalt  }
0x7e: {  	_ =	shalt  }
0x7f: {  	_ =	shalt  }
0x80: {  	_ =	shalt  }
0x81: {  	_ =	shalt  }
0x82: {  	_ =	shalt  }
0x83: {  	_ =	shalt  }
0x84: {  	_ =	shalt  }
0x85: {  	_ =	shalt  }
0x86: {  	_ =	shalt  }
0x87: {  	_ =	shalt  }
.Lfunc_end0:
.L_simem_size_0:
called_computation.6_lowered:
.L_overlay_start_0:
0x88: {  	s2 =	sld [smem:$0x3FD9]  }
0x89: {  	s3 =	sld [smem:$0x3FFE];
	_ =	sdelay $0x1  }
0x8a: {  	s1 =	srdreg.scid  }
0x8b: {  	s0 =	sand.u32 $0x1, s1  }
0x8c: {  	s16 =	sshll.u32 s0, $0xA;
	s2 =	sadd.s32 s3, s2  }
0x8d: {  	s2 =	sadd.s32 s2, s16  }
0x8e: {  	[smem:$0x3FA7] =	sst s2  }
0x8f: {  	_ = 	snop  }
0x90: {  	(tm) =	ssettm $0x1  }
0x91: {  	s17 =	sld [smem:$0x3FFB];
	_ =	sdelay $0x3  }
0x92: {  	_ =	strace s17  }
0x93: {  	s2 =	sld [smem:$0x3FFC];
	_ =	sdelay $0x3  }
0x94: {  	_ =	strace s2  }
0x95: {  	s2 =	sld [smem:$0x3FFD];
	_ =	sdelay $0x3  }
0x96: {  	_ =	strace s2  }
0x97: {  	_ =	strace $0x8FFFFFFF  }
0x98: {  	s18 =	sld [smem:$0x3FDB];
	_ =	sdelay $0x1  }
0x99: {  	s19 =	simm.s32 $_scs_section_size  }
0x9a: {  	s4 =	simm.s32 $_size__tile_overlayer_lowered;
	s5 =	simm.s32 $_tile_overlayer_lowered  }
0x9b: {  	s22 =	simm.s32 $0x1BFF;
	s21 =	sshll.u32 s5, $0x1;
	s2 =	sadd.s32 s19, s18  }
0x9c: {  	s6 =	simm.s32 $0x0;
	s20 =	sshll.u32 s4, $0x1;
	s4 =	sadd.s32 s21, s2  }
0x9d: {  	[timem:s6], [sflag:s22] =	dma.local [hbm:s4], s20  }
0x9e: {  	_ =	swait.ge [sflag:s22], s20  }
0x9f: {  	s3 =	ssub.s32 $0x0, s20;
	[sflag:s22] =	ssyncset.done $0x0  }
0xa0: {  	[sflag:s22] =	ssyncadd.s32 s3;
	_ =	sdelay $0x1  }
0xa1: {  	s23 =	simm.s32 $0x1B8B  }
0xa2: {  	_ =	swait.ge [sflag:s23], $0x1  }
0xa3: {  	[sflag:s23] =	ssyncset.done $0x0  }
0xa4: {  	s25 =	simm.s32 $0x1B8E;
	s24 =	sld [smem:$0x3FFE];
	[sflag:s23] =	ssyncadd.s32 $0xFFFFFFFF  }
0xa5: {  	s26 =	simm.s32 $execute0_lowered;
	[smem:$0x3FD2] =	sst s25  }
0xa6: {  	s4 =	sshll.u32 s26, $0x1;
	_ =	strace $0x80000058;
	[dreg:$0x1] =	wrdreg $0xFFFFFFFF  }
0xa7: {  	s28 =	simm.s32 $_size_execute0_lowered;
	s2 =	sadd.s32 s2, s4;
	[dreg:$0x0] =	wrdreg $0x0  }
0xa8: {  	s4 =	sshll.u32 s28, $0x1;
	[dreg:$0x2] =	wrdreg s2  }
0xa9: {  	[dreg:$0x3] =	wrdreg s4  }
0xaa: {  	[dreg:$0x4] =	wrdreg $0xC0  }
0xab: {  	_ =	task [dreg:s6], $0x5FFFF  }
0xac: {  	[dreg:$0x1] =	wrdreg $0xFFFFFFFF  }
0xad: {  	[dreg:$0x0] =	wrdreg $0x60  }
0xae: {  	[dreg:$0x2] =	wrdreg s24  }
0xaf: {  	[dreg:$0x3] =	wrdreg $0x90000  }
0xb0: {  	[dreg:$0x4] =	wrdreg $0x9  }
0xb1: {  	_ =	task.clear_ibuf [dreg:s6], $0x5FFFF;
	_ =	strace $0x90000058  }
0xb2: {  	s29 =	simm.s32 $0x9;
	_ =	strace $0x8000005A  }
0xb3: {  	_ =	swait.ge [sflag:s29], $0x1  }
0xb4: {  	[sflag:s29] =	ssyncadd.s32 $0xFFFFFFFF  }
0xb5: {  	_ =	strace $0x9000005A  }
0xb6: {  	_ =	sfence  }
0xb7: {  	s30 =	sld [smem:$0x0];
	_ =	sdelay $0x2  }
0xb8: {  	s31 =	sshll.u32 s1, $0xD;
	s1 =	sshrl.u32 s1, $0x2  }
0xb9: {  	s3 =	sand.u32 $0x4000, s31;
	s1 =	sadd.s32 s1, s30  }
0xba: {  	s0 =	sor.u32 s3, s0;
	s1 =	sshll.u32 s1, $0x11  }
0xbb: {  	s0 =	sor.u32 s1, s0  }
0xbc: {  	s0 =	sadd.s32 $0x8F2B, s0  }
0xbd: {  	[sflag:s0] =	ssyncadd.remote.s32 $0x1  }
0xbe: {  	_ =	sfence.sel $0xFFFF  }
0xbf: {  	[dreg:$0x0] =	wrdreg $0xFFFFFFFF;
	(pc) =	sbr.abs _section_cstart, $3  }
0xc0: {  	[dreg:$0x1] =	wrdreg $0xFFFFFFFF  }
0xc1: {  	_ =	task.clear_ibuf [dreg:s6], $0x2FFFF;
	_ =	strace $0x9FFFFFFF  }
0xc2: {  	(tm) =	ssettm $0x7FFFFFFF  }
0xc3: {  	_ =	shalt  }
tec
execute0_lowered:
.L_overlay_start_1:
0x0: {  	(tag) =	ssettag $0x1  }
0x1: {  	s5 =	rddreg [dreg:$0x0]  }
0x2: {  	s1 =	rddreg [dreg:$0x1];
	s3 =	simm.s32 $0x0;
	s2 =	srdreg.scid  }
0x3: {  	s20 =	simm.s32 $0x3;
	s21 =	simm.s32 $0x2000;
	s22 =	simm.s32 $0x50  }
0x4: {  	s23 =	simm.s32 $0x1;
	s24 =	simm.s32 $0x6800;
	s25 =	simm.s32 $0x2  }
0x5: {  	s26 =	simm.s32 $0x1F80;
	s28 =	simm.s32 $0x3F00;
	s10 =	sand.u32 $0x1, s2  }
0x6: {  	s29 =	simm.s32 $0x3F80;
	s2 =	stileid.u32;
	s6 =	smul.u32 $0x140000, s10  }
0x7: {  	[smem:$0x7FF] =	sst s3;
	s4 =	sadd.s32 $0xE1200, s5;
	s7 =	smul.u32 $0x14000, s2  }
0x8: {  	s15 =	sadd.s32 $0x5E00, s5;
	s16 =	sadd.s32 $0x15E00, s5;
	s8 =	smul.u32 $0x50000, s2  }
0x9: {  	s31 =	ssub.s32 $0x2, s10;
	s12 =	sshll.u32 s10, $0xF;
	s13 =	sshll.u32 s2, $0xB  }
0xa: {  	_ =	strace $0x80000059;
	s9 =	sshrl.u32 s31, $0x1;
	s14 =	sor.u32 s13, s12  }
0xb: {  	s6 =	sadd.s32 s7, s6;
	s8 =	sshrl.u32 s8, $0x2;
	s18 =	ssub.s32 s31, s9  }
0xc: {  	s13 =	sadd.s32 s15, s14;
	s19 =	sor.u32 $0x400, s14;
	s14 =	sadd.s32 s16, s14  }
0xd: {  	s6 =	sshrl.u32 s6, $0x3;
	s15 =	sadd.s32 s15, s19;
	s16 =	sadd.s32 s16, s19  }
0xe: {  	s18 =	smax.u32 s18, $0x1;
	s17 =	sadd.s32 s6, s5;
	s5 =	sadd.s32 s8, s1  }
0xf: {  	s19 =	simm.s32 $0x4000;
	s6 =	sadd.s32 $0x2800, s5;
	s7 =	sadd.s32 $0x5000, s5  }
0x10: {  	s8 =	sadd.s32 $0x7800, s5;
	s9 =	sadd.s32 $0xA000, s5;
	s10 =	sadd.s32 $0xC800, s5  }
0x11: {  	v0 =	vimm.f32 $0.0e+00;
	s11 =	sadd.s32 $0xF000, s5;
	s12 =	sadd.s32 $0x11800, s5;
	s17 =	sadd.s32 $0x109200, s17  }
.LBB2_1:
0x12: {  	s30 =	simm.s32 $0x0;
	s31 =	simm.s32 $0x200  }
.LBB2_2:
0x13: {  	p0 =	sne.s32 s31, $0x9E00;
	[tilespmem:s30+$0x4070] =	vst v0  }
0x14: {  	[tilespmem:s30+$0x4000] =	vst v0  }
0x15: {  	[tilespmem:s30+$0x4010] =	vst v0  }
.Ltmp0:
0x16: {  	[tilespmem:s30+$0x4020] =	vst v0;
	(pc) =	sbr.rel @p0 .LBB2_2-.Ltmp0, $4  }
0x17: {  	[tilespmem:s30+$0x4030] =	vst v0  }
0x18: {  	[tilespmem:s30+$0x4040] =	vst v0  }
0x19: {  	[tilespmem:s30+$0x4050] =	vst v0  }
0x1a: {  	[tilespmem:s30+$0x4060] =	vst v0;
	s30 =	sshra.s32 s31, $0x2;
	s31 =	sadd.s32 $0x200, s31  }
0x1b: {  	[tilespmem:s30+$0x4070] =	vst v0  }
0x1c: {  	[tilespmem:s30+$0x4000] =	vst v0  }
0x1d: {  	[tilespmem:s30+$0x4010] =	vst v0  }
0x1e: {  	[tilespmem:s30+$0x4020] =	vst v0  }
0x1f: {  	[tilespmem:s30+$0x4030] =	vst v0  }
0x20: {  	[tilespmem:s30+$0x4040] =	vst v0  }
0x21: {  	[tilespmem:s30+$0x4050] =	vst v0  }
0x22: {  	[tilespmem:s30+$0x4060] =	vst v0  }
0x23: {  	[spmem:s5] =	stream.linear.scatter [tilespmem:s19], [sflag:$0x3], $0x2800, $0x38;
	[tilespmem:$0x1D000] =	vst v63  }
0x24: {  	_ =	swait.ge [sflag:s20], $0x2800  }
0x25: {  	[sflag:s20] =	ssyncset.done $0x0  }
0x26: {  	[sflag:s20] =	ssyncadd.s32 $0xFFFFD800  }
0x27: {  	[spmem:s6] =	stream.linear.scatter [tilespmem:s19], [sflag:$0x3], $0x2800, $0x38;
	[tilespmem:$0x1D000] =	vst v63  }
0x28: {  	_ =	swait.ge [sflag:s20], $0x2800  }
0x29: {  	[sflag:s20] =	ssyncset.done $0x0  }
0x2a: {  	[sflag:s20] =	ssyncadd.s32 $0xFFFFD800  }
0x2b: {  	[spmem:s7] =	stream.linear.scatter [tilespmem:s19], [sflag:$0x3], $0x2800, $0x38;
	[tilespmem:$0x1D000] =	vst v63  }
0x2c: {  	_ =	swait.ge [sflag:s20], $0x2800  }
0x2d: {  	[sflag:s20] =	ssyncset.done $0x0  }
0x2e: {  	[sflag:s20] =	ssyncadd.s32 $0xFFFFD800  }
0x2f: {  	[spmem:s8] =	stream.linear.scatter [tilespmem:s19], [sflag:$0x3], $0x2800, $0x38;
	[tilespmem:$0x1D000] =	vst v63  }
0x30: {  	_ =	swait.ge [sflag:s20], $0x2800  }
0x31: {  	[sflag:s20] =	ssyncset.done $0x0  }
0x32: {  	[sflag:s20] =	ssyncadd.s32 $0xFFFFD800  }
0x33: {  	[spmem:s9] =	stream.linear.scatter [tilespmem:s19], [sflag:$0x3], $0x2800, $0x38;
	[tilespmem:$0x1D000] =	vst v63  }
0x34: {  	_ =	swait.ge [sflag:s20], $0x2800  }
0x35: {  	[sflag:s20] =	ssyncset.done $0x0  }
0x36: {  	[sflag:s20] =	ssyncadd.s32 $0xFFFFD800  }
0x37: {  	[spmem:s10] =	stream.linear.scatter [tilespmem:s19], [sflag:$0x3], $0x2800, $0x38;
	[tilespmem:$0x1D000] =	vst v63  }
0x38: {  	_ =	swait.ge [sflag:s20], $0x2800  }
0x39: {  	[sflag:s20] =	ssyncset.done $0x0  }
0x3a: {  	[sflag:s20] =	ssyncadd.s32 $0xFFFFD800  }
0x3b: {  	[spmem:s11] =	stream.linear.scatter [tilespmem:s19], [sflag:$0x3], $0x2800, $0x38;
	[tilespmem:$0x1D000] =	vst v63  }
0x3c: {  	_ =	swait.ge [sflag:s20], $0x2800  }
0x3d: {  	[sflag:s20] =	ssyncset.done $0x0  }
0x3e: {  	[sflag:s20] =	ssyncadd.s32 $0xFFFFD800  }
0x3f: {  	[spmem:s12] =	stream.linear.scatter [tilespmem:s19], [sflag:$0x3], $0x2800, $0x38;
	[tilespmem:$0x1D000] =	vst v63  }
0x40: {  	_ =	swait.ge [sflag:s20], $0x2800  }
0x41: {  	[sflag:s20] =	ssyncset.done $0x0  }
0x42: {  	[sflag:s20] =	ssyncadd.s32 $0xFFFFD800  }
0x43: {  	s30 =	simm.s32 $0x0;
	[bflag:$0x0] =	sbarrier.arrive $0xFFFF  }
0x44: {  	[tilespmem:s30], [sflag:$0x3] =	stream.linear.gather [hbm4b:s13+s30], $0x2000, $0x38;
	[tilespmem:$0x1D000] =	vst v63  }
0x45: {  	_ =	swait.ge [sflag:s20], $0x2000  }
0x46: {  	[sflag:s20] =	ssyncset.done $0x0  }
0x47: {  	[sflag:s20] =	ssyncadd.s32 $0xFFFFE000  }
0x48: {  	[tilespmem:s21], [sflag:$0x3] =	stream.linear.gather [hbm4b:s14+s30], $0x2000, $0x38;
	[tilespmem:$0x1D000] =	vst v63  }
0x49: {  	_ =	swait.ge [sflag:s20], $0x2000  }
0x4a: {  	[sflag:s20] =	ssyncset.done $0x0  }
0x4b: {  	[sflag:s20] =	ssyncadd.s32 $0xFFFFE000  }
0x4c: {  	[tilespmem:s19], [sflag:$0x1] =	stream.indirect.gather [hbm4b:s4+s22], $0x80, s30, s22, $0xb8;
	[tilespmem:$0x1D000] =	vst v63  }
0x4d: {  	_ =	swait.ge [sflag:s23], $0x2800  }
0x4e: {  	[sflag:s23] =	ssyncset.done $0x0  }
0x4f: {  	s30 =	simm.s32 $0x80;
	[sflag:s23] =	ssyncadd.s32 $0xFFFFD800  }
0x50: {  	[tilespmem:s24], [sflag:$0x2] =	stream.indirect.gather [hbm4b:s4+s22], $0x80, s30, s22, $0xb8;
	[tilespmem:$0x1D000] =	vst v63  }
0x51: {  	s30 =	simm.s32 $0x2000  }
0x52: {  	[spmem:s1] =	stream.indirect.scatter.add.f32 [tilespmem:s19], [sflag:$0x3], $0x80, s30, s22, $0xb8;
	[tilespmem:$0x1D000] =	vst v63  }
0x53: {  	_ =	swait.ge [sflag:s20], $0x2800  }
0x54: {  	[sflag:s20] =	ssyncset.done $0x0  }
0x55: {  	[sflag:s20] =	ssyncadd.s32 $0xFFFFD800  }
0x56: {  	_ =	swait.ge [sflag:s25], $0x2800  }
0x57: {  	[sflag:s25] =	ssyncset.done $0x0  }
0x58: {  	s30 =	simm.s32 $0x100;
	[sflag:s25] =	ssyncadd.s32 $0xFFFFD800  }
0x59: {  	[tilespmem:s19], [sflag:$0x1] =	stream.indirect.gather [hbm4b:s4+s22], $0x80, s30, s22, $0xb8;
	[tilespmem:$0x1D000] =	vst v63  }
0x5a: {  	s30 =	simm.s32 $0x2080  }
0x5b: {  	[spmem:s1] =	stream.indirect.scatter.add.f32 [tilespmem:s24], [sflag:$0x3], $0x80, s30, s22, $0xb8;
	[tilespmem:$0x1D000] =	vst v63  }
0x5c: {  	_ =	swait.ge [sflag:s20], $0x2800  }
0x5d: {  	s30 =	simm.s32 $0x400;
	[sflag:s20] =	ssyncset.done $0x0  }
.LBB2_4:
0x5e: {  	p0 =	sne.s32 s30, $0x7800  }
0x5f: {  	[sflag:s20] =	ssyncadd.s32 $0xFFFFD800;
	s31 =	smov.u32 s30;
	s30 =	sadd.s32 $0x400, s30  }
0x60: {  	_ = 	snop  }
0x61: {  	_ =	swait.ge [sflag:s23], $0x2800  }
0x62: {  	s31 =	sshra.s32 s31, $0x2;
	[sflag:s23] =	ssyncset.done $0x0  }
0x63: {  	s0 =	sadd.s32 $0x80, s31;
	[sflag:s23] =	ssyncadd.s32 $0xFFFFD800  }
0x64: {  	[tilespmem:s24], [sflag:$0x2] =	stream.indirect.gather [hbm4b:s4+s22], $0x80, s0, s22, $0xb8;
	[tilespmem:$0x1D000] =	vst v63  }
0x65: {  	s0 =	sadd.s32 $0x2000, s31  }
0x66: {  	[spmem:s1] =	stream.indirect.scatter.add.f32 [tilespmem:s19], [sflag:$0x3], $0x80, s0, s22, $0xb8;
	[tilespmem:$0x1D000] =	vst v63  }
0x67: {  	_ =	swait.ge [sflag:s20], $0x2800  }
0x68: {  	[sflag:s20] =	ssyncset.done $0x0  }
0x69: {  	[sflag:s20] =	ssyncadd.s32 $0xFFFFD800  }
0x6a: {  	_ =	swait.ge [sflag:s25], $0x2800  }
0x6b: {  	[sflag:s25] =	ssyncset.done $0x0  }
0x6c: {  	s0 =	sadd.s32 $0x100, s31;
	[sflag:s25] =	ssyncadd.s32 $0xFFFFD800  }
0x6d: {  	[tilespmem:s19], [sflag:$0x1] =	stream.indirect.gather [hbm4b:s4+s22], $0x80, s0, s22, $0xb8;
	[tilespmem:$0x1D000] =	vst v63  }
.Ltmp1:
0x6e: {  	_ = 	snop;
	(pc) =	sbr.rel @p0 .LBB2_4-.Ltmp1, $4  }
0x6f: {  	s0 =	sadd.s32 $0x2080, s31  }
0x70: {  	[spmem:s1] =	stream.indirect.scatter.add.f32 [tilespmem:s24], [sflag:$0x3], $0x80, s0, s22, $0xb8;
	[tilespmem:$0x1D000] =	vst v63  }
0x71: {  	_ =	swait.ge [sflag:s20], $0x2800  }
0x72: {  	[sflag:s20] =	ssyncset.done $0x0  }
0x73: {  	[sflag:s20] =	ssyncadd.s32 $0xFFFFD800  }
0x74: {  	_ =	swait.ge [sflag:s23], $0x2800  }
0x75: {  	[sflag:s23] =	ssyncset.done $0x0  }
0x76: {  	[sflag:s23] =	ssyncadd.s32 $0xFFFFD800  }
0x77: {  	[tilespmem:s24], [sflag:$0x2] =	stream.indirect.gather [hbm4b:s4+s22], $0x80, s26, s22, $0xb8;
	[tilespmem:$0x1D000] =	vst v63  }
0x78: {  	_ = 	snop  }
0x79: {  	[spmem:s1] =	stream.indirect.scatter.add.f32 [tilespmem:s19], [sflag:$0x3], $0x80, s28, s22, $0xb8;
	[tilespmem:$0x1D000] =	vst v63  }
0x7a: {  	_ =	swait.ge [sflag:s20], $0x2800  }
0x7b: {  	[sflag:s20] =	ssyncset.done $0x0  }
0x7c: {  	[sflag:s20] =	ssyncadd.s32 $0xFFFFD800  }
0x7d: {  	_ =	swait.ge [sflag:s25], $0x2800  }
0x7e: {  	[sflag:s25] =	ssyncset.done $0x0  }
0x7f: {  	[sflag:s25] =	ssyncadd.s32 $0xFFFFD800  }
0x80: {  	[spmem:s1] =	stream.indirect.scatter.add.f32 [tilespmem:s24], [sflag:$0x3], $0x80, s29, s22, $0xb8;
	[tilespmem:$0x1D000] =	vst v63  }
0x81: {  	_ =	swait.ge [sflag:s20], $0x2800  }
0x82: {  	[sflag:s20] =	ssyncset.done $0x0  }
0x83: {  	s0 =	simm.s32 $0x0;
	[sflag:s20] =	ssyncadd.s32 $0xFFFFD800  }
0x84: {  	[tilespmem:s0], [sflag:$0x3] =	stream.linear.gather [hbm4b:s15+s0], $0x2000, $0x38;
	[tilespmem:$0x1D000] =	vst v63  }
0x85: {  	_ =	swait.ge [sflag:s20], $0x2000  }
0x86: {  	[sflag:s20] =	ssyncset.done $0x0  }
0x87: {  	[sflag:s20] =	ssyncadd.s32 $0xFFFFE000  }
0x88: {  	[tilespmem:s21], [sflag:$0x3] =	stream.linear.gather [hbm4b:s16+s0], $0x2000, $0x38;
	[tilespmem:$0x1D000] =	vst v63  }
0x89: {  	_ =	swait.ge [sflag:s20], $0x2000  }
0x8a: {  	[sflag:s20] =	ssyncset.done $0x0  }
0x8b: {  	[sflag:s20] =	ssyncadd.s32 $0xFFFFE000  }
0x8c: {  	[tilespmem:s19], [sflag:$0x1] =	stream.indirect.gather [hbm4b:s4+s22], $0x80, s0, s22, $0xb8;
	[tilespmem:$0x1D000] =	vst v63  }
0x8d: {  	_ =	swait.ge [sflag:s23], $0x2800  }
0x8e: {  	[sflag:s23] =	ssyncset.done $0x0  }
0x8f: {  	s31 =	simm.s32 $0x80;
	[sflag:s23] =	ssyncadd.s32 $0xFFFFD800  }
0x90: {  	[tilespmem:s24], [sflag:$0x2] =	stream.indirect.gather [hbm4b:s4+s22], $0x80, s31, s22, $0xb8;
	[tilespmem:$0x1D000] =	vst v63  }
0x91: {  	s31 =	simm.s32 $0x2000  }
0x92: {  	[spmem:s1] =	stream.indirect.scatter.add.f32 [tilespmem:s19], [sflag:$0x3], $0x80, s31, s22, $0xb8;
	[tilespmem:$0x1D000] =	vst v63  }
0x93: {  	_ =	swait.ge [sflag:s20], $0x2800  }
0x94: {  	[sflag:s20] =	ssyncset.done $0x0  }
0x95: {  	[sflag:s20] =	ssyncadd.s32 $0xFFFFD800  }
0x96: {  	_ =	swait.ge [sflag:s25], $0x2800  }
0x97: {  	[sflag:s25] =	ssyncset.done $0x0  }
0x98: {  	s31 =	simm.s32 $0x100;
	[sflag:s25] =	ssyncadd.s32 $0xFFFFD800  }
0x99: {  	[tilespmem:s19], [sflag:$0x1] =	stream.indirect.gather [hbm4b:s4+s22], $0x80, s31, s22, $0xb8;
	[tilespmem:$0x1D000] =	vst v63  }
0x9a: {  	s31 =	simm.s32 $0x2080  }
0x9b: {  	[spmem:s1] =	stream.indirect.scatter.add.f32 [tilespmem:s24], [sflag:$0x3], $0x80, s31, s22, $0xb8;
	[tilespmem:$0x1D000] =	vst v63  }
0x9c: {  	_ =	swait.ge [sflag:s20], $0x2800  }
0x9d: {  	s30 =	simm.s32 $0x400;
	[sflag:s20] =	ssyncset.done $0x0  }
.LBB2_6:
0x9e: {  	p0 =	sne.s32 s30, $0x7800  }
0x9f: {  	[sflag:s20] =	ssyncadd.s32 $0xFFFFD800;
	s0 =	smov.u32 s30;
	s30 =	sadd.s32 $0x400, s30  }
0xa0: {  	_ = 	snop  }
0xa1: {  	_ =	swait.ge [sflag:s23], $0x2800  }
0xa2: {  	s0 =	sshra.s32 s0, $0x2;
	[sflag:s23] =	ssyncset.done $0x0  }
0xa3: {  	s31 =	sadd.s32 $0x80, s0;
	[sflag:s23] =	ssyncadd.s32 $0xFFFFD800  }
0xa4: {  	[tilespmem:s24], [sflag:$0x2] =	stream.indirect.gather [hbm4b:s4+s22], $0x80, s31, s22, $0xb8;
	[tilespmem:$0x1D000] =	vst v63  }
0xa5: {  	s31 =	sadd.s32 $0x2000, s0  }
0xa6: {  	[spmem:s1] =	stream.indirect.scatter.add.f32 [tilespmem:s19], [sflag:$0x3], $0x80, s31, s22, $0xb8;
	[tilespmem:$0x1D000] =	vst v63  }
0xa7: {  	_ =	swait.ge [sflag:s20], $0x2800  }
0xa8: {  	[sflag:s20] =	ssyncset.done $0x0  }
0xa9: {  	[sflag:s20] =	ssyncadd.s32 $0xFFFFD800  }
0xaa: {  	_ =	swait.ge [sflag:s25], $0x2800  }
0xab: {  	[sflag:s25] =	ssyncset.done $0x0  }
0xac: {  	s31 =	sadd.s32 $0x100, s0;
	[sflag:s25] =	ssyncadd.s32 $0xFFFFD800  }
0xad: {  	[tilespmem:s19], [sflag:$0x1] =	stream.indirect.gather [hbm4b:s4+s22], $0x80, s31, s22, $0xb8;
	[tilespmem:$0x1D000] =	vst v63  }
.Ltmp2:
0xae: {  	_ = 	snop;
	(pc) =	sbr.rel @p0 .LBB2_6-.Ltmp2, $4  }
0xaf: {  	s0 =	sadd.s32 $0x2080, s0  }
0xb0: {  	[spmem:s1] =	stream.indirect.scatter.add.f32 [tilespmem:s24], [sflag:$0x3], $0x80, s0, s22, $0xb8;
	[tilespmem:$0x1D000] =	vst v63  }
0xb1: {  	_ =	swait.ge [sflag:s20], $0x2800  }
0xb2: {  	[sflag:s20] =	ssyncset.done $0x0  }
0xb3: {  	[sflag:s20] =	ssyncadd.s32 $0xFFFFD800  }
0xb4: {  	_ =	swait.ge [sflag:s23], $0x2800  }
0xb5: {  	[sflag:s23] =	ssyncset.done $0x0  }
0xb6: {  	[sflag:s23] =	ssyncadd.s32 $0xFFFFD800  }
0xb7: {  	[tilespmem:s24], [sflag:$0x2] =	stream.indirect.gather [hbm4b:s4+s22], $0x80, s26, s22, $0xb8;
	[tilespmem:$0x1D000] =	vst v63  }
0xb8: {  	_ = 	snop  }
0xb9: {  	[spmem:s1] =	stream.indirect.scatter.add.f32 [tilespmem:s19], [sflag:$0x3], $0x80, s28, s22, $0xb8;
	[tilespmem:$0x1D000] =	vst v63  }
0xba: {  	_ =	swait.ge [sflag:s20], $0x2800  }
0xbb: {  	[sflag:s20] =	ssyncset.done $0x0  }
0xbc: {  	[sflag:s20] =	ssyncadd.s32 $0xFFFFD800  }
0xbd: {  	_ =	swait.ge [sflag:s25], $0x2800  }
0xbe: {  	[sflag:s25] =	ssyncset.done $0x0  }
0xbf: {  	[sflag:s25] =	ssyncadd.s32 $0xFFFFD800  }
0xc0: {  	[spmem:s1] =	stream.indirect.scatter.add.f32 [tilespmem:s24], [sflag:$0x3], $0x80, s29, s22, $0xb8;
	[tilespmem:$0x1D000] =	vst v63  }
0xc1: {  	_ =	swait.ge [sflag:s20], $0x2800  }
0xc2: {  	s0 =	sshll.u32 s2, $0x6;
	s3 =	sadd.s32 $0x1, s3;
	[sflag:s20] =	ssyncset.done $0x0  }
0xc3: {  	s30 =	sshrl.u32 s5, $0x3;
	p0 =	sne.s32 s3, s18;
	[sflag:s20] =	ssyncadd.s32 $0xFFFFD800  }
.Ltmp3:
0xc4: {  	s0 =	sor.u32 $0x1C03, s0;
	[bflag:$0x0] =	sbarrier.arrive $0xFFFF;
	(pc) =	sbr.rel @p0 .LBB2_1-.Ltmp3, $4  }
0xc5: {  	[hbm:s17], [sflag:s0] =	dma.local [spmem:s30], $0x2800  }
0xc6: {  	_ =	swait.ge [sflag:s20], $0x2800  }
0xc7: {  	[sflag:s20] =	ssyncset.done $0x0  }
0xc8: {  	[sflag:s20] =	ssyncadd.s32 $0xFFFFD800  }
0xc9: {  	_ =	sfence.sel $0x180000  }
0xca: {  	[bflag:$0x0] =	sbarrier.arrive $0xFFFF  }
0xcb: {  	_ =	strace $0x90000059  }
0xcc: {  	[bflag:$0x2] =	sbarrier.arrive $0xFFFF  }
0xcd: {  	p0 =	sne.s32 s2, $0x0;
	s0 =	rddreg [dreg:$0x2]  }
0xce: {  	s0 =	sadd.s32 @!p0 $0x100000, s0  }
0xcf: {  	[sflag:s0] =	ssyncadd.tile.s32 @!p0 $0x1;
	_ =	shalt  }
.Lfunc_end2:
_tile_overlayer_lowered:
.L_overlay_start_2:
0xd0: {  	(tag) =	ssettag $0x2  }
0xd1: {  	s0 =	rddreg [dreg:$0x0];
	s2 =	stileid.u32  }
0xd2: {  	s1 =	rddreg [dreg:$0x1];
	p0 =	sne.s32 s2, $0x0  }
0xd3: {  	s3 =	rddreg [dreg:$0x2];
	[bflag:$0x3] =	sbarrier.arrive $0xFFFF;
	s2 =	simm.s32 @!p0 $0x1C03  }
0xd4: {  	[timem:s3], [sflag:s2] =	dma.local @!p0 [hbm:s0], s1  }
0xd5: {  	s0 =	simm.s32 @!p0 $0x3  }
0xd6: {  	_ =	swait.ge @!p0 [sflag:s0], s1  }
0xd7: {  	s1 =	ssub.s32 @!p0 $0x0, s1;
	[sflag:s0] =	ssyncset.done @!p0 $0x0  }
0xd8: {  	[sflag:s0] =	ssyncadd.s32 @!p0 s1  }
0xd9: {  	[bflag:$0x3] =	sbarrier.arrive $0xFFFF  }
0xda: {  	_ =	shalt  }

// kernel: kernel.30.cloned.1.call-start
scs
__scs_entry_jumppad:
0x0: {  	(pc) =	sbr.rel $0x88, $3  }
0x1: {  	(tag) =	ssettag $0x0;
	lr =	simm.s32 $0x1  }
0x2: {  	[smem:$0x3F80] =	sst lr;
	_ =	strace $0xD0000000  }
0x3: {  	_ = 	snop  }
0x4: {  	_ = 	snop  }
0x5: {  	_ = 	snop  }
0x6: {  	_ = 	snop  }
0x7: {  	_ = 	snop  }
__scs_overlays_trampoline_lowered:
0x8: {  	[smem:$0x3F8F] =	sst s0  }
0x9: {  	[smem:$0x3F90] =	sst s1  }
0xa: {  	[smem:$0x3F91] =	sst s2  }
0xb: {  	[smem:$0x3F92] =	sst s3  }
0xc: {  	[smem:$0x3F93] =	sst s4  }
0xd: {  	[smem:$0x3F94] =	sst s5  }
0xe: {  	[smem:$0x3F95] =	sst s6  }
0xf: {  	[smem:$0x3F96] =	sst s7  }
0x10: {  	[smem:$0x3F97] =	sst s8  }
0x11: {  	[smem:$0x3F98] =	sst s9;
	s0 =	simm.s32 @!p0 $0x0  }
0x12: {  	s1 =	sld [smem:$0x3F7E];
	s0 =	simm.s32 @p0 $0x1  }
0x13: {  	[smem:$0x3F99] =	sst s0;
	s0 =	simm.s32 @!p1 $0x0  }
0x14: {  	s2 =	sld [smem:$0x3F7D];
	s0 =	simm.s32 @p1 $0x1  }
0x15: {  	[smem:$0x3F9A] =	sst s0;
	s0 =	simm.s32 @!p2 $0x0  }
0x16: {  	s3 =	sld [smem:$0x3FDB];
	s0 =	simm.s32 @p2 $0x1  }
0x17: {  	s4 =	simm.s32 $0x1BF5;
	[smem:$0x3F9C] =	sst s0  }
0x18: {  	s0 =	sld [smem:$0x3F7F];
	_ =	swait.ge [sflag:s4], $0x0  }
0x19: {  	s7 =	sld [smem:$0x3F80]  }
0x1a: {  	s8 =	sadd.s32 $0xFFFFE003, lr  }
0x1b: {  	s9 =	sadd.s32 $0xFFFFFEF7, lr;
	s5 =	simm.s32 $0xFFFFFFFF;
	p2 =	slt.u32 s8, $0xFFFFF086  }
0x1c: {  	p1 =	slt.u32 s9, $0xF7A;
	s5 =	simm.s32 @!p2 $0x0  }
0x1d: {  	s5 =	simm.s32 @p1 $0x1;
	p0 =	seq.s32 s7, s2  }
0x1e: {  	s7 =	smul.u32 @!p0 $0xF7A, s2;
	p2 =	seq.s32 @!p0 s5, $0x0  }
0x1f: {  	s9 =	smul.u32 $0xF7A, s1;
	s8 =	simm.s32 @!p0 $0x1BF5;
	p2 =	por !p2, p0  }
0x20: {  	[sflag:s8] =	ssyncset.s32 @!p0 $0xFFFFF086;
	s6 =	sadd.s32 @!p0 s3, s7;
	s7 =	simm.s32 @!p0 $0x108  }
0x21: {  	s3 =	sadd.s32 s3, s9;
	s6 =	sadd.s32 @!p0 $0x88, s6;
	s7 =	simm.s32 @p2 $0x1082  }
0x22: {  	[simem:s7], [sflag:s8] =	dma.local @!p0 [hbm:s6], $0xF7A  }
0x23: {  	s9 =	sor.u32 $0xD0000000, s2;
	s6 =	simm.s32 $0x108;
	_ =	swait.ge @!p0 [sflag:s8], $0x0  }
0x24: {  	s3 =	sadd.s32 $0x88, s3;
	s6 =	simm.s32 @!p1 $0x1082;
	[sflag:s4] =	ssyncset.s32 $0xFFFFF086  }
0x25: {  	[simem:s6], [sflag:s4] =	dma.local [hbm:s3], $0xF7A  }
0x26: {  	[smem:$0x3F80] =	sst s1;
	(tag) =	ssettag s2;
	_ =	strace s9  }
0x27: {  	s1 =	sld [smem:$0x3F90]  }
0x28: {  	s2 =	sld [smem:$0x3F91]  }
0x29: {  	s4 =	sld [smem:$0x3F93]  }
0x2a: {  	p0 =	seq.s32 s5, $0x0;
	s5 =	sld [smem:$0x3F94]  }
0x2b: {  	s6 =	sld [smem:$0x3F95]  }
0x2c: {  	s7 =	sld [smem:$0x3F96]  }
0x2d: {  	s3 =	simm.s32 $0x108;
	s8 =	sld [smem:$0x3F97]  }
0x2e: {  	s3 =	simm.s32 @!p0 $0x1082;
	s9 =	sld [smem:$0x3F98]  }
0x2f: {  	lr =	sadd.s32 s0, s3;
	s0 =	sld [smem:$0x3F8F]  }
0x30: {  	s3 =	sld [smem:$0x3F92]  }
0x31: {  	[smem:$0x3F9B] =	sst s10  }
0x32: {  	s10 =	sld [smem:$0x3F99];
	_ =	sdelay $0x3  }
0x33: {  	p0 =	seq.s32 s10, $0x1;
	s10 =	sld [smem:$0x3F9B];
	_ =	sdelay $0x3  }
0x34: {  	[smem:$0x3F9B] =	sst s10  }
0x35: {  	s10 =	sld [smem:$0x3F9A];
	_ =	sdelay $0x3  }
0x36: {  	p1 =	seq.s32 s10, $0x1;
	s10 =	sld [smem:$0x3F9B];
	_ =	sdelay $0x3  }
0x37: {  	[smem:$0x3F9B] =	sst s10  }
0x38: {  	s10 =	sld [smem:$0x3F9C]  }
0x39: {  	_ = 	snop;
	(pc) =	sbr.ind lr, $3  }
0x3a: {  	_ = 	snop  }
0x3b: {  	_ = 	snop  }
0x3c: {  	p2 =	seq.s32 s10, $0x1;
	s10 =	sld [smem:$0x3F9B]  }
0x3d: {  	_ =	shalt  }
0x3e: {  	_ =	shalt  }
0x3f: {  	_ =	shalt  }
0x40: {  	_ =	shalt  }
0x41: {  	_ =	shalt  }
0x42: {  	_ =	shalt  }
0x43: {  	_ =	shalt  }
0x44: {  	_ =	shalt  }
0x45: {  	_ =	shalt  }
0x46: {  	_ =	shalt  }
0x47: {  	_ =	shalt  }
0x48: {  	_ =	shalt  }
0x49: {  	_ =	shalt  }
0x4a: {  	_ =	shalt  }
0x4b: {  	_ =	shalt  }
0x4c: {  	_ =	shalt  }
0x4d: {  	_ =	shalt  }
0x4e: {  	_ =	shalt  }
0x4f: {  	_ =	shalt  }
0x50: {  	_ =	shalt  }
0x51: {  	_ =	shalt  }
0x52: {  	_ =	shalt  }
0x53: {  	_ =	shalt  }
0x54: {  	_ =	shalt  }
0x55: {  	_ =	shalt  }
0x56: {  	_ =	shalt  }
0x57: {  	_ =	shalt  }
0x58: {  	_ =	shalt  }
0x59: {  	_ =	shalt  }
0x5a: {  	_ =	shalt  }
0x5b: {  	_ =	shalt  }
0x5c: {  	_ =	shalt  }
0x5d: {  	_ =	shalt  }
0x5e: {  	_ =	shalt  }
0x5f: {  	_ =	shalt  }
0x60: {  	_ =	shalt  }
0x61: {  	_ =	shalt  }
0x62: {  	_ =	shalt  }
0x63: {  	_ =	shalt  }
0x64: {  	_ =	shalt  }
0x65: {  	_ =	shalt  }
0x66: {  	_ =	shalt  }
0x67: {  	_ =	shalt  }
0x68: {  	_ =	shalt  }
0x69: {  	_ =	shalt  }
0x6a: {  	_ =	shalt  }
0x6b: {  	_ =	shalt  }
0x6c: {  	_ =	shalt  }
0x6d: {  	_ =	shalt  }
0x6e: {  	_ =	shalt  }
0x6f: {  	_ =	shalt  }
0x70: {  	_ =	shalt  }
0x71: {  	_ =	shalt  }
0x72: {  	_ =	shalt  }
0x73: {  	_ =	shalt  }
0x74: {  	_ =	shalt  }
0x75: {  	_ =	shalt  }
0x76: {  	_ =	shalt  }
0x77: {  	_ =	shalt  }
0x78: {  	_ =	shalt  }
0x79: {  	_ =	shalt  }
0x7a: {  	_ =	shalt  }
0x7b: {  	_ =	shalt  }
0x7c: {  	_ =	shalt  }
0x7d: {  	_ =	shalt  }
0x7e: {  	_ =	shalt  }
0x7f: {  	_ =	shalt  }
0x80: {  	_ =	shalt  }
0x81: {  	_ =	shalt  }
0x82: {  	_ =	shalt  }
0x83: {  	_ =	shalt  }
0x84: {  	_ =	shalt  }
0x85: {  	_ =	shalt  }
0x86: {  	_ =	shalt  }
0x87: {  	_ =	shalt  }
.Lfunc_end0:
.L_simem_size_0:
called_computation.7_lowered:
.L_overlay_start_0:
0x88: {  	s2 =	sld [smem:$0x3FD9]  }
0x89: {  	s3 =	sld [smem:$0x3FFE];
	_ =	sdelay $0x1  }
0x8a: {  	s1 =	srdreg.scid  }
0x8b: {  	s0 =	sand.u32 $0x1, s1  }
0x8c: {  	s16 =	sshll.u32 s0, $0xA;
	s2 =	sadd.s32 s3, s2  }
0x8d: {  	s2 =	sadd.s32 s2, s16  }
0x8e: {  	[smem:$0x3FA7] =	sst s2  }
0x8f: {  	_ = 	snop  }
0x90: {  	(tm) =	ssettm $0x1  }
0x91: {  	s17 =	sld [smem:$0x3FFB];
	_ =	sdelay $0x3  }
0x92: {  	_ =	strace s17  }
0x93: {  	s2 =	sld [smem:$0x3FFC];
	_ =	sdelay $0x3  }
0x94: {  	_ =	strace s2  }
0x95: {  	s2 =	sld [smem:$0x3FFD];
	_ =	sdelay $0x3  }
0x96: {  	_ =	strace s2  }
0x97: {  	_ =	strace $0x8FFFFFFF  }
0x98: {  	s18 =	sld [smem:$0x3FDB];
	_ =	sdelay $0x1  }
0x99: {  	s19 =	simm.s32 $_scs_section_size  }
0x9a: {  	s4 =	simm.s32 $_size__tile_overlayer_lowered;
	s5 =	simm.s32 $_tile_overlayer_lowered  }
0x9b: {  	s22 =	simm.s32 $0x1BFF;
	s21 =	sshll.u32 s5, $0x1;
	s2 =	sadd.s32 s19, s18  }
0x9c: {  	s6 =	simm.s32 $0x0;
	s20 =	sshll.u32 s4, $0x1;
	s4 =	sadd.s32 s21, s2  }
0x9d: {  	[timem:s6], [sflag:s22] =	dma.local [hbm:s4], s20  }
0x9e: {  	_ =	swait.ge [sflag:s22], s20  }
0x9f: {  	s3 =	ssub.s32 $0x0, s20;
	[sflag:s22] =	ssyncset.done $0x0  }
0xa0: {  	[sflag:s22] =	ssyncadd.s32 s3;
	_ =	sdelay $0x1  }
0xa1: {  	s23 =	simm.s32 $0x1B8B  }
0xa2: {  	_ =	swait.ge [sflag:s23], $0x1  }
0xa3: {  	[sflag:s23] =	ssyncset.done $0x0  }
0xa4: {  	s25 =	simm.s32 $0x1B8E;
	s24 =	sld [smem:$0x3FFE];
	[sflag:s23] =	ssyncadd.s32 $0xFFFFFFFF  }
0xa5: {  	s26 =	simm.s32 $execute0_lowered;
	[smem:$0x3FD2] =	sst s25  }
0xa6: {  	s4 =	sshll.u32 s26, $0x1;
	_ =	strace $0x8000005B;
	[dreg:$0x1] =	wrdreg $0xFFFFFFFF  }
0xa7: {  	s28 =	simm.s32 $_size_execute0_lowered;
	s2 =	sadd.s32 s2, s4;
	[dreg:$0x0] =	wrdreg $0x0  }
0xa8: {  	s4 =	sshll.u32 s28, $0x1;
	[dreg:$0x2] =	wrdreg s2  }
0xa9: {  	[dreg:$0x3] =	wrdreg s4  }
0xaa: {  	[dreg:$0x4] =	wrdreg $0xC0  }
0xab: {  	_ =	task [dreg:s6], $0x5FFFF  }
0xac: {  	[dreg:$0x1] =	wrdreg $0xFFFFFFFF  }
0xad: {  	[dreg:$0x0] =	wrdreg $0x60  }
0xae: {  	[dreg:$0x2] =	wrdreg s24  }
0xaf: {  	[dreg:$0x3] =	wrdreg $0x9  }
0xb0: {  	_ =	task.clear_ibuf [dreg:s6], $0x4FFFF;
	_ =	strace $0x9000005B  }
0xb1: {  	s29 =	simm.s32 $0x9;
	_ =	strace $0x8000005D  }
0xb2: {  	_ =	swait.ge [sflag:s29], $0x1  }
0xb3: {  	[sflag:s29] =	ssyncadd.s32 $0xFFFFFFFF  }
0xb4: {  	_ =	strace $0x9000005D  }
0xb5: {  	_ =	sfence  }
0xb6: {  	s30 =	sld [smem:$0x0];
	_ =	sdelay $0x2  }
0xb7: {  	s31 =	sshll.u32 s1, $0xD;
	s1 =	sshrl.u32 s1, $0x2  }
0xb8: {  	s3 =	sand.u32 $0x4000, s31;
	s1 =	sadd.s32 s1, s30  }
0xb9: {  	s0 =	sor.u32 s3, s0;
	s1 =	sshll.u32 s1, $0x11  }
0xba: {  	s0 =	sor.u32 s1, s0  }
0xbb: {  	s0 =	sadd.s32 $0x8F2B, s0  }
0xbc: {  	[sflag:s0] =	ssyncadd.remote.s32 $0x1  }
0xbd: {  	_ =	sfence.sel $0xFFFF  }
0xbe: {  	[dreg:$0x0] =	wrdreg $0xFFFFFFFF;
	(pc) =	sbr.abs _section_cstart, $3  }
0xbf: {  	[dreg:$0x1] =	wrdreg $0xFFFFFFFF  }
0xc0: {  	_ =	task.clear_ibuf [dreg:s6], $0x2FFFF;
	_ =	strace $0x9FFFFFFF  }
0xc1: {  	(tm) =	ssettm $0x7FFFFFFF  }
tec
execute0_lowered:
.L_overlay_start_1:
0x0: {  	(tag) =	ssettag $0x1  }
0x1: {  	s0 =	rddreg [dreg:$0x0];
	s1 =	srdreg.scid;
	s2 =	simm.s32 $0x0  }
0x2: {  	s4 =	stileid.u32;
	s31 =	simm.s32 $0x3;
	s29 =	simm.s32 $0x60  }
0x3: {  	s28 =	simm.s32 $0x100;
	s30 =	simm.s32 $0x80;
	s26 =	simm.s32 $0x3100  }
0x4: {  	s25 =	simm.s32 $0x6100;
	s24 =	simm.s32 $0x9100;
	s23 =	simm.s32 $0xC100  }
0x5: {  	p0 =	por $0x0, $0x0;
	s14 =	simm.s32 $0x18100;
	s11 =	simm.s32 $0x1B100  }
0x6: {  	s13 =	simm.s32 $0x1;
	s1 =	sand.u32 $0x1, s1;
	[smem:$0x7FF] =	sst s2  }
0x7: {  	s19 =	sadd.s32 $0x91200, s0;
	s20 =	sadd.s32 $0x25E00, s0;
	s3 =	sshll.u32 s1, $0x4  }
0x8: {  	s17 =	sadd.s32 $0x4DE00, s0;
	s16 =	sadd.s32 $0xB9200, s0;
	s3 =	sor.u32 s4, s3  }
0x9: {  	s15 =	sadd.s32 $0xE1200, s0;
	s1 =	ssub.s32 $0x2, s1;
	s4 =	smul.u32 $0x6000, s3  }
0xa: {  	_ =	strace $0x8000005C;
	s18 =	sshrl.u32 s1, $0x1;
	s3 =	sshll.u32 s3, $0x5  }
0xb: {  	s1 =	ssub.s32 s1, s18;
	s18 =	simm.s32 $0x15100;
	s4 =	sshrl.u32 s4, $0x3  }
0xc: {  	s3 =	sadd.s32 s3, s0;
	s22 =	smax.u32 s1, $0x1;
	s0 =	sadd.s32 s4, s0  }
0xd: {  	s3 =	sadd.s32 $0x75E00, s3;
	p1 =	sne.s32 s22, $0x1;
	s5 =	sadd.s32 $0x109200, s0  }
0xe: {  	[dreg:$0x2] =	wrdreg s3;
	s21 =	sadd.s32 $0x109800, s0;
	s12 =	sadd.s32 $0x121200, s0  }
.Ltmp0:
0xf: {  	s3 =	simm.s32 $0x2;
	s10 =	sadd.s32 $0x121800, s0;
	(pc) =	sbr.rel @!p1 .LBB2_3-.Ltmp0, $4  }
0x10: {  	s9 =	sadd.s32 $0x139200, s0;
	s8 =	sadd.s32 $0x139800, s0;
	s1 =	rddreg [dreg:$0x2]  }
0x11: {  	s7 =	sadd.s32 $0x151200, s0;
	s6 =	sadd.s32 $0x151800, s0;
	[dreg:$0x3] =	wrdreg s5  }
0x12: {  	s4 =	sadd.s32 $0x169800, s0;
	[dreg:$0x4] =	wrdreg s21;
	s5 =	sadd.s32 $0x169200, s0  }
0x13: {  	s21 =	simm.s32 $0xF100;
	s0 =	sadd.s32 $0xFFFFFFFF, s22;
	s22 =	simm.s32 $0x12100  }
0x14: {  	[tilespmem:s2], [sflag:$0x3] =	stream.linear.gather [hbm4b:s1+s2], $0x100, $0x38;
	[tilespmem:$0x1E100] =	vst v63  }
0x15: {  	_ =	swait.ge [sflag:s31], $0x100  }
0x16: {  	[sflag:s31] =	ssyncset.done $0x0  }
0x17: {  	[sflag:s31] =	ssyncadd.s32 $0xFFFFFF00  }
0x18: {  	[tilespmem:s28], [sflag:$0x1] =	stream.indirect.gather [hbm4b:s19+s29], $0x80, s2, s29, $0xb8;
	[tilespmem:$0x1E100] =	vst v63  }
0x19: {  	_ = 	snop  }
0x1a: {  	[tilespmem:s26], [sflag:$0x1] =	stream.indirect.gather [hbm4b:s19+s29], $0x80, s30, s29, $0xb8;
	[tilespmem:$0x1E100] =	vst v63  }
0x1b: {  	_ = 	snop  }
0x1c: {  	[tilespmem:s25], [sflag:$0x1] =	stream.indirect.gather [hbm4b:s20+s29], $0x80, s2, s29, $0xb8;
	[tilespmem:$0x1E100] =	vst v63  }
0x1d: {  	_ = 	snop  }
0x1e: {  	[tilespmem:s24], [sflag:$0x1] =	stream.indirect.gather [hbm4b:s20+s29], $0x80, s30, s29, $0xb8;
	[tilespmem:$0x1E100] =	vst v63  }
0x1f: {  	_ = 	snop  }
0x20: {  	[tilespmem:s23], [sflag:$0x1] =	stream.indirect.gather [hbm4b:s17+s29], $0x80, s2, s29, $0xb8;
	[tilespmem:$0x1E100] =	vst v63  }
0x21: {  	_ = 	snop  }
0x22: {  	[tilespmem:s21], [sflag:$0x1] =	stream.indirect.gather [hbm4b:s17+s29], $0x80, s30, s29, $0xb8;
	[tilespmem:$0x1E100] =	vst v63  }
0x23: {  	_ = 	snop  }
0x24: {  	[tilespmem:s22], [sflag:$0x1] =	stream.indirect.gather [hbm4b:s16+s29], $0x80, s2, s29, $0xb8;
	[tilespmem:$0x1E100] =	vst v63  }
0x25: {  	_ = 	snop  }
0x26: {  	[tilespmem:s18], [sflag:$0x1] =	stream.indirect.gather [hbm4b:s16+s29], $0x80, s30, s29, $0xb8;
	[tilespmem:$0x1E100] =	vst v63  }
0x27: {  	_ = 	snop  }
0x28: {  	[tilespmem:s14], [sflag:$0x1] =	stream.indirect.gather [hbm4b:s15+s29], $0x80, s2, s29, $0xb8;
	[tilespmem:$0x1E100] =	vst v63  }
0x29: {  	_ = 	snop  }
0x2a: {  	[tilespmem:s11], [sflag:$0x1] =	stream.indirect.gather [hbm4b:s15+s29], $0x80, s30, s29, $0xb8;
	[tilespmem:$0x1E100] =	vst v63  }
0x2b: {  	_ =	swait.ge [sflag:s13], $0x3000  }
0x2c: {  	[sflag:s13] =	ssyncset.done $0x0  }
0x2d: {  	s1 =	rddreg [dreg:$0x3];
	[sflag:s13] =	ssyncadd.s32 $0xFFFFD000  }
0x2e: {  	[hbm4b:s1+s2] =	stream.linear.scatter [tilespmem:s28], [sflag:$0x2], $0x3000, $0x38;
	[tilespmem:$0x1E100] =	vst v63  }
0x2f: {  	_ =	swait.ge [sflag:s13], $0x3000  }
0x30: {  	[sflag:s13] =	ssyncset.done $0x0  }
0x31: {  	s1 =	rddreg [dreg:$0x4];
	[sflag:s13] =	ssyncadd.s32 $0xFFFFD000  }
0x32: {  	[hbm4b:s1+s2] =	stream.linear.scatter [tilespmem:s26], [sflag:$0x2], $0x3000, $0x38;
	[tilespmem:$0x1E100] =	vst v63  }
0x33: {  	_ =	swait.ge [sflag:s13], $0x3000  }
0x34: {  	[sflag:s13] =	ssyncset.done $0x0  }
0x35: {  	[sflag:s13] =	ssyncadd.s32 $0xFFFFD000  }
0x36: {  	[hbm4b:s12+s2] =	stream.linear.scatter [tilespmem:s25], [sflag:$0x2], $0x3000, $0x38;
	[tilespmem:$0x1E100] =	vst v63  }
0x37: {  	_ =	swait.ge [sflag:s13], $0x3000  }
0x38: {  	[sflag:s13] =	ssyncset.done $0x0  }
0x39: {  	[sflag:s13] =	ssyncadd.s32 $0xFFFFD000  }
0x3a: {  	[hbm4b:s10+s2] =	stream.linear.scatter [tilespmem:s24], [sflag:$0x2], $0x3000, $0x38;
	[tilespmem:$0x1E100] =	vst v63  }
0x3b: {  	_ =	swait.ge [sflag:s13], $0x3000  }
0x3c: {  	[sflag:s13] =	ssyncset.done $0x0  }
0x3d: {  	[sflag:s13] =	ssyncadd.s32 $0xFFFFD000  }
0x3e: {  	[hbm4b:s9+s2] =	stream.linear.scatter [tilespmem:s23], [sflag:$0x2], $0x3000, $0x38;
	[tilespmem:$0x1E100] =	vst v63  }
0x3f: {  	_ =	swait.ge [sflag:s13], $0x3000  }
0x40: {  	[sflag:s13] =	ssyncset.done $0x0  }
0x41: {  	[sflag:s13] =	ssyncadd.s32 $0xFFFFD000  }
0x42: {  	[hbm4b:s8+s2] =	stream.linear.scatter [tilespmem:s21], [sflag:$0x2], $0x3000, $0x38;
	[tilespmem:$0x1E100] =	vst v63  }
0x43: {  	_ =	swait.ge [sflag:s13], $0x3000  }
0x44: {  	[sflag:s13] =	ssyncset.done $0x0  }
0x45: {  	[sflag:s13] =	ssyncadd.s32 $0xFFFFD000  }
0x46: {  	[hbm4b:s7+s2] =	stream.linear.scatter [tilespmem:s22], [sflag:$0x2], $0x3000, $0x38;
	[tilespmem:$0x1E100] =	vst v63  }
0x47: {  	_ =	swait.ge [sflag:s13], $0x3000  }
0x48: {  	[sflag:s13] =	ssyncset.done $0x0  }
0x49: {  	[sflag:s13] =	ssyncadd.s32 $0xFFFFD000  }
0x4a: {  	[hbm4b:s6+s2] =	stream.linear.scatter [tilespmem:s18], [sflag:$0x2], $0x3000, $0x38;
	[tilespmem:$0x1E100] =	vst v63  }
0x4b: {  	_ =	swait.ge [sflag:s13], $0x3000  }
0x4c: {  	[sflag:s13] =	ssyncset.done $0x0  }
0x4d: {  	[sflag:s13] =	ssyncadd.s32 $0xFFFFD000  }
0x4e: {  	[hbm4b:s5+s2] =	stream.linear.scatter [tilespmem:s14], [sflag:$0x2], $0x3000, $0x38;
	[tilespmem:$0x1E100] =	vst v63  }
0x4f: {  	_ =	swait.ge [sflag:s13], $0x3000  }
0x50: {  	[sflag:s13] =	ssyncset.done $0x0  }
0x51: {  	[sflag:s13] =	ssyncadd.s32 $0xFFFFD000  }
0x52: {  	[hbm4b:s4+s2] =	stream.linear.scatter [tilespmem:s11], [sflag:$0x2], $0x3000, $0x38;
	[tilespmem:$0x1E100] =	vst v63  }
0x53: {  	_ =	swait.ge [sflag:s3], $0x3000  }
0x54: {  	[sflag:s3] =	ssyncset.done $0x0  }
0x55: {  	[sflag:s3] =	ssyncadd.s32 $0xFFFFD000  }
0x56: {  	_ =	swait.ge [sflag:s3], $0x3000  }
0x57: {  	[sflag:s3] =	ssyncset.done $0x0  }
0x58: {  	[sflag:s3] =	ssyncadd.s32 $0xFFFFD000  }
0x59: {  	_ =	swait.ge [sflag:s3], $0x3000  }
0x5a: {  	[sflag:s3] =	ssyncset.done $0x0  }
0x5b: {  	[sflag:s3] =	ssyncadd.s32 $0xFFFFD000  }
0x5c: {  	_ =	swait.ge [sflag:s3], $0x3000  }
0x5d: {  	[sflag:s3] =	ssyncset.done $0x0  }
0x5e: {  	[sflag:s3] =	ssyncadd.s32 $0xFFFFD000  }
0x5f: {  	_ =	swait.ge [sflag:s3], $0x3000  }
0x60: {  	[sflag:s3] =	ssyncset.done $0x0  }
0x61: {  	[sflag:s3] =	ssyncadd.s32 $0xFFFFD000  }
0x62: {  	_ =	swait.ge [sflag:s3], $0x3000  }
0x63: {  	[sflag:s3] =	ssyncset.done $0x0  }
0x64: {  	[sflag:s3] =	ssyncadd.s32 $0xFFFFD000  }
0x65: {  	_ =	swait.ge [sflag:s3], $0x3000  }
0x66: {  	[sflag:s3] =	ssyncset.done $0x0  }
0x67: {  	[sflag:s3] =	ssyncadd.s32 $0xFFFFD000  }
0x68: {  	_ =	swait.ge [sflag:s3], $0x3000  }
0x69: {  	[sflag:s3] =	ssyncset.done $0x0  }
0x6a: {  	p1 =	sne.s32 s0, $0x1;
	[sflag:s3] =	ssyncadd.s32 $0xFFFFD000  }
.Ltmp1:
0x6b: {  	_ =	swait.ge [sflag:s3], $0x3000;
	(pc) =	sbr.rel @!p1 .LBB2_3-.Ltmp1, $4  }
0x6c: {  	[sflag:s3] =	ssyncset.done $0x0  }
0x6d: {  	[sflag:s3] =	ssyncadd.s32 $0xFFFFD000  }
0x6e: {  	s0 =	sadd.s32 $0xFFFFFFFF, s0;
	_ =	swait.ge [sflag:s3], $0x3000  }
0x6f: {  	p0 =	por $0x1, $0x1;
	s1 =	rddreg [dreg:$0x2];
	[sflag:s3] =	ssyncset.done $0x0  }
.LBB2_2:
0x70: {  	[sflag:s3] =	ssyncadd.s32 $0xFFFFD000  }
0x71: {  	[tilespmem:s2], [sflag:$0x3] =	stream.linear.gather [hbm4b:s1+s2], $0x100, $0x38;
	[tilespmem:$0x1E100] =	vst v63  }
0x72: {  	_ =	swait.ge [sflag:s31], $0x100  }
0x73: {  	[sflag:s31] =	ssyncset.done $0x0  }
0x74: {  	[sflag:s31] =	ssyncadd.s32 $0xFFFFFF00  }
0x75: {  	[tilespmem:s28], [sflag:$0x1] =	stream.indirect.gather [hbm4b:s19+s29], $0x80, s2, s29, $0xb8;
	[tilespmem:$0x1E100] =	vst v63  }
0x76: {  	_ = 	snop  }
0x77: {  	[tilespmem:s26], [sflag:$0x1] =	stream.indirect.gather [hbm4b:s19+s29], $0x80, s30, s29, $0xb8;
	[tilespmem:$0x1E100] =	vst v63  }
0x78: {  	_ = 	snop  }
0x79: {  	[tilespmem:s25], [sflag:$0x1] =	stream.indirect.gather [hbm4b:s20+s29], $0x80, s2, s29, $0xb8;
	[tilespmem:$0x1E100] =	vst v63  }
0x7a: {  	_ = 	snop  }
0x7b: {  	[tilespmem:s24], [sflag:$0x1] =	stream.indirect.gather [hbm4b:s20+s29], $0x80, s30, s29, $0xb8;
	[tilespmem:$0x1E100] =	vst v63  }
0x7c: {  	_ = 	snop  }
0x7d: {  	[tilespmem:s23], [sflag:$0x1] =	stream.indirect.gather [hbm4b:s17+s29], $0x80, s2, s29, $0xb8;
	[tilespmem:$0x1E100] =	vst v63  }
0x7e: {  	_ = 	snop  }
0x7f: {  	[tilespmem:s21], [sflag:$0x1] =	stream.indirect.gather [hbm4b:s17+s29], $0x80, s30, s29, $0xb8;
	[tilespmem:$0x1E100] =	vst v63  }
0x80: {  	_ = 	snop  }
0x81: {  	[tilespmem:s22], [sflag:$0x1] =	stream.indirect.gather [hbm4b:s16+s29], $0x80, s2, s29, $0xb8;
	[tilespmem:$0x1E100] =	vst v63  }
0x82: {  	_ = 	snop  }
0x83: {  	[tilespmem:s18], [sflag:$0x1] =	stream.indirect.gather [hbm4b:s16+s29], $0x80, s30, s29, $0xb8;
	[tilespmem:$0x1E100] =	vst v63  }
0x84: {  	_ = 	snop  }
0x85: {  	[tilespmem:s14], [sflag:$0x1] =	stream.indirect.gather [hbm4b:s15+s29], $0x80, s2, s29, $0xb8;
	[tilespmem:$0x1E100] =	vst v63  }
0x86: {  	_ = 	snop  }
0x87: {  	[tilespmem:s11], [sflag:$0x1] =	stream.indirect.gather [hbm4b:s15+s29], $0x80, s30, s29, $0xb8;
	[tilespmem:$0x1E100] =	vst v63  }
0x88: {  	_ =	swait.ge [sflag:s13], $0x3000  }
0x89: {  	[sflag:s13] =	ssyncset.done $0x0  }
0x8a: {  	s1 =	rddreg [dreg:$0x3];
	[sflag:s13] =	ssyncadd.s32 $0xFFFFD000  }
0x8b: {  	[hbm4b:s1+s2] =	stream.linear.scatter [tilespmem:s28], [sflag:$0x2], $0x3000, $0x38;
	[tilespmem:$0x1E100] =	vst v63  }
0x8c: {  	_ =	swait.ge [sflag:s13], $0x3000  }
0x8d: {  	[sflag:s13] =	ssyncset.done $0x0  }
0x8e: {  	s1 =	rddreg [dreg:$0x4];
	[sflag:s13] =	ssyncadd.s32 $0xFFFFD000  }
0x8f: {  	[hbm4b:s1+s2] =	stream.linear.scatter [tilespmem:s26], [sflag:$0x2], $0x3000, $0x38;
	[tilespmem:$0x1E100] =	vst v63  }
0x90: {  	_ =	swait.ge [sflag:s13], $0x3000  }
0x91: {  	[sflag:s13] =	ssyncset.done $0x0  }
0x92: {  	[sflag:s13] =	ssyncadd.s32 $0xFFFFD000  }
0x93: {  	[hbm4b:s12+s2] =	stream.linear.scatter [tilespmem:s25], [sflag:$0x2], $0x3000, $0x38;
	[tilespmem:$0x1E100] =	vst v63  }
0x94: {  	_ =	swait.ge [sflag:s13], $0x3000  }
0x95: {  	[sflag:s13] =	ssyncset.done $0x0  }
0x96: {  	[sflag:s13] =	ssyncadd.s32 $0xFFFFD000  }
0x97: {  	[hbm4b:s10+s2] =	stream.linear.scatter [tilespmem:s24], [sflag:$0x2], $0x3000, $0x38;
	[tilespmem:$0x1E100] =	vst v63  }
0x98: {  	_ =	swait.ge [sflag:s13], $0x3000  }
0x99: {  	[sflag:s13] =	ssyncset.done $0x0  }
0x9a: {  	[sflag:s13] =	ssyncadd.s32 $0xFFFFD000  }
0x9b: {  	[hbm4b:s9+s2] =	stream.linear.scatter [tilespmem:s23], [sflag:$0x2], $0x3000, $0x38;
	[tilespmem:$0x1E100] =	vst v63  }
0x9c: {  	_ =	swait.ge [sflag:s13], $0x3000  }
0x9d: {  	[sflag:s13] =	ssyncset.done $0x0  }
0x9e: {  	[sflag:s13] =	ssyncadd.s32 $0xFFFFD000  }
0x9f: {  	[hbm4b:s8+s2] =	stream.linear.scatter [tilespmem:s21], [sflag:$0x2], $0x3000, $0x38;
	[tilespmem:$0x1E100] =	vst v63  }
0xa0: {  	_ =	swait.ge [sflag:s13], $0x3000  }
0xa1: {  	[sflag:s13] =	ssyncset.done $0x0  }
0xa2: {  	[sflag:s13] =	ssyncadd.s32 $0xFFFFD000  }
0xa3: {  	[hbm4b:s7+s2] =	stream.linear.scatter [tilespmem:s22], [sflag:$0x2], $0x3000, $0x38;
	[tilespmem:$0x1E100] =	vst v63  }
0xa4: {  	_ =	swait.ge [sflag:s13], $0x3000  }
0xa5: {  	[sflag:s13] =	ssyncset.done $0x0  }
0xa6: {  	[sflag:s13] =	ssyncadd.s32 $0xFFFFD000  }
0xa7: {  	[hbm4b:s6+s2] =	stream.linear.scatter [tilespmem:s18], [sflag:$0x2], $0x3000, $0x38;
	[tilespmem:$0x1E100] =	vst v63  }
0xa8: {  	_ =	swait.ge [sflag:s13], $0x3000  }
0xa9: {  	[sflag:s13] =	ssyncset.done $0x0  }
0xaa: {  	[sflag:s13] =	ssyncadd.s32 $0xFFFFD000  }
0xab: {  	[hbm4b:s5+s2] =	stream.linear.scatter [tilespmem:s14], [sflag:$0x2], $0x3000, $0x38;
	[tilespmem:$0x1E100] =	vst v63  }
0xac: {  	_ =	swait.ge [sflag:s13], $0x3000  }
0xad: {  	[sflag:s13] =	ssyncset.done $0x0  }
0xae: {  	[sflag:s13] =	ssyncadd.s32 $0xFFFFD000  }
0xaf: {  	[hbm4b:s4+s2] =	stream.linear.scatter [tilespmem:s11], [sflag:$0x2], $0x3000, $0x38;
	[tilespmem:$0x1E100] =	vst v63  }
0xb0: {  	_ =	swait.ge [sflag:s3], $0x3000  }
0xb1: {  	[sflag:s3] =	ssyncset.done $0x0  }
0xb2: {  	[sflag:s3] =	ssyncadd.s32 $0xFFFFD000  }
0xb3: {  	_ =	swait.ge [sflag:s3], $0x3000  }
0xb4: {  	[sflag:s3] =	ssyncset.done $0x0  }
0xb5: {  	[sflag:s3] =	ssyncadd.s32 $0xFFFFD000  }
0xb6: {  	_ =	swait.ge [sflag:s3], $0x3000  }
0xb7: {  	[sflag:s3] =	ssyncset.done $0x0  }
0xb8: {  	[sflag:s3] =	ssyncadd.s32 $0xFFFFD000  }
0xb9: {  	_ =	swait.ge [sflag:s3], $0x3000  }
0xba: {  	[sflag:s3] =	ssyncset.done $0x0  }
0xbb: {  	[sflag:s3] =	ssyncadd.s32 $0xFFFFD000  }
0xbc: {  	_ =	swait.ge [sflag:s3], $0x3000  }
0xbd: {  	[sflag:s3] =	ssyncset.done $0x0  }
0xbe: {  	[sflag:s3] =	ssyncadd.s32 $0xFFFFD000  }
0xbf: {  	_ =	swait.ge [sflag:s3], $0x3000  }
0xc0: {  	[sflag:s3] =	ssyncset.done $0x0  }
0xc1: {  	[sflag:s3] =	ssyncadd.s32 $0xFFFFD000  }
0xc2: {  	_ =	swait.ge [sflag:s3], $0x3000  }
0xc3: {  	[sflag:s3] =	ssyncset.done $0x0  }
0xc4: {  	[sflag:s3] =	ssyncadd.s32 $0xFFFFD000  }
0xc5: {  	_ =	swait.ge [sflag:s3], $0x3000  }
0xc6: {  	[sflag:s3] =	ssyncset.done $0x0  }
0xc7: {  	p1 =	sne.s32 s0, $0x1;
	[sflag:s3] =	ssyncadd.s32 $0xFFFFD000  }
.Ltmp2:
0xc8: {  	_ =	swait.ge [sflag:s3], $0x3000;
	(pc) =	sbr.rel @p1 .LBB2_2-.Ltmp2, $4  }
0xc9: {  	[sflag:s3] =	ssyncset.done $0x0  }
0xca: {  	[sflag:s3] =	ssyncadd.s32 $0xFFFFD000  }
0xcb: {  	_ =	swait.ge [sflag:s3], $0x3000  }
0xcc: {  	s0 =	sadd.s32 $0xFFFFFFFF, s0;
	s1 =	rddreg [dreg:$0x2];
	[sflag:s3] =	ssyncset.done $0x0  }
.LBB2_3:
0xcd: {  	[sflag:s3] =	ssyncadd.s32 @p0 $0xFFFFD000  }
0xce: {  	[tilespmem:s2], [sflag:$0x3] =	stream.linear.gather [hbm4b:s1+s2], $0x100, $0x38;
	[tilespmem:$0x1E100] =	vst v63  }
0xcf: {  	_ =	swait.ge [sflag:s31], $0x100  }
0xd0: {  	[sflag:s31] =	ssyncset.done $0x0  }
0xd1: {  	[sflag:s31] =	ssyncadd.s32 $0xFFFFFF00  }
0xd2: {  	[tilespmem:s28], [sflag:$0x1] =	stream.indirect.gather [hbm4b:s19+s29], $0x80, s2, s29, $0xb8;
	[tilespmem:$0x1E100] =	vst v63  }
0xd3: {  	_ = 	snop  }
0xd4: {  	[tilespmem:s26], [sflag:$0x1] =	stream.indirect.gather [hbm4b:s19+s29], $0x80, s30, s29, $0xb8;
	[tilespmem:$0x1E100] =	vst v63  }
0xd5: {  	_ = 	snop  }
0xd6: {  	[tilespmem:s25], [sflag:$0x1] =	stream.indirect.gather [hbm4b:s20+s29], $0x80, s2, s29, $0xb8;
	[tilespmem:$0x1E100] =	vst v63  }
0xd7: {  	_ = 	snop  }
0xd8: {  	[tilespmem:s24], [sflag:$0x1] =	stream.indirect.gather [hbm4b:s20+s29], $0x80, s30, s29, $0xb8;
	[tilespmem:$0x1E100] =	vst v63  }
0xd9: {  	_ = 	snop  }
0xda: {  	[tilespmem:s23], [sflag:$0x1] =	stream.indirect.gather [hbm4b:s17+s29], $0x80, s2, s29, $0xb8;
	[tilespmem:$0x1E100] =	vst v63  }
0xdb: {  	_ = 	snop  }
0xdc: {  	[tilespmem:s21], [sflag:$0x1] =	stream.indirect.gather [hbm4b:s17+s29], $0x80, s30, s29, $0xb8;
	[tilespmem:$0x1E100] =	vst v63  }
0xdd: {  	_ = 	snop  }
0xde: {  	[tilespmem:s22], [sflag:$0x1] =	stream.indirect.gather [hbm4b:s16+s29], $0x80, s2, s29, $0xb8;
	[tilespmem:$0x1E100] =	vst v63  }
0xdf: {  	_ = 	snop  }
0xe0: {  	[tilespmem:s18], [sflag:$0x1] =	stream.indirect.gather [hbm4b:s16+s29], $0x80, s30, s29, $0xb8;
	[tilespmem:$0x1E100] =	vst v63  }
0xe1: {  	_ = 	snop  }
0xe2: {  	[tilespmem:s14], [sflag:$0x1] =	stream.indirect.gather [hbm4b:s15+s29], $0x80, s2, s29, $0xb8;
	[tilespmem:$0x1E100] =	vst v63  }
0xe3: {  	_ = 	snop  }
0xe4: {  	[tilespmem:s11], [sflag:$0x1] =	stream.indirect.gather [hbm4b:s15+s29], $0x80, s30, s29, $0xb8;
	[tilespmem:$0x1E100] =	vst v63  }
0xe5: {  	_ =	swait.ge [sflag:s13], $0x3000  }
0xe6: {  	[sflag:s13] =	ssyncset.done $0x0  }
0xe7: {  	s0 =	rddreg [dreg:$0x3];
	[sflag:s13] =	ssyncadd.s32 $0xFFFFD000  }
0xe8: {  	[hbm4b:s0+s2] =	stream.linear.scatter [tilespmem:s28], [sflag:$0x2], $0x3000, $0x38;
	[tilespmem:$0x1E100] =	vst v63  }
0xe9: {  	_ =	swait.ge [sflag:s13], $0x3000  }
0xea: {  	[sflag:s13] =	ssyncset.done $0x0  }
0xeb: {  	s30 =	rddreg [dreg:$0x4];
	[sflag:s13] =	ssyncadd.s32 $0xFFFFD000  }
0xec: {  	[hbm4b:s30+s2] =	stream.linear.scatter [tilespmem:s26], [sflag:$0x2], $0x3000, $0x38;
	[tilespmem:$0x1E100] =	vst v63  }
0xed: {  	_ =	swait.ge [sflag:s13], $0x3000  }
0xee: {  	[sflag:s13] =	ssyncset.done $0x0  }
0xef: {  	[sflag:s13] =	ssyncadd.s32 $0xFFFFD000  }
0xf0: {  	[hbm4b:s12+s2] =	stream.linear.scatter [tilespmem:s25], [sflag:$0x2], $0x3000, $0x38;
	[tilespmem:$0x1E100] =	vst v63  }
0xf1: {  	_ =	swait.ge [sflag:s13], $0x3000  }
0xf2: {  	[sflag:s13] =	ssyncset.done $0x0  }
0xf3: {  	[sflag:s13] =	ssyncadd.s32 $0xFFFFD000  }
0xf4: {  	[hbm4b:s10+s2] =	stream.linear.scatter [tilespmem:s24], [sflag:$0x2], $0x3000, $0x38;
	[tilespmem:$0x1E100] =	vst v63  }
0xf5: {  	_ =	swait.ge [sflag:s13], $0x3000  }
0xf6: {  	[sflag:s13] =	ssyncset.done $0x0  }
0xf7: {  	[sflag:s13] =	ssyncadd.s32 $0xFFFFD000  }
0xf8: {  	[hbm4b:s9+s2] =	stream.linear.scatter [tilespmem:s23], [sflag:$0x2], $0x3000, $0x38;
	[tilespmem:$0x1E100] =	vst v63  }
0xf9: {  	_ =	swait.ge [sflag:s13], $0x3000  }
0xfa: {  	[sflag:s13] =	ssyncset.done $0x0  }
0xfb: {  	[sflag:s13] =	ssyncadd.s32 $0xFFFFD000  }
0xfc: {  	[hbm4b:s8+s2] =	stream.linear.scatter [tilespmem:s21], [sflag:$0x2], $0x3000, $0x38;
	[tilespmem:$0x1E100] =	vst v63  }
0xfd: {  	_ =	swait.ge [sflag:s13], $0x3000  }
0xfe: {  	[sflag:s13] =	ssyncset.done $0x0  }
0xff: {  	[sflag:s13] =	ssyncadd.s32 $0xFFFFD000  }
0x100: {  	[hbm4b:s7+s2] =	stream.linear.scatter [tilespmem:s22], [sflag:$0x2], $0x3000, $0x38;
	[tilespmem:$0x1E100] =	vst v63  }
0x101: {  	_ =	swait.ge [sflag:s13], $0x3000  }
0x102: {  	[sflag:s13] =	ssyncset.done $0x0  }
0x103: {  	[sflag:s13] =	ssyncadd.s32 $0xFFFFD000  }
0x104: {  	[hbm4b:s6+s2] =	stream.linear.scatter [tilespmem:s18], [sflag:$0x2], $0x3000, $0x38;
	[tilespmem:$0x1E100] =	vst v63  }
0x105: {  	_ =	swait.ge [sflag:s13], $0x3000  }
0x106: {  	[sflag:s13] =	ssyncset.done $0x0  }
0x107: {  	[sflag:s13] =	ssyncadd.s32 $0xFFFFD000  }
0x108: {  	[hbm4b:s5+s2] =	stream.linear.scatter [tilespmem:s14], [sflag:$0x2], $0x3000, $0x38;
	[tilespmem:$0x1E100] =	vst v63  }
0x109: {  	_ =	swait.ge [sflag:s13], $0x3000  }
0x10a: {  	[sflag:s13] =	ssyncset.done $0x0  }
0x10b: {  	[sflag:s13] =	ssyncadd.s32 $0xFFFFD000  }
0x10c: {  	[hbm4b:s4+s2] =	stream.linear.scatter [tilespmem:s11], [sflag:$0x2], $0x3000, $0x38;
	[tilespmem:$0x1E100] =	vst v63  }
0x10d: {  	_ =	swait.ge [sflag:s3], $0x3000  }
0x10e: {  	[sflag:s3] =	ssyncset.done $0x0  }
0x10f: {  	[sflag:s3] =	ssyncadd.s32 $0xFFFFD000  }
0x110: {  	_ =	swait.ge [sflag:s3], $0x3000  }
0x111: {  	[sflag:s3] =	ssyncset.done $0x0  }
0x112: {  	[sflag:s3] =	ssyncadd.s32 $0xFFFFD000  }
0x113: {  	_ =	swait.ge [sflag:s3], $0x3000  }
0x114: {  	[sflag:s3] =	ssyncset.done $0x0  }
0x115: {  	[sflag:s3] =	ssyncadd.s32 $0xFFFFD000  }
0x116: {  	_ =	swait.ge [sflag:s3], $0x3000  }
0x117: {  	[sflag:s3] =	ssyncset.done $0x0  }
0x118: {  	[sflag:s3] =	ssyncadd.s32 $0xFFFFD000  }
0x119: {  	_ =	swait.ge [sflag:s3], $0x3000  }
0x11a: {  	[sflag:s3] =	ssyncset.done $0x0  }
0x11b: {  	[sflag:s3] =	ssyncadd.s32 $0xFFFFD000  }
0x11c: {  	_ =	swait.ge [sflag:s3], $0x3000  }
0x11d: {  	[sflag:s3] =	ssyncset.done $0x0  }
0x11e: {  	[sflag:s3] =	ssyncadd.s32 $0xFFFFD000  }
0x11f: {  	_ =	swait.ge [sflag:s3], $0x3000  }
0x120: {  	[sflag:s3] =	ssyncset.done $0x0  }
0x121: {  	[sflag:s3] =	ssyncadd.s32 $0xFFFFD000  }
0x122: {  	_ =	swait.ge [sflag:s3], $0x3000  }
0x123: {  	[sflag:s3] =	ssyncset.done $0x0  }
0x124: {  	[sflag:s3] =	ssyncadd.s32 $0xFFFFD000  }
0x125: {  	_ =	swait.ge [sflag:s3], $0x3000  }
0x126: {  	[sflag:s3] =	ssyncset.done $0x0  }
0x127: {  	[sflag:s3] =	ssyncadd.s32 $0xFFFFD000  }
0x128: {  	_ =	swait.ge [sflag:s3], $0x3000  }
0x129: {  	[sflag:s3] =	ssyncset.done $0x0  }
0x12a: {  	[sflag:s3] =	ssyncadd.s32 $0xFFFFD000  }
0x12b: {  	_ =	sfence.sel $0x180000  }
0x12c: {  	[bflag:$0x0] =	sbarrier.arrive $0xFFFF  }
0x12d: {  	_ =	strace $0x9000005C  }
0x12e: {  	s31 =	stileid.u32;
	[bflag:$0x2] =	sbarrier.arrive $0xFFFF  }
0x12f: {  	p0 =	sne.s32 s31, $0x0;
	s0 =	rddreg [dreg:$0x1]  }
0x130: {  	s0 =	sadd.s32 @!p0 $0x100000, s0  }
0x131: {  	[sflag:s0] =	ssyncadd.tile.s32 @!p0 $0x1;
	_ =	shalt  }
.Lfunc_end2:
_tile_overlayer_lowered:
.L_overlay_start_2:
0x132: {  	(tag) =	ssettag $0x2  }
0x133: {  	s0 =	rddreg [dreg:$0x0];
	s2 =	stileid.u32  }
0x134: {  	s1 =	rddreg [dreg:$0x1];
	p0 =	sne.s32 s2, $0x0  }
0x135: {  	s3 =	rddreg [dreg:$0x2];
	[bflag:$0x3] =	sbarrier.arrive $0xFFFF;
	s2 =	simm.s32 @!p0 $0x1C03  }
0x136: {  	[timem:s3], [sflag:s2] =	dma.local @!p0 [hbm:s0], s1  }
0x137: {  	s0 =	simm.s32 @!p0 $0x3  }
0x138: {  	_ =	swait.ge @!p0 [sflag:s0], s1  }
0x139: {  	s1 =	ssub.s32 @!p0 $0x0, s1;
	[sflag:s0] =	ssyncset.done @!p0 $0x0  }
0x13a: {  	[sflag:s0] =	ssyncadd.s32 @!p0 s1  }
0x13b: {  	[bflag:$0x3] =	sbarrier.arrive $0xFFFF  }
0x13c: {  	_ =	shalt  }

</sc_bundles>
